<compile_context>
chip_gen: v7x
topology: tpu7x:2x2x1
jax: 0.10.2.dev20260603
libtpu: 0.0.44.dev20260713+nightly
codegen_flags: <defaults>
</compile_context>

<pallas_src>
import functools

import jax
import jax.numpy as jnp
from jax import lax
from jax.experimental import pallas as pl
from jax.experimental.pallas import tpu as pltpu
from jax.experimental.pallas import tpu_sc as plsc

N = 16384
B = 8
V = 6
D = 128
H = 8
K = 27
DH = D // H
SCALE = DH ** -0.5

NEG = -1e30

S1_BLK = 8192
S1_NB = N // S1_BLK
S1_STEPS = K * S1_NB
Y_ROWS = K * N + S1_BLK
SENT_ROW = K * N

PTS = 32
CHUNKS = N // PTS
NWORK = 32
CH_PER_W = CHUNKS // NWORK

P_BLK = 512
P_NB = N // P_BLK
R = V * B


def _stage1_body(feats_ref, w_ref, y_ref):
    s = pl.program_id(0)

    @pl.when(s < S1_STEPS)
    def _():
        y_ref[...] = jnp.dot(feats_ref[...], w_ref[0],
                             preferred_element_type=jnp.float32)

    @pl.when(s >= S1_STEPS)
    def _():
        y_ref[...] = jnp.zeros_like(y_ref)


def _stage1(feats, cpe_w):
    return pl.pallas_call(
        _stage1_body,
        grid=(S1_STEPS + 1,),
        in_specs=[
            pl.BlockSpec((S1_BLK, D), lambda s: (jnp.minimum(s // K, S1_NB - 1), 0)),
            pl.BlockSpec((1, D, D), lambda s: (jnp.minimum(s % K, K - 1), 0, 0)),
        ],
        out_specs=pl.BlockSpec(
            (S1_BLK, D),
            lambda s: (jnp.where(s < S1_STEPS, (s % K) * S1_NB + s // K, S1_STEPS), 0)),
        out_shape=jax.ShapeDtypeStruct((Y_ROWS, D), jnp.float32),
    )(feats, cpe_w)


def _sc_gather_kernel(y_hbm, idx_hbm, xres_hbm, idx_v, rows_v, acc_v, sem):
    wid = lax.axis_index("s") * 2 + lax.axis_index("c")

    def chunk_body(t, _):
        ch = wid * CH_PER_W + t
        pltpu.sync_copy(idx_hbm.at[ch], idx_v)
        copies = [
            pltpu.async_copy(y_hbm.at[idx_v.at[k]], rows_v.at[k], sem)
            for k in range(K)
        ]
        for c in copies:
            c.wait()

        def pt_body(p, _):
            for c in range(D // 16):
                v = rows_v[0, p, pl.ds(c * 16, 16)]
                for k in range(1, K):
                    v = v + rows_v[k, p, pl.ds(c * 16, 16)]
                acc_v[pl.ds(p * D + c * 16, 16)] = v
            return 0

        lax.fori_loop(0, PTS, pt_body, 0)
        pltpu.sync_copy(acc_v, xres_hbm.at[pl.ds(ch * PTS * D, PTS * D)])
        return 0

    lax.fori_loop(0, CH_PER_W, chunk_body, 0)


def _sc_gather(y, idx_arr):
    mesh = plsc.VectorSubcoreMesh(core_axis_name="c", subcore_axis_name="s")
    fn = functools.partial(
        pl.kernel,
        mesh=mesh,
        out_type=jax.ShapeDtypeStruct((N * D,), jnp.float32),
        scratch_types=[
            pltpu.VMEM((K, PTS), jnp.int32),
            pltpu.VMEM((K, PTS, D), jnp.float32),
            pltpu.VMEM((PTS * D,), jnp.float32),
            pltpu.SemaphoreType.DMA,
        ],
    )(_sc_gather_kernel)
    return fn(y, idx_arr)


def _fused_body(xres_ref, feats_ref, cpe_b_ref, lin_wt_ref, lin_b_ref,
                ln_g_ref, ln_b_ref, k_wt_ref, k_b_ref, v_wt_ref, v_b_ref,
                q_wt_ref, q_b_ref, c_wt_ref, c_b_ref,
                cm3_ref, bid3_ref, bidc_ref, cmc_ref,
                out_ref,
                kx_s, vx_s, sc_s, ssum_s, cnt_s, q_s, smax_s, ov_s, den_s):
    ph = pl.program_id(0)
    s = pl.program_id(1)

    @pl.when(ph == 0)
    def _phase0():
        t = xres_ref[...] + cpe_b_ref[...]
        t = jnp.dot(t, lin_wt_ref[...], preferred_element_type=jnp.float32) + lin_b_ref[...]
        mu = jnp.mean(t, axis=1, keepdims=True)
        var = jnp.mean((t - mu) ** 2, axis=1, keepdims=True)
        t = (t - mu) / jnp.sqrt(var + 1e-5) * ln_g_ref[...] + ln_b_ref[...]
        x = feats_ref[...] + t
        kx_s[pl.ds(s * P_BLK, P_BLK), :] = jnp.dot(
            x, k_wt_ref[...], preferred_element_type=jnp.float32) + k_b_ref[...]
        vx_s[pl.ds(s * P_BLK, P_BLK), :] = jnp.dot(
            x, v_wt_ref[...], preferred_element_type=jnp.float32) + v_b_ref[...]

        cm = cm3_ref[0]
        bid = bid3_ref[0]
        r = lax.broadcasted_iota(jnp.int32, (R, P_BLK), 0)
        vi = r // B
        bi = r % B
        cmb = jnp.broadcast_to(cm, (R, P_BLK))
        bb = jnp.broadcast_to(bid, (R, P_BLK))
        mask = (((cmb >> vi) & 1) * (bb == bi).astype(jnp.int32)).astype(jnp.float32)
        ssum_p = jnp.dot(mask, x, preferred_element_type=jnp.float32)
        cnt_p = jnp.broadcast_to(jnp.sum(mask, axis=1, keepdims=True), (R, D))

        @pl.when(s == 0)
        def _():
            ssum_s[...] = jnp.zeros_like(ssum_s)
            cnt_s[...] = jnp.zeros_like(cnt_s)

        ssum_s[...] += ssum_p
        cnt_s[...] += cnt_p

    @pl.when(ph == 1)
    def _phase1():
        @pl.when(s == 0)
        def _():
            avg = ssum_s[...] / jnp.maximum(cnt_s[...], 1.0)
            q_s[...] = (jnp.dot(avg, q_wt_ref[...], preferred_element_type=jnp.float32)
                        + q_b_ref[...]) * SCALE
            smax_s[...] = jnp.full_like(smax_s, NEG)

        kx = kx_s[pl.ds(s * P_BLK, P_BLK), :]
        bidc = bidc_ref[...]
        cmc = cmc_ref[...]
        oh = (lax.broadcasted_iota(jnp.int32, (P_BLK, B), 1) == bidc).astype(jnp.float32)
        bd = (lax.broadcasted_iota(jnp.int32, (D, H), 0) // DH
              == lax.broadcasted_iota(jnp.int32, (D, H), 1)).astype(jnp.float32)

        svs = []
        for v in range(V):
            qn = jnp.dot(oh, q_s[v * B:(v + 1) * B, :],
                         preferred_element_type=jnp.float32)
            sv = jnp.dot(kx * qn, bd, preferred_element_type=jnp.float32)
            mv = ((cmc >> v) & 1) > 0
            svs.append(jnp.where(mv, sv, NEG))
        S = jnp.concatenate(svs, axis=1)
        sc_s[pl.ds(s * P_BLK, P_BLK), :] = S

        for b in range(B):
            mb = jnp.where(bidc == b, S, NEG)
            bmax = jnp.max(mb, axis=0, keepdims=True)
            smax_s[b:b + 1, :] = jnp.maximum(smax_s[b:b + 1, :], bmax)

    @pl.when(ph == 2)
    def _phase2():
        @pl.when(s == 0)
        def _():
            ov_s[...] = jnp.zeros_like(ov_s)
            den_s[...] = jnp.zeros_like(den_s)

        S = sc_s[pl.ds(s * P_BLK, P_BLK), :]
        vx = vx_s[pl.ds(s * P_BLK, P_BLK), :]
        bidc = bidc_ref[...]
        cmc = cmc_ref[...]
        bid_lane = bid3_ref[0]

        oh = (lax.broadcasted_iota(jnp.int32, (P_BLK, B), 1) == bidc).astype(jnp.float32)
        oht = (lax.broadcasted_iota(jnp.int32, (B, P_BLK), 0)
               == jnp.broadcast_to(bid_lane, (B, P_BLK))).astype(jnp.float32)
        ex = (lax.broadcasted_iota(jnp.int32, (H, D), 0)
              == lax.broadcasted_iota(jnp.int32, (H, D), 1) // DH).astype(jnp.float32)

        mx = jnp.dot(oh, smax_s[...], preferred_element_type=jnp.float32)
        vi48 = lax.broadcasted_iota(jnp.int32, (P_BLK, R), 1) // B
        m48 = ((jnp.broadcast_to(cmc, (P_BLK, R)) >> vi48) & 1).astype(jnp.float32)
        e = jnp.exp(S - mx) * m48

        for v in range(V):
            e_v = e[:, v * B:(v + 1) * B]
            eexp = jnp.dot(e_v, ex, preferred_element_type=jnp.float32)
            ov_s[v * B:(v + 1) * B, :] += jnp.dot(
                oht, eexp * vx, preferred_element_type=jnp.float32)
            den_s[v * B:(v + 1) * B, :] += jnp.dot(
                oht, eexp, preferred_element_type=jnp.float32)

        @pl.when(s == P_NB - 1)
        def _():
            ovn = ov_s[...] / jnp.maximum(den_s[...], 1e-30)
            out_ref[...] = jnp.dot(ovn, c_wt_ref[...],
                                   preferred_element_type=jnp.float32) + c_b_ref[...]


def _fused(xres, feats, cpe_b, lin_wt, lin_b, ln_g, ln_b, k_wt, k_b,
           v_wt, v_b, q_wt, q_b, c_wt, c_b, cm3, bid3, bidc, cmc):
    full = lambda ph, s: (0, 0)
    blk0 = lambda ph, s: (jnp.where(ph == 0, s, 0), 0)
    blk = lambda ph, s: (s, 0)
    return pl.pallas_call(
        _fused_body,
        grid=(3, P_NB),
        in_specs=[
            pl.BlockSpec((P_BLK, D), blk0),
            pl.BlockSpec((P_BLK, D), blk0),
            pl.BlockSpec((1, D), full),
            pl.BlockSpec((D, D), full),
            pl.BlockSpec((1, D), full),
            pl.BlockSpec((1, D), full),
            pl.BlockSpec((1, D), full),
            pl.BlockSpec((D, D), full),
            pl.BlockSpec((1, D), full),
            pl.BlockSpec((D, D), full),
            pl.BlockSpec((1, D), full),
            pl.BlockSpec((D, D), full),
            pl.BlockSpec((1, D), full),
            pl.BlockSpec((D, D), full),
            pl.BlockSpec((1, D), full),
            pl.BlockSpec((1, 1, P_BLK), lambda ph, s: (s, 0, 0)),
            pl.BlockSpec((1, 1, P_BLK), lambda ph, s: (s, 0, 0)),
            pl.BlockSpec((P_BLK, 1), blk),
            pl.BlockSpec((P_BLK, 1), blk),
        ],
        out_specs=pl.BlockSpec((R, D), full),
        out_shape=jax.ShapeDtypeStruct((R, D), jnp.float32),
        scratch_shapes=[
            pltpu.VMEM((N, D), jnp.float32),
            pltpu.VMEM((N, D), jnp.float32),
            pltpu.VMEM((N, R), jnp.float32),
            pltpu.VMEM((R, D), jnp.float32),
            pltpu.VMEM((R, D), jnp.float32),
            pltpu.VMEM((R, D), jnp.float32),
            pltpu.VMEM((B, R), jnp.float32),
            pltpu.VMEM((R, D), jnp.float32),
            pltpu.VMEM((R, D), jnp.float32),
        ],
    )(xres, feats, cpe_b, lin_wt, lin_b, ln_g, ln_b, k_wt, k_b, v_wt, v_b,
      q_wt, q_b, c_wt, c_b, cm3, bid3, bidc, cmc)


def kernel(feats, neighbor_idx, batch_ids, cam_mask, cpe_w, cpe_b, lin_w,
           lin_b, ln_g, ln_b, q_w, q_b, k_w, k_b, v_w, v_b, c_w, c_b):
    f32 = jnp.float32
    feats = feats.astype(f32)

    koff = (jnp.arange(K, dtype=jnp.int32) * N)[None, :]
    ent = (jnp.arange(N, dtype=jnp.int32)[:, None] * K
           + jnp.arange(K, dtype=jnp.int32)[None, :])
    sent_row = SENT_ROW + (ent % S1_BLK)
    flat_idx = jnp.where(neighbor_idx == N, sent_row,
                         neighbor_idx.astype(jnp.int32) + koff)
    idx_arr = flat_idx.reshape(CHUNKS, PTS, K).transpose(0, 2, 1)
    idx_arr = idx_arr.astype(jnp.int32)

    bid = batch_ids.astype(jnp.int32)
    cmb = jnp.sum(cam_mask.astype(jnp.int32)
                  * (1 << jnp.arange(V, dtype=jnp.int32))[None, :], axis=1)
    bid3 = bid.reshape(P_NB, 1, P_BLK)
    cm3 = cmb.reshape(P_NB, 1, P_BLK)
    bidc = bid.reshape(N, 1)
    cmc = cmb.reshape(N, 1)

    y = _stage1(feats, cpe_w.astype(f32))
    xres = _sc_gather(y, idx_arr).reshape(N, D)

    out48 = _fused(
        xres, feats, cpe_b.reshape(1, D), lin_w.T.astype(f32),
        lin_b.reshape(1, D), ln_g.reshape(1, D), ln_b.reshape(1, D),
        k_w.T.astype(f32), k_b.reshape(1, D), v_w.T.astype(f32),
        v_b.reshape(1, D), q_w.T.astype(f32), q_b.reshape(1, D),
        c_w.T.astype(f32), c_b.reshape(1, D), cm3, bid3, bidc, cmc)

    return out48.reshape(V, B, D).transpose(1, 0, 2)

# --- scband reference (transcript-rebuilt; emitter-appended) ---
"""Pipeline reference for scband-per-view-attention-pool3d-4569845203563 (READ-ONLY COPY).

The authoritative reference and input builder live on the scoring server;
editing this copy changes nothing except your own understanding.
"""

import jax, jax.numpy as jnp
import numpy as np

N = 16384; B = 8; V = 6; D = 128; H = 8; K = 27
DH = D // H

def setup_inputs(seed: int = 0):
    rng = np.random.default_rng(0)
    coords = rng.integers(0, 64, size=(N, 3))
    cmap = {}
    for i in range(N):
        t = (int(coords[i, 0]), int(coords[i, 1]), int(coords[i, 2]))
        if t not in cmap:
            cmap[t] = i
    offs = [(a, b, c) for a in (-1, 0, 1) for b in (-1, 0, 1) for c in (-1, 0, 1)]
    nbr = np.full((N, K), N, dtype=np.int32)
    for i in range(N):
        cx, cy, cz = int(coords[i, 0]), int(coords[i, 1]), int(coords[i, 2])
        for k, (a, b, c) in enumerate(offs):
            nbr[i, k] = cmap.get((cx + a, cy + b, cz + c), N)
    batch_ids = np.sort(rng.integers(0, B, N)).astype(np.int32)
    cam_mask = rng.random((N, V)) < 0.4
    key = jax.random.key(seed)
    ks = jax.random.split(key, 16)
    def w(k, shape):
        return jax.random.normal(k, shape, jnp.float32) * 0.02
    return {
        'feats': jax.random.normal(ks[0], (N, D), jnp.float32),
        'neighbor_idx': jnp.asarray(nbr),
        'batch_ids': jnp.asarray(batch_ids),
        'cam_mask': jnp.asarray(cam_mask),
        'cpe_w': w(ks[1], (K, D, D)), 'cpe_b': w(ks[2], (D,)),
        'lin_w': w(ks[3], (D, D)), 'lin_b': w(ks[4], (D,)),
        'ln_g': jnp.ones((D,), jnp.float32), 'ln_b': jnp.zeros((D,), jnp.float32),
        'q_w': w(ks[5], (D, D)), 'q_b': w(ks[6], (D,)),
        'k_w': w(ks[7], (D, D)), 'k_b': w(ks[8], (D,)),
        'v_w': w(ks[9], (D, D)), 'v_b': w(ks[10], (D,)),
        'c_w': w(ks[11], (D, D)), 'c_b': w(ks[12], (D,)),
    }

def reference(feats, neighbor_idx, batch_ids, cam_mask, cpe_w, cpe_b, lin_w, lin_b, ln_g, ln_b, q_w, q_b, k_w, k_b, v_w, v_b, c_w, c_b):
    # CPE: 3x3x3 Minkowski sparse conv via precomputed kernel-map gather (sentinel N -> zero row)
    padded = jnp.concatenate([feats, jnp.zeros((1, D), feats.dtype)], axis=0)
    gathered = padded[neighbor_idx]                      # [N, 27, D]
    x_res = jnp.einsum('nkd,kde->ne', gathered, cpe_w) + cpe_b
    x_res = x_res @ lin_w.T + lin_b
    mu = jnp.mean(x_res, axis=-1, keepdims=True)
    var = jnp.var(x_res, axis=-1, keepdims=True)
    x_res = (x_res - mu) / jnp.sqrt(var + 1e-5) * ln_g + ln_b
    x = feats + x_res
    # shared k/v projections over all points
    kx = (x @ k_w.T + k_b).reshape(N, H, DH)
    vx = (x @ v_w.T + v_b).reshape(N, H, DH)
    scale = DH ** -0.5
    outs = []
    for j in range(V):
        mj = cam_mask[:, j]
        mf = mj.astype(x.dtype)
        cnt = jax.ops.segment_sum(mf, batch_ids, num_segments=B)
        ssum = jax.ops.segment_sum(x * mf[:, None], batch_ids, num_segments=B)
        avg = ssum / jnp.maximum(cnt, 1.0)[:, None]       # gap query per (batch, view)
        q = ((avg @ q_w.T + q_b) * scale).reshape(B, H, DH)
        scores = jnp.einsum('nhd,nhd->nh', kx, q[batch_ids])   # [N, H]
        scores = jnp.where(mj[:, None], scores, -1e30)
        mx = jax.ops.segment_max(scores, batch_ids, num_segments=B)
        e = jnp.exp(scores - mx[batch_ids]) * mf[:, None]
        den = jax.ops.segment_sum(e, batch_ids, num_segments=B)
        wts = e / jnp.maximum(den, 1e-30)[batch_ids]
        ov = jax.ops.segment_sum(wts[:, :, None] * vx, batch_ids, num_segments=B)  # [B, H, DH]
        outs.append(ov.reshape(B, D) @ c_w.T + c_b)
    return jnp.stack(outs, axis=1)                        # [B, V, D]

if __name__ == "__main__":
    import jax
    _d = setup_inputs()
    print(jax.jit(kernel)(*tuple(_d.values())))

</pallas_src>

<mosaic_0001>
#map = affine_map<(d0, d1) -> (0, 0)>
#map1 = affine_map<(d0, d1) -> (0, 0, 0)>
#map2 = affine_map<(d0, d1) -> (0)>
module attributes {stable_mosaic.version = 14 : i64} {
  func.func @_sc_gather_kernel(%arg0: i32, %arg1: i32, %arg2: memref<450560x128xf32, #tpu.memory_space<hbm>>, %arg3: memref<512x27x32xi32, #tpu.memory_space<hbm>>, %arg4: memref<2097152xf32, #tpu.memory_space<hbm>>, %arg5: memref<27x32xi32, #tpu.memory_space<vmem>>, %arg6: memref<27x32x128xf32, #tpu.memory_space<vmem>>, %arg7: memref<4096xf32, #tpu.memory_space<vmem>>, %arg8: memref<!tpu.dma_semaphore, #tpu.memory_space<semaphore_mem>>) attributes {dimension_semantics = [#tpu.dimension_semantics<core_parallel>, #tpu.dimension_semantics<subcore_parallel>], iteration_bounds = array<i64: 2, 16>, scalar_prefetch = 0 : i64, scratch_operands = 4 : i64, tpu.core_type = #tpu.core_type<sc_vector_subcore>, window_params = [{transform_indices = #map}, {transform_indices = #map1}, {transform_indices = #map2}]} {
    %mul3A = arith.constant 2 : i32
    %mul3A_0 = arith.muli %arg1, %mul3A : i32
    %add3A = arith.addi %mul3A_0, %arg0 : i32
    %scan3A = arith.constant 0 : i32
    %scan3A_1 = arith.constant 0 : i32
    %scan3A_2 = arith.constant 16 : i32
    %scan3A_3 = arith.addi %scan3A_1, %scan3A_2 : i32
    %scan3A_4 = arith.constant 1 : i32
    %scan3A_5 = scf.for %scan3A_7 = %scan3A_1 to %scan3A_3 step %scan3A_4 iter_args(%scan3A_8 = %scan3A) -> (i32)  : i32 {
      %mul3A_9 = arith.constant 16 : i32
      %mul3A_10 = arith.muli %add3A, %mul3A_9 : i32
      %add3A_11 = arith.addi %mul3A_10, %scan3A_7 : i32
      "tpu.region"() ({
        %run_scoped3A = tpu.sem_alloc : memref<!tpu.dma_semaphore, #tpu.memory_space<semaphore_mem>>
        %dma_start3A_670 = arith.constant 0 : i32
        %dma_start3A_671 = arith.constant 0 : i32
        %dma_start3A_672 = tpu.memref_slice %arg3[%add3A_11, %dma_start3A_670, %dma_start3A_671] : memref<512x27x32xi32, #tpu.memory_space<hbm>> -> memref<1x27x32xi32, #tpu.memory_space<hbm>>
        %dma_start3A_673 = tpu.memref_squeeze %dma_start3A_672 : memref<1x27x32xi32, #tpu.memory_space<hbm>> -> memref<27x32xi32, #tpu.memory_space<hbm>>
        %dma_start3A_674 = arith.constant 0 : i32
        %dma_start3A_675 = arith.constant 0 : i32
        %dma_start3A_676 = tpu.memref_slice %arg3[%add3A_11, %dma_start3A_674, %dma_start3A_675] : memref<512x27x32xi32, #tpu.memory_space<hbm>> -> memref<1x27x32xi32, #tpu.memory_space<hbm>>
        %dma_start3A_677 = tpu.memref_squeeze %dma_start3A_676 : memref<1x27x32xi32, #tpu.memory_space<hbm>> -> memref<27x32xi32, #tpu.memory_space<hbm>>
        tpu.enqueue_dma source(%dma_start3A_677 : memref<27x32xi32, #tpu.memory_space<hbm>>) target(%arg5 : memref<27x32xi32, #tpu.memory_space<vmem>>) target_semaphore(%run_scoped3A : memref<!tpu.dma_semaphore, #tpu.memory_space<semaphore_mem>>)
        %dma_wait3A_678 = arith.constant 0 : i32
        %dma_wait3A_679 = arith.constant 0 : i32
        %dma_wait3A_680 = tpu.memref_slice %arg3[%add3A_11, %dma_wait3A_678, %dma_wait3A_679] : memref<512x27x32xi32, #tpu.memory_space<hbm>> -> memref<1x27x32xi32, #tpu.memory_space<hbm>>
        %dma_wait3A_681 = tpu.memref_squeeze %dma_wait3A_680 : memref<1x27x32xi32, #tpu.memory_space<hbm>> -> memref<27x32xi32, #tpu.memory_space<hbm>>
        %dma_wait3A_682 = arith.constant 0 : i32
        %dma_wait3A_683 = arith.constant 0 : i32
        %dma_wait3A_684 = tpu.memref_slice %arg3[%add3A_11, %dma_wait3A_682, %dma_wait3A_683] : memref<512x27x32xi32, #tpu.memory_space<hbm>> -> memref<1x27x32xi32, #tpu.memory_space<hbm>>
        %dma_wait3A_685 = tpu.memref_squeeze %dma_wait3A_684 : memref<1x27x32xi32, #tpu.memory_space<hbm>> -> memref<27x32xi32, #tpu.memory_space<hbm>>
        tpu.wait_dma2 semaphore(%run_scoped3A : memref<!tpu.dma_semaphore, #tpu.memory_space<semaphore_mem>>) src(%dma_wait3A_685 : memref<27x32xi32, #tpu.memory_space<hbm>>) dst(%arg5 : memref<27x32xi32, #tpu.memory_space<vmem>>)
        tpu.yield
      }) : () -> ()
      %dma_start3A = arith.constant 0 : i32
      %dma_start3A_12 = arith.constant 0 : i32
      %dma_start3A_13 = arith.constant 0 : i32
      %dma_start3A_14 = arith.constant 0 : i32
      %dma_start3A_15 = tpu.memref_slice %arg6[%dma_start3A_12, %dma_start3A_13, %dma_start3A_14] : memref<27x32x128xf32, #tpu.memory_space<vmem>> -> memref<1x32x128xf32, #tpu.memory_space<vmem>>
      %dma_start3A_16 = tpu.memref_squeeze %dma_start3A_15 : memref<1x32x128xf32, #tpu.memory_space<vmem>> -> memref<32x128xf32, #tpu.memory_space<vmem>>
      %dma_start3A_17 = arith.constant 0 : i32
      %dma_start3A_18 = tpu.memref_slice %arg5[%dma_start3A, %dma_start3A_17] : memref<27x32xi32, #tpu.memory_space<vmem>> -> memref<1x32xi32, #tpu.memory_space<vmem>>
      %dma_start3A_19 = tpu.memref_squeeze %dma_start3A_18 : memref<1x32xi32, #tpu.memory_space<vmem>> -> memref<32xi32, #tpu.memory_space<vmem>>
      %dma_start3A_20 = arith.constant 0 : i32
      %dma_start3A_21 = arith.constant 0 : i32
      %dma_start3A_22 = tpu.memref_slice %arg2[%dma_start3A_20, %dma_start3A_21] : memref<450560x128xf32, #tpu.memory_space<hbm>> -> memref<450560x128xf32, #tpu.memory_space<hbm>>
      tpu.enqueue_indirect_dma source(%dma_start3A_22 : memref<450560x128xf32, #tpu.memory_space<hbm>>) target(%dma_start3A_16 : memref<32x128xf32, #tpu.memory_space<vmem>>) offsets(%dma_start3A_19 : memref<32xi32, #tpu.memory_space<vmem>>) semaphore(%arg8 : memref<!tpu.dma_semaphore, #tpu.memory_space<semaphore_mem>>)
      %dma_start3A_23 = arith.constant 1 : i32
      %dma_start3A_24 = arith.constant 1 : i32
      %dma_start3A_25 = arith.constant 0 : i32
      %dma_start3A_26 = arith.constant 0 : i32
      %dma_start3A_27 = tpu.memref_slice %arg6[%dma_start3A_24, %dma_start3A_25, %dma_start3A_26] : memref<27x32x128xf32, #tpu.memory_space<vmem>> -> memref<1x32x128xf32, #tpu.memory_space<vmem>>
      %dma_start3A_28 = tpu.memref_squeeze %dma_start3A_27 : memref<1x32x128xf32, #tpu.memory_space<vmem>> -> memref<32x128xf32, #tpu.memory_space<vmem>>
      %dma_start3A_29 = arith.constant 0 : i32
      %dma_start3A_30 = tpu.memref_slice %arg5[%dma_start3A_23, %dma_start3A_29] : memref<27x32xi32, #tpu.memory_space<vmem>> -> memref<1x32xi32, #tpu.memory_space<vmem>>
      %dma_start3A_31 = tpu.memref_squeeze %dma_start3A_30 : memref<1x32xi32, #tpu.memory_space<vmem>> -> memref<32xi32, #tpu.memory_space<vmem>>
      %dma_start3A_32 = arith.constant 0 : i32
      %dma_start3A_33 = arith.constant 0 : i32
      %dma_start3A_34 = tpu.memref_slice %arg2[%dma_start3A_32, %dma_start3A_33] : memref<450560x128xf32, #tpu.memory_space<hbm>> -> memref<450560x128xf32, #tpu.memory_space<hbm>>
      tpu.enqueue_indirect_dma source(%dma_start3A_34 : memref<450560x128xf32, #tpu.memory_space<hbm>>) target(%dma_start3A_28 : memref<32x128xf32, #tpu.memory_space<vmem>>) offsets(%dma_start3A_31 : memref<32xi32, #tpu.memory_space<vmem>>) semaphore(%arg8 : memref<!tpu.dma_semaphore, #tpu.memory_space<semaphore_mem>>)
      %dma_start3A_35 = arith.constant 2 : i32
      %dma_start3A_36 = arith.constant 2 : i32
      %dma_start3A_37 = arith.constant 0 : i32
      %dma_start3A_38 = arith.constant 0 : i32
      %dma_start3A_39 = tpu.memref_slice %arg6[%dma_start3A_36, %dma_start3A_37, %dma_start3A_38] : memref<27x32x128xf32, #tpu.memory_space<vmem>> -> memref<1x32x128xf32, #tpu.memory_space<vmem>>
      %dma_start3A_40 = tpu.memref_squeeze %dma_start3A_39 : memref<1x32x128xf32, #tpu.memory_space<vmem>> -> memref<32x128xf32, #tpu.memory_space<vmem>>
      %dma_start3A_41 = arith.constant 0 : i32
      %dma_start3A_42 = tpu.memref_slice %arg5[%dma_start3A_35, %dma_start3A_41] : memref<27x32xi32, #tpu.memory_space<vmem>> -> memref<1x32xi32, #tpu.memory_space<vmem>>
      %dma_start3A_43 = tpu.memref_squeeze %dma_start3A_42 : memref<1x32xi32, #tpu.memory_space<vmem>> -> memref<32xi32, #tpu.memory_space<vmem>>
      %dma_start3A_44 = arith.constant 0 : i32
      %dma_start3A_45 = arith.constant 0 : i32
      %dma_start3A_46 = tpu.memref_slice %arg2[%dma_start3A_44, %dma_start3A_45] : memref<450560x128xf32, #tpu.memory_space<hbm>> -> memref<450560x128xf32, #tpu.memory_space<hbm>>
      tpu.enqueue_indirect_dma source(%dma_start3A_46 : memref<450560x128xf32, #tpu.memory_space<hbm>>) target(%dma_start3A_40 : memref<32x128xf32, #tpu.memory_space<vmem>>) offsets(%dma_start3A_43 : memref<32xi32, #tpu.memory_space<vmem>>) semaphore(%arg8 : memref<!tpu.dma_semaphore, #tpu.memory_space<semaphore_mem>>)
      %dma_start3A_47 = arith.constant 3 : i32
      %dma_start3A_48 = arith.constant 3 : i32
      %dma_start3A_49 = arith.constant 0 : i32
      %dma_start3A_50 = arith.constant 0 : i32
      %dma_start3A_51 = tpu.memref_slice %arg6[%dma_start3A_48, %dma_start3A_49, %dma_start3A_50] : memref<27x32x128xf32, #tpu.memory_space<vmem>> -> memref<1x32x128xf32, #tpu.memory_space<vmem>>
      %dma_start3A_52 = tpu.memref_squeeze %dma_start3A_51 : memref<1x32x128xf32, #tpu.memory_space<vmem>> -> memref<32x128xf32, #tpu.memory_space<vmem>>
      %dma_start3A_53 = arith.constant 0 : i32
      %dma_start3A_54 = tpu.memref_slice %arg5[%dma_start3A_47, %dma_start3A_53] : memref<27x32xi32, #tpu.memory_space<vmem>> -> memref<1x32xi32, #tpu.memory_space<vmem>>
      %dma_start3A_55 = tpu.memref_squeeze %dma_start3A_54 : memref<1x32xi32, #tpu.memory_space<vmem>> -> memref<32xi32, #tpu.memory_space<vmem>>
      %dma_start3A_56 = arith.constant 0 : i32
      %dma_start3A_57 = arith.constant 0 : i32
      %dma_start3A_58 = tpu.memref_slice %arg2[%dma_start3A_56, %dma_start3A_57] : memref<450560x128xf32, #tpu.memory_space<hbm>> -> memref<450560x128xf32, #tpu.memory_space<hbm>>
      tpu.enqueue_indirect_dma source(%dma_start3A_58 : memref<450560x128xf32, #tpu.memory_space<hbm>>) target(%dma_start3A_52 : memref<32x128xf32, #tpu.memory_space<vmem>>) offsets(%dma_start3A_55 : memref<32xi32, #tpu.memory_space<vmem>>) semaphore(%arg8 : memref<!tpu.dma_semaphore, #tpu.memory_space<semaphore_mem>>)
      %dma_start3A_59 = arith.constant 4 : i32
      %dma_start3A_60 = arith.constant 4 : i32
      %dma_start3A_61 = arith.constant 0 : i32
      %dma_start3A_62 = arith.constant 0 : i32
      %dma_start3A_63 = tpu.memref_slice %arg6[%dma_start3A_60, %dma_start3A_61, %dma_start3A_62] : memref<27x32x128xf32, #tpu.memory_space<vmem>> -> memref<1x32x128xf32, #tpu.memory_space<vmem>>
      %dma_start3A_64 = tpu.memref_squeeze %dma_start3A_63 : memref<1x32x128xf32, #tpu.memory_space<vmem>> -> memref<32x128xf32, #tpu.memory_space<vmem>>
      %dma_start3A_65 = arith.constant 0 : i32
      %dma_start3A_66 = tpu.memref_slice %arg5[%dma_start3A_59, %dma_start3A_65] : memref<27x32xi32, #tpu.memory_space<vmem>> -> memref<1x32xi32, #tpu.memory_space<vmem>>
      %dma_start3A_67 = tpu.memref_squeeze %dma_start3A_66 : memref<1x32xi32, #tpu.memory_space<vmem>> -> memref<32xi32, #tpu.memory_space<vmem>>
      %dma_start3A_68 = arith.constant 0 : i32
      %dma_start3A_69 = arith.constant 0 : i32
      %dma_start3A_70 = tpu.memref_slice %arg2[%dma_start3A_68, %dma_start3A_69] : memref<450560x128xf32, #tpu.memory_space<hbm>> -> memref<450560x128xf32, #tpu.memory_space<hbm>>
      tpu.enqueue_indirect_dma source(%dma_start3A_70 : memref<450560x128xf32, #tpu.memory_space<hbm>>) target(%dma_start3A_64 : memref<32x128xf32, #tpu.memory_space<vmem>>) offsets(%dma_start3A_67 : memref<32xi32, #tpu.memory_space<vmem>>) semaphore(%arg8 : memref<!tpu.dma_semaphore, #tpu.memory_space<semaphore_mem>>)
      %dma_start3A_71 = arith.constant 5 : i32
      %dma_start3A_72 = arith.constant 5 : i32
      %dma_start3A_73 = arith.constant 0 : i32
      %dma_start3A_74 = arith.constant 0 : i32
      %dma_start3A_75 = tpu.memref_slice %arg6[%dma_start3A_72, %dma_start3A_73, %dma_start3A_74] : memref<27x32x128xf32, #tpu.memory_space<vmem>> -> memref<1x32x128xf32, #tpu.memory_space<vmem>>
      %dma_start3A_76 = tpu.memref_squeeze %dma_start3A_75 : memref<1x32x128xf32, #tpu.memory_space<vmem>> -> memref<32x128xf32, #tpu.memory_space<vmem>>
      %dma_start3A_77 = arith.constant 0 : i32
      %dma_start3A_78 = tpu.memref_slice %arg5[%dma_start3A_71, %dma_start3A_77] : memref<27x32xi32, #tpu.memory_space<vmem>> -> memref<1x32xi32, #tpu.memory_space<vmem>>
      %dma_start3A_79 = tpu.memref_squeeze %dma_start3A_78 : memref<1x32xi32, #tpu.memory_space<vmem>> -> memref<32xi32, #tpu.memory_space<vmem>>
      %dma_start3A_80 = arith.constant 0 : i32
      %dma_start3A_81 = arith.constant 0 : i32
      %dma_start3A_82 = tpu.memref_slice %arg2[%dma_start3A_80, %dma_start3A_81] : memref<450560x128xf32, #tpu.memory_space<hbm>> -> memref<450560x128xf32, #tpu.memory_space<hbm>>
      tpu.enqueue_indirect_dma source(%dma_start3A_82 : memref<450560x128xf32, #tpu.memory_space<hbm>>) target(%dma_start3A_76 : memref<32x128xf32, #tpu.memory_space<vmem>>) offsets(%dma_start3A_79 : memref<32xi32, #tpu.memory_space<vmem>>) semaphore(%arg8 : memref<!tpu.dma_semaphore, #tpu.memory_space<semaphore_mem>>)
      %dma_start3A_83 = arith.constant 6 : i32
      %dma_start3A_84 = arith.constant 6 : i32
      %dma_start3A_85 = arith.constant 0 : i32
      %dma_start3A_86 = arith.constant 0 : i32
      %dma_start3A_87 = tpu.memref_slice %arg6[%dma_start3A_84, %dma_start3A_85, %dma_start3A_86] : memref<27x32x128xf32, #tpu.memory_space<vmem>> -> memref<1x32x128xf32, #tpu.memory_space<vmem>>
      %dma_start3A_88 = tpu.memref_squeeze %dma_start3A_87 : memref<1x32x128xf32, #tpu.memory_space<vmem>> -> memref<32x128xf32, #tpu.memory_space<vmem>>
      %dma_start3A_89 = arith.constant 0 : i32
      %dma_start3A_90 = tpu.memref_slice %arg5[%dma_start3A_83, %dma_start3A_89] : memref<27x32xi32, #tpu.memory_space<vmem>> -> memref<1x32xi32, #tpu.memory_space<vmem>>
      %dma_start3A_91 = tpu.memref_squeeze %dma_start3A_90 : memref<1x32xi32, #tpu.memory_space<vmem>> -> memref<32xi32, #tpu.memory_space<vmem>>
      %dma_start3A_92 = arith.constant 0 : i32
      %dma_start3A_93 = arith.constant 0 : i32
      %dma_start3A_94 = tpu.memref_slice %arg2[%dma_start3A_92, %dma_start3A_93] : memref<450560x128xf32, #tpu.memory_space<hbm>> -> memref<450560x128xf32, #tpu.memory_space<hbm>>
      tpu.enqueue_indirect_dma source(%dma_start3A_94 : memref<450560x128xf32, #tpu.memory_space<hbm>>) target(%dma_start3A_88 : memref<32x128xf32, #tpu.memory_space<vmem>>) offsets(%dma_start3A_91 : memref<32xi32, #tpu.memory_space<vmem>>) semaphore(%arg8 : memref<!tpu.dma_semaphore, #tpu.memory_space<semaphore_mem>>)
      %dma_start3A_95 = arith.constant 7 : i32
      %dma_start3A_96 = arith.constant 7 : i32
      %dma_start3A_97 = arith.constant 0 : i32
      %dma_start3A_98 = arith.constant 0 : i32
      %dma_start3A_99 = tpu.memref_slice %arg6[%dma_start3A_96, %dma_start3A_97, %dma_start3A_98] : memref<27x32x128xf32, #tpu.memory_space<vmem>> -> memref<1x32x128xf32, #tpu.memory_space<vmem>>
      %dma_start3A_100 = tpu.memref_squeeze %dma_start3A_99 : memref<1x32x128xf32, #tpu.memory_space<vmem>> -> memref<32x128xf32, #tpu.memory_space<vmem>>
      %dma_start3A_101 = arith.constant 0 : i32
      %dma_start3A_102 = tpu.memref_slice %arg5[%dma_start3A_95, %dma_start3A_101] : memref<27x32xi32, #tpu.memory_space<vmem>> -> memref<1x32xi32, #tpu.memory_space<vmem>>
      %dma_start3A_103 = tpu.memref_squeeze %dma_start3A_102 : memref<1x32xi32, #tpu.memory_space<vmem>> -> memref<32xi32, #tpu.memory_space<vmem>>
      %dma_start3A_104 = arith.constant 0 : i32
      %dma_start3A_105 = arith.constant 0 : i32
      %dma_start3A_106 = tpu.memref_slice %arg2[%dma_start3A_104, %dma_start3A_105] : memref<450560x128xf32, #tpu.memory_space<hbm>> -> memref<450560x128xf32, #tpu.memory_space<hbm>>
      tpu.enqueue_indirect_dma source(%dma_start3A_106 : memref<450560x128xf32, #tpu.memory_space<hbm>>) target(%dma_start3A_100 : memref<32x128xf32, #tpu.memory_space<vmem>>) offsets(%dma_start3A_103 : memref<32xi32, #tpu.memory_space<vmem>>) semaphore(%arg8 : memref<!tpu.dma_semaphore, #tpu.memory_space<semaphore_mem>>)
      %dma_start3A_107 = arith.constant 8 : i32
      %dma_start3A_108 = arith.constant 8 : i32
      %dma_start3A_109 = arith.constant 0 : i32
      %dma_start3A_110 = arith.constant 0 : i32
      %dma_start3A_111 = tpu.memref_slice %arg6[%dma_start3A_108, %dma_start3A_109, %dma_start3A_110] : memref<27x32x128xf32, #tpu.memory_space<vmem>> -> memref<1x32x128xf32, #tpu.memory_space<vmem>>
      %dma_start3A_112 = tpu.memref_squeeze %dma_start3A_111 : memref<1x32x128xf32, #tpu.memory_space<vmem>> -> memref<32x128xf32, #tpu.memory_space<vmem>>
      %dma_start3A_113 = arith.constant 0 : i32
      %dma_start3A_114 = tpu.memref_slice %arg5[%dma_start3A_107, %dma_start3A_113] : memref<27x32xi32, #tpu.memory_space<vmem>> -> memref<1x32xi32, #tpu.memory_space<vmem>>
      %dma_start3A_115 = tpu.memref_squeeze %dma_start3A_114 : memref<1x32xi32, #tpu.memory_space<vmem>> -> memref<32xi32, #tpu.memory_space<vmem>>
      %dma_start3A_116 = arith.constant 0 : i32
      %dma_start3A_117 = arith.constant 0 : i32
      %dma_start3A_118 = tpu.memref_slice %arg2[%dma_start3A_116, %dma_start3A_117] : memref<450560x128xf32, #tpu.memory_space<hbm>> -> memref<450560x128xf32, #tpu.memory_space<hbm>>
      tpu.enqueue_indirect_dma source(%dma_start3A_118 : memref<450560x128xf32, #tpu.memory_space<hbm>>) target(%dma_start3A_112 : memref<32x128xf32, #tpu.memory_space<vmem>>) offsets(%dma_start3A_115 : memref<32xi32, #tpu.memory_space<vmem>>) semaphore(%arg8 : memref<!tpu.dma_semaphore, #tpu.memory_space<semaphore_mem>>)
      %dma_start3A_119 = arith.constant 9 : i32
      %dma_start3A_120 = arith.constant 9 : i32
      %dma_start3A_121 = arith.constant 0 : i32
      %dma_start3A_122 = arith.constant 0 : i32
      %dma_start3A_123 = tpu.memref_slice %arg6[%dma_start3A_120, %dma_start3A_121, %dma_start3A_122] : memref<27x32x128xf32, #tpu.memory_space<vmem>> -> memref<1x32x128xf32, #tpu.memory_space<vmem>>
      %dma_start3A_124 = tpu.memref_squeeze %dma_start3A_123 : memref<1x32x128xf32, #tpu.memory_space<vmem>> -> memref<32x128xf32, #tpu.memory_space<vmem>>
      %dma_start3A_125 = arith.constant 0 : i32
      %dma_start3A_126 = tpu.memref_slice %arg5[%dma_start3A_119, %dma_start3A_125] : memref<27x32xi32, #tpu.memory_space<vmem>> -> memref<1x32xi32, #tpu.memory_space<vmem>>
      %dma_start3A_127 = tpu.memref_squeeze %dma_start3A_126 : memref<1x32xi32, #tpu.memory_space<vmem>> -> memref<32xi32, #tpu.memory_space<vmem>>
      %dma_start3A_128 = arith.constant 0 : i32
      %dma_start3A_129 = arith.constant 0 : i32
      %dma_start3A_130 = tpu.memref_slice %arg2[%dma_start3A_128, %dma_start3A_129] : memref<450560x128xf32, #tpu.memory_space<hbm>> -> memref<450560x128xf32, #tpu.memory_space<hbm>>
      tpu.enqueue_indirect_dma source(%dma_start3A_130 : memref<450560x128xf32, #tpu.memory_space<hbm>>) target(%dma_start3A_124 : memref<32x128xf32, #tpu.memory_space<vmem>>) offsets(%dma_start3A_127 : memref<32xi32, #tpu.memory_space<vmem>>) semaphore(%arg8 : memref<!tpu.dma_semaphore, #tpu.memory_space<semaphore_mem>>)
      %dma_start3A_131 = arith.constant 10 : i32
      %dma_start3A_132 = arith.constant 10 : i32
      %dma_start3A_133 = arith.constant 0 : i32
      %dma_start3A_134 = arith.constant 0 : i32
      %dma_start3A_135 = tpu.memref_slice %arg6[%dma_start3A_132, %dma_start3A_133, %dma_start3A_134] : memref<27x32x128xf32, #tpu.memory_space<vmem>> -> memref<1x32x128xf32, #tpu.memory_space<vmem>>
      %dma_start3A_136 = tpu.memref_squeeze %dma_start3A_135 : memref<1x32x128xf32, #tpu.memory_space<vmem>> -> memref<32x128xf32, #tpu.memory_space<vmem>>
      %dma_start3A_137 = arith.constant 0 : i32
      %dma_start3A_138 = tpu.memref_slice %arg5[%dma_start3A_131, %dma_start3A_137] : memref<27x32xi32, #tpu.memory_space<vmem>> -> memref<1x32xi32, #tpu.memory_space<vmem>>
      %dma_start3A_139 = tpu.memref_squeeze %dma_start3A_138 : memref<1x32xi32, #tpu.memory_space<vmem>> -> memref<32xi32, #tpu.memory_space<vmem>>
      %dma_start3A_140 = arith.constant 0 : i32
      %dma_start3A_141 = arith.constant 0 : i32
      %dma_start3A_142 = tpu.memref_slice %arg2[%dma_start3A_140, %dma_start3A_141] : memref<450560x128xf32, #tpu.memory_space<hbm>> -> memref<450560x128xf32, #tpu.memory_space<hbm>>
      tpu.enqueue_indirect_dma source(%dma_start3A_142 : memref<450560x128xf32, #tpu.memory_space<hbm>>) target(%dma_start3A_136 : memref<32x128xf32, #tpu.memory_space<vmem>>) offsets(%dma_start3A_139 : memref<32xi32, #tpu.memory_space<vmem>>) semaphore(%arg8 : memref<!tpu.dma_semaphore, #tpu.memory_space<semaphore_mem>>)
      %dma_start3A_143 = arith.constant 11 : i32
      %dma_start3A_144 = arith.constant 11 : i32
      %dma_start3A_145 = arith.constant 0 : i32
      %dma_start3A_146 = arith.constant 0 : i32
      %dma_start3A_147 = tpu.memref_slice %arg6[%dma_start3A_144, %dma_start3A_145, %dma_start3A_146] : memref<27x32x128xf32, #tpu.memory_space<vmem>> -> memref<1x32x128xf32, #tpu.memory_space<vmem>>
      %dma_start3A_148 = tpu.memref_squeeze %dma_start3A_147 : memref<1x32x128xf32, #tpu.memory_space<vmem>> -> memref<32x128xf32, #tpu.memory_space<vmem>>
      %dma_start3A_149 = arith.constant 0 : i32
      %dma_start3A_150 = tpu.memref_slice %arg5[%dma_start3A_143, %dma_start3A_149] : memref<27x32xi32, #tpu.memory_space<vmem>> -> memref<1x32xi32, #tpu.memory_space<vmem>>
      %dma_start3A_151 = tpu.memref_squeeze %dma_start3A_150 : memref<1x32xi32, #tpu.memory_space<vmem>> -> memref<32xi32, #tpu.memory_space<vmem>>
      %dma_start3A_152 = arith.constant 0 : i32
      %dma_start3A_153 = arith.constant 0 : i32
      %dma_start3A_154 = tpu.memref_slice %arg2[%dma_start3A_152, %dma_start3A_153] : memref<450560x128xf32, #tpu.memory_space<hbm>> -> memref<450560x128xf32, #tpu.memory_space<hbm>>
      tpu.enqueue_indirect_dma source(%dma_start3A_154 : memref<450560x128xf32, #tpu.memory_space<hbm>>) target(%dma_start3A_148 : memref<32x128xf32, #tpu.memory_space<vmem>>) offsets(%dma_start3A_151 : memref<32xi32, #tpu.memory_space<vmem>>) semaphore(%arg8 : memref<!tpu.dma_semaphore, #tpu.memory_space<semaphore_mem>>)
      %dma_start3A_155 = arith.constant 12 : i32
      %dma_start3A_156 = arith.constant 12 : i32
      %dma_start3A_157 = arith.constant 0 : i32
      %dma_start3A_158 = arith.constant 0 : i32
      %dma_start3A_159 = tpu.memref_slice %arg6[%dma_start3A_156, %dma_start3A_157, %dma_start3A_158] : memref<27x32x128xf32, #tpu.memory_space<vmem>> -> memref<1x32x128xf32, #tpu.memory_space<vmem>>
      %dma_start3A_160 = tpu.memref_squeeze %dma_start3A_159 : memref<1x32x128xf32, #tpu.memory_space<vmem>> -> memref<32x128xf32, #tpu.memory_space<vmem>>
      %dma_start3A_161 = arith.constant 0 : i32
      %dma_start3A_162 = tpu.memref_slice %arg5[%dma_start3A_155, %dma_start3A_161] : memref<27x32xi32, #tpu.memory_space<vmem>> -> memref<1x32xi32, #tpu.memory_space<vmem>>
      %dma_start3A_163 = tpu.memref_squeeze %dma_start3A_162 : memref<1x32xi32, #tpu.memory_space<vmem>> -> memref<32xi32, #tpu.memory_space<vmem>>
      %dma_start3A_164 = arith.constant 0 : i32
      %dma_start3A_165 = arith.constant 0 : i32
      %dma_start3A_166 = tpu.memref_slice %arg2[%dma_start3A_164, %dma_start3A_165] : memref<450560x128xf32, #tpu.memory_space<hbm>> -> memref<450560x128xf32, #tpu.memory_space<hbm>>
      tpu.enqueue_indirect_dma source(%dma_start3A_166 : memref<450560x128xf32, #tpu.memory_space<hbm>>) target(%dma_start3A_160 : memref<32x128xf32, #tpu.memory_space<vmem>>) offsets(%dma_start3A_163 : memref<32xi32, #tpu.memory_space<vmem>>) semaphore(%arg8 : memref<!tpu.dma_semaphore, #tpu.memory_space<semaphore_mem>>)
      %dma_start3A_167 = arith.constant 13 : i32
      %dma_start3A_168 = arith.constant 13 : i32
      %dma_start3A_169 = arith.constant 0 : i32
      %dma_start3A_170 = arith.constant 0 : i32
      %dma_start3A_171 = tpu.memref_slice %arg6[%dma_start3A_168, %dma_start3A_169, %dma_start3A_170] : memref<27x32x128xf32, #tpu.memory_space<vmem>> -> memref<1x32x128xf32, #tpu.memory_space<vmem>>
      %dma_start3A_172 = tpu.memref_squeeze %dma_start3A_171 : memref<1x32x128xf32, #tpu.memory_space<vmem>> -> memref<32x128xf32, #tpu.memory_space<vmem>>
      %dma_start3A_173 = arith.constant 0 : i32
      %dma_start3A_174 = tpu.memref_slice %arg5[%dma_start3A_167, %dma_start3A_173] : memref<27x32xi32, #tpu.memory_space<vmem>> -> memref<1x32xi32, #tpu.memory_space<vmem>>
      %dma_start3A_175 = tpu.memref_squeeze %dma_start3A_174 : memref<1x32xi32, #tpu.memory_space<vmem>> -> memref<32xi32, #tpu.memory_space<vmem>>
      %dma_start3A_176 = arith.constant 0 : i32
      %dma_start3A_177 = arith.constant 0 : i32
      %dma_start3A_178 = tpu.memref_slice %arg2[%dma_start3A_176, %dma_start3A_177] : memref<450560x128xf32, #tpu.memory_space<hbm>> -> memref<450560x128xf32, #tpu.memory_space<hbm>>
      tpu.enqueue_indirect_dma source(%dma_start3A_178 : memref<450560x128xf32, #tpu.memory_space<hbm>>) target(%dma_start3A_172 : memref<32x128xf32, #tpu.memory_space<vmem>>) offsets(%dma_start3A_175 : memref<32xi32, #tpu.memory_space<vmem>>) semaphore(%arg8 : memref<!tpu.dma_semaphore, #tpu.memory_space<semaphore_mem>>)
      %dma_start3A_179 = arith.constant 14 : i32
      %dma_start3A_180 = arith.constant 14 : i32
      %dma_start3A_181 = arith.constant 0 : i32
      %dma_start3A_182 = arith.constant 0 : i32
      %dma_start3A_183 = tpu.memref_slice %arg6[%dma_start3A_180, %dma_start3A_181, %dma_start3A_182] : memref<27x32x128xf32, #tpu.memory_space<vmem>> -> memref<1x32x128xf32, #tpu.memory_space<vmem>>
      %dma_start3A_184 = tpu.memref_squeeze %dma_start3A_183 : memref<1x32x128xf32, #tpu.memory_space<vmem>> -> memref<32x128xf32, #tpu.memory_space<vmem>>
      %dma_start3A_185 = arith.constant 0 : i32
      %dma_start3A_186 = tpu.memref_slice %arg5[%dma_start3A_179, %dma_start3A_185] : memref<27x32xi32, #tpu.memory_space<vmem>> -> memref<1x32xi32, #tpu.memory_space<vmem>>
      %dma_start3A_187 = tpu.memref_squeeze %dma_start3A_186 : memref<1x32xi32, #tpu.memory_space<vmem>> -> memref<32xi32, #tpu.memory_space<vmem>>
      %dma_start3A_188 = arith.constant 0 : i32
      %dma_start3A_189 = arith.constant 0 : i32
      %dma_start3A_190 = tpu.memref_slice %arg2[%dma_start3A_188, %dma_start3A_189] : memref<450560x128xf32, #tpu.memory_space<hbm>> -> memref<450560x128xf32, #tpu.memory_space<hbm>>
      tpu.enqueue_indirect_dma source(%dma_start3A_190 : memref<450560x128xf32, #tpu.memory_space<hbm>>) target(%dma_start3A_184 : memref<32x128xf32, #tpu.memory_space<vmem>>) offsets(%dma_start3A_187 : memref<32xi32, #tpu.memory_space<vmem>>) semaphore(%arg8 : memref<!tpu.dma_semaphore, #tpu.memory_space<semaphore_mem>>)
      %dma_start3A_191 = arith.constant 15 : i32
      %dma_start3A_192 = arith.constant 15 : i32
      %dma_start3A_193 = arith.constant 0 : i32
      %dma_start3A_194 = arith.constant 0 : i32
      %dma_start3A_195 = tpu.memref_slice %arg6[%dma_start3A_192, %dma_start3A_193, %dma_start3A_194] : memref<27x32x128xf32, #tpu.memory_space<vmem>> -> memref<1x32x128xf32, #tpu.memory_space<vmem>>
      %dma_start3A_196 = tpu.memref_squeeze %dma_start3A_195 : memref<1x32x128xf32, #tpu.memory_space<vmem>> -> memref<32x128xf32, #tpu.memory_space<vmem>>
      %dma_start3A_197 = arith.constant 0 : i32
      %dma_start3A_198 = tpu.memref_slice %arg5[%dma_start3A_191, %dma_start3A_197] : memref<27x32xi32, #tpu.memory_space<vmem>> -> memref<1x32xi32, #tpu.memory_space<vmem>>
      %dma_start3A_199 = tpu.memref_squeeze %dma_start3A_198 : memref<1x32xi32, #tpu.memory_space<vmem>> -> memref<32xi32, #tpu.memory_space<vmem>>
      %dma_start3A_200 = arith.constant 0 : i32
      %dma_start3A_201 = arith.constant 0 : i32
      %dma_start3A_202 = tpu.memref_slice %arg2[%dma_start3A_200, %dma_start3A_201] : memref<450560x128xf32, #tpu.memory_space<hbm>> -> memref<450560x128xf32, #tpu.memory_space<hbm>>
      tpu.enqueue_indirect_dma source(%dma_start3A_202 : memref<450560x128xf32, #tpu.memory_space<hbm>>) target(%dma_start3A_196 : memref<32x128xf32, #tpu.memory_space<vmem>>) offsets(%dma_start3A_199 : memref<32xi32, #tpu.memory_space<vmem>>) semaphore(%arg8 : memref<!tpu.dma_semaphore, #tpu.memory_space<semaphore_mem>>)
      %dma_start3A_203 = arith.constant 16 : i32
      %dma_start3A_204 = arith.constant 16 : i32
      %dma_start3A_205 = arith.constant 0 : i32
      %dma_start3A_206 = arith.constant 0 : i32
      %dma_start3A_207 = tpu.memref_slice %arg6[%dma_start3A_204, %dma_start3A_205, %dma_start3A_206] : memref<27x32x128xf32, #tpu.memory_space<vmem>> -> memref<1x32x128xf32, #tpu.memory_space<vmem>>
      %dma_start3A_208 = tpu.memref_squeeze %dma_start3A_207 : memref<1x32x128xf32, #tpu.memory_space<vmem>> -> memref<32x128xf32, #tpu.memory_space<vmem>>
      %dma_start3A_209 = arith.constant 0 : i32
      %dma_start3A_210 = tpu.memref_slice %arg5[%dma_start3A_203, %dma_start3A_209] : memref<27x32xi32, #tpu.memory_space<vmem>> -> memref<1x32xi32, #tpu.memory_space<vmem>>
      %dma_start3A_211 = tpu.memref_squeeze %dma_start3A_210 : memref<1x32xi32, #tpu.memory_space<vmem>> -> memref<32xi32, #tpu.memory_space<vmem>>
      %dma_start3A_212 = arith.constant 0 : i32
      %dma_start3A_213 = arith.constant 0 : i32
      %dma_start3A_214 = tpu.memref_slice %arg2[%dma_start3A_212, %dma_start3A_213] : memref<450560x128xf32, #tpu.memory_space<hbm>> -> memref<450560x128xf32, #tpu.memory_space<hbm>>
      tpu.enqueue_indirect_dma source(%dma_start3A_214 : memref<450560x128xf32, #tpu.memory_space<hbm>>) target(%dma_start3A_208 : memref<32x128xf32, #tpu.memory_space<vmem>>) offsets(%dma_start3A_211 : memref<32xi32, #tpu.memory_space<vmem>>) semaphore(%arg8 : memref<!tpu.dma_semaphore, #tpu.memory_space<semaphore_mem>>)
      %dma_start3A_215 = arith.constant 17 : i32
      %dma_start3A_216 = arith.constant 17 : i32
      %dma_start3A_217 = arith.constant 0 : i32
      %dma_start3A_218 = arith.constant 0 : i32
      %dma_start3A_219 = tpu.memref_slice %arg6[%dma_start3A_216, %dma_start3A_217, %dma_start3A_218] : memref<27x32x128xf32, #tpu.memory_space<vmem>> -> memref<1x32x128xf32, #tpu.memory_space<vmem>>
      %dma_start3A_220 = tpu.memref_squeeze %dma_start3A_219 : memref<1x32x128xf32, #tpu.memory_space<vmem>> -> memref<32x128xf32, #tpu.memory_space<vmem>>
      %dma_start3A_221 = arith.constant 0 : i32
      %dma_start3A_222 = tpu.memref_slice %arg5[%dma_start3A_215, %dma_start3A_221] : memref<27x32xi32, #tpu.memory_space<vmem>> -> memref<1x32xi32, #tpu.memory_space<vmem>>
      %dma_start3A_223 = tpu.memref_squeeze %dma_start3A_222 : memref<1x32xi32, #tpu.memory_space<vmem>> -> memref<32xi32, #tpu.memory_space<vmem>>
      %dma_start3A_224 = arith.constant 0 : i32
      %dma_start3A_225 = arith.constant 0 : i32
      %dma_start3A_226 = tpu.memref_slice %arg2[%dma_start3A_224, %dma_start3A_225] : memref<450560x128xf32, #tpu.memory_space<hbm>> -> memref<450560x128xf32, #tpu.memory_space<hbm>>
      tpu.enqueue_indirect_dma source(%dma_start3A_226 : memref<450560x128xf32, #tpu.memory_space<hbm>>) target(%dma_start3A_220 : memref<32x128xf32, #tpu.memory_space<vmem>>) offsets(%dma_start3A_223 : memref<32xi32, #tpu.memory_space<vmem>>) semaphore(%arg8 : memref<!tpu.dma_semaphore, #tpu.memory_space<semaphore_mem>>)
      %dma_start3A_227 = arith.constant 18 : i32
      %dma_start3A_228 = arith.constant 18 : i32
      %dma_start3A_229 = arith.constant 0 : i32
      %dma_start3A_230 = arith.constant 0 : i32
      %dma_start3A_231 = tpu.memref_slice %arg6[%dma_start3A_228, %dma_start3A_229, %dma_start3A_230] : memref<27x32x128xf32, #tpu.memory_space<vmem>> -> memref<1x32x128xf32, #tpu.memory_space<vmem>>
      %dma_start3A_232 = tpu.memref_squeeze %dma_start3A_231 : memref<1x32x128xf32, #tpu.memory_space<vmem>> -> memref<32x128xf32, #tpu.memory_space<vmem>>
      %dma_start3A_233 = arith.constant 0 : i32
      %dma_start3A_234 = tpu.memref_slice %arg5[%dma_start3A_227, %dma_start3A_233] : memref<27x32xi32, #tpu.memory_space<vmem>> -> memref<1x32xi32, #tpu.memory_space<vmem>>
      %dma_start3A_235 = tpu.memref_squeeze %dma_start3A_234 : memref<1x32xi32, #tpu.memory_space<vmem>> -> memref<32xi32, #tpu.memory_space<vmem>>
      %dma_start3A_236 = arith.constant 0 : i32
      %dma_start3A_237 = arith.constant 0 : i32
      %dma_start3A_238 = tpu.memref_slice %arg2[%dma_start3A_236, %dma_start3A_237] : memref<450560x128xf32, #tpu.memory_space<hbm>> -> memref<450560x128xf32, #tpu.memory_space<hbm>>
      tpu.enqueue_indirect_dma source(%dma_start3A_238 : memref<450560x128xf32, #tpu.memory_space<hbm>>) target(%dma_start3A_232 : memref<32x128xf32, #tpu.memory_space<vmem>>) offsets(%dma_start3A_235 : memref<32xi32, #tpu.memory_space<vmem>>) semaphore(%arg8 : memref<!tpu.dma_semaphore, #tpu.memory_space<semaphore_mem>>)
      %dma_start3A_239 = arith.constant 19 : i32
      %dma_start3A_240 = arith.constant 19 : i32
      %dma_start3A_241 = arith.constant 0 : i32
      %dma_start3A_242 = arith.constant 0 : i32
      %dma_start3A_243 = tpu.memref_slice %arg6[%dma_start3A_240, %dma_start3A_241, %dma_start3A_242] : memref<27x32x128xf32, #tpu.memory_space<vmem>> -> memref<1x32x128xf32, #tpu.memory_space<vmem>>
      %dma_start3A_244 = tpu.memref_squeeze %dma_start3A_243 : memref<1x32x128xf32, #tpu.memory_space<vmem>> -> memref<32x128xf32, #tpu.memory_space<vmem>>
      %dma_start3A_245 = arith.constant 0 : i32
      %dma_start3A_246 = tpu.memref_slice %arg5[%dma_start3A_239, %dma_start3A_245] : memref<27x32xi32, #tpu.memory_space<vmem>> -> memref<1x32xi32, #tpu.memory_space<vmem>>
      %dma_start3A_247 = tpu.memref_squeeze %dma_start3A_246 : memref<1x32xi32, #tpu.memory_space<vmem>> -> memref<32xi32, #tpu.memory_space<vmem>>
      %dma_start3A_248 = arith.constant 0 : i32
      %dma_start3A_249 = arith.constant 0 : i32
      %dma_start3A_250 = tpu.memref_slice %arg2[%dma_start3A_248, %dma_start3A_249] : memref<450560x128xf32, #tpu.memory_space<hbm>> -> memref<450560x128xf32, #tpu.memory_space<hbm>>
      tpu.enqueue_indirect_dma source(%dma_start3A_250 : memref<450560x128xf32, #tpu.memory_space<hbm>>) target(%dma_start3A_244 : memref<32x128xf32, #tpu.memory_space<vmem>>) offsets(%dma_start3A_247 : memref<32xi32, #tpu.memory_space<vmem>>) semaphore(%arg8 : memref<!tpu.dma_semaphore, #tpu.memory_space<semaphore_mem>>)
      %dma_start3A_251 = arith.constant 20 : i32
      %dma_start3A_252 = arith.constant 20 : i32
      %dma_start3A_253 = arith.constant 0 : i32
      %dma_start3A_254 = arith.constant 0 : i32
      %dma_start3A_255 = tpu.memref_slice %arg6[%dma_start3A_252, %dma_start3A_253, %dma_start3A_254] : memref<27x32x128xf32, #tpu.memory_space<vmem>> -> memref<1x32x128xf32, #tpu.memory_space<vmem>>
      %dma_start3A_256 = tpu.memref_squeeze %dma_start3A_255 : memref<1x32x128xf32, #tpu.memory_space<vmem>> -> memref<32x128xf32, #tpu.memory_space<vmem>>
      %dma_start3A_257 = arith.constant 0 : i32
      %dma_start3A_258 = tpu.memref_slice %arg5[%dma_start3A_251, %dma_start3A_257] : memref<27x32xi32, #tpu.memory_space<vmem>> -> memref<1x32xi32, #tpu.memory_space<vmem>>
      %dma_start3A_259 = tpu.memref_squeeze %dma_start3A_258 : memref<1x32xi32, #tpu.memory_space<vmem>> -> memref<32xi32, #tpu.memory_space<vmem>>
      %dma_start3A_260 = arith.constant 0 : i32
      %dma_start3A_261 = arith.constant 0 : i32
      %dma_start3A_262 = tpu.memref_slice %arg2[%dma_start3A_260, %dma_start3A_261] : memref<450560x128xf32, #tpu.memory_space<hbm>> -> memref<450560x128xf32, #tpu.memory_space<hbm>>
      tpu.enqueue_indirect_dma source(%dma_start3A_262 : memref<450560x128xf32, #tpu.memory_space<hbm>>) target(%dma_start3A_256 : memref<32x128xf32, #tpu.memory_space<vmem>>) offsets(%dma_start3A_259 : memref<32xi32, #tpu.memory_space<vmem>>) semaphore(%arg8 : memref<!tpu.dma_semaphore, #tpu.memory_space<semaphore_mem>>)
      %dma_start3A_263 = arith.constant 21 : i32
      %dma_start3A_264 = arith.constant 21 : i32
      %dma_start3A_265 = arith.constant 0 : i32
      %dma_start3A_266 = arith.constant 0 : i32
      %dma_start3A_267 = tpu.memref_slice %arg6[%dma_start3A_264, %dma_start3A_265, %dma_start3A_266] : memref<27x32x128xf32, #tpu.memory_space<vmem>> -> memref<1x32x128xf32, #tpu.memory_space<vmem>>
      %dma_start3A_268 = tpu.memref_squeeze %dma_start3A_267 : memref<1x32x128xf32, #tpu.memory_space<vmem>> -> memref<32x128xf32, #tpu.memory_space<vmem>>
      %dma_start3A_269 = arith.constant 0 : i32
      %dma_start3A_270 = tpu.memref_slice %arg5[%dma_start3A_263, %dma_start3A_269] : memref<27x32xi32, #tpu.memory_space<vmem>> -> memref<1x32xi32, #tpu.memory_space<vmem>>
      %dma_start3A_271 = tpu.memref_squeeze %dma_start3A_270 : memref<1x32xi32, #tpu.memory_space<vmem>> -> memref<32xi32, #tpu.memory_space<vmem>>
      %dma_start3A_272 = arith.constant 0 : i32
      %dma_start3A_273 = arith.constant 0 : i32
      %dma_start3A_274 = tpu.memref_slice %arg2[%dma_start3A_272, %dma_start3A_273] : memref<450560x128xf32, #tpu.memory_space<hbm>> -> memref<450560x128xf32, #tpu.memory_space<hbm>>
      tpu.enqueue_indirect_dma source(%dma_start3A_274 : memref<450560x128xf32, #tpu.memory_space<hbm>>) target(%dma_start3A_268 : memref<32x128xf32, #tpu.memory_space<vmem>>) offsets(%dma_start3A_271 : memref<32xi32, #tpu.memory_space<vmem>>) semaphore(%arg8 : memref<!tpu.dma_semaphore, #tpu.memory_space<semaphore_mem>>)
      %dma_start3A_275 = arith.constant 22 : i32
      %dma_start3A_276 = arith.constant 22 : i32
      %dma_start3A_277 = arith.constant 0 : i32
      %dma_start3A_278 = arith.constant 0 : i32
      %dma_start3A_279 = tpu.memref_slice %arg6[%dma_start3A_276, %dma_start3A_277, %dma_start3A_278] : memref<27x32x128xf32, #tpu.memory_space<vmem>> -> memref<1x32x128xf32, #tpu.memory_space<vmem>>
      %dma_start3A_280 = tpu.memref_squeeze %dma_start3A_279 : memref<1x32x128xf32, #tpu.memory_space<vmem>> -> memref<32x128xf32, #tpu.memory_space<vmem>>
      %dma_start3A_281 = arith.constant 0 : i32
      %dma_start3A_282 = tpu.memref_slice %arg5[%dma_start3A_275, %dma_start3A_281] : memref<27x32xi32, #tpu.memory_space<vmem>> -> memref<1x32xi32, #tpu.memory_space<vmem>>
      %dma_start3A_283 = tpu.memref_squeeze %dma_start3A_282 : memref<1x32xi32, #tpu.memory_space<vmem>> -> memref<32xi32, #tpu.memory_space<vmem>>
      %dma_start3A_284 = arith.constant 0 : i32
      %dma_start3A_285 = arith.constant 0 : i32
      %dma_start3A_286 = tpu.memref_slice %arg2[%dma_start3A_284, %dma_start3A_285] : memref<450560x128xf32, #tpu.memory_space<hbm>> -> memref<450560x128xf32, #tpu.memory_space<hbm>>
      tpu.enqueue_indirect_dma source(%dma_start3A_286 : memref<450560x128xf32, #tpu.memory_space<hbm>>) target(%dma_start3A_280 : memref<32x128xf32, #tpu.memory_space<vmem>>) offsets(%dma_start3A_283 : memref<32xi32, #tpu.memory_space<vmem>>) semaphore(%arg8 : memref<!tpu.dma_semaphore, #tpu.memory_space<semaphore_mem>>)
      %dma_start3A_287 = arith.constant 23 : i32
      %dma_start3A_288 = arith.constant 23 : i32
      %dma_start3A_289 = arith.constant 0 : i32
      %dma_start3A_290 = arith.constant 0 : i32
      %dma_start3A_291 = tpu.memref_slice %arg6[%dma_start3A_288, %dma_start3A_289, %dma_start3A_290] : memref<27x32x128xf32, #tpu.memory_space<vmem>> -> memref<1x32x128xf32, #tpu.memory_space<vmem>>
      %dma_start3A_292 = tpu.memref_squeeze %dma_start3A_291 : memref<1x32x128xf32, #tpu.memory_space<vmem>> -> memref<32x128xf32, #tpu.memory_space<vmem>>
      %dma_start3A_293 = arith.constant 0 : i32
      %dma_start3A_294 = tpu.memref_slice %arg5[%dma_start3A_287, %dma_start3A_293] : memref<27x32xi32, #tpu.memory_space<vmem>> -> memref<1x32xi32, #tpu.memory_space<vmem>>
      %dma_start3A_295 = tpu.memref_squeeze %dma_start3A_294 : memref<1x32xi32, #tpu.memory_space<vmem>> -> memref<32xi32, #tpu.memory_space<vmem>>
      %dma_start3A_296 = arith.constant 0 : i32
      %dma_start3A_297 = arith.constant 0 : i32
      %dma_start3A_298 = tpu.memref_slice %arg2[%dma_start3A_296, %dma_start3A_297] : memref<450560x128xf32, #tpu.memory_space<hbm>> -> memref<450560x128xf32, #tpu.memory_space<hbm>>
      tpu.enqueue_indirect_dma source(%dma_start3A_298 : memref<450560x128xf32, #tpu.memory_space<hbm>>) target(%dma_start3A_292 : memref<32x128xf32, #tpu.memory_space<vmem>>) offsets(%dma_start3A_295 : memref<32xi32, #tpu.memory_space<vmem>>) semaphore(%arg8 : memref<!tpu.dma_semaphore, #tpu.memory_space<semaphore_mem>>)
      %dma_start3A_299 = arith.constant 24 : i32
      %dma_start3A_300 = arith.constant 24 : i32
      %dma_start3A_301 = arith.constant 0 : i32
      %dma_start3A_302 = arith.constant 0 : i32
      %dma_start3A_303 = tpu.memref_slice %arg6[%dma_start3A_300, %dma_start3A_301, %dma_start3A_302] : memref<27x32x128xf32, #tpu.memory_space<vmem>> -> memref<1x32x128xf32, #tpu.memory_space<vmem>>
      %dma_start3A_304 = tpu.memref_squeeze %dma_start3A_303 : memref<1x32x128xf32, #tpu.memory_space<vmem>> -> memref<32x128xf32, #tpu.memory_space<vmem>>
      %dma_start3A_305 = arith.constant 0 : i32
      %dma_start3A_306 = tpu.memref_slice %arg5[%dma_start3A_299, %dma_start3A_305] : memref<27x32xi32, #tpu.memory_space<vmem>> -> memref<1x32xi32, #tpu.memory_space<vmem>>
      %dma_start3A_307 = tpu.memref_squeeze %dma_start3A_306 : memref<1x32xi32, #tpu.memory_space<vmem>> -> memref<32xi32, #tpu.memory_space<vmem>>
      %dma_start3A_308 = arith.constant 0 : i32
      %dma_start3A_309 = arith.constant 0 : i32
      %dma_start3A_310 = tpu.memref_slice %arg2[%dma_start3A_308, %dma_start3A_309] : memref<450560x128xf32, #tpu.memory_space<hbm>> -> memref<450560x128xf32, #tpu.memory_space<hbm>>
      tpu.enqueue_indirect_dma source(%dma_start3A_310 : memref<450560x128xf32, #tpu.memory_space<hbm>>) target(%dma_start3A_304 : memref<32x128xf32, #tpu.memory_space<vmem>>) offsets(%dma_start3A_307 : memref<32xi32, #tpu.memory_space<vmem>>) semaphore(%arg8 : memref<!tpu.dma_semaphore, #tpu.memory_space<semaphore_mem>>)
      %dma_start3A_311 = arith.constant 25 : i32
      %dma_start3A_312 = arith.constant 25 : i32
      %dma_start3A_313 = arith.constant 0 : i32
      %dma_start3A_314 = arith.constant 0 : i32
      %dma_start3A_315 = tpu.memref_slice %arg6[%dma_start3A_312, %dma_start3A_313, %dma_start3A_314] : memref<27x32x128xf32, #tpu.memory_space<vmem>> -> memref<1x32x128xf32, #tpu.memory_space<vmem>>
      %dma_start3A_316 = tpu.memref_squeeze %dma_start3A_315 : memref<1x32x128xf32, #tpu.memory_space<vmem>> -> memref<32x128xf32, #tpu.memory_space<vmem>>
      %dma_start3A_317 = arith.constant 0 : i32
      %dma_start3A_318 = tpu.memref_slice %arg5[%dma_start3A_311, %dma_start3A_317] : memref<27x32xi32, #tpu.memory_space<vmem>> -> memref<1x32xi32, #tpu.memory_space<vmem>>
      %dma_start3A_319 = tpu.memref_squeeze %dma_start3A_318 : memref<1x32xi32, #tpu.memory_space<vmem>> -> memref<32xi32, #tpu.memory_space<vmem>>
      %dma_start3A_320 = arith.constant 0 : i32
      %dma_start3A_321 = arith.constant 0 : i32
      %dma_start3A_322 = tpu.memref_slice %arg2[%dma_start3A_320, %dma_start3A_321] : memref<450560x128xf32, #tpu.memory_space<hbm>> -> memref<450560x128xf32, #tpu.memory_space<hbm>>
      tpu.enqueue_indirect_dma source(%dma_start3A_322 : memref<450560x128xf32, #tpu.memory_space<hbm>>) target(%dma_start3A_316 : memref<32x128xf32, #tpu.memory_space<vmem>>) offsets(%dma_start3A_319 : memref<32xi32, #tpu.memory_space<vmem>>) semaphore(%arg8 : memref<!tpu.dma_semaphore, #tpu.memory_space<semaphore_mem>>)
      %dma_start3A_323 = arith.constant 26 : i32
      %dma_start3A_324 = arith.constant 26 : i32
      %dma_start3A_325 = arith.constant 0 : i32
      %dma_start3A_326 = arith.constant 0 : i32
      %dma_start3A_327 = tpu.memref_slice %arg6[%dma_start3A_324, %dma_start3A_325, %dma_start3A_326] : memref<27x32x128xf32, #tpu.memory_space<vmem>> -> memref<1x32x128xf32, #tpu.memory_space<vmem>>
      %dma_start3A_328 = tpu.memref_squeeze %dma_start3A_327 : memref<1x32x128xf32, #tpu.memory_space<vmem>> -> memref<32x128xf32, #tpu.memory_space<vmem>>
      %dma_start3A_329 = arith.constant 0 : i32
      %dma_start3A_330 = tpu.memref_slice %arg5[%dma_start3A_323, %dma_start3A_329] : memref<27x32xi32, #tpu.memory_space<vmem>> -> memref<1x32xi32, #tpu.memory_space<vmem>>
      %dma_start3A_331 = tpu.memref_squeeze %dma_start3A_330 : memref<1x32xi32, #tpu.memory_space<vmem>> -> memref<32xi32, #tpu.memory_space<vmem>>
      %dma_start3A_332 = arith.constant 0 : i32
      %dma_start3A_333 = arith.constant 0 : i32
      %dma_start3A_334 = tpu.memref_slice %arg2[%dma_start3A_332, %dma_start3A_333] : memref<450560x128xf32, #tpu.memory_space<hbm>> -> memref<450560x128xf32, #tpu.memory_space<hbm>>
      tpu.enqueue_indirect_dma source(%dma_start3A_334 : memref<450560x128xf32, #tpu.memory_space<hbm>>) target(%dma_start3A_328 : memref<32x128xf32, #tpu.memory_space<vmem>>) offsets(%dma_start3A_331 : memref<32xi32, #tpu.memory_space<vmem>>) semaphore(%arg8 : memref<!tpu.dma_semaphore, #tpu.memory_space<semaphore_mem>>)
      %dma_wait3A = arith.constant 0 : i32
      %dma_wait3A_335 = arith.constant 0 : i32
      %dma_wait3A_336 = arith.constant 0 : i32
      %dma_wait3A_337 = arith.constant 0 : i32
      %dma_wait3A_338 = tpu.memref_slice %arg6[%dma_wait3A_335, %dma_wait3A_336, %dma_wait3A_337] : memref<27x32x128xf32, #tpu.memory_space<vmem>> -> memref<1x32x128xf32, #tpu.memory_space<vmem>>
      %dma_wait3A_339 = tpu.memref_squeeze %dma_wait3A_338 : memref<1x32x128xf32, #tpu.memory_space<vmem>> -> memref<32x128xf32, #tpu.memory_space<vmem>>
      %dma_wait3A_340 = arith.constant 0 : i32
      %dma_wait3A_341 = tpu.memref_slice %arg5[%dma_wait3A, %dma_wait3A_340] : memref<27x32xi32, #tpu.memory_space<vmem>> -> memref<1x32xi32, #tpu.memory_space<vmem>>
      %dma_wait3A_342 = tpu.memref_squeeze %dma_wait3A_341 : memref<1x32xi32, #tpu.memory_space<vmem>> -> memref<32xi32, #tpu.memory_space<vmem>>
      %dma_wait3A_343 = arith.constant 0 : i32
      %dma_wait3A_344 = arith.constant 0 : i32
      %dma_wait3A_345 = tpu.memref_slice %arg2[%dma_wait3A_343, %dma_wait3A_344] : memref<450560x128xf32, #tpu.memory_space<hbm>> -> memref<450560x128xf32, #tpu.memory_space<hbm>>
      tpu.wait_indirect_dma semaphore(%arg8 : memref<!tpu.dma_semaphore, #tpu.memory_space<semaphore_mem>>) src(%dma_wait3A_345 : memref<450560x128xf32, #tpu.memory_space<hbm>>) dst(%dma_wait3A_339 : memref<32x128xf32, #tpu.memory_space<vmem>>)
      %dma_wait3A_346 = arith.constant 1 : i32
      %dma_wait3A_347 = arith.constant 1 : i32
      %dma_wait3A_348 = arith.constant 0 : i32
      %dma_wait3A_349 = arith.constant 0 : i32
      %dma_wait3A_350 = tpu.memref_slice %arg6[%dma_wait3A_347, %dma_wait3A_348, %dma_wait3A_349] : memref<27x32x128xf32, #tpu.memory_space<vmem>> -> memref<1x32x128xf32, #tpu.memory_space<vmem>>
      %dma_wait3A_351 = tpu.memref_squeeze %dma_wait3A_350 : memref<1x32x128xf32, #tpu.memory_space<vmem>> -> memref<32x128xf32, #tpu.memory_space<vmem>>
      %dma_wait3A_352 = arith.constant 0 : i32
      %dma_wait3A_353 = tpu.memref_slice %arg5[%dma_wait3A_346, %dma_wait3A_352] : memref<27x32xi32, #tpu.memory_space<vmem>> -> memref<1x32xi32, #tpu.memory_space<vmem>>
      %dma_wait3A_354 = tpu.memref_squeeze %dma_wait3A_353 : memref<1x32xi32, #tpu.memory_space<vmem>> -> memref<32xi32, #tpu.memory_space<vmem>>
      %dma_wait3A_355 = arith.constant 0 : i32
      %dma_wait3A_356 = arith.constant 0 : i32
      %dma_wait3A_357 = tpu.memref_slice %arg2[%dma_wait3A_355, %dma_wait3A_356] : memref<450560x128xf32, #tpu.memory_space<hbm>> -> memref<450560x128xf32, #tpu.memory_space<hbm>>
      tpu.wait_indirect_dma semaphore(%arg8 : memref<!tpu.dma_semaphore, #tpu.memory_space<semaphore_mem>>) src(%dma_wait3A_357 : memref<450560x128xf32, #tpu.memory_space<hbm>>) dst(%dma_wait3A_351 : memref<32x128xf32, #tpu.memory_space<vmem>>)
      %dma_wait3A_358 = arith.constant 2 : i32
      %dma_wait3A_359 = arith.constant 2 : i32
      %dma_wait3A_360 = arith.constant 0 : i32
      %dma_wait3A_361 = arith.constant 0 : i32
      %dma_wait3A_362 = tpu.memref_slice %arg6[%dma_wait3A_359, %dma_wait3A_360, %dma_wait3A_361] : memref<27x32x128xf32, #tpu.memory_space<vmem>> -> memref<1x32x128xf32, #tpu.memory_space<vmem>>
      %dma_wait3A_363 = tpu.memref_squeeze %dma_wait3A_362 : memref<1x32x128xf32, #tpu.memory_space<vmem>> -> memref<32x128xf32, #tpu.memory_space<vmem>>
      %dma_wait3A_364 = arith.constant 0 : i32
      %dma_wait3A_365 = tpu.memref_slice %arg5[%dma_wait3A_358, %dma_wait3A_364] : memref<27x32xi32, #tpu.memory_space<vmem>> -> memref<1x32xi32, #tpu.memory_space<vmem>>
      %dma_wait3A_366 = tpu.memref_squeeze %dma_wait3A_365 : memref<1x32xi32, #tpu.memory_space<vmem>> -> memref<32xi32, #tpu.memory_space<vmem>>
      %dma_wait3A_367 = arith.constant 0 : i32
      %dma_wait3A_368 = arith.constant 0 : i32
      %dma_wait3A_369 = tpu.memref_slice %arg2[%dma_wait3A_367, %dma_wait3A_368] : memref<450560x128xf32, #tpu.memory_space<hbm>> -> memref<450560x128xf32, #tpu.memory_space<hbm>>
      tpu.wait_indirect_dma semaphore(%arg8 : memref<!tpu.dma_semaphore, #tpu.memory_space<semaphore_mem>>) src(%dma_wait3A_369 : memref<450560x128xf32, #tpu.memory_space<hbm>>) dst(%dma_wait3A_363 : memref<32x128xf32, #tpu.memory_space<vmem>>)
      %dma_wait3A_370 = arith.constant 3 : i32
      %dma_wait3A_371 = arith.constant 3 : i32
      %dma_wait3A_372 = arith.constant 0 : i32
      %dma_wait3A_373 = arith.constant 0 : i32
      %dma_wait3A_374 = tpu.memref_slice %arg6[%dma_wait3A_371, %dma_wait3A_372, %dma_wait3A_373] : memref<27x32x128xf32, #tpu.memory_space<vmem>> -> memref<1x32x128xf32, #tpu.memory_space<vmem>>
      %dma_wait3A_375 = tpu.memref_squeeze %dma_wait3A_374 : memref<1x32x128xf32, #tpu.memory_space<vmem>> -> memref<32x128xf32, #tpu.memory_space<vmem>>
      %dma_wait3A_376 = arith.constant 0 : i32
      %dma_wait3A_377 = tpu.memref_slice %arg5[%dma_wait3A_370, %dma_wait3A_376] : memref<27x32xi32, #tpu.memory_space<vmem>> -> memref<1x32xi32, #tpu.memory_space<vmem>>
      %dma_wait3A_378 = tpu.memref_squeeze %dma_wait3A_377 : memref<1x32xi32, #tpu.memory_space<vmem>> -> memref<32xi32, #tpu.memory_space<vmem>>
      %dma_wait3A_379 = arith.constant 0 : i32
      %dma_wait3A_380 = arith.constant 0 : i32
      %dma_wait3A_381 = tpu.memref_slice %arg2[%dma_wait3A_379, %dma_wait3A_380] : memref<450560x128xf32, #tpu.memory_space<hbm>> -> memref<450560x128xf32, #tpu.memory_space<hbm>>
      tpu.wait_indirect_dma semaphore(%arg8 : memref<!tpu.dma_semaphore, #tpu.memory_space<semaphore_mem>>) src(%dma_wait3A_381 : memref<450560x128xf32, #tpu.memory_space<hbm>>) dst(%dma_wait3A_375 : memref<32x128xf32, #tpu.memory_space<vmem>>)
      %dma_wait3A_382 = arith.constant 4 : i32
      %dma_wait3A_383 = arith.constant 4 : i32
      %dma_wait3A_384 = arith.constant 0 : i32
      %dma_wait3A_385 = arith.constant 0 : i32
      %dma_wait3A_386 = tpu.memref_slice %arg6[%dma_wait3A_383, %dma_wait3A_384, %dma_wait3A_385] : memref<27x32x128xf32, #tpu.memory_space<vmem>> -> memref<1x32x128xf32, #tpu.memory_space<vmem>>
      %dma_wait3A_387 = tpu.memref_squeeze %dma_wait3A_386 : memref<1x32x128xf32, #tpu.memory_space<vmem>> -> memref<32x128xf32, #tpu.memory_space<vmem>>
      %dma_wait3A_388 = arith.constant 0 : i32
      %dma_wait3A_389 = tpu.memref_slice %arg5[%dma_wait3A_382, %dma_wait3A_388] : memref<27x32xi32, #tpu.memory_space<vmem>> -> memref<1x32xi32, #tpu.memory_space<vmem>>
      %dma_wait3A_390 = tpu.memref_squeeze %dma_wait3A_389 : memref<1x32xi32, #tpu.memory_space<vmem>> -> memref<32xi32, #tpu.memory_space<vmem>>
      %dma_wait3A_391 = arith.constant 0 : i32
      %dma_wait3A_392 = arith.constant 0 : i32
      %dma_wait3A_393 = tpu.memref_slice %arg2[%dma_wait3A_391, %dma_wait3A_392] : memref<450560x128xf32, #tpu.memory_space<hbm>> -> memref<450560x128xf32, #tpu.memory_space<hbm>>
      tpu.wait_indirect_dma semaphore(%arg8 : memref<!tpu.dma_semaphore, #tpu.memory_space<semaphore_mem>>) src(%dma_wait3A_393 : memref<450560x128xf32, #tpu.memory_space<hbm>>) dst(%dma_wait3A_387 : memref<32x128xf32, #tpu.memory_space<vmem>>)
      %dma_wait3A_394 = arith.constant 5 : i32
      %dma_wait3A_395 = arith.constant 5 : i32
      %dma_wait3A_396 = arith.constant 0 : i32
      %dma_wait3A_397 = arith.constant 0 : i32
      %dma_wait3A_398 = tpu.memref_slice %arg6[%dma_wait3A_395, %dma_wait3A_396, %dma_wait3A_397] : memref<27x32x128xf32, #tpu.memory_space<vmem>> -> memref<1x32x128xf32, #tpu.memory_space<vmem>>
      %dma_wait3A_399 = tpu.memref_squeeze %dma_wait3A_398 : memref<1x32x128xf32, #tpu.memory_space<vmem>> -> memref<32x128xf32, #tpu.memory_space<vmem>>
      %dma_wait3A_400 = arith.constant 0 : i32
      %dma_wait3A_401 = tpu.memref_slice %arg5[%dma_wait3A_394, %dma_wait3A_400] : memref<27x32xi32, #tpu.memory_space<vmem>> -> memref<1x32xi32, #tpu.memory_space<vmem>>
      %dma_wait3A_402 = tpu.memref_squeeze %dma_wait3A_401 : memref<1x32xi32, #tpu.memory_space<vmem>> -> memref<32xi32, #tpu.memory_space<vmem>>
      %dma_wait3A_403 = arith.constant 0 : i32
      %dma_wait3A_404 = arith.constant 0 : i32
      %dma_wait3A_405 = tpu.memref_slice %arg2[%dma_wait3A_403, %dma_wait3A_404] : memref<450560x128xf32, #tpu.memory_space<hbm>> -> memref<450560x128xf32, #tpu.memory_space<hbm>>
      tpu.wait_indirect_dma semaphore(%arg8 : memref<!tpu.dma_semaphore, #tpu.memory_space<semaphore_mem>>) src(%dma_wait3A_405 : memref<450560x128xf32, #tpu.memory_space<hbm>>) dst(%dma_wait3A_399 : memref<32x128xf32, #tpu.memory_space<vmem>>)
      %dma_wait3A_406 = arith.constant 6 : i32
      %dma_wait3A_407 = arith.constant 6 : i32
      %dma_wait3A_408 = arith.constant 0 : i32
      %dma_wait3A_409 = arith.constant 0 : i32
      %dma_wait3A_410 = tpu.memref_slice %arg6[%dma_wait3A_407, %dma_wait3A_408, %dma_wait3A_409] : memref<27x32x128xf32, #tpu.memory_space<vmem>> -> memref<1x32x128xf32, #tpu.memory_space<vmem>>
      %dma_wait3A_411 = tpu.memref_squeeze %dma_wait3A_410 : memref<1x32x128xf32, #tpu.memory_space<vmem>> -> memref<32x128xf32, #tpu.memory_space<vmem>>
      %dma_wait3A_412 = arith.constant 0 : i32
      %dma_wait3A_413 = tpu.memref_slice %arg5[%dma_wait3A_406, %dma_wait3A_412] : memref<27x32xi32, #tpu.memory_space<vmem>> -> memref<1x32xi32, #tpu.memory_space<vmem>>
      %dma_wait3A_414 = tpu.memref_squeeze %dma_wait3A_413 : memref<1x32xi32, #tpu.memory_space<vmem>> -> memref<32xi32, #tpu.memory_space<vmem>>
      %dma_wait3A_415 = arith.constant 0 : i32
      %dma_wait3A_416 = arith.constant 0 : i32
      %dma_wait3A_417 = tpu.memref_slice %arg2[%dma_wait3A_415, %dma_wait3A_416] : memref<450560x128xf32, #tpu.memory_space<hbm>> -> memref<450560x128xf32, #tpu.memory_space<hbm>>
      tpu.wait_indirect_dma semaphore(%arg8 : memref<!tpu.dma_semaphore, #tpu.memory_space<semaphore_mem>>) src(%dma_wait3A_417 : memref<450560x128xf32, #tpu.memory_space<hbm>>) dst(%dma_wait3A_411 : memref<32x128xf32, #tpu.memory_space<vmem>>)
      %dma_wait3A_418 = arith.constant 7 : i32
      %dma_wait3A_419 = arith.constant 7 : i32
      %dma_wait3A_420 = arith.constant 0 : i32
      %dma_wait3A_421 = arith.constant 0 : i32
      %dma_wait3A_422 = tpu.memref_slice %arg6[%dma_wait3A_419, %dma_wait3A_420, %dma_wait3A_421] : memref<27x32x128xf32, #tpu.memory_space<vmem>> -> memref<1x32x128xf32, #tpu.memory_space<vmem>>
      %dma_wait3A_423 = tpu.memref_squeeze %dma_wait3A_422 : memref<1x32x128xf32, #tpu.memory_space<vmem>> -> memref<32x128xf32, #tpu.memory_space<vmem>>
      %dma_wait3A_424 = arith.constant 0 : i32
      %dma_wait3A_425 = tpu.memref_slice %arg5[%dma_wait3A_418, %dma_wait3A_424] : memref<27x32xi32, #tpu.memory_space<vmem>> -> memref<1x32xi32, #tpu.memory_space<vmem>>
      %dma_wait3A_426 = tpu.memref_squeeze %dma_wait3A_425 : memref<1x32xi32, #tpu.memory_space<vmem>> -> memref<32xi32, #tpu.memory_space<vmem>>
      %dma_wait3A_427 = arith.constant 0 : i32
      %dma_wait3A_428 = arith.constant 0 : i32
      %dma_wait3A_429 = tpu.memref_slice %arg2[%dma_wait3A_427, %dma_wait3A_428] : memref<450560x128xf32, #tpu.memory_space<hbm>> -> memref<450560x128xf32, #tpu.memory_space<hbm>>
      tpu.wait_indirect_dma semaphore(%arg8 : memref<!tpu.dma_semaphore, #tpu.memory_space<semaphore_mem>>) src(%dma_wait3A_429 : memref<450560x128xf32, #tpu.memory_space<hbm>>) dst(%dma_wait3A_423 : memref<32x128xf32, #tpu.memory_space<vmem>>)
      %dma_wait3A_430 = arith.constant 8 : i32
      %dma_wait3A_431 = arith.constant 8 : i32
      %dma_wait3A_432 = arith.constant 0 : i32
      %dma_wait3A_433 = arith.constant 0 : i32
      %dma_wait3A_434 = tpu.memref_slice %arg6[%dma_wait3A_431, %dma_wait3A_432, %dma_wait3A_433] : memref<27x32x128xf32, #tpu.memory_space<vmem>> -> memref<1x32x128xf32, #tpu.memory_space<vmem>>
      %dma_wait3A_435 = tpu.memref_squeeze %dma_wait3A_434 : memref<1x32x128xf32, #tpu.memory_space<vmem>> -> memref<32x128xf32, #tpu.memory_space<vmem>>
      %dma_wait3A_436 = arith.constant 0 : i32
      %dma_wait3A_437 = tpu.memref_slice %arg5[%dma_wait3A_430, %dma_wait3A_436] : memref<27x32xi32, #tpu.memory_space<vmem>> -> memref<1x32xi32, #tpu.memory_space<vmem>>
      %dma_wait3A_438 = tpu.memref_squeeze %dma_wait3A_437 : memref<1x32xi32, #tpu.memory_space<vmem>> -> memref<32xi32, #tpu.memory_space<vmem>>
      %dma_wait3A_439 = arith.constant 0 : i32
      %dma_wait3A_440 = arith.constant 0 : i32
      %dma_wait3A_441 = tpu.memref_slice %arg2[%dma_wait3A_439, %dma_wait3A_440] : memref<450560x128xf32, #tpu.memory_space<hbm>> -> memref<450560x128xf32, #tpu.memory_space<hbm>>
      tpu.wait_indirect_dma semaphore(%arg8 : memref<!tpu.dma_semaphore, #tpu.memory_space<semaphore_mem>>) src(%dma_wait3A_441 : memref<450560x128xf32, #tpu.memory_space<hbm>>) dst(%dma_wait3A_435 : memref<32x128xf32, #tpu.memory_space<vmem>>)
      %dma_wait3A_442 = arith.constant 9 : i32
      %dma_wait3A_443 = arith.constant 9 : i32
      %dma_wait3A_444 = arith.constant 0 : i32
      %dma_wait3A_445 = arith.constant 0 : i32
      %dma_wait3A_446 = tpu.memref_slice %arg6[%dma_wait3A_443, %dma_wait3A_444, %dma_wait3A_445] : memref<27x32x128xf32, #tpu.memory_space<vmem>> -> memref<1x32x128xf32, #tpu.memory_space<vmem>>
      %dma_wait3A_447 = tpu.memref_squeeze %dma_wait3A_446 : memref<1x32x128xf32, #tpu.memory_space<vmem>> -> memref<32x128xf32, #tpu.memory_space<vmem>>
      %dma_wait3A_448 = arith.constant 0 : i32
      %dma_wait3A_449 = tpu.memref_slice %arg5[%dma_wait3A_442, %dma_wait3A_448] : memref<27x32xi32, #tpu.memory_space<vmem>> -> memref<1x32xi32, #tpu.memory_space<vmem>>
      %dma_wait3A_450 = tpu.memref_squeeze %dma_wait3A_449 : memref<1x32xi32, #tpu.memory_space<vmem>> -> memref<32xi32, #tpu.memory_space<vmem>>
      %dma_wait3A_451 = arith.constant 0 : i32
      %dma_wait3A_452 = arith.constant 0 : i32
      %dma_wait3A_453 = tpu.memref_slice %arg2[%dma_wait3A_451, %dma_wait3A_452] : memref<450560x128xf32, #tpu.memory_space<hbm>> -> memref<450560x128xf32, #tpu.memory_space<hbm>>
      tpu.wait_indirect_dma semaphore(%arg8 : memref<!tpu.dma_semaphore, #tpu.memory_space<semaphore_mem>>) src(%dma_wait3A_453 : memref<450560x128xf32, #tpu.memory_space<hbm>>) dst(%dma_wait3A_447 : memref<32x128xf32, #tpu.memory_space<vmem>>)
      %dma_wait3A_454 = arith.constant 10 : i32
      %dma_wait3A_455 = arith.constant 10 : i32
      %dma_wait3A_456 = arith.constant 0 : i32
      %dma_wait3A_457 = arith.constant 0 : i32
      %dma_wait3A_458 = tpu.memref_slice %arg6[%dma_wait3A_455, %dma_wait3A_456, %dma_wait3A_457] : memref<27x32x128xf32, #tpu.memory_space<vmem>> -> memref<1x32x128xf32, #tpu.memory_space<vmem>>
      %dma_wait3A_459 = tpu.memref_squeeze %dma_wait3A_458 : memref<1x32x128xf32, #tpu.memory_space<vmem>> -> memref<32x128xf32, #tpu.memory_space<vmem>>
      %dma_wait3A_460 = arith.constant 0 : i32
      %dma_wait3A_461 = tpu.memref_slice %arg5[%dma_wait3A_454, %dma_wait3A_460] : memref<27x32xi32, #tpu.memory_space<vmem>> -> memref<1x32xi32, #tpu.memory_space<vmem>>
      %dma_wait3A_462 = tpu.memref_squeeze %dma_wait3A_461 : memref<1x32xi32, #tpu.memory_space<vmem>> -> memref<32xi32, #tpu.memory_space<vmem>>
      %dma_wait3A_463 = arith.constant 0 : i32
      %dma_wait3A_464 = arith.constant 0 : i32
      %dma_wait3A_465 = tpu.memref_slice %arg2[%dma_wait3A_463, %dma_wait3A_464] : memref<450560x128xf32, #tpu.memory_space<hbm>> -> memref<450560x128xf32, #tpu.memory_space<hbm>>
      tpu.wait_indirect_dma semaphore(%arg8 : memref<!tpu.dma_semaphore, #tpu.memory_space<semaphore_mem>>) src(%dma_wait3A_465 : memref<450560x128xf32, #tpu.memory_space<hbm>>) dst(%dma_wait3A_459 : memref<32x128xf32, #tpu.memory_space<vmem>>)
      %dma_wait3A_466 = arith.constant 11 : i32
      %dma_wait3A_467 = arith.constant 11 : i32
      %dma_wait3A_468 = arith.constant 0 : i32
      %dma_wait3A_469 = arith.constant 0 : i32
      %dma_wait3A_470 = tpu.memref_slice %arg6[%dma_wait3A_467, %dma_wait3A_468, %dma_wait3A_469] : memref<27x32x128xf32, #tpu.memory_space<vmem>> -> memref<1x32x128xf32, #tpu.memory_space<vmem>>
      %dma_wait3A_471 = tpu.memref_squeeze %dma_wait3A_470 : memref<1x32x128xf32, #tpu.memory_space<vmem>> -> memref<32x128xf32, #tpu.memory_space<vmem>>
      %dma_wait3A_472 = arith.constant 0 : i32
      %dma_wait3A_473 = tpu.memref_slice %arg5[%dma_wait3A_466, %dma_wait3A_472] : memref<27x32xi32, #tpu.memory_space<vmem>> -> memref<1x32xi32, #tpu.memory_space<vmem>>
      %dma_wait3A_474 = tpu.memref_squeeze %dma_wait3A_473 : memref<1x32xi32, #tpu.memory_space<vmem>> -> memref<32xi32, #tpu.memory_space<vmem>>
      %dma_wait3A_475 = arith.constant 0 : i32
      %dma_wait3A_476 = arith.constant 0 : i32
      %dma_wait3A_477 = tpu.memref_slice %arg2[%dma_wait3A_475, %dma_wait3A_476] : memref<450560x128xf32, #tpu.memory_space<hbm>> -> memref<450560x128xf32, #tpu.memory_space<hbm>>
      tpu.wait_indirect_dma semaphore(%arg8 : memref<!tpu.dma_semaphore, #tpu.memory_space<semaphore_mem>>) src(%dma_wait3A_477 : memref<450560x128xf32, #tpu.memory_space<hbm>>) dst(%dma_wait3A_471 : memref<32x128xf32, #tpu.memory_space<vmem>>)
      %dma_wait3A_478 = arith.constant 12 : i32
      %dma_wait3A_479 = arith.constant 12 : i32
      %dma_wait3A_480 = arith.constant 0 : i32
      %dma_wait3A_481 = arith.constant 0 : i32
      %dma_wait3A_482 = tpu.memref_slice %arg6[%dma_wait3A_479, %dma_wait3A_480, %dma_wait3A_481] : memref<27x32x128xf32, #tpu.memory_space<vmem>> -> memref<1x32x128xf32, #tpu.memory_space<vmem>>
      %dma_wait3A_483 = tpu.memref_squeeze %dma_wait3A_482 : memref<1x32x128xf32, #tpu.memory_space<vmem>> -> memref<32x128xf32, #tpu.memory_space<vmem>>
      %dma_wait3A_484 = arith.constant 0 : i32
      %dma_wait3A_485 = tpu.memref_slice %arg5[%dma_wait3A_478, %dma_wait3A_484] : memref<27x32xi32, #tpu.memory_space<vmem>> -> memref<1x32xi32, #tpu.memory_space<vmem>>
      %dma_wait3A_486 = tpu.memref_squeeze %dma_wait3A_485 : memref<1x32xi32, #tpu.memory_space<vmem>> -> memref<32xi32, #tpu.memory_space<vmem>>
      %dma_wait3A_487 = arith.constant 0 : i32
      %dma_wait3A_488 = arith.constant 0 : i32
      %dma_wait3A_489 = tpu.memref_slice %arg2[%dma_wait3A_487, %dma_wait3A_488] : memref<450560x128xf32, #tpu.memory_space<hbm>> -> memref<450560x128xf32, #tpu.memory_space<hbm>>
      tpu.wait_indirect_dma semaphore(%arg8 : memref<!tpu.dma_semaphore, #tpu.memory_space<semaphore_mem>>) src(%dma_wait3A_489 : memref<450560x128xf32, #tpu.memory_space<hbm>>) dst(%dma_wait3A_483 : memref<32x128xf32, #tpu.memory_space<vmem>>)
      %dma_wait3A_490 = arith.constant 13 : i32
      %dma_wait3A_491 = arith.constant 13 : i32
      %dma_wait3A_492 = arith.constant 0 : i32
      %dma_wait3A_493 = arith.constant 0 : i32
      %dma_wait3A_494 = tpu.memref_slice %arg6[%dma_wait3A_491, %dma_wait3A_492, %dma_wait3A_493] : memref<27x32x128xf32, #tpu.memory_space<vmem>> -> memref<1x32x128xf32, #tpu.memory_space<vmem>>
      %dma_wait3A_495 = tpu.memref_squeeze %dma_wait3A_494 : memref<1x32x128xf32, #tpu.memory_space<vmem>> -> memref<32x128xf32, #tpu.memory_space<vmem>>
      %dma_wait3A_496 = arith.constant 0 : i32
      %dma_wait3A_497 = tpu.memref_slice %arg5[%dma_wait3A_490, %dma_wait3A_496] : memref<27x32xi32, #tpu.memory_space<vmem>> -> memref<1x32xi32, #tpu.memory_space<vmem>>
      %dma_wait3A_498 = tpu.memref_squeeze %dma_wait3A_497 : memref<1x32xi32, #tpu.memory_space<vmem>> -> memref<32xi32, #tpu.memory_space<vmem>>
      %dma_wait3A_499 = arith.constant 0 : i32
      %dma_wait3A_500 = arith.constant 0 : i32
      %dma_wait3A_501 = tpu.memref_slice %arg2[%dma_wait3A_499, %dma_wait3A_500] : memref<450560x128xf32, #tpu.memory_space<hbm>> -> memref<450560x128xf32, #tpu.memory_space<hbm>>
      tpu.wait_indirect_dma semaphore(%arg8 : memref<!tpu.dma_semaphore, #tpu.memory_space<semaphore_mem>>) src(%dma_wait3A_501 : memref<450560x128xf32, #tpu.memory_space<hbm>>) dst(%dma_wait3A_495 : memref<32x128xf32, #tpu.memory_space<vmem>>)
      %dma_wait3A_502 = arith.constant 14 : i32
      %dma_wait3A_503 = arith.constant 14 : i32
      %dma_wait3A_504 = arith.constant 0 : i32
      %dma_wait3A_505 = arith.constant 0 : i32
      %dma_wait3A_506 = tpu.memref_slice %arg6[%dma_wait3A_503, %dma_wait3A_504, %dma_wait3A_505] : memref<27x32x128xf32, #tpu.memory_space<vmem>> -> memref<1x32x128xf32, #tpu.memory_space<vmem>>
      %dma_wait3A_507 = tpu.memref_squeeze %dma_wait3A_506 : memref<1x32x128xf32, #tpu.memory_space<vmem>> -> memref<32x128xf32, #tpu.memory_space<vmem>>
      %dma_wait3A_508 = arith.constant 0 : i32
      %dma_wait3A_509 = tpu.memref_slice %arg5[%dma_wait3A_502, %dma_wait3A_508] : memref<27x32xi32, #tpu.memory_space<vmem>> -> memref<1x32xi32, #tpu.memory_space<vmem>>
      %dma_wait3A_510 = tpu.memref_squeeze %dma_wait3A_509 : memref<1x32xi32, #tpu.memory_space<vmem>> -> memref<32xi32, #tpu.memory_space<vmem>>
      %dma_wait3A_511 = arith.constant 0 : i32
      %dma_wait3A_512 = arith.constant 0 : i32
      %dma_wait3A_513 = tpu.memref_slice %arg2[%dma_wait3A_511, %dma_wait3A_512] : memref<450560x128xf32, #tpu.memory_space<hbm>> -> memref<450560x128xf32, #tpu.memory_space<hbm>>
      tpu.wait_indirect_dma semaphore(%arg8 : memref<!tpu.dma_semaphore, #tpu.memory_space<semaphore_mem>>) src(%dma_wait3A_513 : memref<450560x128xf32, #tpu.memory_space<hbm>>) dst(%dma_wait3A_507 : memref<32x128xf32, #tpu.memory_space<vmem>>)
      %dma_wait3A_514 = arith.constant 15 : i32
      %dma_wait3A_515 = arith.constant 15 : i32
      %dma_wait3A_516 = arith.constant 0 : i32
      %dma_wait3A_517 = arith.constant 0 : i32
      %dma_wait3A_518 = tpu.memref_slice %arg6[%dma_wait3A_515, %dma_wait3A_516, %dma_wait3A_517] : memref<27x32x128xf32, #tpu.memory_space<vmem>> -> memref<1x32x128xf32, #tpu.memory_space<vmem>>
      %dma_wait3A_519 = tpu.memref_squeeze %dma_wait3A_518 : memref<1x32x128xf32, #tpu.memory_space<vmem>> -> memref<32x128xf32, #tpu.memory_space<vmem>>
      %dma_wait3A_520 = arith.constant 0 : i32
      %dma_wait3A_521 = tpu.memref_slice %arg5[%dma_wait3A_514, %dma_wait3A_520] : memref<27x32xi32, #tpu.memory_space<vmem>> -> memref<1x32xi32, #tpu.memory_space<vmem>>
      %dma_wait3A_522 = tpu.memref_squeeze %dma_wait3A_521 : memref<1x32xi32, #tpu.memory_space<vmem>> -> memref<32xi32, #tpu.memory_space<vmem>>
      %dma_wait3A_523 = arith.constant 0 : i32
      %dma_wait3A_524 = arith.constant 0 : i32
      %dma_wait3A_525 = tpu.memref_slice %arg2[%dma_wait3A_523, %dma_wait3A_524] : memref<450560x128xf32, #tpu.memory_space<hbm>> -> memref<450560x128xf32, #tpu.memory_space<hbm>>
      tpu.wait_indirect_dma semaphore(%arg8 : memref<!tpu.dma_semaphore, #tpu.memory_space<semaphore_mem>>) src(%dma_wait3A_525 : memref<450560x128xf32, #tpu.memory_space<hbm>>) dst(%dma_wait3A_519 : memref<32x128xf32, #tpu.memory_space<vmem>>)
      %dma_wait3A_526 = arith.constant 16 : i32
      %dma_wait3A_527 = arith.constant 16 : i32
      %dma_wait3A_528 = arith.constant 0 : i32
      %dma_wait3A_529 = arith.constant 0 : i32
      %dma_wait3A_530 = tpu.memref_slice %arg6[%dma_wait3A_527, %dma_wait3A_528, %dma_wait3A_529] : memref<27x32x128xf32, #tpu.memory_space<vmem>> -> memref<1x32x128xf32, #tpu.memory_space<vmem>>
      %dma_wait3A_531 = tpu.memref_squeeze %dma_wait3A_530 : memref<1x32x128xf32, #tpu.memory_space<vmem>> -> memref<32x128xf32, #tpu.memory_space<vmem>>
      %dma_wait3A_532 = arith.constant 0 : i32
      %dma_wait3A_533 = tpu.memref_slice %arg5[%dma_wait3A_526, %dma_wait3A_532] : memref<27x32xi32, #tpu.memory_space<vmem>> -> memref<1x32xi32, #tpu.memory_space<vmem>>
      %dma_wait3A_534 = tpu.memref_squeeze %dma_wait3A_533 : memref<1x32xi32, #tpu.memory_space<vmem>> -> memref<32xi32, #tpu.memory_space<vmem>>
      %dma_wait3A_535 = arith.constant 0 : i32
      %dma_wait3A_536 = arith.constant 0 : i32
      %dma_wait3A_537 = tpu.memref_slice %arg2[%dma_wait3A_535, %dma_wait3A_536] : memref<450560x128xf32, #tpu.memory_space<hbm>> -> memref<450560x128xf32, #tpu.memory_space<hbm>>
      tpu.wait_indirect_dma semaphore(%arg8 : memref<!tpu.dma_semaphore, #tpu.memory_space<semaphore_mem>>) src(%dma_wait3A_537 : memref<450560x128xf32, #tpu.memory_space<hbm>>) dst(%dma_wait3A_531 : memref<32x128xf32, #tpu.memory_space<vmem>>)
      %dma_wait3A_538 = arith.constant 17 : i32
      %dma_wait3A_539 = arith.constant 17 : i32
      %dma_wait3A_540 = arith.constant 0 : i32
      %dma_wait3A_541 = arith.constant 0 : i32
      %dma_wait3A_542 = tpu.memref_slice %arg6[%dma_wait3A_539, %dma_wait3A_540, %dma_wait3A_541] : memref<27x32x128xf32, #tpu.memory_space<vmem>> -> memref<1x32x128xf32, #tpu.memory_space<vmem>>
      %dma_wait3A_543 = tpu.memref_squeeze %dma_wait3A_542 : memref<1x32x128xf32, #tpu.memory_space<vmem>> -> memref<32x128xf32, #tpu.memory_space<vmem>>
      %dma_wait3A_544 = arith.constant 0 : i32
      %dma_wait3A_545 = tpu.memref_slice %arg5[%dma_wait3A_538, %dma_wait3A_544] : memref<27x32xi32, #tpu.memory_space<vmem>> -> memref<1x32xi32, #tpu.memory_space<vmem>>
      %dma_wait3A_546 = tpu.memref_squeeze %dma_wait3A_545 : memref<1x32xi32, #tpu.memory_space<vmem>> -> memref<32xi32, #tpu.memory_space<vmem>>
      %dma_wait3A_547 = arith.constant 0 : i32
      %dma_wait3A_548 = arith.constant 0 : i32
      %dma_wait3A_549 = tpu.memref_slice %arg2[%dma_wait3A_547, %dma_wait3A_548] : memref<450560x128xf32, #tpu.memory_space<hbm>> -> memref<450560x128xf32, #tpu.memory_space<hbm>>
      tpu.wait_indirect_dma semaphore(%arg8 : memref<!tpu.dma_semaphore, #tpu.memory_space<semaphore_mem>>) src(%dma_wait3A_549 : memref<450560x128xf32, #tpu.memory_space<hbm>>) dst(%dma_wait3A_543 : memref<32x128xf32, #tpu.memory_space<vmem>>)
      %dma_wait3A_550 = arith.constant 18 : i32
      %dma_wait3A_551 = arith.constant 18 : i32
      %dma_wait3A_552 = arith.constant 0 : i32
      %dma_wait3A_553 = arith.constant 0 : i32
      %dma_wait3A_554 = tpu.memref_slice %arg6[%dma_wait3A_551, %dma_wait3A_552, %dma_wait3A_553] : memref<27x32x128xf32, #tpu.memory_space<vmem>> -> memref<1x32x128xf32, #tpu.memory_space<vmem>>
      %dma_wait3A_555 = tpu.memref_squeeze %dma_wait3A_554 : memref<1x32x128xf32, #tpu.memory_space<vmem>> -> memref<32x128xf32, #tpu.memory_space<vmem>>
      %dma_wait3A_556 = arith.constant 0 : i32
      %dma_wait3A_557 = tpu.memref_slice %arg5[%dma_wait3A_550, %dma_wait3A_556] : memref<27x32xi32, #tpu.memory_space<vmem>> -> memref<1x32xi32, #tpu.memory_space<vmem>>
      %dma_wait3A_558 = tpu.memref_squeeze %dma_wait3A_557 : memref<1x32xi32, #tpu.memory_space<vmem>> -> memref<32xi32, #tpu.memory_space<vmem>>
      %dma_wait3A_559 = arith.constant 0 : i32
      %dma_wait3A_560 = arith.constant 0 : i32
      %dma_wait3A_561 = tpu.memref_slice %arg2[%dma_wait3A_559, %dma_wait3A_560] : memref<450560x128xf32, #tpu.memory_space<hbm>> -> memref<450560x128xf32, #tpu.memory_space<hbm>>
      tpu.wait_indirect_dma semaphore(%arg8 : memref<!tpu.dma_semaphore, #tpu.memory_space<semaphore_mem>>) src(%dma_wait3A_561 : memref<450560x128xf32, #tpu.memory_space<hbm>>) dst(%dma_wait3A_555 : memref<32x128xf32, #tpu.memory_space<vmem>>)
      %dma_wait3A_562 = arith.constant 19 : i32
      %dma_wait3A_563 = arith.constant 19 : i32
      %dma_wait3A_564 = arith.constant 0 : i32
      %dma_wait3A_565 = arith.constant 0 : i32
      %dma_wait3A_566 = tpu.memref_slice %arg6[%dma_wait3A_563, %dma_wait3A_564, %dma_wait3A_565] : memref<27x32x128xf32, #tpu.memory_space<vmem>> -> memref<1x32x128xf32, #tpu.memory_space<vmem>>
      %dma_wait3A_567 = tpu.memref_squeeze %dma_wait3A_566 : memref<1x32x128xf32, #tpu.memory_space<vmem>> -> memref<32x128xf32, #tpu.memory_space<vmem>>
      %dma_wait3A_568 = arith.constant 0 : i32
      %dma_wait3A_569 = tpu.memref_slice %arg5[%dma_wait3A_562, %dma_wait3A_568] : memref<27x32xi32, #tpu.memory_space<vmem>> -> memref<1x32xi32, #tpu.memory_space<vmem>>
      %dma_wait3A_570 = tpu.memref_squeeze %dma_wait3A_569 : memref<1x32xi32, #tpu.memory_space<vmem>> -> memref<32xi32, #tpu.memory_space<vmem>>
      %dma_wait3A_571 = arith.constant 0 : i32
      %dma_wait3A_572 = arith.constant 0 : i32
      %dma_wait3A_573 = tpu.memref_slice %arg2[%dma_wait3A_571, %dma_wait3A_572] : memref<450560x128xf32, #tpu.memory_space<hbm>> -> memref<450560x128xf32, #tpu.memory_space<hbm>>
      tpu.wait_indirect_dma semaphore(%arg8 : memref<!tpu.dma_semaphore, #tpu.memory_space<semaphore_mem>>) src(%dma_wait3A_573 : memref<450560x128xf32, #tpu.memory_space<hbm>>) dst(%dma_wait3A_567 : memref<32x128xf32, #tpu.memory_space<vmem>>)
      %dma_wait3A_574 = arith.constant 20 : i32
      %dma_wait3A_575 = arith.constant 20 : i32
      %dma_wait3A_576 = arith.constant 0 : i32
      %dma_wait3A_577 = arith.constant 0 : i32
      %dma_wait3A_578 = tpu.memref_slice %arg6[%dma_wait3A_575, %dma_wait3A_576, %dma_wait3A_577] : memref<27x32x128xf32, #tpu.memory_space<vmem>> -> memref<1x32x128xf32, #tpu.memory_space<vmem>>
      %dma_wait3A_579 = tpu.memref_squeeze %dma_wait3A_578 : memref<1x32x128xf32, #tpu.memory_space<vmem>> -> memref<32x128xf32, #tpu.memory_space<vmem>>
      %dma_wait3A_580 = arith.constant 0 : i32
      %dma_wait3A_581 = tpu.memref_slice %arg5[%dma_wait3A_574, %dma_wait3A_580] : memref<27x32xi32, #tpu.memory_space<vmem>> -> memref<1x32xi32, #tpu.memory_space<vmem>>
      %dma_wait3A_582 = tpu.memref_squeeze %dma_wait3A_581 : memref<1x32xi32, #tpu.memory_space<vmem>> -> memref<32xi32, #tpu.memory_space<vmem>>
      %dma_wait3A_583 = arith.constant 0 : i32
      %dma_wait3A_584 = arith.constant 0 : i32
      %dma_wait3A_585 = tpu.memref_slice %arg2[%dma_wait3A_583, %dma_wait3A_584] : memref<450560x128xf32, #tpu.memory_space<hbm>> -> memref<450560x128xf32, #tpu.memory_space<hbm>>
      tpu.wait_indirect_dma semaphore(%arg8 : memref<!tpu.dma_semaphore, #tpu.memory_space<semaphore_mem>>) src(%dma_wait3A_585 : memref<450560x128xf32, #tpu.memory_space<hbm>>) dst(%dma_wait3A_579 : memref<32x128xf32, #tpu.memory_space<vmem>>)
      %dma_wait3A_586 = arith.constant 21 : i32
      %dma_wait3A_587 = arith.constant 21 : i32
      %dma_wait3A_588 = arith.constant 0 : i32
      %dma_wait3A_589 = arith.constant 0 : i32
      %dma_wait3A_590 = tpu.memref_slice %arg6[%dma_wait3A_587, %dma_wait3A_588, %dma_wait3A_589] : memref<27x32x128xf32, #tpu.memory_space<vmem>> -> memref<1x32x128xf32, #tpu.memory_space<vmem>>
      %dma_wait3A_591 = tpu.memref_squeeze %dma_wait3A_590 : memref<1x32x128xf32, #tpu.memory_space<vmem>> -> memref<32x128xf32, #tpu.memory_space<vmem>>
      %dma_wait3A_592 = arith.constant 0 : i32
      %dma_wait3A_593 = tpu.memref_slice %arg5[%dma_wait3A_586, %dma_wait3A_592] : memref<27x32xi32, #tpu.memory_space<vmem>> -> memref<1x32xi32, #tpu.memory_space<vmem>>
      %dma_wait3A_594 = tpu.memref_squeeze %dma_wait3A_593 : memref<1x32xi32, #tpu.memory_space<vmem>> -> memref<32xi32, #tpu.memory_space<vmem>>
      %dma_wait3A_595 = arith.constant 0 : i32
      %dma_wait3A_596 = arith.constant 0 : i32
      %dma_wait3A_597 = tpu.memref_slice %arg2[%dma_wait3A_595, %dma_wait3A_596] : memref<450560x128xf32, #tpu.memory_space<hbm>> -> memref<450560x128xf32, #tpu.memory_space<hbm>>
      tpu.wait_indirect_dma semaphore(%arg8 : memref<!tpu.dma_semaphore, #tpu.memory_space<semaphore_mem>>) src(%dma_wait3A_597 : memref<450560x128xf32, #tpu.memory_space<hbm>>) dst(%dma_wait3A_591 : memref<32x128xf32, #tpu.memory_space<vmem>>)
      %dma_wait3A_598 = arith.constant 22 : i32
      %dma_wait3A_599 = arith.constant 22 : i32
      %dma_wait3A_600 = arith.constant 0 : i32
      %dma_wait3A_601 = arith.constant 0 : i32
      %dma_wait3A_602 = tpu.memref_slice %arg6[%dma_wait3A_599, %dma_wait3A_600, %dma_wait3A_601] : memref<27x32x128xf32, #tpu.memory_space<vmem>> -> memref<1x32x128xf32, #tpu.memory_space<vmem>>
      %dma_wait3A_603 = tpu.memref_squeeze %dma_wait3A_602 : memref<1x32x128xf32, #tpu.memory_space<vmem>> -> memref<32x128xf32, #tpu.memory_space<vmem>>
      %dma_wait3A_604 = arith.constant 0 : i32
      %dma_wait3A_605 = tpu.memref_slice %arg5[%dma_wait3A_598, %dma_wait3A_604] : memref<27x32xi32, #tpu.memory_space<vmem>> -> memref<1x32xi32, #tpu.memory_space<vmem>>
      %dma_wait3A_606 = tpu.memref_squeeze %dma_wait3A_605 : memref<1x32xi32, #tpu.memory_space<vmem>> -> memref<32xi32, #tpu.memory_space<vmem>>
      %dma_wait3A_607 = arith.constant 0 : i32
      %dma_wait3A_608 = arith.constant 0 : i32
      %dma_wait3A_609 = tpu.memref_slice %arg2[%dma_wait3A_607, %dma_wait3A_608] : memref<450560x128xf32, #tpu.memory_space<hbm>> -> memref<450560x128xf32, #tpu.memory_space<hbm>>
      tpu.wait_indirect_dma semaphore(%arg8 : memref<!tpu.dma_semaphore, #tpu.memory_space<semaphore_mem>>) src(%dma_wait3A_609 : memref<450560x128xf32, #tpu.memory_space<hbm>>) dst(%dma_wait3A_603 : memref<32x128xf32, #tpu.memory_space<vmem>>)
      %dma_wait3A_610 = arith.constant 23 : i32
      %dma_wait3A_611 = arith.constant 23 : i32
      %dma_wait3A_612 = arith.constant 0 : i32
      %dma_wait3A_613 = arith.constant 0 : i32
      %dma_wait3A_614 = tpu.memref_slice %arg6[%dma_wait3A_611, %dma_wait3A_612, %dma_wait3A_613] : memref<27x32x128xf32, #tpu.memory_space<vmem>> -> memref<1x32x128xf32, #tpu.memory_space<vmem>>
      %dma_wait3A_615 = tpu.memref_squeeze %dma_wait3A_614 : memref<1x32x128xf32, #tpu.memory_space<vmem>> -> memref<32x128xf32, #tpu.memory_space<vmem>>
      %dma_wait3A_616 = arith.constant 0 : i32
      %dma_wait3A_617 = tpu.memref_slice %arg5[%dma_wait3A_610, %dma_wait3A_616] : memref<27x32xi32, #tpu.memory_space<vmem>> -> memref<1x32xi32, #tpu.memory_space<vmem>>
      %dma_wait3A_618 = tpu.memref_squeeze %dma_wait3A_617 : memref<1x32xi32, #tpu.memory_space<vmem>> -> memref<32xi32, #tpu.memory_space<vmem>>
      %dma_wait3A_619 = arith.constant 0 : i32
      %dma_wait3A_620 = arith.constant 0 : i32
      %dma_wait3A_621 = tpu.memref_slice %arg2[%dma_wait3A_619, %dma_wait3A_620] : memref<450560x128xf32, #tpu.memory_space<hbm>> -> memref<450560x128xf32, #tpu.memory_space<hbm>>
      tpu.wait_indirect_dma semaphore(%arg8 : memref<!tpu.dma_semaphore, #tpu.memory_space<semaphore_mem>>) src(%dma_wait3A_621 : memref<450560x128xf32, #tpu.memory_space<hbm>>) dst(%dma_wait3A_615 : memref<32x128xf32, #tpu.memory_space<vmem>>)
      %dma_wait3A_622 = arith.constant 24 : i32
      %dma_wait3A_623 = arith.constant 24 : i32
      %dma_wait3A_624 = arith.constant 0 : i32
      %dma_wait3A_625 = arith.constant 0 : i32
      %dma_wait3A_626 = tpu.memref_slice %arg6[%dma_wait3A_623, %dma_wait3A_624, %dma_wait3A_625] : memref<27x32x128xf32, #tpu.memory_space<vmem>> -> memref<1x32x128xf32, #tpu.memory_space<vmem>>
      %dma_wait3A_627 = tpu.memref_squeeze %dma_wait3A_626 : memref<1x32x128xf32, #tpu.memory_space<vmem>> -> memref<32x128xf32, #tpu.memory_space<vmem>>
      %dma_wait3A_628 = arith.constant 0 : i32
      %dma_wait3A_629 = tpu.memref_slice %arg5[%dma_wait3A_622, %dma_wait3A_628] : memref<27x32xi32, #tpu.memory_space<vmem>> -> memref<1x32xi32, #tpu.memory_space<vmem>>
      %dma_wait3A_630 = tpu.memref_squeeze %dma_wait3A_629 : memref<1x32xi32, #tpu.memory_space<vmem>> -> memref<32xi32, #tpu.memory_space<vmem>>
      %dma_wait3A_631 = arith.constant 0 : i32
      %dma_wait3A_632 = arith.constant 0 : i32
      %dma_wait3A_633 = tpu.memref_slice %arg2[%dma_wait3A_631, %dma_wait3A_632] : memref<450560x128xf32, #tpu.memory_space<hbm>> -> memref<450560x128xf32, #tpu.memory_space<hbm>>
      tpu.wait_indirect_dma semaphore(%arg8 : memref<!tpu.dma_semaphore, #tpu.memory_space<semaphore_mem>>) src(%dma_wait3A_633 : memref<450560x128xf32, #tpu.memory_space<hbm>>) dst(%dma_wait3A_627 : memref<32x128xf32, #tpu.memory_space<vmem>>)
      %dma_wait3A_634 = arith.constant 25 : i32
      %dma_wait3A_635 = arith.constant 25 : i32
      %dma_wait3A_636 = arith.constant 0 : i32
      %dma_wait3A_637 = arith.constant 0 : i32
      %dma_wait3A_638 = tpu.memref_slice %arg6[%dma_wait3A_635, %dma_wait3A_636, %dma_wait3A_637] : memref<27x32x128xf32, #tpu.memory_space<vmem>> -> memref<1x32x128xf32, #tpu.memory_space<vmem>>
      %dma_wait3A_639 = tpu.memref_squeeze %dma_wait3A_638 : memref<1x32x128xf32, #tpu.memory_space<vmem>> -> memref<32x128xf32, #tpu.memory_space<vmem>>
      %dma_wait3A_640 = arith.constant 0 : i32
      %dma_wait3A_641 = tpu.memref_slice %arg5[%dma_wait3A_634, %dma_wait3A_640] : memref<27x32xi32, #tpu.memory_space<vmem>> -> memref<1x32xi32, #tpu.memory_space<vmem>>
      %dma_wait3A_642 = tpu.memref_squeeze %dma_wait3A_641 : memref<1x32xi32, #tpu.memory_space<vmem>> -> memref<32xi32, #tpu.memory_space<vmem>>
      %dma_wait3A_643 = arith.constant 0 : i32
      %dma_wait3A_644 = arith.constant 0 : i32
      %dma_wait3A_645 = tpu.memref_slice %arg2[%dma_wait3A_643, %dma_wait3A_644] : memref<450560x128xf32, #tpu.memory_space<hbm>> -> memref<450560x128xf32, #tpu.memory_space<hbm>>
      tpu.wait_indirect_dma semaphore(%arg8 : memref<!tpu.dma_semaphore, #tpu.memory_space<semaphore_mem>>) src(%dma_wait3A_645 : memref<450560x128xf32, #tpu.memory_space<hbm>>) dst(%dma_wait3A_639 : memref<32x128xf32, #tpu.memory_space<vmem>>)
      %dma_wait3A_646 = arith.constant 26 : i32
      %dma_wait3A_647 = arith.constant 26 : i32
      %dma_wait3A_648 = arith.constant 0 : i32
      %dma_wait3A_649 = arith.constant 0 : i32
      %dma_wait3A_650 = tpu.memref_slice %arg6[%dma_wait3A_647, %dma_wait3A_648, %dma_wait3A_649] : memref<27x32x128xf32, #tpu.memory_space<vmem>> -> memref<1x32x128xf32, #tpu.memory_space<vmem>>
      %dma_wait3A_651 = tpu.memref_squeeze %dma_wait3A_650 : memref<1x32x128xf32, #tpu.memory_space<vmem>> -> memref<32x128xf32, #tpu.memory_space<vmem>>
      %dma_wait3A_652 = arith.constant 0 : i32
      %dma_wait3A_653 = tpu.memref_slice %arg5[%dma_wait3A_646, %dma_wait3A_652] : memref<27x32xi32, #tpu.memory_space<vmem>> -> memref<1x32xi32, #tpu.memory_space<vmem>>
      %dma_wait3A_654 = tpu.memref_squeeze %dma_wait3A_653 : memref<1x32xi32, #tpu.memory_space<vmem>> -> memref<32xi32, #tpu.memory_space<vmem>>
      %dma_wait3A_655 = arith.constant 0 : i32
      %dma_wait3A_656 = arith.constant 0 : i32
      %dma_wait3A_657 = tpu.memref_slice %arg2[%dma_wait3A_655, %dma_wait3A_656] : memref<450560x128xf32, #tpu.memory_space<hbm>> -> memref<450560x128xf32, #tpu.memory_space<hbm>>
      tpu.wait_indirect_dma semaphore(%arg8 : memref<!tpu.dma_semaphore, #tpu.memory_space<semaphore_mem>>) src(%dma_wait3A_657 : memref<450560x128xf32, #tpu.memory_space<hbm>>) dst(%dma_wait3A_651 : memref<32x128xf32, #tpu.memory_space<vmem>>)
      %scan3A_658 = arith.constant 0 : i32
      %scan3A_659 = arith.constant 0 : i32
      %scan3A_660 = arith.constant 32 : i32
      %scan3A_661 = arith.addi %scan3A_659, %scan3A_660 : i32
      %scan3A_662 = arith.constant 1 : i32
      %scan3A_663 = scf.for %scan3A_670 = %scan3A_659 to %scan3A_661 step %scan3A_662 iter_args(%scan3A_671 = %scan3A_658) -> (i32)  : i32 {
        %get3A = arith.constant 0 : i32
        %get3A_672 = arith.index_cast %get3A : i32 to index
        %get3A_673 = arith.index_cast %scan3A_670 : i32 to index
        %get3A_674 = arith.constant 0 : index
        %get3A_675 = tpu.vector_load %arg6[%get3A_672, %get3A_673, %get3A_674] {strides = array<i32>} : memref<27x32x128xf32, #tpu.memory_space<vmem>>, vector<1x1x16xf32>,
        %get3A_676 = vector.shape_cast %get3A_675 : vector<1x1x16xf32> to vector<16xf32>
        %get3A_677 = arith.constant 1 : i32
        %get3A_678 = arith.index_cast %get3A_677 : i32 to index
        %get3A_679 = arith.index_cast %scan3A_670 : i32 to index
        %get3A_680 = arith.constant 0 : index
        %get3A_681 = tpu.vector_load %arg6[%get3A_678, %get3A_679, %get3A_680] {strides = array<i32>} : memref<27x32x128xf32, #tpu.memory_space<vmem>>, vector<1x1x16xf32>,
        %get3A_682 = vector.shape_cast %get3A_681 : vector<1x1x16xf32> to vector<16xf32>
        %add3A_683 = arith.addf %get3A_676, %get3A_682 : vector<16xf32>
        %get3A_684 = arith.constant 2 : i32
        %get3A_685 = arith.index_cast %get3A_684 : i32 to index
        %get3A_686 = arith.index_cast %scan3A_670 : i32 to index
        %get3A_687 = arith.constant 0 : index
        %get3A_688 = tpu.vector_load %arg6[%get3A_685, %get3A_686, %get3A_687] {strides = array<i32>} : memref<27x32x128xf32, #tpu.memory_space<vmem>>, vector<1x1x16xf32>,
        %get3A_689 = vector.shape_cast %get3A_688 : vector<1x1x16xf32> to vector<16xf32>
        %add3A_690 = arith.addf %add3A_683, %get3A_689 : vector<16xf32>
        %get3A_691 = arith.constant 3 : i32
        %get3A_692 = arith.index_cast %get3A_691 : i32 to index
        %get3A_693 = arith.index_cast %scan3A_670 : i32 to index
        %get3A_694 = arith.constant 0 : index
        %get3A_695 = tpu.vector_load %arg6[%get3A_692, %get3A_693, %get3A_694] {strides = array<i32>} : memref<27x32x128xf32, #tpu.memory_space<vmem>>, vector<1x1x16xf32>,
        %get3A_696 = vector.shape_cast %get3A_695 : vector<1x1x16xf32> to vector<16xf32>
        %add3A_697 = arith.addf %add3A_690, %get3A_696 : vector<16xf32>
        %get3A_698 = arith.constant 4 : i32
        %get3A_699 = arith.index_cast %get3A_698 : i32 to index
        %get3A_700 = arith.index_cast %scan3A_670 : i32 to index
        %get3A_701 = arith.constant 0 : index
        %get3A_702 = tpu.vector_load %arg6[%get3A_699, %get3A_700, %get3A_701] {strides = array<i32>} : memref<27x32x128xf32, #tpu.memory_space<vmem>>, vector<1x1x16xf32>,
        %get3A_703 = vector.shape_cast %get3A_702 : vector<1x1x16xf32> to vector<16xf32>
        %add3A_704 = arith.addf %add3A_697, %get3A_703 : vector<16xf32>
        %get3A_705 = arith.constant 5 : i32
        %get3A_706 = arith.index_cast %get3A_705 : i32 to index
        %get3A_707 = arith.index_cast %scan3A_670 : i32 to index
        %get3A_708 = arith.constant 0 : index
        %get3A_709 = tpu.vector_load %arg6[%get3A_706, %get3A_707, %get3A_708] {strides = array<i32>} : memref<27x32x128xf32, #tpu.memory_space<vmem>>, vector<1x1x16xf32>,
        %get3A_710 = vector.shape_cast %get3A_709 : vector<1x1x16xf32> to vector<16xf32>
        %add3A_711 = arith.addf %add3A_704, %get3A_710 : vector<16xf32>
        %get3A_712 = arith.constant 6 : i32
        %get3A_713 = arith.index_cast %get3A_712 : i32 to index
        %get3A_714 = arith.index_cast %scan3A_670 : i32 to index
        %get3A_715 = arith.constant 0 : index
        %get3A_716 = tpu.vector_load %arg6[%get3A_713, %get3A_714, %get3A_715] {strides = array<i32>} : memref<27x32x128xf32, #tpu.memory_space<vmem>>, vector<1x1x16xf32>,
        %get3A_717 = vector.shape_cast %get3A_716 : vector<1x1x16xf32> to vector<16xf32>
        %add3A_718 = arith.addf %add3A_711, %get3A_717 : vector<16xf32>
        %get3A_719 = arith.constant 7 : i32
        %get3A_720 = arith.index_cast %get3A_719 : i32 to index
        %get3A_721 = arith.index_cast %scan3A_670 : i32 to index
        %get3A_722 = arith.constant 0 : index
        %get3A_723 = tpu.vector_load %arg6[%get3A_720, %get3A_721, %get3A_722] {strides = array<i32>} : memref<27x32x128xf32, #tpu.memory_space<vmem>>, vector<1x1x16xf32>,
        %get3A_724 = vector.shape_cast %get3A_723 : vector<1x1x16xf32> to vector<16xf32>
        %add3A_725 = arith.addf %add3A_718, %get3A_724 : vector<16xf32>
        %get3A_726 = arith.constant 8 : i32
        %get3A_727 = arith.index_cast %get3A_726 : i32 to index
        %get3A_728 = arith.index_cast %scan3A_670 : i32 to index
        %get3A_729 = arith.constant 0 : index
        %get3A_730 = tpu.vector_load %arg6[%get3A_727, %get3A_728, %get3A_729] {strides = array<i32>} : memref<27x32x128xf32, #tpu.memory_space<vmem>>, vector<1x1x16xf32>,
        %get3A_731 = vector.shape_cast %get3A_730 : vector<1x1x16xf32> to vector<16xf32>
        %add3A_732 = arith.addf %add3A_725, %get3A_731 : vector<16xf32>
        %get3A_733 = arith.constant 9 : i32
        %get3A_734 = arith.index_cast %get3A_733 : i32 to index
        %get3A_735 = arith.index_cast %scan3A_670 : i32 to index
        %get3A_736 = arith.constant 0 : index
        %get3A_737 = tpu.vector_load %arg6[%get3A_734, %get3A_735, %get3A_736] {strides = array<i32>} : memref<27x32x128xf32, #tpu.memory_space<vmem>>, vector<1x1x16xf32>,
        %get3A_738 = vector.shape_cast %get3A_737 : vector<1x1x16xf32> to vector<16xf32>
        %add3A_739 = arith.addf %add3A_732, %get3A_738 : vector<16xf32>
        %get3A_740 = arith.constant 10 : i32
        %get3A_741 = arith.index_cast %get3A_740 : i32 to index
        %get3A_742 = arith.index_cast %scan3A_670 : i32 to index
        %get3A_743 = arith.constant 0 : index
        %get3A_744 = tpu.vector_load %arg6[%get3A_741, %get3A_742, %get3A_743] {strides = array<i32>} : memref<27x32x128xf32, #tpu.memory_space<vmem>>, vector<1x1x16xf32>,
        %get3A_745 = vector.shape_cast %get3A_744 : vector<1x1x16xf32> to vector<16xf32>
        %add3A_746 = arith.addf %add3A_739, %get3A_745 : vector<16xf32>
        %get3A_747 = arith.constant 11 : i32
        %get3A_748 = arith.index_cast %get3A_747 : i32 to index
        %get3A_749 = arith.index_cast %scan3A_670 : i32 to index
        %get3A_750 = arith.constant 0 : index
        %get3A_751 = tpu.vector_load %arg6[%get3A_748, %get3A_749, %get3A_750] {strides = array<i32>} : memref<27x32x128xf32, #tpu.memory_space<vmem>>, vector<1x1x16xf32>,
        %get3A_752 = vector.shape_cast %get3A_751 : vector<1x1x16xf32> to vector<16xf32>
        %add3A_753 = arith.addf %add3A_746, %get3A_752 : vector<16xf32>
        %get3A_754 = arith.constant 12 : i32
        %get3A_755 = arith.index_cast %get3A_754 : i32 to index
        %get3A_756 = arith.index_cast %scan3A_670 : i32 to index
        %get3A_757 = arith.constant 0 : index
        %get3A_758 = tpu.vector_load %arg6[%get3A_755, %get3A_756, %get3A_757] {strides = array<i32>} : memref<27x32x128xf32, #tpu.memory_space<vmem>>, vector<1x1x16xf32>,
        %get3A_759 = vector.shape_cast %get3A_758 : vector<1x1x16xf32> to vector<16xf32>
        %add3A_760 = arith.addf %add3A_753, %get3A_759 : vector<16xf32>
        %get3A_761 = arith.constant 13 : i32
        %get3A_762 = arith.index_cast %get3A_761 : i32 to index
        %get3A_763 = arith.index_cast %scan3A_670 : i32 to index
        %get3A_764 = arith.constant 0 : index
        %get3A_765 = tpu.vector_load %arg6[%get3A_762, %get3A_763, %get3A_764] {strides = array<i32>} : memref<27x32x128xf32, #tpu.memory_space<vmem>>, vector<1x1x16xf32>,
        %get3A_766 = vector.shape_cast %get3A_765 : vector<1x1x16xf32> to vector<16xf32>
        %add3A_767 = arith.addf %add3A_760, %get3A_766 : vector<16xf32>
        %get3A_768 = arith.constant 14 : i32
        %get3A_769 = arith.index_cast %get3A_768 : i32 to index
        %get3A_770 = arith.index_cast %scan3A_670 : i32 to index
        %get3A_771 = arith.constant 0 : index
        %get3A_772 = tpu.vector_load %arg6[%get3A_769, %get3A_770, %get3A_771] {strides = array<i32>} : memref<27x32x128xf32, #tpu.memory_space<vmem>>, vector<1x1x16xf32>,
        %get3A_773 = vector.shape_cast %get3A_772 : vector<1x1x16xf32> to vector<16xf32>
        %add3A_774 = arith.addf %add3A_767, %get3A_773 : vector<16xf32>
        %get3A_775 = arith.constant 15 : i32
        %get3A_776 = arith.index_cast %get3A_775 : i32 to index
        %get3A_777 = arith.index_cast %scan3A_670 : i32 to index
        %get3A_778 = arith.constant 0 : index
        %get3A_779 = tpu.vector_load %arg6[%get3A_776, %get3A_777, %get3A_778] {strides = array<i32>} : memref<27x32x128xf32, #tpu.memory_space<vmem>>, vector<1x1x16xf32>,
        %get3A_780 = vector.shape_cast %get3A_779 : vector<1x1x16xf32> to vector<16xf32>
        %add3A_781 = arith.addf %add3A_774, %get3A_780 : vector<16xf32>
        %get3A_782 = arith.constant 16 : i32
        %get3A_783 = arith.index_cast %get3A_782 : i32 to index
        %get3A_784 = arith.index_cast %scan3A_670 : i32 to index
        %get3A_785 = arith.constant 0 : index
        %get3A_786 = tpu.vector_load %arg6[%get3A_783, %get3A_784, %get3A_785] {strides = array<i32>} : memref<27x32x128xf32, #tpu.memory_space<vmem>>, vector<1x1x16xf32>,
        %get3A_787 = vector.shape_cast %get3A_786 : vector<1x1x16xf32> to vector<16xf32>
        %add3A_788 = arith.addf %add3A_781, %get3A_787 : vector<16xf32>
        %get3A_789 = arith.constant 17 : i32
        %get3A_790 = arith.index_cast %get3A_789 : i32 to index
        %get3A_791 = arith.index_cast %scan3A_670 : i32 to index
        %get3A_792 = arith.constant 0 : index
        %get3A_793 = tpu.vector_load %arg6[%get3A_790, %get3A_791, %get3A_792] {strides = array<i32>} : memref<27x32x128xf32, #tpu.memory_space<vmem>>, vector<1x1x16xf32>,
        %get3A_794 = vector.shape_cast %get3A_793 : vector<1x1x16xf32> to vector<16xf32>
        %add3A_795 = arith.addf %add3A_788, %get3A_794 : vector<16xf32>
        %get3A_796 = arith.constant 18 : i32
        %get3A_797 = arith.index_cast %get3A_796 : i32 to index
        %get3A_798 = arith.index_cast %scan3A_670 : i32 to index
        %get3A_799 = arith.constant 0 : index
        %get3A_800 = tpu.vector_load %arg6[%get3A_797, %get3A_798, %get3A_799] {strides = array<i32>} : memref<27x32x128xf32, #tpu.memory_space<vmem>>, vector<1x1x16xf32>,
        %get3A_801 = vector.shape_cast %get3A_800 : vector<1x1x16xf32> to vector<16xf32>
        %add3A_802 = arith.addf %add3A_795, %get3A_801 : vector<16xf32>
        %get3A_803 = arith.constant 19 : i32
        %get3A_804 = arith.index_cast %get3A_803 : i32 to index
        %get3A_805 = arith.index_cast %scan3A_670 : i32 to index
        %get3A_806 = arith.constant 0 : index
        %get3A_807 = tpu.vector_load %arg6[%get3A_804, %get3A_805, %get3A_806] {strides = array<i32>} : memref<27x32x128xf32, #tpu.memory_space<vmem>>, vector<1x1x16xf32>,
        %get3A_808 = vector.shape_cast %get3A_807 : vector<1x1x16xf32> to vector<16xf32>
        %add3A_809 = arith.addf %add3A_802, %get3A_808 : vector<16xf32>
        %get3A_810 = arith.constant 20 : i32
        %get3A_811 = arith.index_cast %get3A_810 : i32 to index
        %get3A_812 = arith.index_cast %scan3A_670 : i32 to index
        %get3A_813 = arith.constant 0 : index
        %get3A_814 = tpu.vector_load %arg6[%get3A_811, %get3A_812, %get3A_813] {strides = array<i32>} : memref<27x32x128xf32, #tpu.memory_space<vmem>>, vector<1x1x16xf32>,
        %get3A_815 = vector.shape_cast %get3A_814 : vector<1x1x16xf32> to vector<16xf32>
        %add3A_816 = arith.addf %add3A_809, %get3A_815 : vector<16xf32>
        %get3A_817 = arith.constant 21 : i32
        %get3A_818 = arith.index_cast %get3A_817 : i32 to index
        %get3A_819 = arith.index_cast %scan3A_670 : i32 to index
        %get3A_820 = arith.constant 0 : index
        %get3A_821 = tpu.vector_load %arg6[%get3A_818, %get3A_819, %get3A_820] {strides = array<i32>} : memref<27x32x128xf32, #tpu.memory_space<vmem>>, vector<1x1x16xf32>,
        %get3A_822 = vector.shape_cast %get3A_821 : vector<1x1x16xf32> to vector<16xf32>
        %add3A_823 = arith.addf %add3A_816, %get3A_822 : vector<16xf32>
        %get3A_824 = arith.constant 22 : i32
        %get3A_825 = arith.index_cast %get3A_824 : i32 to index
        %get3A_826 = arith.index_cast %scan3A_670 : i32 to index
        %get3A_827 = arith.constant 0 : index
        %get3A_828 = tpu.vector_load %arg6[%get3A_825, %get3A_826, %get3A_827] {strides = array<i32>} : memref<27x32x128xf32, #tpu.memory_space<vmem>>, vector<1x1x16xf32>,
        %get3A_829 = vector.shape_cast %get3A_828 : vector<1x1x16xf32> to vector<16xf32>
        %add3A_830 = arith.addf %add3A_823, %get3A_829 : vector<16xf32>
        %get3A_831 = arith.constant 23 : i32
        %get3A_832 = arith.index_cast %get3A_831 : i32 to index
        %get3A_833 = arith.index_cast %scan3A_670 : i32 to index
        %get3A_834 = arith.constant 0 : index
        %get3A_835 = tpu.vector_load %arg6[%get3A_832, %get3A_833, %get3A_834] {strides = array<i32>} : memref<27x32x128xf32, #tpu.memory_space<vmem>>, vector<1x1x16xf32>,
        %get3A_836 = vector.shape_cast %get3A_835 : vector<1x1x16xf32> to vector<16xf32>
        %add3A_837 = arith.addf %add3A_830, %get3A_836 : vector<16xf32>
        %get3A_838 = arith.constant 24 : i32
        %get3A_839 = arith.index_cast %get3A_838 : i32 to index
        %get3A_840 = arith.index_cast %scan3A_670 : i32 to index
        %get3A_841 = arith.constant 0 : index
        %get3A_842 = tpu.vector_load %arg6[%get3A_839, %get3A_840, %get3A_841] {strides = array<i32>} : memref<27x32x128xf32, #tpu.memory_space<vmem>>, vector<1x1x16xf32>,
        %get3A_843 = vector.shape_cast %get3A_842 : vector<1x1x16xf32> to vector<16xf32>
        %add3A_844 = arith.addf %add3A_837, %get3A_843 : vector<16xf32>
        %get3A_845 = arith.constant 25 : i32
        %get3A_846 = arith.index_cast %get3A_845 : i32 to index
        %get3A_847 = arith.index_cast %scan3A_670 : i32 to index
        %get3A_848 = arith.constant 0 : index
        %get3A_849 = tpu.vector_load %arg6[%get3A_846, %get3A_847, %get3A_848] {strides = array<i32>} : memref<27x32x128xf32, #tpu.memory_space<vmem>>, vector<1x1x16xf32>,
        %get3A_850 = vector.shape_cast %get3A_849 : vector<1x1x16xf32> to vector<16xf32>
        %add3A_851 = arith.addf %add3A_844, %get3A_850 : vector<16xf32>
        %get3A_852 = arith.constant 26 : i32
        %get3A_853 = arith.index_cast %get3A_852 : i32 to index
        %get3A_854 = arith.index_cast %scan3A_670 : i32 to index
        %get3A_855 = arith.constant 0 : index
        %get3A_856 = tpu.vector_load %arg6[%get3A_853, %get3A_854, %get3A_855] {strides = array<i32>} : memref<27x32x128xf32, #tpu.memory_space<vmem>>, vector<1x1x16xf32>,
        %get3A_857 = vector.shape_cast %get3A_856 : vector<1x1x16xf32> to vector<16xf32>
        %add3A_858 = arith.addf %add3A_851, %get3A_857 : vector<16xf32>
        %mul3A_859 = arith.constant 128 : i32
        %mul3A_860 = arith.muli %scan3A_670, %mul3A_859 : i32
        %add3A_861 = arith.constant 0 : i32
        %add3A_862 = arith.addi %mul3A_860, %add3A_861 : i32
        %swap3A = arith.index_cast %add3A_862 : i32 to index
        %swap3A_863 = tpu.vector_load %arg7[%swap3A] {strides = array<i32>} : memref<4096xf32, #tpu.memory_space<vmem>>, vector<16xf32>,
        %swap3A_864 = vector.shape_cast %swap3A_863 : vector<16xf32> to vector<16xf32>
        %swap3A_865 = vector.shape_cast %add3A_858 : vector<16xf32> to vector<16xf32>
        tpu.vector_store %arg7[%swap3A], %swap3A_865 {strides = array<i32>} : memref<4096xf32, #tpu.memory_space<vmem>>, vector<16xf32>,
        %get3A_866 = arith.constant 0 : i32
        %get3A_867 = arith.index_cast %get3A_866 : i32 to index
        %get3A_868 = arith.index_cast %scan3A_670 : i32 to index
        %get3A_869 = arith.constant 16 : index
        %get3A_870 = tpu.vector_load %arg6[%get3A_867, %get3A_868, %get3A_869] {strides = array<i32>} : memref<27x32x128xf32, #tpu.memory_space<vmem>>, vector<1x1x16xf32>,
        %get3A_871 = vector.shape_cast %get3A_870 : vector<1x1x16xf32> to vector<16xf32>
        %get3A_872 = arith.constant 1 : i32
        %get3A_873 = arith.index_cast %get3A_872 : i32 to index
        %get3A_874 = arith.index_cast %scan3A_670 : i32 to index
        %get3A_875 = arith.constant 16 : index
        %get3A_876 = tpu.vector_load %arg6[%get3A_873, %get3A_874, %get3A_875] {strides = array<i32>} : memref<27x32x128xf32, #tpu.memory_space<vmem>>, vector<1x1x16xf32>,
        %get3A_877 = vector.shape_cast %get3A_876 : vector<1x1x16xf32> to vector<16xf32>
        %add3A_878 = arith.addf %get3A_871, %get3A_877 : vector<16xf32>
        %get3A_879 = arith.constant 2 : i32
        %get3A_880 = arith.index_cast %get3A_879 : i32 to index
        %get3A_881 = arith.index_cast %scan3A_670 : i32 to index
        %get3A_882 = arith.constant 16 : index
        %get3A_883 = tpu.vector_load %arg6[%get3A_880, %get3A_881, %get3A_882] {strides = array<i32>} : memref<27x32x128xf32, #tpu.memory_space<vmem>>, vector<1x1x16xf32>,
        %get3A_884 = vector.shape_cast %get3A_883 : vector<1x1x16xf32> to vector<16xf32>
        %add3A_885 = arith.addf %add3A_878, %get3A_884 : vector<16xf32>
        %get3A_886 = arith.constant 3 : i32
        %get3A_887 = arith.index_cast %get3A_886 : i32 to index
        %get3A_888 = arith.index_cast %scan3A_670 : i32 to index
        %get3A_889 = arith.constant 16 : index
        %get3A_890 = tpu.vector_load %arg6[%get3A_887, %get3A_888, %get3A_889] {strides = array<i32>} : memref<27x32x128xf32, #tpu.memory_space<vmem>>, vector<1x1x16xf32>,
        %get3A_891 = vector.shape_cast %get3A_890 : vector<1x1x16xf32> to vector<16xf32>
        %add3A_892 = arith.addf %add3A_885, %get3A_891 : vector<16xf32>
        %get3A_893 = arith.constant 4 : i32
        %get3A_894 = arith.index_cast %get3A_893 : i32 to index
        %get3A_895 = arith.index_cast %scan3A_670 : i32 to index
        %get3A_896 = arith.constant 16 : index
        %get3A_897 = tpu.vector_load %arg6[%get3A_894, %get3A_895, %get3A_896] {strides = array<i32>} : memref<27x32x128xf32, #tpu.memory_space<vmem>>, vector<1x1x16xf32>,
        %get3A_898 = vector.shape_cast %get3A_897 : vector<1x1x16xf32> to vector<16xf32>
        %add3A_899 = arith.addf %add3A_892, %get3A_898 : vector<16xf32>
        %get3A_900 = arith.constant 5 : i32
        %get3A_901 = arith.index_cast %get3A_900 : i32 to index
        %get3A_902 = arith.index_cast %scan3A_670 : i32 to index
        %get3A_903 = arith.constant 16 : index
        %get3A_904 = tpu.vector_load %arg6[%get3A_901, %get3A_902, %get3A_903] {strides = array<i32>} : memref<27x32x128xf32, #tpu.memory_space<vmem>>, vector<1x1x16xf32>,
        %get3A_905 = vector.shape_cast %get3A_904 : vector<1x1x16xf32> to vector<16xf32>
        %add3A_906 = arith.addf %add3A_899, %get3A_905 : vector<16xf32>
        %get3A_907 = arith.constant 6 : i32
        %get3A_908 = arith.index_cast %get3A_907 : i32 to index
        %get3A_909 = arith.index_cast %scan3A_670 : i32 to index
        %get3A_910 = arith.constant 16 : index
        %get3A_911 = tpu.vector_load %arg6[%get3A_908, %get3A_909, %get3A_910] {strides = array<i32>} : memref<27x32x128xf32, #tpu.memory_space<vmem>>, vector<1x1x16xf32>,
        %get3A_912 = vector.shape_cast %get3A_911 : vector<1x1x16xf32> to vector<16xf32>
        %add3A_913 = arith.addf %add3A_906, %get3A_912 : vector<16xf32>
        %get3A_914 = arith.constant 7 : i32
        %get3A_915 = arith.index_cast %get3A_914 : i32 to index
        %get3A_916 = arith.index_cast %scan3A_670 : i32 to index
        %get3A_917 = arith.constant 16 : index
        %get3A_918 = tpu.vector_load %arg6[%get3A_915, %get3A_916, %get3A_917] {strides = array<i32>} : memref<27x32x128xf32, #tpu.memory_space<vmem>>, vector<1x1x16xf32>,
        %get3A_919 = vector.shape_cast %get3A_918 : vector<1x1x16xf32> to vector<16xf32>
        %add3A_920 = arith.addf %add3A_913, %get3A_919 : vector<16xf32>
        %get3A_921 = arith.constant 8 : i32
        %get3A_922 = arith.index_cast %get3A_921 : i32 to index
        %get3A_923 = arith.index_cast %scan3A_670 : i32 to index
        %get3A_924 = arith.constant 16 : index
        %get3A_925 = tpu.vector_load %arg6[%get3A_922, %get3A_923, %get3A_924] {strides = array<i32>} : memref<27x32x128xf32, #tpu.memory_space<vmem>>, vector<1x1x16xf32>,
        %get3A_926 = vector.shape_cast %get3A_925 : vector<1x1x16xf32> to vector<16xf32>
        %add3A_927 = arith.addf %add3A_920, %get3A_926 : vector<16xf32>
        %get3A_928 = arith.constant 9 : i32
        %get3A_929 = arith.index_cast %get3A_928 : i32 to index
        %get3A_930 = arith.index_cast %scan3A_670 : i32 to index
        %get3A_931 = arith.constant 16 : index
        %get3A_932 = tpu.vector_load %arg6[%get3A_929, %get3A_930, %get3A_931] {strides = array<i32>} : memref<27x32x128xf32, #tpu.memory_space<vmem>>, vector<1x1x16xf32>,
        %get3A_933 = vector.shape_cast %get3A_932 : vector<1x1x16xf32> to vector<16xf32>
        %add3A_934 = arith.addf %add3A_927, %get3A_933 : vector<16xf32>
        %get3A_935 = arith.constant 10 : i32
        %get3A_936 = arith.index_cast %get3A_935 : i32 to index
        %get3A_937 = arith.index_cast %scan3A_670 : i32 to index
        %get3A_938 = arith.constant 16 : index
        %get3A_939 = tpu.vector_load %arg6[%get3A_936, %get3A_937, %get3A_938] {strides = array<i32>} : memref<27x32x128xf32, #tpu.memory_space<vmem>>, vector<1x1x16xf32>,
        %get3A_940 = vector.shape_cast %get3A_939 : vector<1x1x16xf32> to vector<16xf32>
        %add3A_941 = arith.addf %add3A_934, %get3A_940 : vector<16xf32>
        %get3A_942 = arith.constant 11 : i32
        %get3A_943 = arith.index_cast %get3A_942 : i32 to index
        %get3A_944 = arith.index_cast %scan3A_670 : i32 to index
        %get3A_945 = arith.constant 16 : index
        %get3A_946 = tpu.vector_load %arg6[%get3A_943, %get3A_944, %get3A_945] {strides = array<i32>} : memref<27x32x128xf32, #tpu.memory_space<vmem>>, vector<1x1x16xf32>,
        %get3A_947 = vector.shape_cast %get3A_946 : vector<1x1x16xf32> to vector<16xf32>
        %add3A_948 = arith.addf %add3A_941, %get3A_947 : vector<16xf32>
        %get3A_949 = arith.constant 12 : i32
        %get3A_950 = arith.index_cast %get3A_949 : i32 to index
        %get3A_951 = arith.index_cast %scan3A_670 : i32 to index
        %get3A_952 = arith.constant 16 : index
        %get3A_953 = tpu.vector_load %arg6[%get3A_950, %get3A_951, %get3A_952] {strides = array<i32>} : memref<27x32x128xf32, #tpu.memory_space<vmem>>, vector<1x1x16xf32>,
        %get3A_954 = vector.shape_cast %get3A_953 : vector<1x1x16xf32> to vector<16xf32>
        %add3A_955 = arith.addf %add3A_948, %get3A_954 : vector<16xf32>
        %get3A_956 = arith.constant 13 : i32
        %get3A_957 = arith.index_cast %get3A_956 : i32 to index
        %get3A_958 = arith.index_cast %scan3A_670 : i32 to index
        %get3A_959 = arith.constant 16 : index
        %get3A_960 = tpu.vector_load %arg6[%get3A_957, %get3A_958, %get3A_959] {strides = array<i32>} : memref<27x32x128xf32, #tpu.memory_space<vmem>>, vector<1x1x16xf32>,
        %get3A_961 = vector.shape_cast %get3A_960 : vector<1x1x16xf32> to vector<16xf32>
        %add3A_962 = arith.addf %add3A_955, %get3A_961 : vector<16xf32>
        %get3A_963 = arith.constant 14 : i32
        %get3A_964 = arith.index_cast %get3A_963 : i32 to index
        %get3A_965 = arith.index_cast %scan3A_670 : i32 to index
        %get3A_966 = arith.constant 16 : index
        %get3A_967 = tpu.vector_load %arg6[%get3A_964, %get3A_965, %get3A_966] {strides = array<i32>} : memref<27x32x128xf32, #tpu.memory_space<vmem>>, vector<1x1x16xf32>,
        %get3A_968 = vector.shape_cast %get3A_967 : vector<1x1x16xf32> to vector<16xf32>
        %add3A_969 = arith.addf %add3A_962, %get3A_968 : vector<16xf32>
        %get3A_970 = arith.constant 15 : i32
        %get3A_971 = arith.index_cast %get3A_970 : i32 to index
        %get3A_972 = arith.index_cast %scan3A_670 : i32 to index
        %get3A_973 = arith.constant 16 : index
        %get3A_974 = tpu.vector_load %arg6[%get3A_971, %get3A_972, %get3A_973] {strides = array<i32>} : memref<27x32x128xf32, #tpu.memory_space<vmem>>, vector<1x1x16xf32>,
        %get3A_975 = vector.shape_cast %get3A_974 : vector<1x1x16xf32> to vector<16xf32>
        %add3A_976 = arith.addf %add3A_969, %get3A_975 : vector<16xf32>
        %get3A_977 = arith.constant 16 : i32
        %get3A_978 = arith.index_cast %get3A_977 : i32 to index
        %get3A_979 = arith.index_cast %scan3A_670 : i32 to index
        %get3A_980 = arith.constant 16 : index
        %get3A_981 = tpu.vector_load %arg6[%get3A_978, %get3A_979, %get3A_980] {strides = array<i32>} : memref<27x32x128xf32, #tpu.memory_space<vmem>>, vector<1x1x16xf32>,
        %get3A_982 = vector.shape_cast %get3A_981 : vector<1x1x16xf32> to vector<16xf32>
        %add3A_983 = arith.addf %add3A_976, %get3A_982 : vector<16xf32>
        %get3A_984 = arith.constant 17 : i32
        %get3A_985 = arith.index_cast %get3A_984 : i32 to index
        %get3A_986 = arith.index_cast %scan3A_670 : i32 to index
        %get3A_987 = arith.constant 16 : index
        %get3A_988 = tpu.vector_load %arg6[%get3A_985, %get3A_986, %get3A_987] {strides = array<i32>} : memref<27x32x128xf32, #tpu.memory_space<vmem>>, vector<1x1x16xf32>,
        %get3A_989 = vector.shape_cast %get3A_988 : vector<1x1x16xf32> to vector<16xf32>
        %add3A_990 = arith.addf %add3A_983, %get3A_989 : vector<16xf32>
        %get3A_991 = arith.constant 18 : i32
        %get3A_992 = arith.index_cast %get3A_991 : i32 to index
        %get3A_993 = arith.index_cast %scan3A_670 : i32 to index
        %get3A_994 = arith.constant 16 : index
        %get3A_995 = tpu.vector_load %arg6[%get3A_992, %get3A_993, %get3A_994] {strides = array<i32>} : memref<27x32x128xf32, #tpu.memory_space<vmem>>, vector<1x1x16xf32>,
        %get3A_996 = vector.shape_cast %get3A_995 : vector<1x1x16xf32> to vector<16xf32>
        %add3A_997 = arith.addf %add3A_990, %get3A_996 : vector<16xf32>
        %get3A_998 = arith.constant 19 : i32
        %get3A_999 = arith.index_cast %get3A_998 : i32 to index
        %get3A_1000 = arith.index_cast %scan3A_670 : i32 to index
        %get3A_1001 = arith.constant 16 : index
        %get3A_1002 = tpu.vector_load %arg6[%get3A_999, %get3A_1000, %get3A_1001] {strides = array<i32>} : memref<27x32x128xf32, #tpu.memory_space<vmem>>, vector<1x1x16xf32>,
        %get3A_1003 = vector.shape_cast %get3A_1002 : vector<1x1x16xf32> to vector<16xf32>
        %add3A_1004 = arith.addf %add3A_997, %get3A_1003 : vector<16xf32>
        %get3A_1005 = arith.constant 20 : i32
        %get3A_1006 = arith.index_cast %get3A_1005 : i32 to index
        %get3A_1007 = arith.index_cast %scan3A_670 : i32 to index
        %get3A_1008 = arith.constant 16 : index
        %get3A_1009 = tpu.vector_load %arg6[%get3A_1006, %get3A_1007, %get3A_1008] {strides = array<i32>} : memref<27x32x128xf32, #tpu.memory_space<vmem>>, vector<1x1x16xf32>,
        %get3A_1010 = vector.shape_cast %get3A_1009 : vector<1x1x16xf32> to vector<16xf32>
        %add3A_1011 = arith.addf %add3A_1004, %get3A_1010 : vector<16xf32>
        %get3A_1012 = arith.constant 21 : i32
        %get3A_1013 = arith.index_cast %get3A_1012 : i32 to index
        %get3A_1014 = arith.index_cast %scan3A_670 : i32 to index
        %get3A_1015 = arith.constant 16 : index
        %get3A_1016 = tpu.vector_load %arg6[%get3A_1013, %get3A_1014, %get3A_1015] {strides = array<i32>} : memref<27x32x128xf32, #tpu.memory_space<vmem>>, vector<1x1x16xf32>,
        %get3A_1017 = vector.shape_cast %get3A_1016 : vector<1x1x16xf32> to vector<16xf32>
        %add3A_1018 = arith.addf %add3A_1011, %get3A_1017 : vector<16xf32>
        %get3A_1019 = arith.constant 22 : i32
        %get3A_1020 = arith.index_cast %get3A_1019 : i32 to index
        %get3A_1021 = arith.index_cast %scan3A_670 : i32 to index
        %get3A_1022 = arith.constant 16 : index
        %get3A_1023 = tpu.vector_load %arg6[%get3A_1020, %get3A_1021, %get3A_1022] {strides = array<i32>} : memref<27x32x128xf32, #tpu.memory_space<vmem>>, vector<1x1x16xf32>,
        %get3A_1024 = vector.shape_cast %get3A_1023 : vector<1x1x16xf32> to vector<16xf32>
        %add3A_1025 = arith.addf %add3A_1018, %get3A_1024 : vector<16xf32>
        %get3A_1026 = arith.constant 23 : i32
        %get3A_1027 = arith.index_cast %get3A_1026 : i32 to index
        %get3A_1028 = arith.index_cast %scan3A_670 : i32 to index
        %get3A_1029 = arith.constant 16 : index
        %get3A_1030 = tpu.vector_load %arg6[%get3A_1027, %get3A_1028, %get3A_1029] {strides = array<i32>} : memref<27x32x128xf32, #tpu.memory_space<vmem>>, vector<1x1x16xf32>,
        %get3A_1031 = vector.shape_cast %get3A_1030 : vector<1x1x16xf32> to vector<16xf32>
        %add3A_1032 = arith.addf %add3A_1025, %get3A_1031 : vector<16xf32>
        %get3A_1033 = arith.constant 24 : i32
        %get3A_1034 = arith.index_cast %get3A_1033 : i32 to index
        %get3A_1035 = arith.index_cast %scan3A_670 : i32 to index
        %get3A_1036 = arith.constant 16 : index
        %get3A_1037 = tpu.vector_load %arg6[%get3A_1034, %get3A_1035, %get3A_1036] {strides = array<i32>} : memref<27x32x128xf32, #tpu.memory_space<vmem>>, vector<1x1x16xf32>,
        %get3A_1038 = vector.shape_cast %get3A_1037 : vector<1x1x16xf32> to vector<16xf32>
        %add3A_1039 = arith.addf %add3A_1032, %get3A_1038 : vector<16xf32>
        %get3A_1040 = arith.constant 25 : i32
        %get3A_1041 = arith.index_cast %get3A_1040 : i32 to index
        %get3A_1042 = arith.index_cast %scan3A_670 : i32 to index
        %get3A_1043 = arith.constant 16 : index
        %get3A_1044 = tpu.vector_load %arg6[%get3A_1041, %get3A_1042, %get3A_1043] {strides = array<i32>} : memref<27x32x128xf32, #tpu.memory_space<vmem>>, vector<1x1x16xf32>,
        %get3A_1045 = vector.shape_cast %get3A_1044 : vector<1x1x16xf32> to vector<16xf32>
        %add3A_1046 = arith.addf %add3A_1039, %get3A_1045 : vector<16xf32>
        %get3A_1047 = arith.constant 26 : i32
        %get3A_1048 = arith.index_cast %get3A_1047 : i32 to index
        %get3A_1049 = arith.index_cast %scan3A_670 : i32 to index
        %get3A_1050 = arith.constant 16 : index
        %get3A_1051 = tpu.vector_load %arg6[%get3A_1048, %get3A_1049, %get3A_1050] {strides = array<i32>} : memref<27x32x128xf32, #tpu.memory_space<vmem>>, vector<1x1x16xf32>,
        %get3A_1052 = vector.shape_cast %get3A_1051 : vector<1x1x16xf32> to vector<16xf32>
        %add3A_1053 = arith.addf %add3A_1046, %get3A_1052 : vector<16xf32>
        %mul3A_1054 = arith.constant 128 : i32
        %mul3A_1055 = arith.muli %scan3A_670, %mul3A_1054 : i32
        %add3A_1056 = arith.constant 16 : i32
        %add3A_1057 = arith.addi %mul3A_1055, %add3A_1056 : i32
        %swap3A_1058 = arith.index_cast %add3A_1057 : i32 to index
        %swap3A_1059 = tpu.vector_load %arg7[%swap3A_1058] {strides = array<i32>} : memref<4096xf32, #tpu.memory_space<vmem>>, vector<16xf32>,
        %swap3A_1060 = vector.shape_cast %swap3A_1059 : vector<16xf32> to vector<16xf32>
        %swap3A_1061 = vector.shape_cast %add3A_1053 : vector<16xf32> to vector<16xf32>
        tpu.vector_store %arg7[%swap3A_1058], %swap3A_1061 {strides = array<i32>} : memref<4096xf32, #tpu.memory_space<vmem>>, vector<16xf32>,
        %get3A_1062 = arith.constant 0 : i32
        %get3A_1063 = arith.index_cast %get3A_1062 : i32 to index
        %get3A_1064 = arith.index_cast %scan3A_670 : i32 to index
        %get3A_1065 = arith.constant 32 : index
        %get3A_1066 = tpu.vector_load %arg6[%get3A_1063, %get3A_1064, %get3A_1065] {strides = array<i32>} : memref<27x32x128xf32, #tpu.memory_space<vmem>>, vector<1x1x16xf32>,
        %get3A_1067 = vector.shape_cast %get3A_1066 : vector<1x1x16xf32> to vector<16xf32>
        %get3A_1068 = arith.constant 1 : i32
        %get3A_1069 = arith.index_cast %get3A_1068 : i32 to index
        %get3A_1070 = arith.index_cast %scan3A_670 : i32 to index
        %get3A_1071 = arith.constant 32 : index
        %get3A_1072 = tpu.vector_load %arg6[%get3A_1069, %get3A_1070, %get3A_1071] {strides = array<i32>} : memref<27x32x128xf32, #tpu.memory_space<vmem>>, vector<1x1x16xf32>,
        %get3A_1073 = vector.shape_cast %get3A_1072 : vector<1x1x16xf32> to vector<16xf32>
        %add3A_1074 = arith.addf %get3A_1067, %get3A_1073 : vector<16xf32>
        %get3A_1075 = arith.constant 2 : i32
        %get3A_1076 = arith.index_cast %get3A_1075 : i32 to index
        %get3A_1077 = arith.index_cast %scan3A_670 : i32 to index
        %get3A_1078 = arith.constant 32 : index
        %get3A_1079 = tpu.vector_load %arg6[%get3A_1076, %get3A_1077, %get3A_1078] {strides = array<i32>} : memref<27x32x128xf32, #tpu.memory_space<vmem>>, vector<1x1x16xf32>,
        %get3A_1080 = vector.shape_cast %get3A_1079 : vector<1x1x16xf32> to vector<16xf32>
        %add3A_1081 = arith.addf %add3A_1074, %get3A_1080 : vector<16xf32>
        %get3A_1082 = arith.constant 3 : i32
        %get3A_1083 = arith.index_cast %get3A_1082 : i32 to index
        %get3A_1084 = arith.index_cast %scan3A_670 : i32 to index
        %get3A_1085 = arith.constant 32 : index
        %get3A_1086 = tpu.vector_load %arg6[%get3A_1083, %get3A_1084, %get3A_1085] {strides = array<i32>} : memref<27x32x128xf32, #tpu.memory_space<vmem>>, vector<1x1x16xf32>,
        %get3A_1087 = vector.shape_cast %get3A_1086 : vector<1x1x16xf32> to vector<16xf32>
        %add3A_1088 = arith.addf %add3A_1081, %get3A_1087 : vector<16xf32>
        %get3A_1089 = arith.constant 4 : i32
        %get3A_1090 = arith.index_cast %get3A_1089 : i32 to index
        %get3A_1091 = arith.index_cast %scan3A_670 : i32 to index
        %get3A_1092 = arith.constant 32 : index
        %get3A_1093 = tpu.vector_load %arg6[%get3A_1090, %get3A_1091, %get3A_1092] {strides = array<i32>} : memref<27x32x128xf32, #tpu.memory_space<vmem>>, vector<1x1x16xf32>,
        %get3A_1094 = vector.shape_cast %get3A_1093 : vector<1x1x16xf32> to vector<16xf32>
        %add3A_1095 = arith.addf %add3A_1088, %get3A_1094 : vector<16xf32>
        %get3A_1096 = arith.constant 5 : i32
        %get3A_1097 = arith.index_cast %get3A_1096 : i32 to index
        %get3A_1098 = arith.index_cast %scan3A_670 : i32 to index
        %get3A_1099 = arith.constant 32 : index
        %get3A_1100 = tpu.vector_load %arg6[%get3A_1097, %get3A_1098, %get3A_1099] {strides = array<i32>} : memref<27x32x128xf32, #tpu.memory_space<vmem>>, vector<1x1x16xf32>,
        %get3A_1101 = vector.shape_cast %get3A_1100 : vector<1x1x16xf32> to vector<16xf32>
        %add3A_1102 = arith.addf %add3A_1095, %get3A_1101 : vector<16xf32>
        %get3A_1103 = arith.constant 6 : i32
        %get3A_1104 = arith.index_cast %get3A_1103 : i32 to index
        %get3A_1105 = arith.index_cast %scan3A_670 : i32 to index
        %get3A_1106 = arith.constant 32 : index
        %get3A_1107 = tpu.vector_load %arg6[%get3A_1104, %get3A_1105, %get3A_1106] {strides = array<i32>} : memref<27x32x128xf32, #tpu.memory_space<vmem>>, vector<1x1x16xf32>,
        %get3A_1108 = vector.shape_cast %get3A_1107 : vector<1x1x16xf32> to vector<16xf32>
        %add3A_1109 = arith.addf %add3A_1102, %get3A_1108 : vector<16xf32>
        %get3A_1110 = arith.constant 7 : i32
        %get3A_1111 = arith.index_cast %get3A_1110 : i32 to index
        %get3A_1112 = arith.index_cast %scan3A_670 : i32 to index
        %get3A_1113 = arith.constant 32 : index
        %get3A_1114 = tpu.vector_load %arg6[%get3A_1111, %get3A_1112, %get3A_1113] {strides = array<i32>} : memref<27x32x128xf32, #tpu.memory_space<vmem>>, vector<1x1x16xf32>,
        %get3A_1115 = vector.shape_cast %get3A_1114 : vector<1x1x16xf32> to vector<16xf32>
        %add3A_1116 = arith.addf %add3A_1109, %get3A_1115 : vector<16xf32>
        %get3A_1117 = arith.constant 8 : i32
        %get3A_1118 = arith.index_cast %get3A_1117 : i32 to index
        %get3A_1119 = arith.index_cast %scan3A_670 : i32 to index
        %get3A_1120 = arith.constant 32 : index
        %get3A_1121 = tpu.vector_load %arg6[%get3A_1118, %get3A_1119, %get3A_1120] {strides = array<i32>} : memref<27x32x128xf32, #tpu.memory_space<vmem>>, vector<1x1x16xf32>,
        %get3A_1122 = vector.shape_cast %get3A_1121 : vector<1x1x16xf32> to vector<16xf32>
        %add3A_1123 = arith.addf %add3A_1116, %get3A_1122 : vector<16xf32>
        %get3A_1124 = arith.constant 9 : i32
        %get3A_1125 = arith.index_cast %get3A_1124 : i32 to index
        %get3A_1126 = arith.index_cast %scan3A_670 : i32 to index
        %get3A_1127 = arith.constant 32 : index
        %get3A_1128 = tpu.vector_load %arg6[%get3A_1125, %get3A_1126, %get3A_1127] {strides = array<i32>} : memref<27x32x128xf32, #tpu.memory_space<vmem>>, vector<1x1x16xf32>,
        %get3A_1129 = vector.shape_cast %get3A_1128 : vector<1x1x16xf32> to vector<16xf32>
        %add3A_1130 = arith.addf %add3A_1123, %get3A_1129 : vector<16xf32>
        %get3A_1131 = arith.constant 10 : i32
        %get3A_1132 = arith.index_cast %get3A_1131 : i32 to index
        %get3A_1133 = arith.index_cast %scan3A_670 : i32 to index
        %get3A_1134 = arith.constant 32 : index
        %get3A_1135 = tpu.vector_load %arg6[%get3A_1132, %get3A_1133, %get3A_1134] {strides = array<i32>} : memref<27x32x128xf32, #tpu.memory_space<vmem>>, vector<1x1x16xf32>,
        %get3A_1136 = vector.shape_cast %get3A_1135 : vector<1x1x16xf32> to vector<16xf32>
        %add3A_1137 = arith.addf %add3A_1130, %get3A_1136 : vector<16xf32>
        %get3A_1138 = arith.constant 11 : i32
        %get3A_1139 = arith.index_cast %get3A_1138 : i32 to index
        %get3A_1140 = arith.index_cast %scan3A_670 : i32 to index
        %get3A_1141 = arith.constant 32 : index
        %get3A_1142 = tpu.vector_load %arg6[%get3A_1139, %get3A_1140, %get3A_1141] {strides = array<i32>} : memref<27x32x128xf32, #tpu.memory_space<vmem>>, vector<1x1x16xf32>,
        %get3A_1143 = vector.shape_cast %get3A_1142 : vector<1x1x16xf32> to vector<16xf32>
        %add3A_1144 = arith.addf %add3A_1137, %get3A_1143 : vector<16xf32>
        %get3A_1145 = arith.constant 12 : i32
        %get3A_1146 = arith.index_cast %get3A_1145 : i32 to index
        %get3A_1147 = arith.index_cast %scan3A_670 : i32 to index
        %get3A_1148 = arith.constant 32 : index
        %get3A_1149 = tpu.vector_load %arg6[%get3A_1146, %get3A_1147, %get3A_1148] {strides = array<i32>} : memref<27x32x128xf32, #tpu.memory_space<vmem>>, vector<1x1x16xf32>,
        %get3A_1150 = vector.shape_cast %get3A_1149 : vector<1x1x16xf32> to vector<16xf32>
        %add3A_1151 = arith.addf %add3A_1144, %get3A_1150 : vector<16xf32>
        %get3A_1152 = arith.constant 13 : i32
        %get3A_1153 = arith.index_cast %get3A_1152 : i32 to index
        %get3A_1154 = arith.index_cast %scan3A_670 : i32 to index
        %get3A_1155 = arith.constant 32 : index
        %get3A_1156 = tpu.vector_load %arg6[%get3A_1153, %get3A_1154, %get3A_1155] {strides = array<i32>} : memref<27x32x128xf32, #tpu.memory_space<vmem>>, vector<1x1x16xf32>,
        %get3A_1157 = vector.shape_cast %get3A_1156 : vector<1x1x16xf32> to vector<16xf32>
        %add3A_1158 = arith.addf %add3A_1151, %get3A_1157 : vector<16xf32>
        %get3A_1159 = arith.constant 14 : i32
        %get3A_1160 = arith.index_cast %get3A_1159 : i32 to index
        %get3A_1161 = arith.index_cast %scan3A_670 : i32 to index
        %get3A_1162 = arith.constant 32 : index
        %get3A_1163 = tpu.vector_load %arg6[%get3A_1160, %get3A_1161, %get3A_1162] {strides = array<i32>} : memref<27x32x128xf32, #tpu.memory_space<vmem>>, vector<1x1x16xf32>,
        %get3A_1164 = vector.shape_cast %get3A_1163 : vector<1x1x16xf32> to vector<16xf32>
        %add3A_1165 = arith.addf %add3A_1158, %get3A_1164 : vector<16xf32>
        %get3A_1166 = arith.constant 15 : i32
        %get3A_1167 = arith.index_cast %get3A_1166 : i32 to index
        %get3A_1168 = arith.index_cast %scan3A_670 : i32 to index
        %get3A_1169 = arith.constant 32 : index
        %get3A_1170 = tpu.vector_load %arg6[%get3A_1167, %get3A_1168, %get3A_1169] {strides = array<i32>} : memref<27x32x128xf32, #tpu.memory_space<vmem>>, vector<1x1x16xf32>,
        %get3A_1171 = vector.shape_cast %get3A_1170 : vector<1x1x16xf32> to vector<16xf32>
        %add3A_1172 = arith.addf %add3A_1165, %get3A_1171 : vector<16xf32>
        %get3A_1173 = arith.constant 16 : i32
        %get3A_1174 = arith.index_cast %get3A_1173 : i32 to index
        %get3A_1175 = arith.index_cast %scan3A_670 : i32 to index
        %get3A_1176 = arith.constant 32 : index
        %get3A_1177 = tpu.vector_load %arg6[%get3A_1174, %get3A_1175, %get3A_1176] {strides = array<i32>} : memref<27x32x128xf32, #tpu.memory_space<vmem>>, vector<1x1x16xf32>,
        %get3A_1178 = vector.shape_cast %get3A_1177 : vector<1x1x16xf32> to vector<16xf32>
        %add3A_1179 = arith.addf %add3A_1172, %get3A_1178 : vector<16xf32>
        %get3A_1180 = arith.constant 17 : i32
        %get3A_1181 = arith.index_cast %get3A_1180 : i32 to index
        %get3A_1182 = arith.index_cast %scan3A_670 : i32 to index
        %get3A_1183 = arith.constant 32 : index
        %get3A_1184 = tpu.vector_load %arg6[%get3A_1181, %get3A_1182, %get3A_1183] {strides = array<i32>} : memref<27x32x128xf32, #tpu.memory_space<vmem>>, vector<1x1x16xf32>,
        %get3A_1185 = vector.shape_cast %get3A_1184 : vector<1x1x16xf32> to vector<16xf32>
        %add3A_1186 = arith.addf %add3A_1179, %get3A_1185 : vector<16xf32>
        %get3A_1187 = arith.constant 18 : i32
        %get3A_1188 = arith.index_cast %get3A_1187 : i32 to index
        %get3A_1189 = arith.index_cast %scan3A_670 : i32 to index
        %get3A_1190 = arith.constant 32 : index
        %get3A_1191 = tpu.vector_load %arg6[%get3A_1188, %get3A_1189, %get3A_1190] {strides = array<i32>} : memref<27x32x128xf32, #tpu.memory_space<vmem>>, vector<1x1x16xf32>,
        %get3A_1192 = vector.shape_cast %get3A_1191 : vector<1x1x16xf32> to vector<16xf32>
        %add3A_1193 = arith.addf %add3A_1186, %get3A_1192 : vector<16xf32>
        %get3A_1194 = arith.constant 19 : i32
        %get3A_1195 = arith.index_cast %get3A_1194 : i32 to index
        %get3A_1196 = arith.index_cast %scan3A_670 : i32 to index
        %get3A_1197 = arith.constant 32 : index
        %get3A_1198 = tpu.vector_load %arg6[%get3A_1195, %get3A_1196, %get3A_1197] {strides = array<i32>} : memref<27x32x128xf32, #tpu.memory_space<vmem>>, vector<1x1x16xf32>,
        %get3A_1199 = vector.shape_cast %get3A_1198 : vector<1x1x16xf32> to vector<16xf32>
        %add3A_1200 = arith.addf %add3A_1193, %get3A_1199 : vector<16xf32>
        %get3A_1201 = arith.constant 20 : i32
        %get3A_1202 = arith.index_cast %get3A_1201 : i32 to index
        %get3A_1203 = arith.index_cast %scan3A_670 : i32 to index
        %get3A_1204 = arith.constant 32 : index
        %get3A_1205 = tpu.vector_load %arg6[%get3A_1202, %get3A_1203, %get3A_1204] {strides = array<i32>} : memref<27x32x128xf32, #tpu.memory_space<vmem>>, vector<1x1x16xf32>,
        %get3A_1206 = vector.shape_cast %get3A_1205 : vector<1x1x16xf32> to vector<16xf32>
        %add3A_1207 = arith.addf %add3A_1200, %get3A_1206 : vector<16xf32>
        %get3A_1208 = arith.constant 21 : i32
        %get3A_1209 = arith.index_cast %get3A_1208 : i32 to index
        %get3A_1210 = arith.index_cast %scan3A_670 : i32 to index
        %get3A_1211 = arith.constant 32 : index
        %get3A_1212 = tpu.vector_load %arg6[%get3A_1209, %get3A_1210, %get3A_1211] {strides = array<i32>} : memref<27x32x128xf32, #tpu.memory_space<vmem>>, vector<1x1x16xf32>,
        %get3A_1213 = vector.shape_cast %get3A_1212 : vector<1x1x16xf32> to vector<16xf32>
        %add3A_1214 = arith.addf %add3A_1207, %get3A_1213 : vector<16xf32>
        %get3A_1215 = arith.constant 22 : i32
        %get3A_1216 = arith.index_cast %get3A_1215 : i32 to index
        %get3A_1217 = arith.index_cast %scan3A_670 : i32 to index
        %get3A_1218 = arith.constant 32 : index
        %get3A_1219 = tpu.vector_load %arg6[%get3A_1216, %get3A_1217, %get3A_1218] {strides = array<i32>} : memref<27x32x128xf32, #tpu.memory_space<vmem>>, vector<1x1x16xf32>,
        %get3A_1220 = vector.shape_cast %get3A_1219 : vector<1x1x16xf32> to vector<16xf32>
        %add3A_1221 = arith.addf %add3A_1214, %get3A_1220 : vector<16xf32>
        %get3A_1222 = arith.constant 23 : i32
        %get3A_1223 = arith.index_cast %get3A_1222 : i32 to index
        %get3A_1224 = arith.index_cast %scan3A_670 : i32 to index
        %get3A_1225 = arith.constant 32 : index
        %get3A_1226 = tpu.vector_load %arg6[%get3A_1223, %get3A_1224, %get3A_1225] {strides = array<i32>} : memref<27x32x128xf32, #tpu.memory_space<vmem>>, vector<1x1x16xf32>,
        %get3A_1227 = vector.shape_cast %get3A_1226 : vector<1x1x16xf32> to vector<16xf32>
        %add3A_1228 = arith.addf %add3A_1221, %get3A_1227 : vector<16xf32>
        %get3A_1229 = arith.constant 24 : i32
        %get3A_1230 = arith.index_cast %get3A_1229 : i32 to index
        %get3A_1231 = arith.index_cast %scan3A_670 : i32 to index
        %get3A_1232 = arith.constant 32 : index
        %get3A_1233 = tpu.vector_load %arg6[%get3A_1230, %get3A_1231, %get3A_1232] {strides = array<i32>} : memref<27x32x128xf32, #tpu.memory_space<vmem>>, vector<1x1x16xf32>,
        %get3A_1234 = vector.shape_cast %get3A_1233 : vector<1x1x16xf32> to vector<16xf32>
        %add3A_1235 = arith.addf %add3A_1228, %get3A_1234 : vector<16xf32>
        %get3A_1236 = arith.constant 25 : i32
        %get3A_1237 = arith.index_cast %get3A_1236 : i32 to index
        %get3A_1238 = arith.index_cast %scan3A_670 : i32 to index
        %get3A_1239 = arith.constant 32 : index
        %get3A_1240 = tpu.vector_load %arg6[%get3A_1237, %get3A_1238, %get3A_1239] {strides = array<i32>} : memref<27x32x128xf32, #tpu.memory_space<vmem>>, vector<1x1x16xf32>,
        %get3A_1241 = vector.shape_cast %get3A_1240 : vector<1x1x16xf32> to vector<16xf32>
        %add3A_1242 = arith.addf %add3A_1235, %get3A_1241 : vector<16xf32>
        %get3A_1243 = arith.constant 26 : i32
        %get3A_1244 = arith.index_cast %get3A_1243 : i32 to index
        %get3A_1245 = arith.index_cast %scan3A_670 : i32 to index
        %get3A_1246 = arith.constant 32 : index
        %get3A_1247 = tpu.vector_load %arg6[%get3A_1244, %get3A_1245, %get3A_1246] {strides = array<i32>} : memref<27x32x128xf32, #tpu.memory_space<vmem>>, vector<1x1x16xf32>,
        %get3A_1248 = vector.shape_cast %get3A_1247 : vector<1x1x16xf32> to vector<16xf32>
        %add3A_1249 = arith.addf %add3A_1242, %get3A_1248 : vector<16xf32>
        %mul3A_1250 = arith.constant 128 : i32
        %mul3A_1251 = arith.muli %scan3A_670, %mul3A_1250 : i32
        %add3A_1252 = arith.constant 32 : i32
        %add3A_1253 = arith.addi %mul3A_1251, %add3A_1252 : i32
        %swap3A_1254 = arith.index_cast %add3A_1253 : i32 to index
        %swap3A_1255 = tpu.vector_load %arg7[%swap3A_1254] {strides = array<i32>} : memref<4096xf32, #tpu.memory_space<vmem>>, vector<16xf32>,
        %swap3A_1256 = vector.shape_cast %swap3A_1255 : vector<16xf32> to vector<16xf32>
        %swap3A_1257 = vector.shape_cast %add3A_1249 : vector<16xf32> to vector<16xf32>
        tpu.vector_store %arg7[%swap3A_1254], %swap3A_1257 {strides = array<i32>} : memref<4096xf32, #tpu.memory_space<vmem>>, vector<16xf32>,
        %get3A_1258 = arith.constant 0 : i32
        %get3A_1259 = arith.index_cast %get3A_1258 : i32 to index
        %get3A_1260 = arith.index_cast %scan3A_670 : i32 to index
        %get3A_1261 = arith.constant 48 : index
        %get3A_1262 = tpu.vector_load %arg6[%get3A_1259, %get3A_1260, %get3A_1261] {strides = array<i32>} : memref<27x32x128xf32, #tpu.memory_space<vmem>>, vector<1x1x16xf32>,
        %get3A_1263 = vector.shape_cast %get3A_1262 : vector<1x1x16xf32> to vector<16xf32>
        %get3A_1264 = arith.constant 1 : i32
        %get3A_1265 = arith.index_cast %get3A_1264 : i32 to index
        %get3A_1266 = arith.index_cast %scan3A_670 : i32 to index
        %get3A_1267 = arith.constant 48 : index
        %get3A_1268 = tpu.vector_load %arg6[%get3A_1265, %get3A_1266, %get3A_1267] {strides = array<i32>} : memref<27x32x128xf32, #tpu.memory_space<vmem>>, vector<1x1x16xf32>,
        %get3A_1269 = vector.shape_cast %get3A_1268 : vector<1x1x16xf32> to vector<16xf32>
        %add3A_1270 = arith.addf %get3A_1263, %get3A_1269 : vector<16xf32>
        %get3A_1271 = arith.constant 2 : i32
        %get3A_1272 = arith.index_cast %get3A_1271 : i32 to index
        %get3A_1273 = arith.index_cast %scan3A_670 : i32 to index
        %get3A_1274 = arith.constant 48 : index
        %get3A_1275 = tpu.vector_load %arg6[%get3A_1272, %get3A_1273, %get3A_1274] {strides = array<i32>} : memref<27x32x128xf32, #tpu.memory_space<vmem>>, vector<1x1x16xf32>,
        %get3A_1276 = vector.shape_cast %get3A_1275 : vector<1x1x16xf32> to vector<16xf32>
        %add3A_1277 = arith.addf %add3A_1270, %get3A_1276 : vector<16xf32>
        %get3A_1278 = arith.constant 3 : i32
        %get3A_1279 = arith.index_cast %get3A_1278 : i32 to index
        %get3A_1280 = arith.index_cast %scan3A_670 : i32 to index
        %get3A_1281 = arith.constant 48 : index
        %get3A_1282 = tpu.vector_load %arg6[%get3A_1279, %get3A_1280, %get3A_1281] {strides = array<i32>} : memref<27x32x128xf32, #tpu.memory_space<vmem>>, vector<1x1x16xf32>,
        %get3A_1283 = vector.shape_cast %get3A_1282 : vector<1x1x16xf32> to vector<16xf32>
        %add3A_1284 = arith.addf %add3A_1277, %get3A_1283 : vector<16xf32>
        %get3A_1285 = arith.constant 4 : i32
        %get3A_1286 = arith.index_cast %get3A_1285 : i32 to index
        %get3A_1287 = arith.index_cast %scan3A_670 : i32 to index
        %get3A_1288 = arith.constant 48 : index
        %get3A_1289 = tpu.vector_load %arg6[%get3A_1286, %get3A_1287, %get3A_1288] {strides = array<i32>} : memref<27x32x128xf32, #tpu.memory_space<vmem>>, vector<1x1x16xf32>,
        %get3A_1290 = vector.shape_cast %get3A_1289 : vector<1x1x16xf32> to vector<16xf32>
        %add3A_1291 = arith.addf %add3A_1284, %get3A_1290 : vector<16xf32>
        %get3A_1292 = arith.constant 5 : i32
        %get3A_1293 = arith.index_cast %get3A_1292 : i32 to index
        %get3A_1294 = arith.index_cast %scan3A_670 : i32 to index
        %get3A_1295 = arith.constant 48 : index
        %get3A_1296 = tpu.vector_load %arg6[%get3A_1293, %get3A_1294, %get3A_1295] {strides = array<i32>} : memref<27x32x128xf32, #tpu.memory_space<vmem>>, vector<1x1x16xf32>,
        %get3A_1297 = vector.shape_cast %get3A_1296 : vector<1x1x16xf32> to vector<16xf32>
        %add3A_1298 = arith.addf %add3A_1291, %get3A_1297 : vector<16xf32>
        %get3A_1299 = arith.constant 6 : i32
        %get3A_1300 = arith.index_cast %get3A_1299 : i32 to index
        %get3A_1301 = arith.index_cast %scan3A_670 : i32 to index
        %get3A_1302 = arith.constant 48 : index
        %get3A_1303 = tpu.vector_load %arg6[%get3A_1300, %get3A_1301, %get3A_1302] {strides = array<i32>} : memref<27x32x128xf32, #tpu.memory_space<vmem>>, vector<1x1x16xf32>,
        %get3A_1304 = vector.shape_cast %get3A_1303 : vector<1x1x16xf32> to vector<16xf32>
        %add3A_1305 = arith.addf %add3A_1298, %get3A_1304 : vector<16xf32>
        %get3A_1306 = arith.constant 7 : i32
        %get3A_1307 = arith.index_cast %get3A_1306 : i32 to index
        %get3A_1308 = arith.index_cast %scan3A_670 : i32 to index
        %get3A_1309 = arith.constant 48 : index
        %get3A_1310 = tpu.vector_load %arg6[%get3A_1307, %get3A_1308, %get3A_1309] {strides = array<i32>} : memref<27x32x128xf32, #tpu.memory_space<vmem>>, vector<1x1x16xf32>,
        %get3A_1311 = vector.shape_cast %get3A_1310 : vector<1x1x16xf32> to vector<16xf32>
        %add3A_1312 = arith.addf %add3A_1305, %get3A_1311 : vector<16xf32>
        %get3A_1313 = arith.constant 8 : i32
        %get3A_1314 = arith.index_cast %get3A_1313 : i32 to index
        %get3A_1315 = arith.index_cast %scan3A_670 : i32 to index
        %get3A_1316 = arith.constant 48 : index
        %get3A_1317 = tpu.vector_load %arg6[%get3A_1314, %get3A_1315, %get3A_1316] {strides = array<i32>} : memref<27x32x128xf32, #tpu.memory_space<vmem>>, vector<1x1x16xf32>,
        %get3A_1318 = vector.shape_cast %get3A_1317 : vector<1x1x16xf32> to vector<16xf32>
        %add3A_1319 = arith.addf %add3A_1312, %get3A_1318 : vector<16xf32>
        %get3A_1320 = arith.constant 9 : i32
        %get3A_1321 = arith.index_cast %get3A_1320 : i32 to index
        %get3A_1322 = arith.index_cast %scan3A_670 : i32 to index
        %get3A_1323 = arith.constant 48 : index
        %get3A_1324 = tpu.vector_load %arg6[%get3A_1321, %get3A_1322, %get3A_1323] {strides = array<i32>} : memref<27x32x128xf32, #tpu.memory_space<vmem>>, vector<1x1x16xf32>,
        %get3A_1325 = vector.shape_cast %get3A_1324 : vector<1x1x16xf32> to vector<16xf32>
        %add3A_1326 = arith.addf %add3A_1319, %get3A_1325 : vector<16xf32>
        %get3A_1327 = arith.constant 10 : i32
        %get3A_1328 = arith.index_cast %get3A_1327 : i32 to index
        %get3A_1329 = arith.index_cast %scan3A_670 : i32 to index
        %get3A_1330 = arith.constant 48 : index
        %get3A_1331 = tpu.vector_load %arg6[%get3A_1328, %get3A_1329, %get3A_1330] {strides = array<i32>} : memref<27x32x128xf32, #tpu.memory_space<vmem>>, vector<1x1x16xf32>,
        %get3A_1332 = vector.shape_cast %get3A_1331 : vector<1x1x16xf32> to vector<16xf32>
        %add3A_1333 = arith.addf %add3A_1326, %get3A_1332 : vector<16xf32>
        %get3A_1334 = arith.constant 11 : i32
        %get3A_1335 = arith.index_cast %get3A_1334 : i32 to index
        %get3A_1336 = arith.index_cast %scan3A_670 : i32 to index
        %get3A_1337 = arith.constant 48 : index
        %get3A_1338 = tpu.vector_load %arg6[%get3A_1335, %get3A_1336, %get3A_1337] {strides = array<i32>} : memref<27x32x128xf32, #tpu.memory_space<vmem>>, vector<1x1x16xf32>,
        %get3A_1339 = vector.shape_cast %get3A_1338 : vector<1x1x16xf32> to vector<16xf32>
        %add3A_1340 = arith.addf %add3A_1333, %get3A_1339 : vector<16xf32>
        %get3A_1341 = arith.constant 12 : i32
        %get3A_1342 = arith.index_cast %get3A_1341 : i32 to index
        %get3A_1343 = arith.index_cast %scan3A_670 : i32 to index
        %get3A_1344 = arith.constant 48 : index
        %get3A_1345 = tpu.vector_load %arg6[%get3A_1342, %get3A_1343, %get3A_1344] {strides = array<i32>} : memref<27x32x128xf32, #tpu.memory_space<vmem>>, vector<1x1x16xf32>,
        %get3A_1346 = vector.shape_cast %get3A_1345 : vector<1x1x16xf32> to vector<16xf32>
        %add3A_1347 = arith.addf %add3A_1340, %get3A_1346 : vector<16xf32>
        %get3A_1348 = arith.constant 13 : i32
        %get3A_1349 = arith.index_cast %get3A_1348 : i32 to index
        %get3A_1350 = arith.index_cast %scan3A_670 : i32 to index
        %get3A_1351 = arith.constant 48 : index
        %get3A_1352 = tpu.vector_load %arg6[%get3A_1349, %get3A_1350, %get3A_1351] {strides = array<i32>} : memref<27x32x128xf32, #tpu.memory_space<vmem>>, vector<1x1x16xf32>,
        %get3A_1353 = vector.shape_cast %get3A_1352 : vector<1x1x16xf32> to vector<16xf32>
        %add3A_1354 = arith.addf %add3A_1347, %get3A_1353 : vector<16xf32>
        %get3A_1355 = arith.constant 14 : i32
        %get3A_1356 = arith.index_cast %get3A_1355 : i32 to index
        %get3A_1357 = arith.index_cast %scan3A_670 : i32 to index
        %get3A_1358 = arith.constant 48 : index
        %get3A_1359 = tpu.vector_load %arg6[%get3A_1356, %get3A_1357, %get3A_1358] {strides = array<i32>} : memref<27x32x128xf32, #tpu.memory_space<vmem>>, vector<1x1x16xf32>,
        %get3A_1360 = vector.shape_cast %get3A_1359 : vector<1x1x16xf32> to vector<16xf32>
        %add3A_1361 = arith.addf %add3A_1354, %get3A_1360 : vector<16xf32>
        %get3A_1362 = arith.constant 15 : i32
        %get3A_1363 = arith.index_cast %get3A_1362 : i32 to index
        %get3A_1364 = arith.index_cast %scan3A_670 : i32 to index
        %get3A_1365 = arith.constant 48 : index
        %get3A_1366 = tpu.vector_load %arg6[%get3A_1363, %get3A_1364, %get3A_1365] {strides = array<i32>} : memref<27x32x128xf32, #tpu.memory_space<vmem>>, vector<1x1x16xf32>,
        %get3A_1367 = vector.shape_cast %get3A_1366 : vector<1x1x16xf32> to vector<16xf32>
        %add3A_1368 = arith.addf %add3A_1361, %get3A_1367 : vector<16xf32>
        %get3A_1369 = arith.constant 16 : i32
        %get3A_1370 = arith.index_cast %get3A_1369 : i32 to index
        %get3A_1371 = arith.index_cast %scan3A_670 : i32 to index
        %get3A_1372 = arith.constant 48 : index
        %get3A_1373 = tpu.vector_load %arg6[%get3A_1370, %get3A_1371, %get3A_1372] {strides = array<i32>} : memref<27x32x128xf32, #tpu.memory_space<vmem>>, vector<1x1x16xf32>,
        %get3A_1374 = vector.shape_cast %get3A_1373 : vector<1x1x16xf32> to vector<16xf32>
        %add3A_1375 = arith.addf %add3A_1368, %get3A_1374 : vector<16xf32>
        %get3A_1376 = arith.constant 17 : i32
        %get3A_1377 = arith.index_cast %get3A_1376 : i32 to index
        %get3A_1378 = arith.index_cast %scan3A_670 : i32 to index
        %get3A_1379 = arith.constant 48 : index
        %get3A_1380 = tpu.vector_load %arg6[%get3A_1377, %get3A_1378, %get3A_1379] {strides = array<i32>} : memref<27x32x128xf32, #tpu.memory_space<vmem>>, vector<1x1x16xf32>,
        %get3A_1381 = vector.shape_cast %get3A_1380 : vector<1x1x16xf32> to vector<16xf32>
        %add3A_1382 = arith.addf %add3A_1375, %get3A_1381 : vector<16xf32>
        %get3A_1383 = arith.constant 18 : i32
        %get3A_1384 = arith.index_cast %get3A_1383 : i32 to index
        %get3A_1385 = arith.index_cast %scan3A_670 : i32 to index
        %get3A_1386 = arith.constant 48 : index
        %get3A_1387 = tpu.vector_load %arg6[%get3A_1384, %get3A_1385, %get3A_1386] {strides = array<i32>} : memref<27x32x128xf32, #tpu.memory_space<vmem>>, vector<1x1x16xf32>,
        %get3A_1388 = vector.shape_cast %get3A_1387 : vector<1x1x16xf32> to vector<16xf32>
        %add3A_1389 = arith.addf %add3A_1382, %get3A_1388 : vector<16xf32>
        %get3A_1390 = arith.constant 19 : i32
        %get3A_1391 = arith.index_cast %get3A_1390 : i32 to index
        %get3A_1392 = arith.index_cast %scan3A_670 : i32 to index
        %get3A_1393 = arith.constant 48 : index
        %get3A_1394 = tpu.vector_load %arg6[%get3A_1391, %get3A_1392, %get3A_1393] {strides = array<i32>} : memref<27x32x128xf32, #tpu.memory_space<vmem>>, vector<1x1x16xf32>,
        %get3A_1395 = vector.shape_cast %get3A_1394 : vector<1x1x16xf32> to vector<16xf32>
        %add3A_1396 = arith.addf %add3A_1389, %get3A_1395 : vector<16xf32>
        %get3A_1397 = arith.constant 20 : i32
        %get3A_1398 = arith.index_cast %get3A_1397 : i32 to index
        %get3A_1399 = arith.index_cast %scan3A_670 : i32 to index
        %get3A_1400 = arith.constant 48 : index
        %get3A_1401 = tpu.vector_load %arg6[%get3A_1398, %get3A_1399, %get3A_1400] {strides = array<i32>} : memref<27x32x128xf32, #tpu.memory_space<vmem>>, vector<1x1x16xf32>,
        %get3A_1402 = vector.shape_cast %get3A_1401 : vector<1x1x16xf32> to vector<16xf32>
        %add3A_1403 = arith.addf %add3A_1396, %get3A_1402 : vector<16xf32>
        %get3A_1404 = arith.constant 21 : i32
        %get3A_1405 = arith.index_cast %get3A_1404 : i32 to index
        %get3A_1406 = arith.index_cast %scan3A_670 : i32 to index
        %get3A_1407 = arith.constant 48 : index
        %get3A_1408 = tpu.vector_load %arg6[%get3A_1405, %get3A_1406, %get3A_1407] {strides = array<i32>} : memref<27x32x128xf32, #tpu.memory_space<vmem>>, vector<1x1x16xf32>,
        %get3A_1409 = vector.shape_cast %get3A_1408 : vector<1x1x16xf32> to vector<16xf32>
        %add3A_1410 = arith.addf %add3A_1403, %get3A_1409 : vector<16xf32>
        %get3A_1411 = arith.constant 22 : i32
        %get3A_1412 = arith.index_cast %get3A_1411 : i32 to index
        %get3A_1413 = arith.index_cast %scan3A_670 : i32 to index
        %get3A_1414 = arith.constant 48 : index
        %get3A_1415 = tpu.vector_load %arg6[%get3A_1412, %get3A_1413, %get3A_1414] {strides = array<i32>} : memref<27x32x128xf32, #tpu.memory_space<vmem>>, vector<1x1x16xf32>,
        %get3A_1416 = vector.shape_cast %get3A_1415 : vector<1x1x16xf32> to vector<16xf32>
        %add3A_1417 = arith.addf %add3A_1410, %get3A_1416 : vector<16xf32>
        %get3A_1418 = arith.constant 23 : i32
        %get3A_1419 = arith.index_cast %get3A_1418 : i32 to index
        %get3A_1420 = arith.index_cast %scan3A_670 : i32 to index
        %get3A_1421 = arith.constant 48 : index
        %get3A_1422 = tpu.vector_load %arg6[%get3A_1419, %get3A_1420, %get3A_1421] {strides = array<i32>} : memref<27x32x128xf32, #tpu.memory_space<vmem>>, vector<1x1x16xf32>,
        %get3A_1423 = vector.shape_cast %get3A_1422 : vector<1x1x16xf32> to vector<16xf32>
        %add3A_1424 = arith.addf %add3A_1417, %get3A_1423 : vector<16xf32>
        %get3A_1425 = arith.constant 24 : i32
        %get3A_1426 = arith.index_cast %get3A_1425 : i32 to index
        %get3A_1427 = arith.index_cast %scan3A_670 : i32 to index
        %get3A_1428 = arith.constant 48 : index
        %get3A_1429 = tpu.vector_load %arg6[%get3A_1426, %get3A_1427, %get3A_1428] {strides = array<i32>} : memref<27x32x128xf32, #tpu.memory_space<vmem>>, vector<1x1x16xf32>,
        %get3A_1430 = vector.shape_cast %get3A_1429 : vector<1x1x16xf32> to vector<16xf32>
        %add3A_1431 = arith.addf %add3A_1424, %get3A_1430 : vector<16xf32>
        %get3A_1432 = arith.constant 25 : i32
        %get3A_1433 = arith.index_cast %get3A_1432 : i32 to index
        %get3A_1434 = arith.index_cast %scan3A_670 : i32 to index
        %get3A_1435 = arith.constant 48 : index
        %get3A_1436 = tpu.vector_load %arg6[%get3A_1433, %get3A_1434, %get3A_1435] {strides = array<i32>} : memref<27x32x128xf32, #tpu.memory_space<vmem>>, vector<1x1x16xf32>,
        %get3A_1437 = vector.shape_cast %get3A_1436 : vector<1x1x16xf32> to vector<16xf32>
        %add3A_1438 = arith.addf %add3A_1431, %get3A_1437 : vector<16xf32>
        %get3A_1439 = arith.constant 26 : i32
        %get3A_1440 = arith.index_cast %get3A_1439 : i32 to index
        %get3A_1441 = arith.index_cast %scan3A_670 : i32 to index
        %get3A_1442 = arith.constant 48 : index
        %get3A_1443 = tpu.vector_load %arg6[%get3A_1440, %get3A_1441, %get3A_1442] {strides = array<i32>} : memref<27x32x128xf32, #tpu.memory_space<vmem>>, vector<1x1x16xf32>,
        %get3A_1444 = vector.shape_cast %get3A_1443 : vector<1x1x16xf32> to vector<16xf32>
        %add3A_1445 = arith.addf %add3A_1438, %get3A_1444 : vector<16xf32>
        %mul3A_1446 = arith.constant 128 : i32
        %mul3A_1447 = arith.muli %scan3A_670, %mul3A_1446 : i32
        %add3A_1448 = arith.constant 48 : i32
        %add3A_1449 = arith.addi %mul3A_1447, %add3A_1448 : i32
        %swap3A_1450 = arith.index_cast %add3A_1449 : i32 to index
        %swap3A_1451 = tpu.vector_load %arg7[%swap3A_1450] {strides = array<i32>} : memref<4096xf32, #tpu.memory_space<vmem>>, vector<16xf32>,
        %swap3A_1452 = vector.shape_cast %swap3A_1451 : vector<16xf32> to vector<16xf32>
        %swap3A_1453 = vector.shape_cast %add3A_1445 : vector<16xf32> to vector<16xf32>
        tpu.vector_store %arg7[%swap3A_1450], %swap3A_1453 {strides = array<i32>} : memref<4096xf32, #tpu.memory_space<vmem>>, vector<16xf32>,
        %get3A_1454 = arith.constant 0 : i32
        %get3A_1455 = arith.index_cast %get3A_1454 : i32 to index
        %get3A_1456 = arith.index_cast %scan3A_670 : i32 to index
        %get3A_1457 = arith.constant 64 : index
        %get3A_1458 = tpu.vector_load %arg6[%get3A_1455, %get3A_1456, %get3A_1457] {strides = array<i32>} : memref<27x32x128xf32, #tpu.memory_space<vmem>>, vector<1x1x16xf32>,
        %get3A_1459 = vector.shape_cast %get3A_1458 : vector<1x1x16xf32> to vector<16xf32>
        %get3A_1460 = arith.constant 1 : i32
        %get3A_1461 = arith.index_cast %get3A_1460 : i32 to index
        %get3A_1462 = arith.index_cast %scan3A_670 : i32 to index
        %get3A_1463 = arith.constant 64 : index
        %get3A_1464 = tpu.vector_load %arg6[%get3A_1461, %get3A_1462, %get3A_1463] {strides = array<i32>} : memref<27x32x128xf32, #tpu.memory_space<vmem>>, vector<1x1x16xf32>,
        %get3A_1465 = vector.shape_cast %get3A_1464 : vector<1x1x16xf32> to vector<16xf32>
        %add3A_1466 = arith.addf %get3A_1459, %get3A_1465 : vector<16xf32>
        %get3A_1467 = arith.constant 2 : i32
        %get3A_1468 = arith.index_cast %get3A_1467 : i32 to index
        %get3A_1469 = arith.index_cast %scan3A_670 : i32 to index
        %get3A_1470 = arith.constant 64 : index
        %get3A_1471 = tpu.vector_load %arg6[%get3A_1468, %get3A_1469, %get3A_1470] {strides = array<i32>} : memref<27x32x128xf32, #tpu.memory_space<vmem>>, vector<1x1x16xf32>,
        %get3A_1472 = vector.shape_cast %get3A_1471 : vector<1x1x16xf32> to vector<16xf32>
        %add3A_1473 = arith.addf %add3A_1466, %get3A_1472 : vector<16xf32>
        %get3A_1474 = arith.constant 3 : i32
        %get3A_1475 = arith.index_cast %get3A_1474 : i32 to index
        %get3A_1476 = arith.index_cast %scan3A_670 : i32 to index
        %get3A_1477 = arith.constant 64 : index
        %get3A_1478 = tpu.vector_load %arg6[%get3A_1475, %get3A_1476, %get3A_1477] {strides = array<i32>} : memref<27x32x128xf32, #tpu.memory_space<vmem>>, vector<1x1x16xf32>,
        %get3A_1479 = vector.shape_cast %get3A_1478 : vector<1x1x16xf32> to vector<16xf32>
        %add3A_1480 = arith.addf %add3A_1473, %get3A_1479 : vector<16xf32>
        %get3A_1481 = arith.constant 4 : i32
        %get3A_1482 = arith.index_cast %get3A_1481 : i32 to index
        %get3A_1483 = arith.index_cast %scan3A_670 : i32 to index
        %get3A_1484 = arith.constant 64 : index
        %get3A_1485 = tpu.vector_load %arg6[%get3A_1482, %get3A_1483, %get3A_1484] {strides = array<i32>} : memref<27x32x128xf32, #tpu.memory_space<vmem>>, vector<1x1x16xf32>,
        %get3A_1486 = vector.shape_cast %get3A_1485 : vector<1x1x16xf32> to vector<16xf32>
        %add3A_1487 = arith.addf %add3A_1480, %get3A_1486 : vector<16xf32>
        %get3A_1488 = arith.constant 5 : i32
        %get3A_1489 = arith.index_cast %get3A_1488 : i32 to index
        %get3A_1490 = arith.index_cast %scan3A_670 : i32 to index
        %get3A_1491 = arith.constant 64 : index
        %get3A_1492 = tpu.vector_load %arg6[%get3A_1489, %get3A_1490, %get3A_1491] {strides = array<i32>} : memref<27x32x128xf32, #tpu.memory_space<vmem>>, vector<1x1x16xf32>,
        %get3A_1493 = vector.shape_cast %get3A_1492 : vector<1x1x16xf32> to vector<16xf32>
        %add3A_1494 = arith.addf %add3A_1487, %get3A_1493 : vector<16xf32>
        %get3A_1495 = arith.constant 6 : i32
        %get3A_1496 = arith.index_cast %get3A_1495 : i32 to index
        %get3A_1497 = arith.index_cast %scan3A_670 : i32 to index
        %get3A_1498 = arith.constant 64 : index
        %get3A_1499 = tpu.vector_load %arg6[%get3A_1496, %get3A_1497, %get3A_1498] {strides = array<i32>} : memref<27x32x128xf32, #tpu.memory_space<vmem>>, vector<1x1x16xf32>,
        %get3A_1500 = vector.shape_cast %get3A_1499 : vector<1x1x16xf32> to vector<16xf32>
        %add3A_1501 = arith.addf %add3A_1494, %get3A_1500 : vector<16xf32>
        %get3A_1502 = arith.constant 7 : i32
        %get3A_1503 = arith.index_cast %get3A_1502 : i32 to index
        %get3A_1504 = arith.index_cast %scan3A_670 : i32 to index
        %get3A_1505 = arith.constant 64 : index
        %get3A_1506 = tpu.vector_load %arg6[%get3A_1503, %get3A_1504, %get3A_1505] {strides = array<i32>} : memref<27x32x128xf32, #tpu.memory_space<vmem>>, vector<1x1x16xf32>,
        %get3A_1507 = vector.shape_cast %get3A_1506 : vector<1x1x16xf32> to vector<16xf32>
        %add3A_1508 = arith.addf %add3A_1501, %get3A_1507 : vector<16xf32>
        %get3A_1509 = arith.constant 8 : i32
        %get3A_1510 = arith.index_cast %get3A_1509 : i32 to index
        %get3A_1511 = arith.index_cast %scan3A_670 : i32 to index
        %get3A_1512 = arith.constant 64 : index
        %get3A_1513 = tpu.vector_load %arg6[%get3A_1510, %get3A_1511, %get3A_1512] {strides = array<i32>} : memref<27x32x128xf32, #tpu.memory_space<vmem>>, vector<1x1x16xf32>,
        %get3A_1514 = vector.shape_cast %get3A_1513 : vector<1x1x16xf32> to vector<16xf32>
        %add3A_1515 = arith.addf %add3A_1508, %get3A_1514 : vector<16xf32>
        %get3A_1516 = arith.constant 9 : i32
        %get3A_1517 = arith.index_cast %get3A_1516 : i32 to index
        %get3A_1518 = arith.index_cast %scan3A_670 : i32 to index
        %get3A_1519 = arith.constant 64 : index
        %get3A_1520 = tpu.vector_load %arg6[%get3A_1517, %get3A_1518, %get3A_1519] {strides = array<i32>} : memref<27x32x128xf32, #tpu.memory_space<vmem>>, vector<1x1x16xf32>,
        %get3A_1521 = vector.shape_cast %get3A_1520 : vector<1x1x16xf32> to vector<16xf32>
        %add3A_1522 = arith.addf %add3A_1515, %get3A_1521 : vector<16xf32>
        %get3A_1523 = arith.constant 10 : i32
        %get3A_1524 = arith.index_cast %get3A_1523 : i32 to index
        %get3A_1525 = arith.index_cast %scan3A_670 : i32 to index
        %get3A_1526 = arith.constant 64 : index
        %get3A_1527 = tpu.vector_load %arg6[%get3A_1524, %get3A_1525, %get3A_1526] {strides = array<i32>} : memref<27x32x128xf32, #tpu.memory_space<vmem>>, vector<1x1x16xf32>,
        %get3A_1528 = vector.shape_cast %get3A_1527 : vector<1x1x16xf32> to vector<16xf32>
        %add3A_1529 = arith.addf %add3A_1522, %get3A_1528 : vector<16xf32>
        %get3A_1530 = arith.constant 11 : i32
        %get3A_1531 = arith.index_cast %get3A_1530 : i32 to index
        %get3A_1532 = arith.index_cast %scan3A_670 : i32 to index
        %get3A_1533 = arith.constant 64 : index
        %get3A_1534 = tpu.vector_load %arg6[%get3A_1531, %get3A_1532, %get3A_1533] {strides = array<i32>} : memref<27x32x128xf32, #tpu.memory_space<vmem>>, vector<1x1x16xf32>,
        %get3A_1535 = vector.shape_cast %get3A_1534 : vector<1x1x16xf32> to vector<16xf32>
        %add3A_1536 = arith.addf %add3A_1529, %get3A_1535 : vector<16xf32>
        %get3A_1537 = arith.constant 12 : i32
        %get3A_1538 = arith.index_cast %get3A_1537 : i32 to index
        %get3A_1539 = arith.index_cast %scan3A_670 : i32 to index
        %get3A_1540 = arith.constant 64 : index
        %get3A_1541 = tpu.vector_load %arg6[%get3A_1538, %get3A_1539, %get3A_1540] {strides = array<i32>} : memref<27x32x128xf32, #tpu.memory_space<vmem>>, vector<1x1x16xf32>,
        %get3A_1542 = vector.shape_cast %get3A_1541 : vector<1x1x16xf32> to vector<16xf32>
        %add3A_1543 = arith.addf %add3A_1536, %get3A_1542 : vector<16xf32>
        %get3A_1544 = arith.constant 13 : i32
        %get3A_1545 = arith.index_cast %get3A_1544 : i32 to index
        %get3A_1546 = arith.index_cast %scan3A_670 : i32 to index
        %get3A_1547 = arith.constant 64 : index
        %get3A_1548 = tpu.vector_load %arg6[%get3A_1545, %get3A_1546, %get3A_1547] {strides = array<i32>} : memref<27x32x128xf32, #tpu.memory_space<vmem>>, vector<1x1x16xf32>,
        %get3A_1549 = vector.shape_cast %get3A_1548 : vector<1x1x16xf32> to vector<16xf32>
        %add3A_1550 = arith.addf %add3A_1543, %get3A_1549 : vector<16xf32>
        %get3A_1551 = arith.constant 14 : i32
        %get3A_1552 = arith.index_cast %get3A_1551 : i32 to index
        %get3A_1553 = arith.index_cast %scan3A_670 : i32 to index
        %get3A_1554 = arith.constant 64 : index
        %get3A_1555 = tpu.vector_load %arg6[%get3A_1552, %get3A_1553, %get3A_1554] {strides = array<i32>} : memref<27x32x128xf32, #tpu.memory_space<vmem>>, vector<1x1x16xf32>,
        %get3A_1556 = vector.shape_cast %get3A_1555 : vector<1x1x16xf32> to vector<16xf32>
        %add3A_1557 = arith.addf %add3A_1550, %get3A_1556 : vector<16xf32>
        %get3A_1558 = arith.constant 15 : i32
        %get3A_1559 = arith.index_cast %get3A_1558 : i32 to index
        %get3A_1560 = arith.index_cast %scan3A_670 : i32 to index
        %get3A_1561 = arith.constant 64 : index
        %get3A_1562 = tpu.vector_load %arg6[%get3A_1559, %get3A_1560, %get3A_1561] {strides = array<i32>} : memref<27x32x128xf32, #tpu.memory_space<vmem>>, vector<1x1x16xf32>,
        %get3A_1563 = vector.shape_cast %get3A_1562 : vector<1x1x16xf32> to vector<16xf32>
        %add3A_1564 = arith.addf %add3A_1557, %get3A_1563 : vector<16xf32>
        %get3A_1565 = arith.constant 16 : i32
        %get3A_1566 = arith.index_cast %get3A_1565 : i32 to index
        %get3A_1567 = arith.index_cast %scan3A_670 : i32 to index
        %get3A_1568 = arith.constant 64 : index
        %get3A_1569 = tpu.vector_load %arg6[%get3A_1566, %get3A_1567, %get3A_1568] {strides = array<i32>} : memref<27x32x128xf32, #tpu.memory_space<vmem>>, vector<1x1x16xf32>,
        %get3A_1570 = vector.shape_cast %get3A_1569 : vector<1x1x16xf32> to vector<16xf32>
        %add3A_1571 = arith.addf %add3A_1564, %get3A_1570 : vector<16xf32>
        %get3A_1572 = arith.constant 17 : i32
        %get3A_1573 = arith.index_cast %get3A_1572 : i32 to index
        %get3A_1574 = arith.index_cast %scan3A_670 : i32 to index
        %get3A_1575 = arith.constant 64 : index
        %get3A_1576 = tpu.vector_load %arg6[%get3A_1573, %get3A_1574, %get3A_1575] {strides = array<i32>} : memref<27x32x128xf32, #tpu.memory_space<vmem>>, vector<1x1x16xf32>,
        %get3A_1577 = vector.shape_cast %get3A_1576 : vector<1x1x16xf32> to vector<16xf32>
        %add3A_1578 = arith.addf %add3A_1571, %get3A_1577 : vector<16xf32>
        %get3A_1579 = arith.constant 18 : i32
        %get3A_1580 = arith.index_cast %get3A_1579 : i32 to index
        %get3A_1581 = arith.index_cast %scan3A_670 : i32 to index
        %get3A_1582 = arith.constant 64 : index
        %get3A_1583 = tpu.vector_load %arg6[%get3A_1580, %get3A_1581, %get3A_1582] {strides = array<i32>} : memref<27x32x128xf32, #tpu.memory_space<vmem>>, vector<1x1x16xf32>,
        %get3A_1584 = vector.shape_cast %get3A_1583 : vector<1x1x16xf32> to vector<16xf32>
        %add3A_1585 = arith.addf %add3A_1578, %get3A_1584 : vector<16xf32>
        %get3A_1586 = arith.constant 19 : i32
        %get3A_1587 = arith.index_cast %get3A_1586 : i32 to index
        %get3A_1588 = arith.index_cast %scan3A_670 : i32 to index
        %get3A_1589 = arith.constant 64 : index
        %get3A_1590 = tpu.vector_load %arg6[%get3A_1587, %get3A_1588, %get3A_1589] {strides = array<i32>} : memref<27x32x128xf32, #tpu.memory_space<vmem>>, vector<1x1x16xf32>,
        %get3A_1591 = vector.shape_cast %get3A_1590 : vector<1x1x16xf32> to vector<16xf32>
        %add3A_1592 = arith.addf %add3A_1585, %get3A_1591 : vector<16xf32>
        %get3A_1593 = arith.constant 20 : i32
        %get3A_1594 = arith.index_cast %get3A_1593 : i32 to index
        %get3A_1595 = arith.index_cast %scan3A_670 : i32 to index
        %get3A_1596 = arith.constant 64 : index
        %get3A_1597 = tpu.vector_load %arg6[%get3A_1594, %get3A_1595, %get3A_1596] {strides = array<i32>} : memref<27x32x128xf32, #tpu.memory_space<vmem>>, vector<1x1x16xf32>,
        %get3A_1598 = vector.shape_cast %get3A_1597 : vector<1x1x16xf32> to vector<16xf32>
        %add3A_1599 = arith.addf %add3A_1592, %get3A_1598 : vector<16xf32>
        %get3A_1600 = arith.constant 21 : i32
        %get3A_1601 = arith.index_cast %get3A_1600 : i32 to index
        %get3A_1602 = arith.index_cast %scan3A_670 : i32 to index
        %get3A_1603 = arith.constant 64 : index
        %get3A_1604 = tpu.vector_load %arg6[%get3A_1601, %get3A_1602, %get3A_1603] {strides = array<i32>} : memref<27x32x128xf32, #tpu.memory_space<vmem>>, vector<1x1x16xf32>,
        %get3A_1605 = vector.shape_cast %get3A_1604 : vector<1x1x16xf32> to vector<16xf32>
        %add3A_1606 = arith.addf %add3A_1599, %get3A_1605 : vector<16xf32>
        %get3A_1607 = arith.constant 22 : i32
        %get3A_1608 = arith.index_cast %get3A_1607 : i32 to index
        %get3A_1609 = arith.index_cast %scan3A_670 : i32 to index
        %get3A_1610 = arith.constant 64 : index
        %get3A_1611 = tpu.vector_load %arg6[%get3A_1608, %get3A_1609, %get3A_1610] {strides = array<i32>} : memref<27x32x128xf32, #tpu.memory_space<vmem>>, vector<1x1x16xf32>,
        %get3A_1612 = vector.shape_cast %get3A_1611 : vector<1x1x16xf32> to vector<16xf32>
        %add3A_1613 = arith.addf %add3A_1606, %get3A_1612 : vector<16xf32>
        %get3A_1614 = arith.constant 23 : i32
        %get3A_1615 = arith.index_cast %get3A_1614 : i32 to index
        %get3A_1616 = arith.index_cast %scan3A_670 : i32 to index
        %get3A_1617 = arith.constant 64 : index
        %get3A_1618 = tpu.vector_load %arg6[%get3A_1615, %get3A_1616, %get3A_1617] {strides = array<i32>} : memref<27x32x128xf32, #tpu.memory_space<vmem>>, vector<1x1x16xf32>,
        %get3A_1619 = vector.shape_cast %get3A_1618 : vector<1x1x16xf32> to vector<16xf32>
        %add3A_1620 = arith.addf %add3A_1613, %get3A_1619 : vector<16xf32>
        %get3A_1621 = arith.constant 24 : i32
        %get3A_1622 = arith.index_cast %get3A_1621 : i32 to index
        %get3A_1623 = arith.index_cast %scan3A_670 : i32 to index
        %get3A_1624 = arith.constant 64 : index
        %get3A_1625 = tpu.vector_load %arg6[%get3A_1622, %get3A_1623, %get3A_1624] {strides = array<i32>} : memref<27x32x128xf32, #tpu.memory_space<vmem>>, vector<1x1x16xf32>,
        %get3A_1626 = vector.shape_cast %get3A_1625 : vector<1x1x16xf32> to vector<16xf32>
        %add3A_1627 = arith.addf %add3A_1620, %get3A_1626 : vector<16xf32>
        %get3A_1628 = arith.constant 25 : i32
        %get3A_1629 = arith.index_cast %get3A_1628 : i32 to index
        %get3A_1630 = arith.index_cast %scan3A_670 : i32 to index
        %get3A_1631 = arith.constant 64 : index
        %get3A_1632 = tpu.vector_load %arg6[%get3A_1629, %get3A_1630, %get3A_1631] {strides = array<i32>} : memref<27x32x128xf32, #tpu.memory_space<vmem>>, vector<1x1x16xf32>,
        %get3A_1633 = vector.shape_cast %get3A_1632 : vector<1x1x16xf32> to vector<16xf32>
        %add3A_1634 = arith.addf %add3A_1627, %get3A_1633 : vector<16xf32>
        %get3A_1635 = arith.constant 26 : i32
        %get3A_1636 = arith.index_cast %get3A_1635 : i32 to index
        %get3A_1637 = arith.index_cast %scan3A_670 : i32 to index
        %get3A_1638 = arith.constant 64 : index
        %get3A_1639 = tpu.vector_load %arg6[%get3A_1636, %get3A_1637, %get3A_1638] {strides = array<i32>} : memref<27x32x128xf32, #tpu.memory_space<vmem>>, vector<1x1x16xf32>,
        %get3A_1640 = vector.shape_cast %get3A_1639 : vector<1x1x16xf32> to vector<16xf32>
        %add3A_1641 = arith.addf %add3A_1634, %get3A_1640 : vector<16xf32>
        %mul3A_1642 = arith.constant 128 : i32
        %mul3A_1643 = arith.muli %scan3A_670, %mul3A_1642 : i32
        %add3A_1644 = arith.constant 64 : i32
        %add3A_1645 = arith.addi %mul3A_1643, %add3A_1644 : i32
        %swap3A_1646 = arith.index_cast %add3A_1645 : i32 to index
        %swap3A_1647 = tpu.vector_load %arg7[%swap3A_1646] {strides = array<i32>} : memref<4096xf32, #tpu.memory_space<vmem>>, vector<16xf32>,
        %swap3A_1648 = vector.shape_cast %swap3A_1647 : vector<16xf32> to vector<16xf32>
        %swap3A_1649 = vector.shape_cast %add3A_1641 : vector<16xf32> to vector<16xf32>
        tpu.vector_store %arg7[%swap3A_1646], %swap3A_1649 {strides = array<i32>} : memref<4096xf32, #tpu.memory_space<vmem>>, vector<16xf32>,
        %get3A_1650 = arith.constant 0 : i32
        %get3A_1651 = arith.index_cast %get3A_1650 : i32 to index
        %get3A_1652 = arith.index_cast %scan3A_670 : i32 to index
        %get3A_1653 = arith.constant 80 : index
        %get3A_1654 = tpu.vector_load %arg6[%get3A_1651, %get3A_1652, %get3A_1653] {strides = array<i32>} : memref<27x32x128xf32, #tpu.memory_space<vmem>>, vector<1x1x16xf32>,
        %get3A_1655 = vector.shape_cast %get3A_1654 : vector<1x1x16xf32> to vector<16xf32>
        %get3A_1656 = arith.constant 1 : i32
        %get3A_1657 = arith.index_cast %get3A_1656 : i32 to index
        %get3A_1658 = arith.index_cast %scan3A_670 : i32 to index
        %get3A_1659 = arith.constant 80 : index
        %get3A_1660 = tpu.vector_load %arg6[%get3A_1657, %get3A_1658, %get3A_1659] {strides = array<i32>} : memref<27x32x128xf32, #tpu.memory_space<vmem>>, vector<1x1x16xf32>,
        %get3A_1661 = vector.shape_cast %get3A_1660 : vector<1x1x16xf32> to vector<16xf32>
        %add3A_1662 = arith.addf %get3A_1655, %get3A_1661 : vector<16xf32>
        %get3A_1663 = arith.constant 2 : i32
        %get3A_1664 = arith.index_cast %get3A_1663 : i32 to index
        %get3A_1665 = arith.index_cast %scan3A_670 : i32 to index
        %get3A_1666 = arith.constant 80 : index
        %get3A_1667 = tpu.vector_load %arg6[%get3A_1664, %get3A_1665, %get3A_1666] {strides = array<i32>} : memref<27x32x128xf32, #tpu.memory_space<vmem>>, vector<1x1x16xf32>,
        %get3A_1668 = vector.shape_cast %get3A_1667 : vector<1x1x16xf32> to vector<16xf32>
        %add3A_1669 = arith.addf %add3A_1662, %get3A_1668 : vector<16xf32>
        %get3A_1670 = arith.constant 3 : i32
        %get3A_1671 = arith.index_cast %get3A_1670 : i32 to index
        %get3A_1672 = arith.index_cast %scan3A_670 : i32 to index
        %get3A_1673 = arith.constant 80 : index
        %get3A_1674 = tpu.vector_load %arg6[%get3A_1671, %get3A_1672, %get3A_1673] {strides = array<i32>} : memref<27x32x128xf32, #tpu.memory_space<vmem>>, vector<1x1x16xf32>,
        %get3A_1675 = vector.shape_cast %get3A_1674 : vector<1x1x16xf32> to vector<16xf32>
        %add3A_1676 = arith.addf %add3A_1669, %get3A_1675 : vector<16xf32>
        %get3A_1677 = arith.constant 4 : i32
        %get3A_1678 = arith.index_cast %get3A_1677 : i32 to index
        %get3A_1679 = arith.index_cast %scan3A_670 : i32 to index
        %get3A_1680 = arith.constant 80 : index
        %get3A_1681 = tpu.vector_load %arg6[%get3A_1678, %get3A_1679, %get3A_1680] {strides = array<i32>} : memref<27x32x128xf32, #tpu.memory_space<vmem>>, vector<1x1x16xf32>,
        %get3A_1682 = vector.shape_cast %get3A_1681 : vector<1x1x16xf32> to vector<16xf32>
        %add3A_1683 = arith.addf %add3A_1676, %get3A_1682 : vector<16xf32>
        %get3A_1684 = arith.constant 5 : i32
        %get3A_1685 = arith.index_cast %get3A_1684 : i32 to index
        %get3A_1686 = arith.index_cast %scan3A_670 : i32 to index
        %get3A_1687 = arith.constant 80 : index
        %get3A_1688 = tpu.vector_load %arg6[%get3A_1685, %get3A_1686, %get3A_1687] {strides = array<i32>} : memref<27x32x128xf32, #tpu.memory_space<vmem>>, vector<1x1x16xf32>,
        %get3A_1689 = vector.shape_cast %get3A_1688 : vector<1x1x16xf32> to vector<16xf32>
        %add3A_1690 = arith.addf %add3A_1683, %get3A_1689 : vector<16xf32>
        %get3A_1691 = arith.constant 6 : i32
        %get3A_1692 = arith.index_cast %get3A_1691 : i32 to index
        %get3A_1693 = arith.index_cast %scan3A_670 : i32 to index
        %get3A_1694 = arith.constant 80 : index
        %get3A_1695 = tpu.vector_load %arg6[%get3A_1692, %get3A_1693, %get3A_1694] {strides = array<i32>} : memref<27x32x128xf32, #tpu.memory_space<vmem>>, vector<1x1x16xf32>,
        %get3A_1696 = vector.shape_cast %get3A_1695 : vector<1x1x16xf32> to vector<16xf32>
        %add3A_1697 = arith.addf %add3A_1690, %get3A_1696 : vector<16xf32>
        %get3A_1698 = arith.constant 7 : i32
        %get3A_1699 = arith.index_cast %get3A_1698 : i32 to index
        %get3A_1700 = arith.index_cast %scan3A_670 : i32 to index
        %get3A_1701 = arith.constant 80 : index
        %get3A_1702 = tpu.vector_load %arg6[%get3A_1699, %get3A_1700, %get3A_1701] {strides = array<i32>} : memref<27x32x128xf32, #tpu.memory_space<vmem>>, vector<1x1x16xf32>,
        %get3A_1703 = vector.shape_cast %get3A_1702 : vector<1x1x16xf32> to vector<16xf32>
        %add3A_1704 = arith.addf %add3A_1697, %get3A_1703 : vector<16xf32>
        %get3A_1705 = arith.constant 8 : i32
        %get3A_1706 = arith.index_cast %get3A_1705 : i32 to index
        %get3A_1707 = arith.index_cast %scan3A_670 : i32 to index
        %get3A_1708 = arith.constant 80 : index
        %get3A_1709 = tpu.vector_load %arg6[%get3A_1706, %get3A_1707, %get3A_1708] {strides = array<i32>} : memref<27x32x128xf32, #tpu.memory_space<vmem>>, vector<1x1x16xf32>,
        %get3A_1710 = vector.shape_cast %get3A_1709 : vector<1x1x16xf32> to vector<16xf32>
        %add3A_1711 = arith.addf %add3A_1704, %get3A_1710 : vector<16xf32>
        %get3A_1712 = arith.constant 9 : i32
        %get3A_1713 = arith.index_cast %get3A_1712 : i32 to index
        %get3A_1714 = arith.index_cast %scan3A_670 : i32 to index
        %get3A_1715 = arith.constant 80 : index
        %get3A_1716 = tpu.vector_load %arg6[%get3A_1713, %get3A_1714, %get3A_1715] {strides = array<i32>} : memref<27x32x128xf32, #tpu.memory_space<vmem>>, vector<1x1x16xf32>,
        %get3A_1717 = vector.shape_cast %get3A_1716 : vector<1x1x16xf32> to vector<16xf32>
        %add3A_1718 = arith.addf %add3A_1711, %get3A_1717 : vector<16xf32>
        %get3A_1719 = arith.constant 10 : i32
        %get3A_1720 = arith.index_cast %get3A_1719 : i32 to index
        %get3A_1721 = arith.index_cast %scan3A_670 : i32 to index
        %get3A_1722 = arith.constant 80 : index
        %get3A_1723 = tpu.vector_load %arg6[%get3A_1720, %get3A_1721, %get3A_1722] {strides = array<i32>} : memref<27x32x128xf32, #tpu.memory_space<vmem>>, vector<1x1x16xf32>,
        %get3A_1724 = vector.shape_cast %get3A_1723 : vector<1x1x16xf32> to vector<16xf32>
        %add3A_1725 = arith.addf %add3A_1718, %get3A_1724 : vector<16xf32>
        %get3A_1726 = arith.constant 11 : i32
        %get3A_1727 = arith.index_cast %get3A_1726 : i32 to index
        %get3A_1728 = arith.index_cast %scan3A_670 : i32 to index
        %get3A_1729 = arith.constant 80 : index
        %get3A_1730 = tpu.vector_load %arg6[%get3A_1727, %get3A_1728, %get3A_1729] {strides = array<i32>} : memref<27x32x128xf32, #tpu.memory_space<vmem>>, vector<1x1x16xf32>,
        %get3A_1731 = vector.shape_cast %get3A_1730 : vector<1x1x16xf32> to vector<16xf32>
        %add3A_1732 = arith.addf %add3A_1725, %get3A_1731 : vector<16xf32>
        %get3A_1733 = arith.constant 12 : i32
        %get3A_1734 = arith.index_cast %get3A_1733 : i32 to index
        %get3A_1735 = arith.index_cast %scan3A_670 : i32 to index
        %get3A_1736 = arith.constant 80 : index
        %get3A_1737 = tpu.vector_load %arg6[%get3A_1734, %get3A_1735, %get3A_1736] {strides = array<i32>} : memref<27x32x128xf32, #tpu.memory_space<vmem>>, vector<1x1x16xf32>,
        %get3A_1738 = vector.shape_cast %get3A_1737 : vector<1x1x16xf32> to vector<16xf32>
        %add3A_1739 = arith.addf %add3A_1732, %get3A_1738 : vector<16xf32>
        %get3A_1740 = arith.constant 13 : i32
        %get3A_1741 = arith.index_cast %get3A_1740 : i32 to index
        %get3A_1742 = arith.index_cast %scan3A_670 : i32 to index
        %get3A_1743 = arith.constant 80 : index
        %get3A_1744 = tpu.vector_load %arg6[%get3A_1741, %get3A_1742, %get3A_1743] {strides = array<i32>} : memref<27x32x128xf32, #tpu.memory_space<vmem>>, vector<1x1x16xf32>,
        %get3A_1745 = vector.shape_cast %get3A_1744 : vector<1x1x16xf32> to vector<16xf32>
        %add3A_1746 = arith.addf %add3A_1739, %get3A_1745 : vector<16xf32>
        %get3A_1747 = arith.constant 14 : i32
        %get3A_1748 = arith.index_cast %get3A_1747 : i32 to index
        %get3A_1749 = arith.index_cast %scan3A_670 : i32 to index
        %get3A_1750 = arith.constant 80 : index
        %get3A_1751 = tpu.vector_load %arg6[%get3A_1748, %get3A_1749, %get3A_1750] {strides = array<i32>} : memref<27x32x128xf32, #tpu.memory_space<vmem>>, vector<1x1x16xf32>,
        %get3A_1752 = vector.shape_cast %get3A_1751 : vector<1x1x16xf32> to vector<16xf32>
        %add3A_1753 = arith.addf %add3A_1746, %get3A_1752 : vector<16xf32>
        %get3A_1754 = arith.constant 15 : i32
        %get3A_1755 = arith.index_cast %get3A_1754 : i32 to index
        %get3A_1756 = arith.index_cast %scan3A_670 : i32 to index
        %get3A_1757 = arith.constant 80 : index
        %get3A_1758 = tpu.vector_load %arg6[%get3A_1755, %get3A_1756, %get3A_1757] {strides = array<i32>} : memref<27x32x128xf32, #tpu.memory_space<vmem>>, vector<1x1x16xf32>,
        %get3A_1759 = vector.shape_cast %get3A_1758 : vector<1x1x16xf32> to vector<16xf32>
        %add3A_1760 = arith.addf %add3A_1753, %get3A_1759 : vector<16xf32>
        %get3A_1761 = arith.constant 16 : i32
        %get3A_1762 = arith.index_cast %get3A_1761 : i32 to index
        %get3A_1763 = arith.index_cast %scan3A_670 : i32 to index
        %get3A_1764 = arith.constant 80 : index
        %get3A_1765 = tpu.vector_load %arg6[%get3A_1762, %get3A_1763, %get3A_1764] {strides = array<i32>} : memref<27x32x128xf32, #tpu.memory_space<vmem>>, vector<1x1x16xf32>,
        %get3A_1766 = vector.shape_cast %get3A_1765 : vector<1x1x16xf32> to vector<16xf32>
        %add3A_1767 = arith.addf %add3A_1760, %get3A_1766 : vector<16xf32>
        %get3A_1768 = arith.constant 17 : i32
        %get3A_1769 = arith.index_cast %get3A_1768 : i32 to index
        %get3A_1770 = arith.index_cast %scan3A_670 : i32 to index
        %get3A_1771 = arith.constant 80 : index
        %get3A_1772 = tpu.vector_load %arg6[%get3A_1769, %get3A_1770, %get3A_1771] {strides = array<i32>} : memref<27x32x128xf32, #tpu.memory_space<vmem>>, vector<1x1x16xf32>,
        %get3A_1773 = vector.shape_cast %get3A_1772 : vector<1x1x16xf32> to vector<16xf32>
        %add3A_1774 = arith.addf %add3A_1767, %get3A_1773 : vector<16xf32>
        %get3A_1775 = arith.constant 18 : i32
        %get3A_1776 = arith.index_cast %get3A_1775 : i32 to index
        %get3A_1777 = arith.index_cast %scan3A_670 : i32 to index
        %get3A_1778 = arith.constant 80 : index
        %get3A_1779 = tpu.vector_load %arg6[%get3A_1776, %get3A_1777, %get3A_1778] {strides = array<i32>} : memref<27x32x128xf32, #tpu.memory_space<vmem>>, vector<1x1x16xf32>,
        %get3A_1780 = vector.shape_cast %get3A_1779 : vector<1x1x16xf32> to vector<16xf32>
        %add3A_1781 = arith.addf %add3A_1774, %get3A_1780 : vector<16xf32>
        %get3A_1782 = arith.constant 19 : i32
        %get3A_1783 = arith.index_cast %get3A_1782 : i32 to index
        %get3A_1784 = arith.index_cast %scan3A_670 : i32 to index
        %get3A_1785 = arith.constant 80 : index
        %get3A_1786 = tpu.vector_load %arg6[%get3A_1783, %get3A_1784, %get3A_1785] {strides = array<i32>} : memref<27x32x128xf32, #tpu.memory_space<vmem>>, vector<1x1x16xf32>,
        %get3A_1787 = vector.shape_cast %get3A_1786 : vector<1x1x16xf32> to vector<16xf32>
        %add3A_1788 = arith.addf %add3A_1781, %get3A_1787 : vector<16xf32>
        %get3A_1789 = arith.constant 20 : i32
        %get3A_1790 = arith.index_cast %get3A_1789 : i32 to index
        %get3A_1791 = arith.index_cast %scan3A_670 : i32 to index
        %get3A_1792 = arith.constant 80 : index
        %get3A_1793 = tpu.vector_load %arg6[%get3A_1790, %get3A_1791, %get3A_1792] {strides = array<i32>} : memref<27x32x128xf32, #tpu.memory_space<vmem>>, vector<1x1x16xf32>,
        %get3A_1794 = vector.shape_cast %get3A_1793 : vector<1x1x16xf32> to vector<16xf32>
        %add3A_1795 = arith.addf %add3A_1788, %get3A_1794 : vector<16xf32>
        %get3A_1796 = arith.constant 21 : i32
        %get3A_1797 = arith.index_cast %get3A_1796 : i32 to index
        %get3A_1798 = arith.index_cast %scan3A_670 : i32 to index
        %get3A_1799 = arith.constant 80 : index
        %get3A_1800 = tpu.vector_load %arg6[%get3A_1797, %get3A_1798, %get3A_1799] {strides = array<i32>} : memref<27x32x128xf32, #tpu.memory_space<vmem>>, vector<1x1x16xf32>,
        %get3A_1801 = vector.shape_cast %get3A_1800 : vector<1x1x16xf32> to vector<16xf32>
        %add3A_1802 = arith.addf %add3A_1795, %get3A_1801 : vector<16xf32>
        %get3A_1803 = arith.constant 22 : i32
        %get3A_1804 = arith.index_cast %get3A_1803 : i32 to index
        %get3A_1805 = arith.index_cast %scan3A_670 : i32 to index
        %get3A_1806 = arith.constant 80 : index
        %get3A_1807 = tpu.vector_load %arg6[%get3A_1804, %get3A_1805, %get3A_1806] {strides = array<i32>} : memref<27x32x128xf32, #tpu.memory_space<vmem>>, vector<1x1x16xf32>,
        %get3A_1808 = vector.shape_cast %get3A_1807 : vector<1x1x16xf32> to vector<16xf32>
        %add3A_1809 = arith.addf %add3A_1802, %get3A_1808 : vector<16xf32>
        %get3A_1810 = arith.constant 23 : i32
        %get3A_1811 = arith.index_cast %get3A_1810 : i32 to index
        %get3A_1812 = arith.index_cast %scan3A_670 : i32 to index
        %get3A_1813 = arith.constant 80 : index
        %get3A_1814 = tpu.vector_load %arg6[%get3A_1811, %get3A_1812, %get3A_1813] {strides = array<i32>} : memref<27x32x128xf32, #tpu.memory_space<vmem>>, vector<1x1x16xf32>,
        %get3A_1815 = vector.shape_cast %get3A_1814 : vector<1x1x16xf32> to vector<16xf32>
        %add3A_1816 = arith.addf %add3A_1809, %get3A_1815 : vector<16xf32>
        %get3A_1817 = arith.constant 24 : i32
        %get3A_1818 = arith.index_cast %get3A_1817 : i32 to index
        %get3A_1819 = arith.index_cast %scan3A_670 : i32 to index
        %get3A_1820 = arith.constant 80 : index
        %get3A_1821 = tpu.vector_load %arg6[%get3A_1818, %get3A_1819, %get3A_1820] {strides = array<i32>} : memref<27x32x128xf32, #tpu.memory_space<vmem>>, vector<1x1x16xf32>,
        %get3A_1822 = vector.shape_cast %get3A_1821 : vector<1x1x16xf32> to vector<16xf32>
        %add3A_1823 = arith.addf %add3A_1816, %get3A_1822 : vector<16xf32>
        %get3A_1824 = arith.constant 25 : i32
        %get3A_1825 = arith.index_cast %get3A_1824 : i32 to index
        %get3A_1826 = arith.index_cast %scan3A_670 : i32 to index
        %get3A_1827 = arith.constant 80 : index
        %get3A_1828 = tpu.vector_load %arg6[%get3A_1825, %get3A_1826, %get3A_1827] {strides = array<i32>} : memref<27x32x128xf32, #tpu.memory_space<vmem>>, vector<1x1x16xf32>,
        %get3A_1829 = vector.shape_cast %get3A_1828 : vector<1x1x16xf32> to vector<16xf32>
        %add3A_1830 = arith.addf %add3A_1823, %get3A_1829 : vector<16xf32>
        %get3A_1831 = arith.constant 26 : i32
        %get3A_1832 = arith.index_cast %get3A_1831 : i32 to index
        %get3A_1833 = arith.index_cast %scan3A_670 : i32 to index
        %get3A_1834 = arith.constant 80 : index
        %get3A_1835 = tpu.vector_load %arg6[%get3A_1832, %get3A_1833, %get3A_1834] {strides = array<i32>} : memref<27x32x128xf32, #tpu.memory_space<vmem>>, vector<1x1x16xf32>,
        %get3A_1836 = vector.shape_cast %get3A_1835 : vector<1x1x16xf32> to vector<16xf32>
        %add3A_1837 = arith.addf %add3A_1830, %get3A_1836 : vector<16xf32>
        %mul3A_1838 = arith.constant 128 : i32
        %mul3A_1839 = arith.muli %scan3A_670, %mul3A_1838 : i32
        %add3A_1840 = arith.constant 80 : i32
        %add3A_1841 = arith.addi %mul3A_1839, %add3A_1840 : i32
        %swap3A_1842 = arith.index_cast %add3A_1841 : i32 to index
        %swap3A_1843 = tpu.vector_load %arg7[%swap3A_1842] {strides = array<i32>} : memref<4096xf32, #tpu.memory_space<vmem>>, vector<16xf32>,
        %swap3A_1844 = vector.shape_cast %swap3A_1843 : vector<16xf32> to vector<16xf32>
        %swap3A_1845 = vector.shape_cast %add3A_1837 : vector<16xf32> to vector<16xf32>
        tpu.vector_store %arg7[%swap3A_1842], %swap3A_1845 {strides = array<i32>} : memref<4096xf32, #tpu.memory_space<vmem>>, vector<16xf32>,
        %get3A_1846 = arith.constant 0 : i32
        %get3A_1847 = arith.index_cast %get3A_1846 : i32 to index
        %get3A_1848 = arith.index_cast %scan3A_670 : i32 to index
        %get3A_1849 = arith.constant 96 : index
        %get3A_1850 = tpu.vector_load %arg6[%get3A_1847, %get3A_1848, %get3A_1849] {strides = array<i32>} : memref<27x32x128xf32, #tpu.memory_space<vmem>>, vector<1x1x16xf32>,
        %get3A_1851 = vector.shape_cast %get3A_1850 : vector<1x1x16xf32> to vector<16xf32>
        %get3A_1852 = arith.constant 1 : i32
        %get3A_1853 = arith.index_cast %get3A_1852 : i32 to index
        %get3A_1854 = arith.index_cast %scan3A_670 : i32 to index
        %get3A_1855 = arith.constant 96 : index
        %get3A_1856 = tpu.vector_load %arg6[%get3A_1853, %get3A_1854, %get3A_1855] {strides = array<i32>} : memref<27x32x128xf32, #tpu.memory_space<vmem>>, vector<1x1x16xf32>,
        %get3A_1857 = vector.shape_cast %get3A_1856 : vector<1x1x16xf32> to vector<16xf32>
        %add3A_1858 = arith.addf %get3A_1851, %get3A_1857 : vector<16xf32>
        %get3A_1859 = arith.constant 2 : i32
        %get3A_1860 = arith.index_cast %get3A_1859 : i32 to index
        %get3A_1861 = arith.index_cast %scan3A_670 : i32 to index
        %get3A_1862 = arith.constant 96 : index
        %get3A_1863 = tpu.vector_load %arg6[%get3A_1860, %get3A_1861, %get3A_1862] {strides = array<i32>} : memref<27x32x128xf32, #tpu.memory_space<vmem>>, vector<1x1x16xf32>,
        %get3A_1864 = vector.shape_cast %get3A_1863 : vector<1x1x16xf32> to vector<16xf32>
        %add3A_1865 = arith.addf %add3A_1858, %get3A_1864 : vector<16xf32>
        %get3A_1866 = arith.constant 3 : i32
        %get3A_1867 = arith.index_cast %get3A_1866 : i32 to index
        %get3A_1868 = arith.index_cast %scan3A_670 : i32 to index
        %get3A_1869 = arith.constant 96 : index
        %get3A_1870 = tpu.vector_load %arg6[%get3A_1867, %get3A_1868, %get3A_1869] {strides = array<i32>} : memref<27x32x128xf32, #tpu.memory_space<vmem>>, vector<1x1x16xf32>,
        %get3A_1871 = vector.shape_cast %get3A_1870 : vector<1x1x16xf32> to vector<16xf32>
        %add3A_1872 = arith.addf %add3A_1865, %get3A_1871 : vector<16xf32>
        %get3A_1873 = arith.constant 4 : i32
        %get3A_1874 = arith.index_cast %get3A_1873 : i32 to index
        %get3A_1875 = arith.index_cast %scan3A_670 : i32 to index
        %get3A_1876 = arith.constant 96 : index
        %get3A_1877 = tpu.vector_load %arg6[%get3A_1874, %get3A_1875, %get3A_1876] {strides = array<i32>} : memref<27x32x128xf32, #tpu.memory_space<vmem>>, vector<1x1x16xf32>,
        %get3A_1878 = vector.shape_cast %get3A_1877 : vector<1x1x16xf32> to vector<16xf32>
        %add3A_1879 = arith.addf %add3A_1872, %get3A_1878 : vector<16xf32>
        %get3A_1880 = arith.constant 5 : i32
        %get3A_1881 = arith.index_cast %get3A_1880 : i32 to index
        %get3A_1882 = arith.index_cast %scan3A_670 : i32 to index
        %get3A_1883 = arith.constant 96 : index
        %get3A_1884 = tpu.vector_load %arg6[%get3A_1881, %get3A_1882, %get3A_1883] {strides = array<i32>} : memref<27x32x128xf32, #tpu.memory_space<vmem>>, vector<1x1x16xf32>,
        %get3A_1885 = vector.shape_cast %get3A_1884 : vector<1x1x16xf32> to vector<16xf32>
        %add3A_1886 = arith.addf %add3A_1879, %get3A_1885 : vector<16xf32>
        %get3A_1887 = arith.constant 6 : i32
        %get3A_1888 = arith.index_cast %get3A_1887 : i32 to index
        %get3A_1889 = arith.index_cast %scan3A_670 : i32 to index
        %get3A_1890 = arith.constant 96 : index
        %get3A_1891 = tpu.vector_load %arg6[%get3A_1888, %get3A_1889, %get3A_1890] {strides = array<i32>} : memref<27x32x128xf32, #tpu.memory_space<vmem>>, vector<1x1x16xf32>,
        %get3A_1892 = vector.shape_cast %get3A_1891 : vector<1x1x16xf32> to vector<16xf32>
        %add3A_1893 = arith.addf %add3A_1886, %get3A_1892 : vector<16xf32>
        %get3A_1894 = arith.constant 7 : i32
        %get3A_1895 = arith.index_cast %get3A_1894 : i32 to index
        %get3A_1896 = arith.index_cast %scan3A_670 : i32 to index
        %get3A_1897 = arith.constant 96 : index
        %get3A_1898 = tpu.vector_load %arg6[%get3A_1895, %get3A_1896, %get3A_1897] {strides = array<i32>} : memref<27x32x128xf32, #tpu.memory_space<vmem>>, vector<1x1x16xf32>,
        %get3A_1899 = vector.shape_cast %get3A_1898 : vector<1x1x16xf32> to vector<16xf32>
        %add3A_1900 = arith.addf %add3A_1893, %get3A_1899 : vector<16xf32>
        %get3A_1901 = arith.constant 8 : i32
        %get3A_1902 = arith.index_cast %get3A_1901 : i32 to index
        %get3A_1903 = arith.index_cast %scan3A_670 : i32 to index
        %get3A_1904 = arith.constant 96 : index
        %get3A_1905 = tpu.vector_load %arg6[%get3A_1902, %get3A_1903, %get3A_1904] {strides = array<i32>} : memref<27x32x128xf32, #tpu.memory_space<vmem>>, vector<1x1x16xf32>,
        %get3A_1906 = vector.shape_cast %get3A_1905 : vector<1x1x16xf32> to vector<16xf32>
        %add3A_1907 = arith.addf %add3A_1900, %get3A_1906 : vector<16xf32>
        %get3A_1908 = arith.constant 9 : i32
        %get3A_1909 = arith.index_cast %get3A_1908 : i32 to index
        %get3A_1910 = arith.index_cast %scan3A_670 : i32 to index
        %get3A_1911 = arith.constant 96 : index
        %get3A_1912 = tpu.vector_load %arg6[%get3A_1909, %get3A_1910, %get3A_1911] {strides = array<i32>} : memref<27x32x128xf32, #tpu.memory_space<vmem>>, vector<1x1x16xf32>,
        %get3A_1913 = vector.shape_cast %get3A_1912 : vector<1x1x16xf32> to vector<16xf32>
        %add3A_1914 = arith.addf %add3A_1907, %get3A_1913 : vector<16xf32>
        %get3A_1915 = arith.constant 10 : i32
        %get3A_1916 = arith.index_cast %get3A_1915 : i32 to index
        %get3A_1917 = arith.index_cast %scan3A_670 : i32 to index
        %get3A_1918 = arith.constant 96 : index
        %get3A_1919 = tpu.vector_load %arg6[%get3A_1916, %get3A_1917, %get3A_1918] {strides = array<i32>} : memref<27x32x128xf32, #tpu.memory_space<vmem>>, vector<1x1x16xf32>,
        %get3A_1920 = vector.shape_cast %get3A_1919 : vector<1x1x16xf32> to vector<16xf32>
        %add3A_1921 = arith.addf %add3A_1914, %get3A_1920 : vector<16xf32>
        %get3A_1922 = arith.constant 11 : i32
        %get3A_1923 = arith.index_cast %get3A_1922 : i32 to index
        %get3A_1924 = arith.index_cast %scan3A_670 : i32 to index
        %get3A_1925 = arith.constant 96 : index
        %get3A_1926 = tpu.vector_load %arg6[%get3A_1923, %get3A_1924, %get3A_1925] {strides = array<i32>} : memref<27x32x128xf32, #tpu.memory_space<vmem>>, vector<1x1x16xf32>,
        %get3A_1927 = vector.shape_cast %get3A_1926 : vector<1x1x16xf32> to vector<16xf32>
        %add3A_1928 = arith.addf %add3A_1921, %get3A_1927 : vector<16xf32>
        %get3A_1929 = arith.constant 12 : i32
        %get3A_1930 = arith.index_cast %get3A_1929 : i32 to index
        %get3A_1931 = arith.index_cast %scan3A_670 : i32 to index
        %get3A_1932 = arith.constant 96 : index
        %get3A_1933 = tpu.vector_load %arg6[%get3A_1930, %get3A_1931, %get3A_1932] {strides = array<i32>} : memref<27x32x128xf32, #tpu.memory_space<vmem>>, vector<1x1x16xf32>,
        %get3A_1934 = vector.shape_cast %get3A_1933 : vector<1x1x16xf32> to vector<16xf32>
        %add3A_1935 = arith.addf %add3A_1928, %get3A_1934 : vector<16xf32>
        %get3A_1936 = arith.constant 13 : i32
        %get3A_1937 = arith.index_cast %get3A_1936 : i32 to index
        %get3A_1938 = arith.index_cast %scan3A_670 : i32 to index
        %get3A_1939 = arith.constant 96 : index
        %get3A_1940 = tpu.vector_load %arg6[%get3A_1937, %get3A_1938, %get3A_1939] {strides = array<i32>} : memref<27x32x128xf32, #tpu.memory_space<vmem>>, vector<1x1x16xf32>,
        %get3A_1941 = vector.shape_cast %get3A_1940 : vector<1x1x16xf32> to vector<16xf32>
        %add3A_1942 = arith.addf %add3A_1935, %get3A_1941 : vector<16xf32>
        %get3A_1943 = arith.constant 14 : i32
        %get3A_1944 = arith.index_cast %get3A_1943 : i32 to index
        %get3A_1945 = arith.index_cast %scan3A_670 : i32 to index
        %get3A_1946 = arith.constant 96 : index
        %get3A_1947 = tpu.vector_load %arg6[%get3A_1944, %get3A_1945, %get3A_1946] {strides = array<i32>} : memref<27x32x128xf32, #tpu.memory_space<vmem>>, vector<1x1x16xf32>,
        %get3A_1948 = vector.shape_cast %get3A_1947 : vector<1x1x16xf32> to vector<16xf32>
        %add3A_1949 = arith.addf %add3A_1942, %get3A_1948 : vector<16xf32>
        %get3A_1950 = arith.constant 15 : i32
        %get3A_1951 = arith.index_cast %get3A_1950 : i32 to index
        %get3A_1952 = arith.index_cast %scan3A_670 : i32 to index
        %get3A_1953 = arith.constant 96 : index
        %get3A_1954 = tpu.vector_load %arg6[%get3A_1951, %get3A_1952, %get3A_1953] {strides = array<i32>} : memref<27x32x128xf32, #tpu.memory_space<vmem>>, vector<1x1x16xf32>,
        %get3A_1955 = vector.shape_cast %get3A_1954 : vector<1x1x16xf32> to vector<16xf32>
        %add3A_1956 = arith.addf %add3A_1949, %get3A_1955 : vector<16xf32>
        %get3A_1957 = arith.constant 16 : i32
        %get3A_1958 = arith.index_cast %get3A_1957 : i32 to index
        %get3A_1959 = arith.index_cast %scan3A_670 : i32 to index
        %get3A_1960 = arith.constant 96 : index
        %get3A_1961 = tpu.vector_load %arg6[%get3A_1958, %get3A_1959, %get3A_1960] {strides = array<i32>} : memref<27x32x128xf32, #tpu.memory_space<vmem>>, vector<1x1x16xf32>,
        %get3A_1962 = vector.shape_cast %get3A_1961 : vector<1x1x16xf32> to vector<16xf32>
        %add3A_1963 = arith.addf %add3A_1956, %get3A_1962 : vector<16xf32>
        %get3A_1964 = arith.constant 17 : i32
        %get3A_1965 = arith.index_cast %get3A_1964 : i32 to index
        %get3A_1966 = arith.index_cast %scan3A_670 : i32 to index
        %get3A_1967 = arith.constant 96 : index
        %get3A_1968 = tpu.vector_load %arg6[%get3A_1965, %get3A_1966, %get3A_1967] {strides = array<i32>} : memref<27x32x128xf32, #tpu.memory_space<vmem>>, vector<1x1x16xf32>,
        %get3A_1969 = vector.shape_cast %get3A_1968 : vector<1x1x16xf32> to vector<16xf32>
        %add3A_1970 = arith.addf %add3A_1963, %get3A_1969 : vector<16xf32>
        %get3A_1971 = arith.constant 18 : i32
        %get3A_1972 = arith.index_cast %get3A_1971 : i32 to index
        %get3A_1973 = arith.index_cast %scan3A_670 : i32 to index
        %get3A_1974 = arith.constant 96 : index
        %get3A_1975 = tpu.vector_load %arg6[%get3A_1972, %get3A_1973, %get3A_1974] {strides = array<i32>} : memref<27x32x128xf32, #tpu.memory_space<vmem>>, vector<1x1x16xf32>,
        %get3A_1976 = vector.shape_cast %get3A_1975 : vector<1x1x16xf32> to vector<16xf32>
        %add3A_1977 = arith.addf %add3A_1970, %get3A_1976 : vector<16xf32>
        %get3A_1978 = arith.constant 19 : i32
        %get3A_1979 = arith.index_cast %get3A_1978 : i32 to index
        %get3A_1980 = arith.index_cast %scan3A_670 : i32 to index
        %get3A_1981 = arith.constant 96 : index
        %get3A_1982 = tpu.vector_load %arg6[%get3A_1979, %get3A_1980, %get3A_1981] {strides = array<i32>} : memref<27x32x128xf32, #tpu.memory_space<vmem>>, vector<1x1x16xf32>,
        %get3A_1983 = vector.shape_cast %get3A_1982 : vector<1x1x16xf32> to vector<16xf32>
        %add3A_1984 = arith.addf %add3A_1977, %get3A_1983 : vector<16xf32>
        %get3A_1985 = arith.constant 20 : i32
        %get3A_1986 = arith.index_cast %get3A_1985 : i32 to index
        %get3A_1987 = arith.index_cast %scan3A_670 : i32 to index
        %get3A_1988 = arith.constant 96 : index
        %get3A_1989 = tpu.vector_load %arg6[%get3A_1986, %get3A_1987, %get3A_1988] {strides = array<i32>} : memref<27x32x128xf32, #tpu.memory_space<vmem>>, vector<1x1x16xf32>,
        %get3A_1990 = vector.shape_cast %get3A_1989 : vector<1x1x16xf32> to vector<16xf32>
        %add3A_1991 = arith.addf %add3A_1984, %get3A_1990 : vector<16xf32>
        %get3A_1992 = arith.constant 21 : i32
        %get3A_1993 = arith.index_cast %get3A_1992 : i32 to index
        %get3A_1994 = arith.index_cast %scan3A_670 : i32 to index
        %get3A_1995 = arith.constant 96 : index
        %get3A_1996 = tpu.vector_load %arg6[%get3A_1993, %get3A_1994, %get3A_1995] {strides = array<i32>} : memref<27x32x128xf32, #tpu.memory_space<vmem>>, vector<1x1x16xf32>,
        %get3A_1997 = vector.shape_cast %get3A_1996 : vector<1x1x16xf32> to vector<16xf32>
        %add3A_1998 = arith.addf %add3A_1991, %get3A_1997 : vector<16xf32>
        %get3A_1999 = arith.constant 22 : i32
        %get3A_2000 = arith.index_cast %get3A_1999 : i32 to index
        %get3A_2001 = arith.index_cast %scan3A_670 : i32 to index
        %get3A_2002 = arith.constant 96 : index
        %get3A_2003 = tpu.vector_load %arg6[%get3A_2000, %get3A_2001, %get3A_2002] {strides = array<i32>} : memref<27x32x128xf32, #tpu.memory_space<vmem>>, vector<1x1x16xf32>,
        %get3A_2004 = vector.shape_cast %get3A_2003 : vector<1x1x16xf32> to vector<16xf32>
        %add3A_2005 = arith.addf %add3A_1998, %get3A_2004 : vector<16xf32>
        %get3A_2006 = arith.constant 23 : i32
        %get3A_2007 = arith.index_cast %get3A_2006 : i32 to index
        %get3A_2008 = arith.index_cast %scan3A_670 : i32 to index
        %get3A_2009 = arith.constant 96 : index
        %get3A_2010 = tpu.vector_load %arg6[%get3A_2007, %get3A_2008, %get3A_2009] {strides = array<i32>} : memref<27x32x128xf32, #tpu.memory_space<vmem>>, vector<1x1x16xf32>,
        %get3A_2011 = vector.shape_cast %get3A_2010 : vector<1x1x16xf32> to vector<16xf32>
        %add3A_2012 = arith.addf %add3A_2005, %get3A_2011 : vector<16xf32>
        %get3A_2013 = arith.constant 24 : i32
        %get3A_2014 = arith.index_cast %get3A_2013 : i32 to index
        %get3A_2015 = arith.index_cast %scan3A_670 : i32 to index
        %get3A_2016 = arith.constant 96 : index
        %get3A_2017 = tpu.vector_load %arg6[%get3A_2014, %get3A_2015, %get3A_2016] {strides = array<i32>} : memref<27x32x128xf32, #tpu.memory_space<vmem>>, vector<1x1x16xf32>,
        %get3A_2018 = vector.shape_cast %get3A_2017 : vector<1x1x16xf32> to vector<16xf32>
        %add3A_2019 = arith.addf %add3A_2012, %get3A_2018 : vector<16xf32>
        %get3A_2020 = arith.constant 25 : i32
        %get3A_2021 = arith.index_cast %get3A_2020 : i32 to index
        %get3A_2022 = arith.index_cast %scan3A_670 : i32 to index
        %get3A_2023 = arith.constant 96 : index
        %get3A_2024 = tpu.vector_load %arg6[%get3A_2021, %get3A_2022, %get3A_2023] {strides = array<i32>} : memref<27x32x128xf32, #tpu.memory_space<vmem>>, vector<1x1x16xf32>,
        %get3A_2025 = vector.shape_cast %get3A_2024 : vector<1x1x16xf32> to vector<16xf32>
        %add3A_2026 = arith.addf %add3A_2019, %get3A_2025 : vector<16xf32>
        %get3A_2027 = arith.constant 26 : i32
        %get3A_2028 = arith.index_cast %get3A_2027 : i32 to index
        %get3A_2029 = arith.index_cast %scan3A_670 : i32 to index
        %get3A_2030 = arith.constant 96 : index
        %get3A_2031 = tpu.vector_load %arg6[%get3A_2028, %get3A_2029, %get3A_2030] {strides = array<i32>} : memref<27x32x128xf32, #tpu.memory_space<vmem>>, vector<1x1x16xf32>,
        %get3A_2032 = vector.shape_cast %get3A_2031 : vector<1x1x16xf32> to vector<16xf32>
        %add3A_2033 = arith.addf %add3A_2026, %get3A_2032 : vector<16xf32>
        %mul3A_2034 = arith.constant 128 : i32
        %mul3A_2035 = arith.muli %scan3A_670, %mul3A_2034 : i32
        %add3A_2036 = arith.constant 96 : i32
        %add3A_2037 = arith.addi %mul3A_2035, %add3A_2036 : i32
        %swap3A_2038 = arith.index_cast %add3A_2037 : i32 to index
        %swap3A_2039 = tpu.vector_load %arg7[%swap3A_2038] {strides = array<i32>} : memref<4096xf32, #tpu.memory_space<vmem>>, vector<16xf32>,
        %swap3A_2040 = vector.shape_cast %swap3A_2039 : vector<16xf32> to vector<16xf32>
        %swap3A_2041 = vector.shape_cast %add3A_2033 : vector<16xf32> to vector<16xf32>
        tpu.vector_store %arg7[%swap3A_2038], %swap3A_2041 {strides = array<i32>} : memref<4096xf32, #tpu.memory_space<vmem>>, vector<16xf32>,
        %get3A_2042 = arith.constant 0 : i32
        %get3A_2043 = arith.index_cast %get3A_2042 : i32 to index
        %get3A_2044 = arith.index_cast %scan3A_670 : i32 to index
        %get3A_2045 = arith.constant 112 : index
        %get3A_2046 = tpu.vector_load %arg6[%get3A_2043, %get3A_2044, %get3A_2045] {strides = array<i32>} : memref<27x32x128xf32, #tpu.memory_space<vmem>>, vector<1x1x16xf32>,
        %get3A_2047 = vector.shape_cast %get3A_2046 : vector<1x1x16xf32> to vector<16xf32>
        %get3A_2048 = arith.constant 1 : i32
        %get3A_2049 = arith.index_cast %get3A_2048 : i32 to index
        %get3A_2050 = arith.index_cast %scan3A_670 : i32 to index
        %get3A_2051 = arith.constant 112 : index
        %get3A_2052 = tpu.vector_load %arg6[%get3A_2049, %get3A_2050, %get3A_2051] {strides = array<i32>} : memref<27x32x128xf32, #tpu.memory_space<vmem>>, vector<1x1x16xf32>,
        %get3A_2053 = vector.shape_cast %get3A_2052 : vector<1x1x16xf32> to vector<16xf32>
        %add3A_2054 = arith.addf %get3A_2047, %get3A_2053 : vector<16xf32>
        %get3A_2055 = arith.constant 2 : i32
        %get3A_2056 = arith.index_cast %get3A_2055 : i32 to index
        %get3A_2057 = arith.index_cast %scan3A_670 : i32 to index
        %get3A_2058 = arith.constant 112 : index
        %get3A_2059 = tpu.vector_load %arg6[%get3A_2056, %get3A_2057, %get3A_2058] {strides = array<i32>} : memref<27x32x128xf32, #tpu.memory_space<vmem>>, vector<1x1x16xf32>,
        %get3A_2060 = vector.shape_cast %get3A_2059 : vector<1x1x16xf32> to vector<16xf32>
        %add3A_2061 = arith.addf %add3A_2054, %get3A_2060 : vector<16xf32>
        %get3A_2062 = arith.constant 3 : i32
        %get3A_2063 = arith.index_cast %get3A_2062 : i32 to index
        %get3A_2064 = arith.index_cast %scan3A_670 : i32 to index
        %get3A_2065 = arith.constant 112 : index
        %get3A_2066 = tpu.vector_load %arg6[%get3A_2063, %get3A_2064, %get3A_2065] {strides = array<i32>} : memref<27x32x128xf32, #tpu.memory_space<vmem>>, vector<1x1x16xf32>,
        %get3A_2067 = vector.shape_cast %get3A_2066 : vector<1x1x16xf32> to vector<16xf32>
        %add3A_2068 = arith.addf %add3A_2061, %get3A_2067 : vector<16xf32>
        %get3A_2069 = arith.constant 4 : i32
        %get3A_2070 = arith.index_cast %get3A_2069 : i32 to index
        %get3A_2071 = arith.index_cast %scan3A_670 : i32 to index
        %get3A_2072 = arith.constant 112 : index
        %get3A_2073 = tpu.vector_load %arg6[%get3A_2070, %get3A_2071, %get3A_2072] {strides = array<i32>} : memref<27x32x128xf32, #tpu.memory_space<vmem>>, vector<1x1x16xf32>,
        %get3A_2074 = vector.shape_cast %get3A_2073 : vector<1x1x16xf32> to vector<16xf32>
        %add3A_2075 = arith.addf %add3A_2068, %get3A_2074 : vector<16xf32>
        %get3A_2076 = arith.constant 5 : i32
        %get3A_2077 = arith.index_cast %get3A_2076 : i32 to index
        %get3A_2078 = arith.index_cast %scan3A_670 : i32 to index
        %get3A_2079 = arith.constant 112 : index
        %get3A_2080 = tpu.vector_load %arg6[%get3A_2077, %get3A_2078, %get3A_2079] {strides = array<i32>} : memref<27x32x128xf32, #tpu.memory_space<vmem>>, vector<1x1x16xf32>,
        %get3A_2081 = vector.shape_cast %get3A_2080 : vector<1x1x16xf32> to vector<16xf32>
        %add3A_2082 = arith.addf %add3A_2075, %get3A_2081 : vector<16xf32>
        %get3A_2083 = arith.constant 6 : i32
        %get3A_2084 = arith.index_cast %get3A_2083 : i32 to index
        %get3A_2085 = arith.index_cast %scan3A_670 : i32 to index
        %get3A_2086 = arith.constant 112 : index
        %get3A_2087 = tpu.vector_load %arg6[%get3A_2084, %get3A_2085, %get3A_2086] {strides = array<i32>} : memref<27x32x128xf32, #tpu.memory_space<vmem>>, vector<1x1x16xf32>,
        %get3A_2088 = vector.shape_cast %get3A_2087 : vector<1x1x16xf32> to vector<16xf32>
        %add3A_2089 = arith.addf %add3A_2082, %get3A_2088 : vector<16xf32>
        %get3A_2090 = arith.constant 7 : i32
        %get3A_2091 = arith.index_cast %get3A_2090 : i32 to index
        %get3A_2092 = arith.index_cast %scan3A_670 : i32 to index
        %get3A_2093 = arith.constant 112 : index
        %get3A_2094 = tpu.vector_load %arg6[%get3A_2091, %get3A_2092, %get3A_2093] {strides = array<i32>} : memref<27x32x128xf32, #tpu.memory_space<vmem>>, vector<1x1x16xf32>,
        %get3A_2095 = vector.shape_cast %get3A_2094 : vector<1x1x16xf32> to vector<16xf32>
        %add3A_2096 = arith.addf %add3A_2089, %get3A_2095 : vector<16xf32>
        %get3A_2097 = arith.constant 8 : i32
        %get3A_2098 = arith.index_cast %get3A_2097 : i32 to index
        %get3A_2099 = arith.index_cast %scan3A_670 : i32 to index
        %get3A_2100 = arith.constant 112 : index
        %get3A_2101 = tpu.vector_load %arg6[%get3A_2098, %get3A_2099, %get3A_2100] {strides = array<i32>} : memref<27x32x128xf32, #tpu.memory_space<vmem>>, vector<1x1x16xf32>,
        %get3A_2102 = vector.shape_cast %get3A_2101 : vector<1x1x16xf32> to vector<16xf32>
        %add3A_2103 = arith.addf %add3A_2096, %get3A_2102 : vector<16xf32>
        %get3A_2104 = arith.constant 9 : i32
        %get3A_2105 = arith.index_cast %get3A_2104 : i32 to index
        %get3A_2106 = arith.index_cast %scan3A_670 : i32 to index
        %get3A_2107 = arith.constant 112 : index
        %get3A_2108 = tpu.vector_load %arg6[%get3A_2105, %get3A_2106, %get3A_2107] {strides = array<i32>} : memref<27x32x128xf32, #tpu.memory_space<vmem>>, vector<1x1x16xf32>,
        %get3A_2109 = vector.shape_cast %get3A_2108 : vector<1x1x16xf32> to vector<16xf32>
        %add3A_2110 = arith.addf %add3A_2103, %get3A_2109 : vector<16xf32>
        %get3A_2111 = arith.constant 10 : i32
        %get3A_2112 = arith.index_cast %get3A_2111 : i32 to index
        %get3A_2113 = arith.index_cast %scan3A_670 : i32 to index
        %get3A_2114 = arith.constant 112 : index
        %get3A_2115 = tpu.vector_load %arg6[%get3A_2112, %get3A_2113, %get3A_2114] {strides = array<i32>} : memref<27x32x128xf32, #tpu.memory_space<vmem>>, vector<1x1x16xf32>,
        %get3A_2116 = vector.shape_cast %get3A_2115 : vector<1x1x16xf32> to vector<16xf32>
        %add3A_2117 = arith.addf %add3A_2110, %get3A_2116 : vector<16xf32>
        %get3A_2118 = arith.constant 11 : i32
        %get3A_2119 = arith.index_cast %get3A_2118 : i32 to index
        %get3A_2120 = arith.index_cast %scan3A_670 : i32 to index
        %get3A_2121 = arith.constant 112 : index
        %get3A_2122 = tpu.vector_load %arg6[%get3A_2119, %get3A_2120, %get3A_2121] {strides = array<i32>} : memref<27x32x128xf32, #tpu.memory_space<vmem>>, vector<1x1x16xf32>,
        %get3A_2123 = vector.shape_cast %get3A_2122 : vector<1x1x16xf32> to vector<16xf32>
        %add3A_2124 = arith.addf %add3A_2117, %get3A_2123 : vector<16xf32>
        %get3A_2125 = arith.constant 12 : i32
        %get3A_2126 = arith.index_cast %get3A_2125 : i32 to index
        %get3A_2127 = arith.index_cast %scan3A_670 : i32 to index
        %get3A_2128 = arith.constant 112 : index
        %get3A_2129 = tpu.vector_load %arg6[%get3A_2126, %get3A_2127, %get3A_2128] {strides = array<i32>} : memref<27x32x128xf32, #tpu.memory_space<vmem>>, vector<1x1x16xf32>,
        %get3A_2130 = vector.shape_cast %get3A_2129 : vector<1x1x16xf32> to vector<16xf32>
        %add3A_2131 = arith.addf %add3A_2124, %get3A_2130 : vector<16xf32>
        %get3A_2132 = arith.constant 13 : i32
        %get3A_2133 = arith.index_cast %get3A_2132 : i32 to index
        %get3A_2134 = arith.index_cast %scan3A_670 : i32 to index
        %get3A_2135 = arith.constant 112 : index
        %get3A_2136 = tpu.vector_load %arg6[%get3A_2133, %get3A_2134, %get3A_2135] {strides = array<i32>} : memref<27x32x128xf32, #tpu.memory_space<vmem>>, vector<1x1x16xf32>,
        %get3A_2137 = vector.shape_cast %get3A_2136 : vector<1x1x16xf32> to vector<16xf32>
        %add3A_2138 = arith.addf %add3A_2131, %get3A_2137 : vector<16xf32>
        %get3A_2139 = arith.constant 14 : i32
        %get3A_2140 = arith.index_cast %get3A_2139 : i32 to index
        %get3A_2141 = arith.index_cast %scan3A_670 : i32 to index
        %get3A_2142 = arith.constant 112 : index
        %get3A_2143 = tpu.vector_load %arg6[%get3A_2140, %get3A_2141, %get3A_2142] {strides = array<i32>} : memref<27x32x128xf32, #tpu.memory_space<vmem>>, vector<1x1x16xf32>,
        %get3A_2144 = vector.shape_cast %get3A_2143 : vector<1x1x16xf32> to vector<16xf32>
        %add3A_2145 = arith.addf %add3A_2138, %get3A_2144 : vector<16xf32>
        %get3A_2146 = arith.constant 15 : i32
        %get3A_2147 = arith.index_cast %get3A_2146 : i32 to index
        %get3A_2148 = arith.index_cast %scan3A_670 : i32 to index
        %get3A_2149 = arith.constant 112 : index
        %get3A_2150 = tpu.vector_load %arg6[%get3A_2147, %get3A_2148, %get3A_2149] {strides = array<i32>} : memref<27x32x128xf32, #tpu.memory_space<vmem>>, vector<1x1x16xf32>,
        %get3A_2151 = vector.shape_cast %get3A_2150 : vector<1x1x16xf32> to vector<16xf32>
        %add3A_2152 = arith.addf %add3A_2145, %get3A_2151 : vector<16xf32>
        %get3A_2153 = arith.constant 16 : i32
        %get3A_2154 = arith.index_cast %get3A_2153 : i32 to index
        %get3A_2155 = arith.index_cast %scan3A_670 : i32 to index
        %get3A_2156 = arith.constant 112 : index
        %get3A_2157 = tpu.vector_load %arg6[%get3A_2154, %get3A_2155, %get3A_2156] {strides = array<i32>} : memref<27x32x128xf32, #tpu.memory_space<vmem>>, vector<1x1x16xf32>,
        %get3A_2158 = vector.shape_cast %get3A_2157 : vector<1x1x16xf32> to vector<16xf32>
        %add3A_2159 = arith.addf %add3A_2152, %get3A_2158 : vector<16xf32>
        %get3A_2160 = arith.constant 17 : i32
        %get3A_2161 = arith.index_cast %get3A_2160 : i32 to index
        %get3A_2162 = arith.index_cast %scan3A_670 : i32 to index
        %get3A_2163 = arith.constant 112 : index
        %get3A_2164 = tpu.vector_load %arg6[%get3A_2161, %get3A_2162, %get3A_2163] {strides = array<i32>} : memref<27x32x128xf32, #tpu.memory_space<vmem>>, vector<1x1x16xf32>,
        %get3A_2165 = vector.shape_cast %get3A_2164 : vector<1x1x16xf32> to vector<16xf32>
        %add3A_2166 = arith.addf %add3A_2159, %get3A_2165 : vector<16xf32>
        %get3A_2167 = arith.constant 18 : i32
        %get3A_2168 = arith.index_cast %get3A_2167 : i32 to index
        %get3A_2169 = arith.index_cast %scan3A_670 : i32 to index
        %get3A_2170 = arith.constant 112 : index
        %get3A_2171 = tpu.vector_load %arg6[%get3A_2168, %get3A_2169, %get3A_2170] {strides = array<i32>} : memref<27x32x128xf32, #tpu.memory_space<vmem>>, vector<1x1x16xf32>,
        %get3A_2172 = vector.shape_cast %get3A_2171 : vector<1x1x16xf32> to vector<16xf32>
        %add3A_2173 = arith.addf %add3A_2166, %get3A_2172 : vector<16xf32>
        %get3A_2174 = arith.constant 19 : i32
        %get3A_2175 = arith.index_cast %get3A_2174 : i32 to index
        %get3A_2176 = arith.index_cast %scan3A_670 : i32 to index
        %get3A_2177 = arith.constant 112 : index
        %get3A_2178 = tpu.vector_load %arg6[%get3A_2175, %get3A_2176, %get3A_2177] {strides = array<i32>} : memref<27x32x128xf32, #tpu.memory_space<vmem>>, vector<1x1x16xf32>,
        %get3A_2179 = vector.shape_cast %get3A_2178 : vector<1x1x16xf32> to vector<16xf32>
        %add3A_2180 = arith.addf %add3A_2173, %get3A_2179 : vector<16xf32>
        %get3A_2181 = arith.constant 20 : i32
        %get3A_2182 = arith.index_cast %get3A_2181 : i32 to index
        %get3A_2183 = arith.index_cast %scan3A_670 : i32 to index
        %get3A_2184 = arith.constant 112 : index
        %get3A_2185 = tpu.vector_load %arg6[%get3A_2182, %get3A_2183, %get3A_2184] {strides = array<i32>} : memref<27x32x128xf32, #tpu.memory_space<vmem>>, vector<1x1x16xf32>,
        %get3A_2186 = vector.shape_cast %get3A_2185 : vector<1x1x16xf32> to vector<16xf32>
        %add3A_2187 = arith.addf %add3A_2180, %get3A_2186 : vector<16xf32>
        %get3A_2188 = arith.constant 21 : i32
        %get3A_2189 = arith.index_cast %get3A_2188 : i32 to index
        %get3A_2190 = arith.index_cast %scan3A_670 : i32 to index
        %get3A_2191 = arith.constant 112 : index
        %get3A_2192 = tpu.vector_load %arg6[%get3A_2189, %get3A_2190, %get3A_2191] {strides = array<i32>} : memref<27x32x128xf32, #tpu.memory_space<vmem>>, vector<1x1x16xf32>,
        %get3A_2193 = vector.shape_cast %get3A_2192 : vector<1x1x16xf32> to vector<16xf32>
        %add3A_2194 = arith.addf %add3A_2187, %get3A_2193 : vector<16xf32>
        %get3A_2195 = arith.constant 22 : i32
        %get3A_2196 = arith.index_cast %get3A_2195 : i32 to index
        %get3A_2197 = arith.index_cast %scan3A_670 : i32 to index
        %get3A_2198 = arith.constant 112 : index
        %get3A_2199 = tpu.vector_load %arg6[%get3A_2196, %get3A_2197, %get3A_2198] {strides = array<i32>} : memref<27x32x128xf32, #tpu.memory_space<vmem>>, vector<1x1x16xf32>,
        %get3A_2200 = vector.shape_cast %get3A_2199 : vector<1x1x16xf32> to vector<16xf32>
        %add3A_2201 = arith.addf %add3A_2194, %get3A_2200 : vector<16xf32>
        %get3A_2202 = arith.constant 23 : i32
        %get3A_2203 = arith.index_cast %get3A_2202 : i32 to index
        %get3A_2204 = arith.index_cast %scan3A_670 : i32 to index
        %get3A_2205 = arith.constant 112 : index
        %get3A_2206 = tpu.vector_load %arg6[%get3A_2203, %get3A_2204, %get3A_2205] {strides = array<i32>} : memref<27x32x128xf32, #tpu.memory_space<vmem>>, vector<1x1x16xf32>,
        %get3A_2207 = vector.shape_cast %get3A_2206 : vector<1x1x16xf32> to vector<16xf32>
        %add3A_2208 = arith.addf %add3A_2201, %get3A_2207 : vector<16xf32>
        %get3A_2209 = arith.constant 24 : i32
        %get3A_2210 = arith.index_cast %get3A_2209 : i32 to index
        %get3A_2211 = arith.index_cast %scan3A_670 : i32 to index
        %get3A_2212 = arith.constant 112 : index
        %get3A_2213 = tpu.vector_load %arg6[%get3A_2210, %get3A_2211, %get3A_2212] {strides = array<i32>} : memref<27x32x128xf32, #tpu.memory_space<vmem>>, vector<1x1x16xf32>,
        %get3A_2214 = vector.shape_cast %get3A_2213 : vector<1x1x16xf32> to vector<16xf32>
        %add3A_2215 = arith.addf %add3A_2208, %get3A_2214 : vector<16xf32>
        %get3A_2216 = arith.constant 25 : i32
        %get3A_2217 = arith.index_cast %get3A_2216 : i32 to index
        %get3A_2218 = arith.index_cast %scan3A_670 : i32 to index
        %get3A_2219 = arith.constant 112 : index
        %get3A_2220 = tpu.vector_load %arg6[%get3A_2217, %get3A_2218, %get3A_2219] {strides = array<i32>} : memref<27x32x128xf32, #tpu.memory_space<vmem>>, vector<1x1x16xf32>,
        %get3A_2221 = vector.shape_cast %get3A_2220 : vector<1x1x16xf32> to vector<16xf32>
        %add3A_2222 = arith.addf %add3A_2215, %get3A_2221 : vector<16xf32>
        %get3A_2223 = arith.constant 26 : i32
        %get3A_2224 = arith.index_cast %get3A_2223 : i32 to index
        %get3A_2225 = arith.index_cast %scan3A_670 : i32 to index
        %get3A_2226 = arith.constant 112 : index
        %get3A_2227 = tpu.vector_load %arg6[%get3A_2224, %get3A_2225, %get3A_2226] {strides = array<i32>} : memref<27x32x128xf32, #tpu.memory_space<vmem>>, vector<1x1x16xf32>,
        %get3A_2228 = vector.shape_cast %get3A_2227 : vector<1x1x16xf32> to vector<16xf32>
        %add3A_2229 = arith.addf %add3A_2222, %get3A_2228 : vector<16xf32>
        %mul3A_2230 = arith.constant 128 : i32
        %mul3A_2231 = arith.muli %scan3A_670, %mul3A_2230 : i32
        %add3A_2232 = arith.constant 112 : i32
        %add3A_2233 = arith.addi %mul3A_2231, %add3A_2232 : i32
        %swap3A_2234 = arith.index_cast %add3A_2233 : i32 to index
        %swap3A_2235 = tpu.vector_load %arg7[%swap3A_2234] {strides = array<i32>} : memref<4096xf32, #tpu.memory_space<vmem>>, vector<16xf32>,
        %swap3A_2236 = vector.shape_cast %swap3A_2235 : vector<16xf32> to vector<16xf32>
        %swap3A_2237 = vector.shape_cast %add3A_2229 : vector<16xf32> to vector<16xf32>
        tpu.vector_store %arg7[%swap3A_2234], %swap3A_2237 {strides = array<i32>} : memref<4096xf32, #tpu.memory_space<vmem>>, vector<16xf32>,
        %scan3A_2238 = arith.constant 0 : i32
        scf.yield %scan3A_2238 : i32
      }
      %scan3A_664 = arith.constant 32 : i32
      %mul3A_665 = arith.constant 32 : i32
      %mul3A_666 = arith.muli %add3A_11, %mul3A_665 : i32
      %mul3A_667 = arith.constant 128 : i32
      %mul3A_668 = arith.muli %mul3A_666, %mul3A_667 : i32
      "tpu.region"() ({
        %run_scoped3A = tpu.sem_alloc : memref<!tpu.dma_semaphore, #tpu.memory_space<semaphore_mem>>
        %dma_start3A_670 = tpu.memref_slice %arg4[%mul3A_668] : memref<2097152xf32, #tpu.memory_space<hbm>> -> memref<4096xf32, #tpu.memory_space<hbm>>
        %dma_start3A_671 = tpu.memref_slice %arg4[%mul3A_668] : memref<2097152xf32, #tpu.memory_space<hbm>> -> memref<4096xf32, #tpu.memory_space<hbm>>
        tpu.enqueue_dma source(%arg7 : memref<4096xf32, #tpu.memory_space<vmem>>) target(%dma_start3A_671 : memref<4096xf32, #tpu.memory_space<hbm>>) target_semaphore(%run_scoped3A : memref<!tpu.dma_semaphore, #tpu.memory_space<semaphore_mem>>)
        %dma_wait3A_672 = tpu.memref_slice %arg4[%mul3A_668] : memref<2097152xf32, #tpu.memory_space<hbm>> -> memref<4096xf32, #tpu.memory_space<hbm>>
        %dma_wait3A_673 = tpu.memref_slice %arg4[%mul3A_668] : memref<2097152xf32, #tpu.memory_space<hbm>> -> memref<4096xf32, #tpu.memory_space<hbm>>
        tpu.wait_dma2 semaphore(%run_scoped3A : memref<!tpu.dma_semaphore, #tpu.memory_space<semaphore_mem>>) src(%arg7 : memref<4096xf32, #tpu.memory_space<vmem>>) dst(%dma_wait3A_673 : memref<4096xf32, #tpu.memory_space<hbm>>)
        tpu.yield
      }) : () -> ()
      %scan3A_669 = arith.constant 0 : i32
      scf.yield %scan3A_669 : i32
    }
    %scan3A_6 = arith.constant 16 : i32
    return
  }
}

module attributes {stable_mosaic.version = 14 : i64} {
  func.func @_stage1_body(%arg0: i32, %arg1: memref<8192x128xf32, #tpu.memory_space<vmem>>, %arg2: memref<1x128x128xf32, #tpu.memory_space<vmem>>, %arg3: memref<8192x128xf32, #tpu.memory_space<vmem>>) attributes {dimension_semantics = [#tpu.dimension_semantics<arbitrary>], iteration_bounds = array<i64: 55>, scalar_prefetch = 0 : i64, scratch_operands = 0 : i64, tpu.core_type = #tpu.core_type<tc>, window_params = [{transform_indices = @transform_0, window_bounds = array<i64: 8192, 128>}, {transform_indices = @transform_1, window_bounds = array<i64: 1, 128, 128>}, {transform_indices = @transform_2, window_bounds = array<i64: 8192, 128>}]} {
    %lt3A = arith.constant 54 : i32
    %lt3A_0 = arith.cmpi slt, %arg0, %lt3A : i32
    %convert_element_type3A = arith.extui %lt3A_0 : i1 to i32
    %cond3A = arith.constant 0 : i32
    %cond3A_1 = arith.cmpi ne, %convert_element_type3A, %cond3A : i32
    scf.if %cond3A_1 {
      %get3A = arith.constant 0 : index
      %get3A_6 = arith.constant 0 : index
      %get3A_7 = vector.load %arg1[%get3A, %get3A_6] : memref<8192x128xf32, #tpu.memory_space<vmem>>, vector<8192x128xf32>
      %get3A_8 = arith.constant 0 : index
      %get3A_9 = arith.constant 0 : index
      %get3A_10 = arith.constant 0 : index
      %get3A_11 = vector.load %arg2[%get3A_8, %get3A_9, %get3A_10] : memref<1x128x128xf32, #tpu.memory_space<vmem>>, vector<1x128x128xf32>
      %get3A_12 = vector.shape_cast %get3A_11 : vector<1x128x128xf32> to vector<128x128xf32>
      %dot_general3A = arith.constant dense<0.000000e+00> : vector<8192x128xf32>
      %dot_general3A_13 = tpu.matmul %get3A_7, %get3A_12, %dot_general3A {dimension_numbers = #tpu.dot_dimension_numbers<[1], [0], [0], [1], [0, 0, 1, 1], [], []>, transpose_lhs_hint = false} : vector<8192x128xf32>, vector<128x128xf32>, vector<8192x128xf32> -> vector<8192x128xf32>
      %swap3A = arith.constant 0 : index
      %swap3A_14 = arith.constant 0 : index
      %swap3A_15 = vector.load %arg3[%swap3A, %swap3A_14] : memref<8192x128xf32, #tpu.memory_space<vmem>>, vector<8192x128xf32>
      tpu.vector_store %arg3[%swap3A, %swap3A_14], %dot_general3A_13 {strides = array<i32>} : memref<8192x128xf32, #tpu.memory_space<vmem>>, vector<8192x128xf32>,
    } else {
    }
    %ge3A = arith.constant 54 : i32
    %ge3A_2 = arith.cmpi sge, %arg0, %ge3A : i32
    %convert_element_type3A_3 = arith.extui %ge3A_2 : i1 to i32
    %cond3A_4 = arith.constant 0 : i32
    %cond3A_5 = arith.cmpi ne, %convert_element_type3A_3, %cond3A_4 : i32
    scf.if %cond3A_5 {
      %broadcast_in_dim3A = arith.constant 0.000000e+00 : f32
      %broadcast_in_dim3A_6 = vector.broadcast %broadcast_in_dim3A : f32 to vector<8192x128xf32>
      %swap3A = arith.constant 0 : index
      %swap3A_7 = arith.constant 0 : index
      %swap3A_8 = vector.load %arg3[%swap3A, %swap3A_7] : memref<8192x128xf32, #tpu.memory_space<vmem>>, vector<8192x128xf32>
      tpu.vector_store %arg3[%swap3A, %swap3A_7], %broadcast_in_dim3A_6 {strides = array<i32>} : memref<8192x128xf32, #tpu.memory_space<vmem>>, vector<8192x128xf32>,
    } else {
    }
    return
  }
  func.func @transform_0(%arg0: i32) -> (i32, i32) {
    %jit3A = arith.constant 27 : i32
    %div3A = arith.divsi %arg0, %jit3A : i32
    %sign3A = arith.constant 0 : i32
    %sign3A_0 = arith.cmpi sgt, %arg0, %sign3A : i32
    %sign3A_1 = arith.extui %sign3A_0 : i1 to i32
    %sign3A_2 = arith.constant 0 : i32
    %sign3A_3 = arith.cmpi slt, %arg0, %sign3A_2 : i32
    %sign3A_4 = arith.extui %sign3A_3 : i1 to i32
    %sign3A_5 = arith.subi %sign3A_1, %sign3A_4 : i32
    %sign3A_6 = arith.constant 0 : i32
    %sign3A_7 = arith.cmpi sgt, %jit3A, %sign3A_6 : i32
    %sign3A_8 = arith.extui %sign3A_7 : i1 to i32
    %sign3A_9 = arith.constant 0 : i32
    %sign3A_10 = arith.cmpi slt, %jit3A, %sign3A_9 : i32
    %sign3A_11 = arith.extui %sign3A_10 : i1 to i32
    %sign3A_12 = arith.subi %sign3A_8, %sign3A_11 : i32
    %ne3A = arith.cmpi ne, %sign3A_5, %sign3A_12 : i32
    %rem3A = arith.remsi %arg0, %jit3A : i32
    %ne3A_13 = arith.constant 0 : i32
    %ne3A_14 = arith.cmpi ne, %rem3A, %ne3A_13 : i32
    %and3A = arith.andi %ne3A, %ne3A_14 : i1
    %sub3A = arith.constant 1 : i32
    %sub3A_15 = arith.subi %div3A, %sub3A : i32
    %select_n3A = arith.select %and3A, %sub3A_15, %div3A : i32
    %min3A = arith.constant 1 : i32
    %min3A_16 = arith.minsi %select_n3A, %min3A : i32
    %c0_i32 = arith.constant 0 : i32
    %c0_i32_17 = arith.constant 0 : i32
    return %min3A_16, %c0_i32 : i32, i32
  }
  func.func @transform_1(%arg0: i32) -> (i32, i32, i32) {
    %jit3A = arith.constant 27 : i32
    %eq3A = arith.constant 0 : i32
    %eq3A_0 = arith.cmpi eq, %jit3A, %eq3A : i32
    %jit3A_1 = arith.constant 1 : i32
    %select_n3A = arith.select %eq3A_0, %jit3A_1, %jit3A : i32
    %rem3A = arith.remsi %arg0, %select_n3A : i32
    %ne3A = arith.constant 0 : i32
    %ne3A_2 = arith.cmpi ne, %rem3A, %ne3A : i32
    %lt3A = arith.constant 0 : i32
    %lt3A_3 = arith.cmpi slt, %rem3A, %lt3A : i32
    %lt3A_4 = arith.constant 0 : i32
    %lt3A_5 = arith.cmpi slt, %select_n3A, %lt3A_4 : i32
    %ne3A_6 = arith.xori %lt3A_3, %lt3A_5 : i1
    %and3A = arith.andi %ne3A_6, %ne3A_2 : i1
    %add3A = arith.addi %rem3A, %select_n3A : i32
    %select_n3A_7 = arith.select %and3A, %add3A, %rem3A : i32
    %min3A = arith.constant 26 : i32
    %min3A_8 = arith.minsi %select_n3A_7, %min3A : i32
    %c0_i32 = arith.constant 0 : i32
    %c0_i32_9 = arith.constant 0 : i32
    %c0_i32_10 = arith.constant 0 : i32
    return %min3A_8, %c0_i32, %c0_i32_9 : i32, i32, i32
  }
  func.func @transform_2(%arg0: i32) -> (i32, i32) {
    %lt3A = arith.constant 54 : i32
    %lt3A_0 = arith.cmpi slt, %arg0, %lt3A : i32
    %jit3A = arith.constant 27 : i32
    %eq3A = arith.constant 0 : i32
    %eq3A_1 = arith.cmpi eq, %jit3A, %eq3A : i32
    %jit3A_2 = arith.constant 1 : i32
    %select_n3A = arith.select %eq3A_1, %jit3A_2, %jit3A : i32
    %rem3A = arith.remsi %arg0, %select_n3A : i32
    %ne3A = arith.constant 0 : i32
    %ne3A_3 = arith.cmpi ne, %rem3A, %ne3A : i32
    %lt3A_4 = arith.constant 0 : i32
    %lt3A_5 = arith.cmpi slt, %rem3A, %lt3A_4 : i32
    %lt3A_6 = arith.constant 0 : i32
    %lt3A_7 = arith.cmpi slt, %select_n3A, %lt3A_6 : i32
    %ne3A_8 = arith.xori %lt3A_5, %lt3A_7 : i1
    %and3A = arith.andi %ne3A_8, %ne3A_3 : i1
    %add3A = arith.addi %rem3A, %select_n3A : i32
    %select_n3A_9 = arith.select %and3A, %add3A, %rem3A : i32
    %mul3A = arith.constant 2 : i32
    %mul3A_10 = arith.muli %select_n3A_9, %mul3A : i32
    %jit3A_11 = arith.constant 27 : i32
    %div3A = arith.divsi %arg0, %jit3A_11 : i32
    %sign3A = arith.constant 0 : i32
    %sign3A_12 = arith.cmpi sgt, %arg0, %sign3A : i32
    %sign3A_13 = arith.extui %sign3A_12 : i1 to i32
    %sign3A_14 = arith.constant 0 : i32
    %sign3A_15 = arith.cmpi slt, %arg0, %sign3A_14 : i32
    %sign3A_16 = arith.extui %sign3A_15 : i1 to i32
    %sign3A_17 = arith.subi %sign3A_13, %sign3A_16 : i32
    %sign3A_18 = arith.constant 0 : i32
    %sign3A_19 = arith.cmpi sgt, %jit3A_11, %sign3A_18 : i32
    %sign3A_20 = arith.extui %sign3A_19 : i1 to i32
    %sign3A_21 = arith.constant 0 : i32
    %sign3A_22 = arith.cmpi slt, %jit3A_11, %sign3A_21 : i32
    %sign3A_23 = arith.extui %sign3A_22 : i1 to i32
    %sign3A_24 = arith.subi %sign3A_20, %sign3A_23 : i32
    %ne3A_25 = arith.cmpi ne, %sign3A_17, %sign3A_24 : i32
    %rem3A_26 = arith.remsi %arg0, %jit3A_11 : i32
    %ne3A_27 = arith.constant 0 : i32
    %ne3A_28 = arith.cmpi ne, %rem3A_26, %ne3A_27 : i32
    %and3A_29 = arith.andi %ne3A_25, %ne3A_28 : i1
    %sub3A = arith.constant 1 : i32
    %sub3A_30 = arith.subi %div3A, %sub3A : i32
    %select_n3A_31 = arith.select %and3A_29, %sub3A_30, %div3A : i32
    %add3A_32 = arith.addi %mul3A_10, %select_n3A_31 : i32
    %jit3A_33 = arith.constant 54 : i32
    %select_n3A_34 = arith.select %lt3A_0, %add3A_32, %jit3A_33 : i32
    %c0_i32 = arith.constant 0 : i32
    %c0_i32_35 = arith.constant 0 : i32
    return %select_n3A_34, %c0_i32 : i32, i32
  }
}

module attributes {stable_mosaic.version = 14 : i64} {
  func.func @_fused_body(%arg0: i32, %arg1: i32, %arg2: memref<512x128xf32, #tpu.memory_space<vmem>>, %arg3: memref<512x128xf32, #tpu.memory_space<vmem>>, %arg4: memref<1x128xf32, #tpu.memory_space<vmem>>, %arg5: memref<128x128xf32, #tpu.memory_space<vmem>>, %arg6: memref<1x128xf32, #tpu.memory_space<vmem>>, %arg7: memref<1x128xf32, #tpu.memory_space<vmem>>, %arg8: memref<1x128xf32, #tpu.memory_space<vmem>>, %arg9: memref<128x128xf32, #tpu.memory_space<vmem>>, %arg10: memref<1x128xf32, #tpu.memory_space<vmem>>, %arg11: memref<128x128xf32, #tpu.memory_space<vmem>>, %arg12: memref<1x128xf32, #tpu.memory_space<vmem>>, %arg13: memref<128x128xf32, #tpu.memory_space<vmem>>, %arg14: memref<1x128xf32, #tpu.memory_space<vmem>>, %arg15: memref<128x128xf32, #tpu.memory_space<vmem>>, %arg16: memref<1x128xf32, #tpu.memory_space<vmem>>, %arg17: memref<1x1x512xi32, #tpu.memory_space<vmem>>, %arg18: memref<1x1x512xi32, #tpu.memory_space<vmem>>, %arg19: memref<512x1xi32, #tpu.memory_space<vmem>>, %arg20: memref<512x1xi32, #tpu.memory_space<vmem>>, %arg21: memref<48x128xf32, #tpu.memory_space<vmem>>, %arg22: memref<16384x128xf32, #tpu.memory_space<vmem>>, %arg23: memref<16384x128xf32, #tpu.memory_space<vmem>>, %arg24: memref<16384x48xf32, #tpu.memory_space<vmem>>, %arg25: memref<48x128xf32, #tpu.memory_space<vmem>>, %arg26: memref<48x128xf32, #tpu.memory_space<vmem>>, %arg27: memref<48x128xf32, #tpu.memory_space<vmem>>, %arg28: memref<8x48xf32, #tpu.memory_space<vmem>>, %arg29: memref<48x128xf32, #tpu.memory_space<vmem>>, %arg30: memref<48x128xf32, #tpu.memory_space<vmem>>) attributes {dimension_semantics = [#tpu.dimension_semantics<arbitrary>, #tpu.dimension_semantics<arbitrary>], iteration_bounds = array<i64: 3, 32>, scalar_prefetch = 0 : i64, scratch_operands = 9 : i64, tpu.core_type = #tpu.core_type<tc>, window_params = [{transform_indices = @transform_0, window_bounds = array<i64: 512, 128>}, {transform_indices = @transform_1, window_bounds = array<i64: 512, 128>}, {pipeline_mode = #tpu.pipeline_mode<synchronous>, transform_indices = @transform_2, window_bounds = array<i64: 1, 128>}, {pipeline_mode = #tpu.pipeline_mode<synchronous>, transform_indices = @transform_3, window_bounds = array<i64: 128, 128>}, {pipeline_mode = #tpu.pipeline_mode<synchronous>, transform_indices = @transform_4, window_bounds = array<i64: 1, 128>}, {pipeline_mode = #tpu.pipeline_mode<synchronous>, transform_indices = @transform_5, window_bounds = array<i64: 1, 128>}, {pipeline_mode = #tpu.pipeline_mode<synchronous>, transform_indices = @transform_6, window_bounds = array<i64: 1, 128>}, {pipeline_mode = #tpu.pipeline_mode<synchronous>, transform_indices = @transform_7, window_bounds = array<i64: 128, 128>}, {pipeline_mode = #tpu.pipeline_mode<synchronous>, transform_indices = @transform_8, window_bounds = array<i64: 1, 128>}, {pipeline_mode = #tpu.pipeline_mode<synchronous>, transform_indices = @transform_9, window_bounds = array<i64: 128, 128>}, {pipeline_mode = #tpu.pipeline_mode<synchronous>, transform_indices = @transform_10, window_bounds = array<i64: 1, 128>}, {pipeline_mode = #tpu.pipeline_mode<synchronous>, transform_indices = @transform_11, window_bounds = array<i64: 128, 128>}, {pipeline_mode = #tpu.pipeline_mode<synchronous>, transform_indices = @transform_12, window_bounds = array<i64: 1, 128>}, {pipeline_mode = #tpu.pipeline_mode<synchronous>, transform_indices = @transform_13, window_bounds = array<i64: 128, 128>}, {pipeline_mode = #tpu.pipeline_mode<synchronous>, transform_indices = @transform_14, window_bounds = array<i64: 1, 128>}, {transform_indices = @transform_15, window_bounds = array<i64: 1, 1, 512>}, {transform_indices = @transform_16, window_bounds = array<i64: 1, 1, 512>}, {transform_indices = @transform_17, window_bounds = array<i64: 512, 1>}, {transform_indices = @transform_18, window_bounds = array<i64: 512, 1>}, {pipeline_mode = #tpu.pipeline_mode<synchronous>, transform_indices = @transform_19, window_bounds = array<i64: 48, 128>}]} {
    %eq3A = arith.constant 0 : i32
    %eq3A_0 = arith.cmpi eq, %arg0, %eq3A : i32
    %convert_element_type3A = arith.extui %eq3A_0 : i1 to i32
    %cond3A = arith.constant 0 : i32
    %cond3A_1 = arith.cmpi ne, %convert_element_type3A, %cond3A : i32
    scf.if %cond3A_1 {
      %get3A = arith.constant 0 : index
      %get3A_12 = arith.constant 0 : index
      %get3A_13 = vector.load %arg2[%get3A, %get3A_12] : memref<512x128xf32, #tpu.memory_space<vmem>>, vector<512x128xf32>
      %get3A_14 = arith.constant 0 : index
      %get3A_15 = arith.constant 0 : index
      %get3A_16 = vector.load %arg4[%get3A_14, %get3A_15] : memref<1x128xf32, #tpu.memory_space<vmem>>, vector<1x128xf32>
      %add3A = vector.broadcast %get3A_16 : vector<1x128xf32> to vector<512x128xf32>
      %add3A_17 = arith.addf %get3A_13, %add3A : vector<512x128xf32>
      %get3A_18 = arith.constant 0 : index
      %get3A_19 = arith.constant 0 : index
      %get3A_20 = vector.load %arg5[%get3A_18, %get3A_19] : memref<128x128xf32, #tpu.memory_space<vmem>>, vector<128x128xf32>
      %dot_general3A = arith.constant dense<0.000000e+00> : vector<512x128xf32>
      %dot_general3A_21 = tpu.matmul %add3A_17, %get3A_20, %dot_general3A {dimension_numbers = #tpu.dot_dimension_numbers<[1], [0], [0], [1], [0, 0, 1, 1], [], []>, transpose_lhs_hint = false} : vector<512x128xf32>, vector<128x128xf32>, vector<512x128xf32> -> vector<512x128xf32>
      %get3A_22 = arith.constant 0 : index
      %get3A_23 = arith.constant 0 : index
      %get3A_24 = vector.load %arg6[%get3A_22, %get3A_23] : memref<1x128xf32, #tpu.memory_space<vmem>>, vector<1x128xf32>
      %add3A_25 = vector.broadcast %get3A_24 : vector<1x128xf32> to vector<512x128xf32>
      %add3A_26 = arith.addf %dot_general3A_21, %add3A_25 : vector<512x128xf32>
      %reduce_sum3A = arith.constant dense<0.000000e+00> : vector<512xf32>
      %reduce_sum3A_27 = vector.multi_reduction <add>, %add3A_26, %reduce_sum3A [1] : vector<512x128xf32> to vector<512xf32>
      %broadcast_in_dim3A = vector.shape_cast %reduce_sum3A_27 : vector<512xf32> to vector<512x1xf32>
      %div3A = arith.constant 1.280000e+02 : f32
      %div3A_28 = vector.broadcast %div3A : f32 to vector<512x1xf32>
      %div3A_29 = arith.divf %broadcast_in_dim3A, %div3A_28 : vector<512x1xf32>
      %sub3A = vector.broadcast %div3A_29 : vector<512x1xf32> to vector<512x128xf32>
      %sub3A_30 = arith.subf %add3A_26, %sub3A : vector<512x128xf32>
      %integer_pow3A = arith.mulf %sub3A_30, %sub3A_30 : vector<512x128xf32>
      %reduce_sum3A_31 = arith.constant dense<0.000000e+00> : vector<512xf32>
      %reduce_sum3A_32 = vector.multi_reduction <add>, %integer_pow3A, %reduce_sum3A_31 [1] : vector<512x128xf32> to vector<512xf32>
      %broadcast_in_dim3A_33 = vector.shape_cast %reduce_sum3A_32 : vector<512xf32> to vector<512x1xf32>
      %div3A_34 = arith.constant 1.280000e+02 : f32
      %div3A_35 = vector.broadcast %div3A_34 : f32 to vector<512x1xf32>
      %div3A_36 = arith.divf %broadcast_in_dim3A_33, %div3A_35 : vector<512x1xf32>
      %sub3A_37 = vector.broadcast %div3A_29 : vector<512x1xf32> to vector<512x128xf32>
      %sub3A_38 = arith.subf %add3A_26, %sub3A_37 : vector<512x128xf32>
      %add3A_39 = arith.constant 9.99999974E-6 : f32
      %add3A_40 = vector.broadcast %add3A_39 : f32 to vector<512x1xf32>
      %add3A_41 = arith.addf %div3A_36, %add3A_40 : vector<512x1xf32>
      %sqrt3A = math.sqrt %add3A_41 : vector<512x1xf32>
      %div3A_42 = vector.broadcast %sqrt3A : vector<512x1xf32> to vector<512x128xf32>
      %div3A_43 = arith.divf %sub3A_38, %div3A_42 : vector<512x128xf32>
      %get3A_44 = arith.constant 0 : index
      %get3A_45 = arith.constant 0 : index
      %get3A_46 = vector.load %arg7[%get3A_44, %get3A_45] : memref<1x128xf32, #tpu.memory_space<vmem>>, vector<1x128xf32>
      %mul3A = vector.broadcast %get3A_46 : vector<1x128xf32> to vector<512x128xf32>
      %mul3A_47 = arith.mulf %div3A_43, %mul3A : vector<512x128xf32>
      %get3A_48 = arith.constant 0 : index
      %get3A_49 = arith.constant 0 : index
      %get3A_50 = vector.load %arg8[%get3A_48, %get3A_49] : memref<1x128xf32, #tpu.memory_space<vmem>>, vector<1x128xf32>
      %add3A_51 = vector.broadcast %get3A_50 : vector<1x128xf32> to vector<512x128xf32>
      %add3A_52 = arith.addf %mul3A_47, %add3A_51 : vector<512x128xf32>
      %get3A_53 = arith.constant 0 : index
      %get3A_54 = arith.constant 0 : index
      %get3A_55 = vector.load %arg3[%get3A_53, %get3A_54] : memref<512x128xf32, #tpu.memory_space<vmem>>, vector<512x128xf32>
      %add3A_56 = arith.addf %get3A_55, %add3A_52 : vector<512x128xf32>
      %get3A_57 = arith.constant 0 : index
      %get3A_58 = arith.constant 0 : index
      %get3A_59 = vector.load %arg9[%get3A_57, %get3A_58] : memref<128x128xf32, #tpu.memory_space<vmem>>, vector<128x128xf32>
      %dot_general3A_60 = arith.constant dense<0.000000e+00> : vector<512x128xf32>
      %dot_general3A_61 = tpu.matmul %add3A_56, %get3A_59, %dot_general3A_60 {dimension_numbers = #tpu.dot_dimension_numbers<[1], [0], [0], [1], [0, 0, 1, 1], [], []>, transpose_lhs_hint = false} : vector<512x128xf32>, vector<128x128xf32>, vector<512x128xf32> -> vector<512x128xf32>
      %get3A_62 = arith.constant 0 : index
      %get3A_63 = arith.constant 0 : index
      %get3A_64 = vector.load %arg10[%get3A_62, %get3A_63] : memref<1x128xf32, #tpu.memory_space<vmem>>, vector<1x128xf32>
      %add3A_65 = vector.broadcast %get3A_64 : vector<1x128xf32> to vector<512x128xf32>
      %add3A_66 = arith.addf %dot_general3A_61, %add3A_65 : vector<512x128xf32>
      %mul3A_67 = arith.constant 512 : i32
      %mul3A_68 = arith.muli %arg1, %mul3A_67 : i32
      %swap3A = arith.index_cast %mul3A_68 : i32 to index
      %swap3A_69 = arith.constant 0 : index
      %swap3A_70 = vector.load %arg22[%swap3A, %swap3A_69] : memref<16384x128xf32, #tpu.memory_space<vmem>>, vector<512x128xf32>
      tpu.vector_store %arg22[%swap3A, %swap3A_69], %add3A_66 {strides = array<i32>} : memref<16384x128xf32, #tpu.memory_space<vmem>>, vector<512x128xf32>,
      %get3A_71 = arith.constant 0 : index
      %get3A_72 = arith.constant 0 : index
      %get3A_73 = vector.load %arg11[%get3A_71, %get3A_72] : memref<128x128xf32, #tpu.memory_space<vmem>>, vector<128x128xf32>
      %dot_general3A_74 = arith.constant dense<0.000000e+00> : vector<512x128xf32>
      %dot_general3A_75 = tpu.matmul %add3A_56, %get3A_73, %dot_general3A_74 {dimension_numbers = #tpu.dot_dimension_numbers<[1], [0], [0], [1], [0, 0, 1, 1], [], []>, transpose_lhs_hint = false} : vector<512x128xf32>, vector<128x128xf32>, vector<512x128xf32> -> vector<512x128xf32>
      %get3A_76 = arith.constant 0 : index
      %get3A_77 = arith.constant 0 : index
      %get3A_78 = vector.load %arg12[%get3A_76, %get3A_77] : memref<1x128xf32, #tpu.memory_space<vmem>>, vector<1x128xf32>
      %add3A_79 = vector.broadcast %get3A_78 : vector<1x128xf32> to vector<512x128xf32>
      %add3A_80 = arith.addf %dot_general3A_75, %add3A_79 : vector<512x128xf32>
      %mul3A_81 = arith.constant 512 : i32
      %mul3A_82 = arith.muli %arg1, %mul3A_81 : i32
      %swap3A_83 = arith.index_cast %mul3A_82 : i32 to index
      %swap3A_84 = arith.constant 0 : index
      %swap3A_85 = vector.load %arg23[%swap3A_83, %swap3A_84] : memref<16384x128xf32, #tpu.memory_space<vmem>>, vector<512x128xf32>
      tpu.vector_store %arg23[%swap3A_83, %swap3A_84], %add3A_80 {strides = array<i32>} : memref<16384x128xf32, #tpu.memory_space<vmem>>, vector<512x128xf32>,
      %get3A_86 = arith.constant 0 : index
      %get3A_87 = arith.constant 0 : index
      %get3A_88 = arith.constant 0 : index
      %get3A_89 = vector.load %arg17[%get3A_86, %get3A_87, %get3A_88] : memref<1x1x512xi32, #tpu.memory_space<vmem>>, vector<1x1x512xi32>
      %get3A_90 = vector.shape_cast %get3A_89 : vector<1x1x512xi32> to vector<1x512xi32>
      %get3A_91 = arith.constant 0 : index
      %get3A_92 = arith.constant 0 : index
      %get3A_93 = arith.constant 0 : index
      %get3A_94 = vector.load %arg18[%get3A_91, %get3A_92, %get3A_93] : memref<1x1x512xi32, #tpu.memory_space<vmem>>, vector<1x1x512xi32>
      %get3A_95 = vector.shape_cast %get3A_94 : vector<1x1x512xi32> to vector<1x512xi32>
      %iota3A = tpu.iota {dimensions = array<i32: 0>} : vector<48x512xi32>
      %jit3A = arith.constant 8 : i32
      %div3A_96 = vector.broadcast %jit3A : i32 to vector<48x512xi32>
      %div3A_97 = arith.divsi %iota3A, %div3A_96 : vector<48x512xi32>
      %sign3A = arith.constant 0 : i32
      %sign3A_98 = vector.broadcast %sign3A : i32 to vector<48x512xi32>
      %sign3A_99 = arith.cmpi sgt, %iota3A, %sign3A_98 : vector<48x512xi32>
      %sign3A_100 = arith.extui %sign3A_99 : vector<48x512xi1> to vector<48x512xi32>
      %sign3A_101 = arith.constant 0 : i32
      %sign3A_102 = vector.broadcast %sign3A_101 : i32 to vector<48x512xi32>
      %sign3A_103 = arith.cmpi slt, %iota3A, %sign3A_102 : vector<48x512xi32>
      %sign3A_104 = arith.extui %sign3A_103 : vector<48x512xi1> to vector<48x512xi32>
      %sign3A_105 = arith.subi %sign3A_100, %sign3A_104 : vector<48x512xi32>
      %sign3A_106 = arith.constant 0 : i32
      %sign3A_107 = arith.cmpi sgt, %jit3A, %sign3A_106 : i32
      %sign3A_108 = arith.extui %sign3A_107 : i1 to i32
      %sign3A_109 = arith.constant 0 : i32
      %sign3A_110 = arith.cmpi slt, %jit3A, %sign3A_109 : i32
      %sign3A_111 = arith.extui %sign3A_110 : i1 to i32
      %sign3A_112 = arith.subi %sign3A_108, %sign3A_111 : i32
      %ne3A = vector.broadcast %sign3A_112 : i32 to vector<48x512xi32>
      %ne3A_113 = arith.cmpi ne, %sign3A_105, %ne3A : vector<48x512xi32>
      %rem3A = vector.broadcast %jit3A : i32 to vector<48x512xi32>
      %rem3A_114 = arith.remsi %iota3A, %rem3A : vector<48x512xi32>
      %ne3A_115 = arith.constant 0 : i32
      %ne3A_116 = vector.broadcast %ne3A_115 : i32 to vector<48x512xi32>
      %ne3A_117 = arith.cmpi ne, %rem3A_114, %ne3A_116 : vector<48x512xi32>
      %and3A = arith.andi %ne3A_113, %ne3A_117 : vector<48x512xi1>
      %sub3A_118 = arith.constant 1 : i32
      %sub3A_119 = vector.broadcast %sub3A_118 : i32 to vector<48x512xi32>
      %sub3A_120 = arith.subi %div3A_97, %sub3A_119 : vector<48x512xi32>
      %select_n3A = arith.select %and3A, %sub3A_120, %div3A_97 : vector<48x512xi1>, vector<48x512xi32>
      %jit3A_121 = arith.constant 8 : i32
      %eq3A_122 = arith.constant 0 : i32
      %eq3A_123 = arith.cmpi eq, %jit3A_121, %eq3A_122 : i32
      %jit3A_124 = arith.constant 1 : i32
      %select_n3A_125 = arith.select %eq3A_123, %jit3A_124, %jit3A_121 : i32
      %rem3A_126 = vector.broadcast %select_n3A_125 : i32 to vector<48x512xi32>
      %rem3A_127 = arith.remsi %iota3A, %rem3A_126 : vector<48x512xi32>
      %ne3A_128 = arith.constant 0 : i32
      %ne3A_129 = vector.broadcast %ne3A_128 : i32 to vector<48x512xi32>
      %ne3A_130 = arith.cmpi ne, %rem3A_127, %ne3A_129 : vector<48x512xi32>
      %lt3A = arith.constant 0 : i32
      %lt3A_131 = vector.broadcast %lt3A : i32 to vector<48x512xi32>
      %lt3A_132 = arith.cmpi slt, %rem3A_127, %lt3A_131 : vector<48x512xi32>
      %lt3A_133 = arith.constant 0 : i32
      %lt3A_134 = arith.cmpi slt, %select_n3A_125, %lt3A_133 : i32
      %ne3A_135 = vector.broadcast %lt3A_134 : i1 to vector<48x512xi1>
      %ne3A_136 = vector.broadcast %ne3A_135 : vector<48x512xi1> to vector<48x512xi1>
      %ne3A_137 = arith.xori %lt3A_132, %ne3A_136 : vector<48x512xi1>
      %and3A_138 = arith.andi %ne3A_137, %ne3A_130 : vector<48x512xi1>
      %add3A_139 = vector.broadcast %select_n3A_125 : i32 to vector<48x512xi32>
      %add3A_140 = arith.addi %rem3A_127, %add3A_139 : vector<48x512xi32>
      %select_n3A_141 = arith.select %and3A_138, %add3A_140, %rem3A_127 : vector<48x512xi1>, vector<48x512xi32>
      %broadcast_in_dim3A_142 = vector.shape_cast %get3A_90 : vector<1x512xi32> to vector<1x512xi32>
      %broadcast_in_dim3A_143 = vector.broadcast %broadcast_in_dim3A_142 : vector<1x512xi32> to vector<48x512xi32>
      %broadcast_in_dim3A_144 = vector.shape_cast %get3A_95 : vector<1x512xi32> to vector<1x512xi32>
      %broadcast_in_dim3A_145 = vector.broadcast %broadcast_in_dim3A_144 : vector<1x512xi32> to vector<48x512xi32>
      %shift_right_arithmetic3A = arith.shrsi %broadcast_in_dim3A_143, %select_n3A : vector<48x512xi32>
      %and3A_146 = arith.constant 1 : i32
      %and3A_147 = vector.broadcast %and3A_146 : i32 to vector<48x512xi32>
      %and3A_148 = arith.andi %shift_right_arithmetic3A, %and3A_147 : vector<48x512xi32>
      %eq3A_149 = arith.cmpi eq, %broadcast_in_dim3A_145, %select_n3A_141 : vector<48x512xi32>
      %convert_element_type3A_150 = arith.extui %eq3A_149 : vector<48x512xi1> to vector<48x512xi32>
      %mul3A_151 = arith.muli %and3A_148, %convert_element_type3A_150 : vector<48x512xi32>
      %convert_element_type3A_152 = arith.sitofp %mul3A_151 : vector<48x512xi32> to vector<48x512xf32>
      %dot_general3A_153 = arith.constant dense<0.000000e+00> : vector<48x128xf32>
      %dot_general3A_154 = tpu.matmul %convert_element_type3A_152, %add3A_56, %dot_general3A_153 {dimension_numbers = #tpu.dot_dimension_numbers<[1], [0], [0], [1], [0, 0, 1, 1], [], []>, transpose_lhs_hint = false} : vector<48x512xf32>, vector<512x128xf32>, vector<48x128xf32> -> vector<48x128xf32>
      %reduce_sum3A_155 = arith.constant dense<0.000000e+00> : vector<48xf32>
      %reduce_sum3A_156 = vector.multi_reduction <add>, %convert_element_type3A_152, %reduce_sum3A_155 [1] : vector<48x512xf32> to vector<48xf32>
      %broadcast_in_dim3A_157 = vector.shape_cast %reduce_sum3A_156 : vector<48xf32> to vector<48x1xf32>
      %broadcast_in_dim3A_158 = vector.shape_cast %broadcast_in_dim3A_157 : vector<48x1xf32> to vector<48x1xf32>
      %broadcast_in_dim3A_159 = vector.broadcast %broadcast_in_dim3A_158 : vector<48x1xf32> to vector<48x128xf32>
      %eq3A_160 = arith.constant 0 : i32
      %eq3A_161 = arith.cmpi eq, %arg1, %eq3A_160 : i32
      %convert_element_type3A_162 = arith.extui %eq3A_161 : i1 to i32
      %cond3A_163 = arith.constant 0 : i32
      %cond3A_164 = arith.cmpi ne, %convert_element_type3A_162, %cond3A_163 : i32
      scf.if %cond3A_164 {
        %broadcast_in_dim3A_179 = arith.constant 0.000000e+00 : f32
        %broadcast_in_dim3A_180 = vector.broadcast %broadcast_in_dim3A_179 : f32 to vector<48x128xf32>
        %swap3A_181 = arith.constant 0 : index
        %swap3A_182 = arith.constant 0 : index
        %swap3A_183 = vector.load %arg25[%swap3A_181, %swap3A_182] : memref<48x128xf32, #tpu.memory_space<vmem>>, vector<48x128xf32>
        tpu.vector_store %arg25[%swap3A_181, %swap3A_182], %broadcast_in_dim3A_180 {strides = array<i32>} : memref<48x128xf32, #tpu.memory_space<vmem>>, vector<48x128xf32>,
        %broadcast_in_dim3A_184 = arith.constant 0.000000e+00 : f32
        %broadcast_in_dim3A_185 = vector.broadcast %broadcast_in_dim3A_184 : f32 to vector<48x128xf32>
        %swap3A_186 = arith.constant 0 : index
        %swap3A_187 = arith.constant 0 : index
        %swap3A_188 = vector.load %arg26[%swap3A_186, %swap3A_187] : memref<48x128xf32, #tpu.memory_space<vmem>>, vector<48x128xf32>
        tpu.vector_store %arg26[%swap3A_186, %swap3A_187], %broadcast_in_dim3A_185 {strides = array<i32>} : memref<48x128xf32, #tpu.memory_space<vmem>>, vector<48x128xf32>,
      } else {
      }
      %get3A_165 = arith.constant 0 : index
      %get3A_166 = arith.constant 0 : index
      %get3A_167 = vector.load %arg25[%get3A_165, %get3A_166] : memref<48x128xf32, #tpu.memory_space<vmem>>, vector<48x128xf32>
      %add3A_168 = arith.addf %get3A_167, %dot_general3A_154 : vector<48x128xf32>
      %swap3A_169 = arith.constant 0 : index
      %swap3A_170 = arith.constant 0 : index
      %swap3A_171 = vector.load %arg25[%swap3A_169, %swap3A_170] : memref<48x128xf32, #tpu.memory_space<vmem>>, vector<48x128xf32>
      tpu.vector_store %arg25[%swap3A_169, %swap3A_170], %add3A_168 {strides = array<i32>} : memref<48x128xf32, #tpu.memory_space<vmem>>, vector<48x128xf32>,
      %get3A_172 = arith.constant 0 : index
      %get3A_173 = arith.constant 0 : index
      %get3A_174 = vector.load %arg26[%get3A_172, %get3A_173] : memref<48x128xf32, #tpu.memory_space<vmem>>, vector<48x128xf32>
      %add3A_175 = arith.addf %get3A_174, %broadcast_in_dim3A_159 : vector<48x128xf32>
      %swap3A_176 = arith.constant 0 : index
      %swap3A_177 = arith.constant 0 : index
      %swap3A_178 = vector.load %arg26[%swap3A_176, %swap3A_177] : memref<48x128xf32, #tpu.memory_space<vmem>>, vector<48x128xf32>
      tpu.vector_store %arg26[%swap3A_176, %swap3A_177], %add3A_175 {strides = array<i32>} : memref<48x128xf32, #tpu.memory_space<vmem>>, vector<48x128xf32>,
    } else {
    }
    %eq3A_2 = arith.constant 1 : i32
    %eq3A_3 = arith.cmpi eq, %arg0, %eq3A_2 : i32
    %convert_element_type3A_4 = arith.extui %eq3A_3 : i1 to i32
    %cond3A_5 = arith.constant 0 : i32
    %cond3A_6 = arith.cmpi ne, %convert_element_type3A_4, %cond3A_5 : i32
    scf.if %cond3A_6 {
      %eq3A_12 = arith.constant 0 : i32
      %eq3A_13 = arith.cmpi eq, %arg1, %eq3A_12 : i32
      %convert_element_type3A_14 = arith.extui %eq3A_13 : i1 to i32
      %cond3A_15 = arith.constant 0 : i32
      %cond3A_16 = arith.cmpi ne, %convert_element_type3A_14, %cond3A_15 : i32
      scf.if %cond3A_16 {
        %get3A_332 = arith.constant 0 : index
        %get3A_333 = arith.constant 0 : index
        %get3A_334 = vector.load %arg25[%get3A_332, %get3A_333] : memref<48x128xf32, #tpu.memory_space<vmem>>, vector<48x128xf32>
        %get3A_335 = arith.constant 0 : index
        %get3A_336 = arith.constant 0 : index
        %get3A_337 = vector.load %arg26[%get3A_335, %get3A_336] : memref<48x128xf32, #tpu.memory_space<vmem>>, vector<48x128xf32>
        %max3A_338 = arith.constant 1.000000e+00 : f32
        %max3A_339 = vector.broadcast %max3A_338 : f32 to vector<48x128xf32>
        %max3A_340 = arith.maximumf %get3A_337, %max3A_339 : vector<48x128xf32>
        %div3A_341 = arith.divf %get3A_334, %max3A_340 : vector<48x128xf32>
        %get3A_342 = arith.constant 0 : index
        %get3A_343 = arith.constant 0 : index
        %get3A_344 = vector.load %arg13[%get3A_342, %get3A_343] : memref<128x128xf32, #tpu.memory_space<vmem>>, vector<128x128xf32>
        %dot_general3A_345 = arith.constant dense<0.000000e+00> : vector<48x128xf32>
        %dot_general3A_346 = tpu.matmul %div3A_341, %get3A_344, %dot_general3A_345 {dimension_numbers = #tpu.dot_dimension_numbers<[1], [0], [0], [1], [0, 0, 1, 1], [], []>, transpose_lhs_hint = false} : vector<48x128xf32>, vector<128x128xf32>, vector<48x128xf32> -> vector<48x128xf32>
        %get3A_347 = arith.constant 0 : index
        %get3A_348 = arith.constant 0 : index
        %get3A_349 = vector.load %arg14[%get3A_347, %get3A_348] : memref<1x128xf32, #tpu.memory_space<vmem>>, vector<1x128xf32>
        %add3A = vector.broadcast %get3A_349 : vector<1x128xf32> to vector<48x128xf32>
        %add3A_350 = arith.addf %dot_general3A_346, %add3A : vector<48x128xf32>
        %mul3A_351 = arith.constant 2.500000e-01 : f32
        %mul3A_352 = vector.broadcast %mul3A_351 : f32 to vector<48x128xf32>
        %mul3A_353 = arith.mulf %add3A_350, %mul3A_352 : vector<48x128xf32>
        %swap3A_354 = arith.constant 0 : index
        %swap3A_355 = arith.constant 0 : index
        %swap3A_356 = vector.load %arg27[%swap3A_354, %swap3A_355] : memref<48x128xf32, #tpu.memory_space<vmem>>, vector<48x128xf32>
        tpu.vector_store %arg27[%swap3A_354, %swap3A_355], %mul3A_353 {strides = array<i32>} : memref<48x128xf32, #tpu.memory_space<vmem>>, vector<48x128xf32>,
        %broadcast_in_dim3A_357 = arith.constant -1.000000e+30 : f32
        %broadcast_in_dim3A_358 = vector.broadcast %broadcast_in_dim3A_357 : f32 to vector<8x48xf32>
        %swap3A_359 = arith.constant 0 : index
        %swap3A_360 = arith.constant 0 : index
        %swap3A_361 = vector.load %arg28[%swap3A_359, %swap3A_360] : memref<8x48xf32, #tpu.memory_space<vmem>>, vector<8x48xf32>
        tpu.vector_store %arg28[%swap3A_359, %swap3A_360], %broadcast_in_dim3A_358 {strides = array<i32>} : memref<8x48xf32, #tpu.memory_space<vmem>>, vector<8x48xf32>,
      } else {
      }
      %mul3A = arith.constant 512 : i32
      %mul3A_17 = arith.muli %arg1, %mul3A : i32
      %get3A = arith.index_cast %mul3A_17 : i32 to index
      %get3A_18 = arith.constant 0 : index
      %get3A_19 = vector.load %arg22[%get3A, %get3A_18] : memref<16384x128xf32, #tpu.memory_space<vmem>>, vector<512x128xf32>
      %get3A_20 = arith.constant 0 : index
      %get3A_21 = arith.constant 0 : index
      %get3A_22 = vector.load %arg19[%get3A_20, %get3A_21] : memref<512x1xi32, #tpu.memory_space<vmem>>, vector<512x1xi32>
      %get3A_23 = arith.constant 0 : index
      %get3A_24 = arith.constant 0 : index
      %get3A_25 = vector.load %arg20[%get3A_23, %get3A_24] : memref<512x1xi32, #tpu.memory_space<vmem>>, vector<512x1xi32>
      %iota3A = tpu.iota {dimensions = array<i32: 1>} : vector<512x8xi32>
      %eq3A_26 = vector.broadcast %get3A_22 : vector<512x1xi32> to vector<512x8xi32>
      %eq3A_27 = arith.cmpi eq, %iota3A, %eq3A_26 : vector<512x8xi32>
      %convert_element_type3A_28 = arith.extui %eq3A_27 : vector<512x8xi1> to vector<512x8xi32>
      %convert_element_type3A_29 = arith.sitofp %convert_element_type3A_28 : vector<512x8xi32> to vector<512x8xf32>
      %iota3A_30 = tpu.iota {dimensions = array<i32: 0>} : vector<128x8xi32>
      %jit3A = arith.constant 16 : i32
      %div3A = vector.broadcast %jit3A : i32 to vector<128x8xi32>
      %div3A_31 = arith.divsi %iota3A_30, %div3A : vector<128x8xi32>
      %sign3A = arith.constant 0 : i32
      %sign3A_32 = vector.broadcast %sign3A : i32 to vector<128x8xi32>
      %sign3A_33 = arith.cmpi sgt, %iota3A_30, %sign3A_32 : vector<128x8xi32>
      %sign3A_34 = arith.extui %sign3A_33 : vector<128x8xi1> to vector<128x8xi32>
      %sign3A_35 = arith.constant 0 : i32
      %sign3A_36 = vector.broadcast %sign3A_35 : i32 to vector<128x8xi32>
      %sign3A_37 = arith.cmpi slt, %iota3A_30, %sign3A_36 : vector<128x8xi32>
      %sign3A_38 = arith.extui %sign3A_37 : vector<128x8xi1> to vector<128x8xi32>
      %sign3A_39 = arith.subi %sign3A_34, %sign3A_38 : vector<128x8xi32>
      %sign3A_40 = arith.constant 0 : i32
      %sign3A_41 = arith.cmpi sgt, %jit3A, %sign3A_40 : i32
      %sign3A_42 = arith.extui %sign3A_41 : i1 to i32
      %sign3A_43 = arith.constant 0 : i32
      %sign3A_44 = arith.cmpi slt, %jit3A, %sign3A_43 : i32
      %sign3A_45 = arith.extui %sign3A_44 : i1 to i32
      %sign3A_46 = arith.subi %sign3A_42, %sign3A_45 : i32
      %ne3A = vector.broadcast %sign3A_46 : i32 to vector<128x8xi32>
      %ne3A_47 = arith.cmpi ne, %sign3A_39, %ne3A : vector<128x8xi32>
      %rem3A = vector.broadcast %jit3A : i32 to vector<128x8xi32>
      %rem3A_48 = arith.remsi %iota3A_30, %rem3A : vector<128x8xi32>
      %ne3A_49 = arith.constant 0 : i32
      %ne3A_50 = vector.broadcast %ne3A_49 : i32 to vector<128x8xi32>
      %ne3A_51 = arith.cmpi ne, %rem3A_48, %ne3A_50 : vector<128x8xi32>
      %and3A = arith.andi %ne3A_47, %ne3A_51 : vector<128x8xi1>
      %sub3A = arith.constant 1 : i32
      %sub3A_52 = vector.broadcast %sub3A : i32 to vector<128x8xi32>
      %sub3A_53 = arith.subi %div3A_31, %sub3A_52 : vector<128x8xi32>
      %select_n3A = arith.select %and3A, %sub3A_53, %div3A_31 : vector<128x8xi1>, vector<128x8xi32>
      %iota3A_54 = tpu.iota {dimensions = array<i32: 1>} : vector<128x8xi32>
      %eq3A_55 = arith.cmpi eq, %select_n3A, %iota3A_54 : vector<128x8xi32>
      %convert_element_type3A_56 = arith.extui %eq3A_55 : vector<128x8xi1> to vector<128x8xi32>
      %convert_element_type3A_57 = arith.sitofp %convert_element_type3A_56 : vector<128x8xi32> to vector<128x8xf32>
      %get3A_58 = arith.constant 0 : index
      %get3A_59 = arith.constant 0 : index
      %get3A_60 = vector.load %arg27[%get3A_58, %get3A_59] : memref<48x128xf32, #tpu.memory_space<vmem>>, vector<8x128xf32>
      %dot_general3A = arith.constant dense<0.000000e+00> : vector<512x128xf32>
      %dot_general3A_61 = tpu.matmul %convert_element_type3A_29, %get3A_60, %dot_general3A {dimension_numbers = #tpu.dot_dimension_numbers<[1], [0], [0], [1], [0, 0, 1, 1], [], []>, transpose_lhs_hint = false} : vector<512x8xf32>, vector<8x128xf32>, vector<512x128xf32> -> vector<512x128xf32>
      %mul3A_62 = arith.mulf %get3A_19, %dot_general3A_61 : vector<512x128xf32>
      %dot_general3A_63 = arith.constant dense<0.000000e+00> : vector<512x8xf32>
      %dot_general3A_64 = tpu.matmul %mul3A_62, %convert_element_type3A_57, %dot_general3A_63 {dimension_numbers = #tpu.dot_dimension_numbers<[1], [0], [0], [1], [0, 0, 1, 1], [], []>, transpose_lhs_hint = false} : vector<512x128xf32>, vector<128x8xf32>, vector<512x8xf32> -> vector<512x8xf32>
      %shift_right_arithmetic3A = arith.constant 0 : i32
      %shift_right_arithmetic3A_65 = vector.broadcast %shift_right_arithmetic3A : i32 to vector<512x1xi32>
      %shift_right_arithmetic3A_66 = arith.shrsi %get3A_25, %shift_right_arithmetic3A_65 : vector<512x1xi32>
      %and3A_67 = arith.constant 1 : i32
      %and3A_68 = vector.broadcast %and3A_67 : i32 to vector<512x1xi32>
      %and3A_69 = arith.andi %shift_right_arithmetic3A_66, %and3A_68 : vector<512x1xi32>
      %gt3A = arith.constant 0 : i32
      %gt3A_70 = vector.broadcast %gt3A : i32 to vector<512x1xi32>
      %gt3A_71 = arith.cmpi sgt, %and3A_69, %gt3A_70 : vector<512x1xi32>
      %jit3A_72 = arith.constant -1.000000e+30 : f32
      %broadcast_in_dim3A = vector.shape_cast %gt3A_71 : vector<512x1xi1> to vector<512x1xi1>
      %broadcast_in_dim3A_73 = vector.broadcast %broadcast_in_dim3A : vector<512x1xi1> to vector<512x8xi1>
      %broadcast_in_dim3A_74 = vector.broadcast %jit3A_72 : f32 to vector<512x8xf32>
      %select_n3A_75 = arith.select %broadcast_in_dim3A_73, %dot_general3A_64, %broadcast_in_dim3A_74 : vector<512x8xi1>, vector<512x8xf32>
      %get3A_76 = arith.constant 8 : index
      %get3A_77 = arith.constant 0 : index
      %get3A_78 = vector.load %arg27[%get3A_76, %get3A_77] : memref<48x128xf32, #tpu.memory_space<vmem>>, vector<8x128xf32>
      %dot_general3A_79 = arith.constant dense<0.000000e+00> : vector<512x128xf32>
      %dot_general3A_80 = tpu.matmul %convert_element_type3A_29, %get3A_78, %dot_general3A_79 {dimension_numbers = #tpu.dot_dimension_numbers<[1], [0], [0], [1], [0, 0, 1, 1], [], []>, transpose_lhs_hint = false} : vector<512x8xf32>, vector<8x128xf32>, vector<512x128xf32> -> vector<512x128xf32>
      %mul3A_81 = arith.mulf %get3A_19, %dot_general3A_80 : vector<512x128xf32>
      %dot_general3A_82 = arith.constant dense<0.000000e+00> : vector<512x8xf32>
      %dot_general3A_83 = tpu.matmul %mul3A_81, %convert_element_type3A_57, %dot_general3A_82 {dimension_numbers = #tpu.dot_dimension_numbers<[1], [0], [0], [1], [0, 0, 1, 1], [], []>, transpose_lhs_hint = false} : vector<512x128xf32>, vector<128x8xf32>, vector<512x8xf32> -> vector<512x8xf32>
      %shift_right_arithmetic3A_84 = arith.constant 1 : i32
      %shift_right_arithmetic3A_85 = vector.broadcast %shift_right_arithmetic3A_84 : i32 to vector<512x1xi32>
      %shift_right_arithmetic3A_86 = arith.shrsi %get3A_25, %shift_right_arithmetic3A_85 : vector<512x1xi32>
      %and3A_87 = arith.constant 1 : i32
      %and3A_88 = vector.broadcast %and3A_87 : i32 to vector<512x1xi32>
      %and3A_89 = arith.andi %shift_right_arithmetic3A_86, %and3A_88 : vector<512x1xi32>
      %gt3A_90 = arith.constant 0 : i32
      %gt3A_91 = vector.broadcast %gt3A_90 : i32 to vector<512x1xi32>
      %gt3A_92 = arith.cmpi sgt, %and3A_89, %gt3A_91 : vector<512x1xi32>
      %jit3A_93 = arith.constant -1.000000e+30 : f32
      %broadcast_in_dim3A_94 = vector.shape_cast %gt3A_92 : vector<512x1xi1> to vector<512x1xi1>
      %broadcast_in_dim3A_95 = vector.broadcast %broadcast_in_dim3A_94 : vector<512x1xi1> to vector<512x8xi1>
      %broadcast_in_dim3A_96 = vector.broadcast %jit3A_93 : f32 to vector<512x8xf32>
      %select_n3A_97 = arith.select %broadcast_in_dim3A_95, %dot_general3A_83, %broadcast_in_dim3A_96 : vector<512x8xi1>, vector<512x8xf32>
      %get3A_98 = arith.constant 16 : index
      %get3A_99 = arith.constant 0 : index
      %get3A_100 = vector.load %arg27[%get3A_98, %get3A_99] : memref<48x128xf32, #tpu.memory_space<vmem>>, vector<8x128xf32>
      %dot_general3A_101 = arith.constant dense<0.000000e+00> : vector<512x128xf32>
      %dot_general3A_102 = tpu.matmul %convert_element_type3A_29, %get3A_100, %dot_general3A_101 {dimension_numbers = #tpu.dot_dimension_numbers<[1], [0], [0], [1], [0, 0, 1, 1], [], []>, transpose_lhs_hint = false} : vector<512x8xf32>, vector<8x128xf32>, vector<512x128xf32> -> vector<512x128xf32>
      %mul3A_103 = arith.mulf %get3A_19, %dot_general3A_102 : vector<512x128xf32>
      %dot_general3A_104 = arith.constant dense<0.000000e+00> : vector<512x8xf32>
      %dot_general3A_105 = tpu.matmul %mul3A_103, %convert_element_type3A_57, %dot_general3A_104 {dimension_numbers = #tpu.dot_dimension_numbers<[1], [0], [0], [1], [0, 0, 1, 1], [], []>, transpose_lhs_hint = false} : vector<512x128xf32>, vector<128x8xf32>, vector<512x8xf32> -> vector<512x8xf32>
      %shift_right_arithmetic3A_106 = arith.constant 2 : i32
      %shift_right_arithmetic3A_107 = vector.broadcast %shift_right_arithmetic3A_106 : i32 to vector<512x1xi32>
      %shift_right_arithmetic3A_108 = arith.shrsi %get3A_25, %shift_right_arithmetic3A_107 : vector<512x1xi32>
      %and3A_109 = arith.constant 1 : i32
      %and3A_110 = vector.broadcast %and3A_109 : i32 to vector<512x1xi32>
      %and3A_111 = arith.andi %shift_right_arithmetic3A_108, %and3A_110 : vector<512x1xi32>
      %gt3A_112 = arith.constant 0 : i32
      %gt3A_113 = vector.broadcast %gt3A_112 : i32 to vector<512x1xi32>
      %gt3A_114 = arith.cmpi sgt, %and3A_111, %gt3A_113 : vector<512x1xi32>
      %jit3A_115 = arith.constant -1.000000e+30 : f32
      %broadcast_in_dim3A_116 = vector.shape_cast %gt3A_114 : vector<512x1xi1> to vector<512x1xi1>
      %broadcast_in_dim3A_117 = vector.broadcast %broadcast_in_dim3A_116 : vector<512x1xi1> to vector<512x8xi1>
      %broadcast_in_dim3A_118 = vector.broadcast %jit3A_115 : f32 to vector<512x8xf32>
      %select_n3A_119 = arith.select %broadcast_in_dim3A_117, %dot_general3A_105, %broadcast_in_dim3A_118 : vector<512x8xi1>, vector<512x8xf32>
      %get3A_120 = arith.constant 24 : index
      %get3A_121 = arith.constant 0 : index
      %get3A_122 = vector.load %arg27[%get3A_120, %get3A_121] : memref<48x128xf32, #tpu.memory_space<vmem>>, vector<8x128xf32>
      %dot_general3A_123 = arith.constant dense<0.000000e+00> : vector<512x128xf32>
      %dot_general3A_124 = tpu.matmul %convert_element_type3A_29, %get3A_122, %dot_general3A_123 {dimension_numbers = #tpu.dot_dimension_numbers<[1], [0], [0], [1], [0, 0, 1, 1], [], []>, transpose_lhs_hint = false} : vector<512x8xf32>, vector<8x128xf32>, vector<512x128xf32> -> vector<512x128xf32>
      %mul3A_125 = arith.mulf %get3A_19, %dot_general3A_124 : vector<512x128xf32>
      %dot_general3A_126 = arith.constant dense<0.000000e+00> : vector<512x8xf32>
      %dot_general3A_127 = tpu.matmul %mul3A_125, %convert_element_type3A_57, %dot_general3A_126 {dimension_numbers = #tpu.dot_dimension_numbers<[1], [0], [0], [1], [0, 0, 1, 1], [], []>, transpose_lhs_hint = false} : vector<512x128xf32>, vector<128x8xf32>, vector<512x8xf32> -> vector<512x8xf32>
      %shift_right_arithmetic3A_128 = arith.constant 3 : i32
      %shift_right_arithmetic3A_129 = vector.broadcast %shift_right_arithmetic3A_128 : i32 to vector<512x1xi32>
      %shift_right_arithmetic3A_130 = arith.shrsi %get3A_25, %shift_right_arithmetic3A_129 : vector<512x1xi32>
      %and3A_131 = arith.constant 1 : i32
      %and3A_132 = vector.broadcast %and3A_131 : i32 to vector<512x1xi32>
      %and3A_133 = arith.andi %shift_right_arithmetic3A_130, %and3A_132 : vector<512x1xi32>
      %gt3A_134 = arith.constant 0 : i32
      %gt3A_135 = vector.broadcast %gt3A_134 : i32 to vector<512x1xi32>
      %gt3A_136 = arith.cmpi sgt, %and3A_133, %gt3A_135 : vector<512x1xi32>
      %jit3A_137 = arith.constant -1.000000e+30 : f32
      %broadcast_in_dim3A_138 = vector.shape_cast %gt3A_136 : vector<512x1xi1> to vector<512x1xi1>
      %broadcast_in_dim3A_139 = vector.broadcast %broadcast_in_dim3A_138 : vector<512x1xi1> to vector<512x8xi1>
      %broadcast_in_dim3A_140 = vector.broadcast %jit3A_137 : f32 to vector<512x8xf32>
      %select_n3A_141 = arith.select %broadcast_in_dim3A_139, %dot_general3A_127, %broadcast_in_dim3A_140 : vector<512x8xi1>, vector<512x8xf32>
      %get3A_142 = arith.constant 32 : index
      %get3A_143 = arith.constant 0 : index
      %get3A_144 = vector.load %arg27[%get3A_142, %get3A_143] : memref<48x128xf32, #tpu.memory_space<vmem>>, vector<8x128xf32>
      %dot_general3A_145 = arith.constant dense<0.000000e+00> : vector<512x128xf32>
      %dot_general3A_146 = tpu.matmul %convert_element_type3A_29, %get3A_144, %dot_general3A_145 {dimension_numbers = #tpu.dot_dimension_numbers<[1], [0], [0], [1], [0, 0, 1, 1], [], []>, transpose_lhs_hint = false} : vector<512x8xf32>, vector<8x128xf32>, vector<512x128xf32> -> vector<512x128xf32>
      %mul3A_147 = arith.mulf %get3A_19, %dot_general3A_146 : vector<512x128xf32>
      %dot_general3A_148 = arith.constant dense<0.000000e+00> : vector<512x8xf32>
      %dot_general3A_149 = tpu.matmul %mul3A_147, %convert_element_type3A_57, %dot_general3A_148 {dimension_numbers = #tpu.dot_dimension_numbers<[1], [0], [0], [1], [0, 0, 1, 1], [], []>, transpose_lhs_hint = false} : vector<512x128xf32>, vector<128x8xf32>, vector<512x8xf32> -> vector<512x8xf32>
      %shift_right_arithmetic3A_150 = arith.constant 4 : i32
      %shift_right_arithmetic3A_151 = vector.broadcast %shift_right_arithmetic3A_150 : i32 to vector<512x1xi32>
      %shift_right_arithmetic3A_152 = arith.shrsi %get3A_25, %shift_right_arithmetic3A_151 : vector<512x1xi32>
      %and3A_153 = arith.constant 1 : i32
      %and3A_154 = vector.broadcast %and3A_153 : i32 to vector<512x1xi32>
      %and3A_155 = arith.andi %shift_right_arithmetic3A_152, %and3A_154 : vector<512x1xi32>
      %gt3A_156 = arith.constant 0 : i32
      %gt3A_157 = vector.broadcast %gt3A_156 : i32 to vector<512x1xi32>
      %gt3A_158 = arith.cmpi sgt, %and3A_155, %gt3A_157 : vector<512x1xi32>
      %jit3A_159 = arith.constant -1.000000e+30 : f32
      %broadcast_in_dim3A_160 = vector.shape_cast %gt3A_158 : vector<512x1xi1> to vector<512x1xi1>
      %broadcast_in_dim3A_161 = vector.broadcast %broadcast_in_dim3A_160 : vector<512x1xi1> to vector<512x8xi1>
      %broadcast_in_dim3A_162 = vector.broadcast %jit3A_159 : f32 to vector<512x8xf32>
      %select_n3A_163 = arith.select %broadcast_in_dim3A_161, %dot_general3A_149, %broadcast_in_dim3A_162 : vector<512x8xi1>, vector<512x8xf32>
      %get3A_164 = arith.constant 40 : index
      %get3A_165 = arith.constant 0 : index
      %get3A_166 = vector.load %arg27[%get3A_164, %get3A_165] : memref<48x128xf32, #tpu.memory_space<vmem>>, vector<8x128xf32>
      %dot_general3A_167 = arith.constant dense<0.000000e+00> : vector<512x128xf32>
      %dot_general3A_168 = tpu.matmul %convert_element_type3A_29, %get3A_166, %dot_general3A_167 {dimension_numbers = #tpu.dot_dimension_numbers<[1], [0], [0], [1], [0, 0, 1, 1], [], []>, transpose_lhs_hint = false} : vector<512x8xf32>, vector<8x128xf32>, vector<512x128xf32> -> vector<512x128xf32>
      %mul3A_169 = arith.mulf %get3A_19, %dot_general3A_168 : vector<512x128xf32>
      %dot_general3A_170 = arith.constant dense<0.000000e+00> : vector<512x8xf32>
      %dot_general3A_171 = tpu.matmul %mul3A_169, %convert_element_type3A_57, %dot_general3A_170 {dimension_numbers = #tpu.dot_dimension_numbers<[1], [0], [0], [1], [0, 0, 1, 1], [], []>, transpose_lhs_hint = false} : vector<512x128xf32>, vector<128x8xf32>, vector<512x8xf32> -> vector<512x8xf32>
      %shift_right_arithmetic3A_172 = arith.constant 5 : i32
      %shift_right_arithmetic3A_173 = vector.broadcast %shift_right_arithmetic3A_172 : i32 to vector<512x1xi32>
      %shift_right_arithmetic3A_174 = arith.shrsi %get3A_25, %shift_right_arithmetic3A_173 : vector<512x1xi32>
      %and3A_175 = arith.constant 1 : i32
      %and3A_176 = vector.broadcast %and3A_175 : i32 to vector<512x1xi32>
      %and3A_177 = arith.andi %shift_right_arithmetic3A_174, %and3A_176 : vector<512x1xi32>
      %gt3A_178 = arith.constant 0 : i32
      %gt3A_179 = vector.broadcast %gt3A_178 : i32 to vector<512x1xi32>
      %gt3A_180 = arith.cmpi sgt, %and3A_177, %gt3A_179 : vector<512x1xi32>
      %jit3A_181 = arith.constant -1.000000e+30 : f32
      %broadcast_in_dim3A_182 = vector.shape_cast %gt3A_180 : vector<512x1xi1> to vector<512x1xi1>
      %broadcast_in_dim3A_183 = vector.broadcast %broadcast_in_dim3A_182 : vector<512x1xi1> to vector<512x8xi1>
      %broadcast_in_dim3A_184 = vector.broadcast %jit3A_181 : f32 to vector<512x8xf32>
      %select_n3A_185 = arith.select %broadcast_in_dim3A_183, %dot_general3A_171, %broadcast_in_dim3A_184 : vector<512x8xi1>, vector<512x8xf32>
      %concatenate3A = tpu.concatenate %select_n3A_75, %select_n3A_97, %select_n3A_119, %select_n3A_141, %select_n3A_163, %select_n3A_185 in 1 : vector<512x8xf32>, vector<512x8xf32>, vector<512x8xf32>, vector<512x8xf32>, vector<512x8xf32>, vector<512x8xf32> -> vector<512x48xf32>
      %mul3A_186 = arith.constant 512 : i32
      %mul3A_187 = arith.muli %arg1, %mul3A_186 : i32
      %swap3A = arith.index_cast %mul3A_187 : i32 to index
      %swap3A_188 = arith.constant 0 : index
      %swap3A_189 = vector.load %arg24[%swap3A, %swap3A_188] : memref<16384x48xf32, #tpu.memory_space<vmem>>, vector<512x48xf32>
      tpu.vector_store %arg24[%swap3A, %swap3A_188], %concatenate3A {strides = array<i32>} : memref<16384x48xf32, #tpu.memory_space<vmem>>, vector<512x48xf32>,
      %eq3A_190 = arith.constant 0 : i32
      %eq3A_191 = vector.broadcast %eq3A_190 : i32 to vector<512x1xi32>
      %eq3A_192 = arith.cmpi eq, %get3A_22, %eq3A_191 : vector<512x1xi32>
      %jit3A_193 = arith.constant -1.000000e+30 : f32
      %broadcast_in_dim3A_194 = vector.shape_cast %eq3A_192 : vector<512x1xi1> to vector<512x1xi1>
      %broadcast_in_dim3A_195 = vector.broadcast %broadcast_in_dim3A_194 : vector<512x1xi1> to vector<512x48xi1>
      %broadcast_in_dim3A_196 = vector.broadcast %jit3A_193 : f32 to vector<512x48xf32>
      %select_n3A_197 = arith.select %broadcast_in_dim3A_195, %concatenate3A, %broadcast_in_dim3A_196 : vector<512x48xi1>, vector<512x48xf32>
      %reduce_max3A = arith.constant dense<0xFF800000> : vector<48xf32>
      %reduce_max3A_198 = vector.multi_reduction <maximumf>, %select_n3A_197, %reduce_max3A [0] : vector<512x48xf32> to vector<48xf32>
      %broadcast_in_dim3A_199 = vector.shape_cast %reduce_max3A_198 : vector<48xf32> to vector<1x48xf32>
      %get3A_200 = arith.constant 0 : index
      %get3A_201 = arith.constant 0 : index
      %get3A_202 = vector.load %arg28[%get3A_200, %get3A_201] : memref<8x48xf32, #tpu.memory_space<vmem>>, vector<1x48xf32>
      %max3A = arith.maximumf %get3A_202, %broadcast_in_dim3A_199 : vector<1x48xf32>
      %swap3A_203 = arith.constant 0 : index
      %swap3A_204 = arith.constant 0 : index
      %swap3A_205 = vector.load %arg28[%swap3A_203, %swap3A_204] : memref<8x48xf32, #tpu.memory_space<vmem>>, vector<1x48xf32>
      tpu.vector_store %arg28[%swap3A_203, %swap3A_204], %max3A {strides = array<i32>} : memref<8x48xf32, #tpu.memory_space<vmem>>, vector<1x48xf32>,
      %eq3A_206 = arith.constant 1 : i32
      %eq3A_207 = vector.broadcast %eq3A_206 : i32 to vector<512x1xi32>
      %eq3A_208 = arith.cmpi eq, %get3A_22, %eq3A_207 : vector<512x1xi32>
      %jit3A_209 = arith.constant -1.000000e+30 : f32
      %broadcast_in_dim3A_210 = vector.shape_cast %eq3A_208 : vector<512x1xi1> to vector<512x1xi1>
      %broadcast_in_dim3A_211 = vector.broadcast %broadcast_in_dim3A_210 : vector<512x1xi1> to vector<512x48xi1>
      %broadcast_in_dim3A_212 = vector.broadcast %jit3A_209 : f32 to vector<512x48xf32>
      %select_n3A_213 = arith.select %broadcast_in_dim3A_211, %concatenate3A, %broadcast_in_dim3A_212 : vector<512x48xi1>, vector<512x48xf32>
      %reduce_max3A_214 = arith.constant dense<0xFF800000> : vector<48xf32>
      %reduce_max3A_215 = vector.multi_reduction <maximumf>, %select_n3A_213, %reduce_max3A_214 [0] : vector<512x48xf32> to vector<48xf32>
      %broadcast_in_dim3A_216 = vector.shape_cast %reduce_max3A_215 : vector<48xf32> to vector<1x48xf32>
      %get3A_217 = arith.constant 1 : index
      %get3A_218 = arith.constant 0 : index
      %get3A_219 = vector.load %arg28[%get3A_217, %get3A_218] : memref<8x48xf32, #tpu.memory_space<vmem>>, vector<1x48xf32>
      %max3A_220 = arith.maximumf %get3A_219, %broadcast_in_dim3A_216 : vector<1x48xf32>
      %swap3A_221 = arith.constant 1 : index
      %swap3A_222 = arith.constant 0 : index
      %swap3A_223 = vector.load %arg28[%swap3A_221, %swap3A_222] : memref<8x48xf32, #tpu.memory_space<vmem>>, vector<1x48xf32>
      tpu.vector_store %arg28[%swap3A_221, %swap3A_222], %max3A_220 {strides = array<i32>} : memref<8x48xf32, #tpu.memory_space<vmem>>, vector<1x48xf32>,
      %eq3A_224 = arith.constant 2 : i32
      %eq3A_225 = vector.broadcast %eq3A_224 : i32 to vector<512x1xi32>
      %eq3A_226 = arith.cmpi eq, %get3A_22, %eq3A_225 : vector<512x1xi32>
      %jit3A_227 = arith.constant -1.000000e+30 : f32
      %broadcast_in_dim3A_228 = vector.shape_cast %eq3A_226 : vector<512x1xi1> to vector<512x1xi1>
      %broadcast_in_dim3A_229 = vector.broadcast %broadcast_in_dim3A_228 : vector<512x1xi1> to vector<512x48xi1>
      %broadcast_in_dim3A_230 = vector.broadcast %jit3A_227 : f32 to vector<512x48xf32>
      %select_n3A_231 = arith.select %broadcast_in_dim3A_229, %concatenate3A, %broadcast_in_dim3A_230 : vector<512x48xi1>, vector<512x48xf32>
      %reduce_max3A_232 = arith.constant dense<0xFF800000> : vector<48xf32>
      %reduce_max3A_233 = vector.multi_reduction <maximumf>, %select_n3A_231, %reduce_max3A_232 [0] : vector<512x48xf32> to vector<48xf32>
      %broadcast_in_dim3A_234 = vector.shape_cast %reduce_max3A_233 : vector<48xf32> to vector<1x48xf32>
      %get3A_235 = arith.constant 2 : index
      %get3A_236 = arith.constant 0 : index
      %get3A_237 = vector.load %arg28[%get3A_235, %get3A_236] : memref<8x48xf32, #tpu.memory_space<vmem>>, vector<1x48xf32>
      %max3A_238 = arith.maximumf %get3A_237, %broadcast_in_dim3A_234 : vector<1x48xf32>
      %swap3A_239 = arith.constant 2 : index
      %swap3A_240 = arith.constant 0 : index
      %swap3A_241 = vector.load %arg28[%swap3A_239, %swap3A_240] : memref<8x48xf32, #tpu.memory_space<vmem>>, vector<1x48xf32>
      tpu.vector_store %arg28[%swap3A_239, %swap3A_240], %max3A_238 {strides = array<i32>} : memref<8x48xf32, #tpu.memory_space<vmem>>, vector<1x48xf32>,
      %eq3A_242 = arith.constant 3 : i32
      %eq3A_243 = vector.broadcast %eq3A_242 : i32 to vector<512x1xi32>
      %eq3A_244 = arith.cmpi eq, %get3A_22, %eq3A_243 : vector<512x1xi32>
      %jit3A_245 = arith.constant -1.000000e+30 : f32
      %broadcast_in_dim3A_246 = vector.shape_cast %eq3A_244 : vector<512x1xi1> to vector<512x1xi1>
      %broadcast_in_dim3A_247 = vector.broadcast %broadcast_in_dim3A_246 : vector<512x1xi1> to vector<512x48xi1>
      %broadcast_in_dim3A_248 = vector.broadcast %jit3A_245 : f32 to vector<512x48xf32>
      %select_n3A_249 = arith.select %broadcast_in_dim3A_247, %concatenate3A, %broadcast_in_dim3A_248 : vector<512x48xi1>, vector<512x48xf32>
      %reduce_max3A_250 = arith.constant dense<0xFF800000> : vector<48xf32>
      %reduce_max3A_251 = vector.multi_reduction <maximumf>, %select_n3A_249, %reduce_max3A_250 [0] : vector<512x48xf32> to vector<48xf32>
      %broadcast_in_dim3A_252 = vector.shape_cast %reduce_max3A_251 : vector<48xf32> to vector<1x48xf32>
      %get3A_253 = arith.constant 3 : index
      %get3A_254 = arith.constant 0 : index
      %get3A_255 = vector.load %arg28[%get3A_253, %get3A_254] : memref<8x48xf32, #tpu.memory_space<vmem>>, vector<1x48xf32>
      %max3A_256 = arith.maximumf %get3A_255, %broadcast_in_dim3A_252 : vector<1x48xf32>
      %swap3A_257 = arith.constant 3 : index
      %swap3A_258 = arith.constant 0 : index
      %swap3A_259 = vector.load %arg28[%swap3A_257, %swap3A_258] : memref<8x48xf32, #tpu.memory_space<vmem>>, vector<1x48xf32>
      tpu.vector_store %arg28[%swap3A_257, %swap3A_258], %max3A_256 {strides = array<i32>} : memref<8x48xf32, #tpu.memory_space<vmem>>, vector<1x48xf32>,
      %eq3A_260 = arith.constant 4 : i32
      %eq3A_261 = vector.broadcast %eq3A_260 : i32 to vector<512x1xi32>
      %eq3A_262 = arith.cmpi eq, %get3A_22, %eq3A_261 : vector<512x1xi32>
      %jit3A_263 = arith.constant -1.000000e+30 : f32
      %broadcast_in_dim3A_264 = vector.shape_cast %eq3A_262 : vector<512x1xi1> to vector<512x1xi1>
      %broadcast_in_dim3A_265 = vector.broadcast %broadcast_in_dim3A_264 : vector<512x1xi1> to vector<512x48xi1>
      %broadcast_in_dim3A_266 = vector.broadcast %jit3A_263 : f32 to vector<512x48xf32>
      %select_n3A_267 = arith.select %broadcast_in_dim3A_265, %concatenate3A, %broadcast_in_dim3A_266 : vector<512x48xi1>, vector<512x48xf32>
      %reduce_max3A_268 = arith.constant dense<0xFF800000> : vector<48xf32>
      %reduce_max3A_269 = vector.multi_reduction <maximumf>, %select_n3A_267, %reduce_max3A_268 [0] : vector<512x48xf32> to vector<48xf32>
      %broadcast_in_dim3A_270 = vector.shape_cast %reduce_max3A_269 : vector<48xf32> to vector<1x48xf32>
      %get3A_271 = arith.constant 4 : index
      %get3A_272 = arith.constant 0 : index
      %get3A_273 = vector.load %arg28[%get3A_271, %get3A_272] : memref<8x48xf32, #tpu.memory_space<vmem>>, vector<1x48xf32>
      %max3A_274 = arith.maximumf %get3A_273, %broadcast_in_dim3A_270 : vector<1x48xf32>
      %swap3A_275 = arith.constant 4 : index
      %swap3A_276 = arith.constant 0 : index
      %swap3A_277 = vector.load %arg28[%swap3A_275, %swap3A_276] : memref<8x48xf32, #tpu.memory_space<vmem>>, vector<1x48xf32>
      tpu.vector_store %arg28[%swap3A_275, %swap3A_276], %max3A_274 {strides = array<i32>} : memref<8x48xf32, #tpu.memory_space<vmem>>, vector<1x48xf32>,
      %eq3A_278 = arith.constant 5 : i32
      %eq3A_279 = vector.broadcast %eq3A_278 : i32 to vector<512x1xi32>
      %eq3A_280 = arith.cmpi eq, %get3A_22, %eq3A_279 : vector<512x1xi32>
      %jit3A_281 = arith.constant -1.000000e+30 : f32
      %broadcast_in_dim3A_282 = vector.shape_cast %eq3A_280 : vector<512x1xi1> to vector<512x1xi1>
      %broadcast_in_dim3A_283 = vector.broadcast %broadcast_in_dim3A_282 : vector<512x1xi1> to vector<512x48xi1>
      %broadcast_in_dim3A_284 = vector.broadcast %jit3A_281 : f32 to vector<512x48xf32>
      %select_n3A_285 = arith.select %broadcast_in_dim3A_283, %concatenate3A, %broadcast_in_dim3A_284 : vector<512x48xi1>, vector<512x48xf32>
      %reduce_max3A_286 = arith.constant dense<0xFF800000> : vector<48xf32>
      %reduce_max3A_287 = vector.multi_reduction <maximumf>, %select_n3A_285, %reduce_max3A_286 [0] : vector<512x48xf32> to vector<48xf32>
      %broadcast_in_dim3A_288 = vector.shape_cast %reduce_max3A_287 : vector<48xf32> to vector<1x48xf32>
      %get3A_289 = arith.constant 5 : index
      %get3A_290 = arith.constant 0 : index
      %get3A_291 = vector.load %arg28[%get3A_289, %get3A_290] : memref<8x48xf32, #tpu.memory_space<vmem>>, vector<1x48xf32>
      %max3A_292 = arith.maximumf %get3A_291, %broadcast_in_dim3A_288 : vector<1x48xf32>
      %swap3A_293 = arith.constant 5 : index
      %swap3A_294 = arith.constant 0 : index
      %swap3A_295 = vector.load %arg28[%swap3A_293, %swap3A_294] : memref<8x48xf32, #tpu.memory_space<vmem>>, vector<1x48xf32>
      tpu.vector_store %arg28[%swap3A_293, %swap3A_294], %max3A_292 {strides = array<i32>} : memref<8x48xf32, #tpu.memory_space<vmem>>, vector<1x48xf32>,
      %eq3A_296 = arith.constant 6 : i32
      %eq3A_297 = vector.broadcast %eq3A_296 : i32 to vector<512x1xi32>
      %eq3A_298 = arith.cmpi eq, %get3A_22, %eq3A_297 : vector<512x1xi32>
      %jit3A_299 = arith.constant -1.000000e+30 : f32
      %broadcast_in_dim3A_300 = vector.shape_cast %eq3A_298 : vector<512x1xi1> to vector<512x1xi1>
      %broadcast_in_dim3A_301 = vector.broadcast %broadcast_in_dim3A_300 : vector<512x1xi1> to vector<512x48xi1>
      %broadcast_in_dim3A_302 = vector.broadcast %jit3A_299 : f32 to vector<512x48xf32>
      %select_n3A_303 = arith.select %broadcast_in_dim3A_301, %concatenate3A, %broadcast_in_dim3A_302 : vector<512x48xi1>, vector<512x48xf32>
      %reduce_max3A_304 = arith.constant dense<0xFF800000> : vector<48xf32>
      %reduce_max3A_305 = vector.multi_reduction <maximumf>, %select_n3A_303, %reduce_max3A_304 [0] : vector<512x48xf32> to vector<48xf32>
      %broadcast_in_dim3A_306 = vector.shape_cast %reduce_max3A_305 : vector<48xf32> to vector<1x48xf32>
      %get3A_307 = arith.constant 6 : index
      %get3A_308 = arith.constant 0 : index
      %get3A_309 = vector.load %arg28[%get3A_307, %get3A_308] : memref<8x48xf32, #tpu.memory_space<vmem>>, vector<1x48xf32>
      %max3A_310 = arith.maximumf %get3A_309, %broadcast_in_dim3A_306 : vector<1x48xf32>
      %swap3A_311 = arith.constant 6 : index
      %swap3A_312 = arith.constant 0 : index
      %swap3A_313 = vector.load %arg28[%swap3A_311, %swap3A_312] : memref<8x48xf32, #tpu.memory_space<vmem>>, vector<1x48xf32>
      tpu.vector_store %arg28[%swap3A_311, %swap3A_312], %max3A_310 {strides = array<i32>} : memref<8x48xf32, #tpu.memory_space<vmem>>, vector<1x48xf32>,
      %eq3A_314 = arith.constant 7 : i32
      %eq3A_315 = vector.broadcast %eq3A_314 : i32 to vector<512x1xi32>
      %eq3A_316 = arith.cmpi eq, %get3A_22, %eq3A_315 : vector<512x1xi32>
      %jit3A_317 = arith.constant -1.000000e+30 : f32
      %broadcast_in_dim3A_318 = vector.shape_cast %eq3A_316 : vector<512x1xi1> to vector<512x1xi1>
      %broadcast_in_dim3A_319 = vector.broadcast %broadcast_in_dim3A_318 : vector<512x1xi1> to vector<512x48xi1>
      %broadcast_in_dim3A_320 = vector.broadcast %jit3A_317 : f32 to vector<512x48xf32>
      %select_n3A_321 = arith.select %broadcast_in_dim3A_319, %concatenate3A, %broadcast_in_dim3A_320 : vector<512x48xi1>, vector<512x48xf32>
      %reduce_max3A_322 = arith.constant dense<0xFF800000> : vector<48xf32>
      %reduce_max3A_323 = vector.multi_reduction <maximumf>, %select_n3A_321, %reduce_max3A_322 [0] : vector<512x48xf32> to vector<48xf32>
      %broadcast_in_dim3A_324 = vector.shape_cast %reduce_max3A_323 : vector<48xf32> to vector<1x48xf32>
      %get3A_325 = arith.constant 7 : index
      %get3A_326 = arith.constant 0 : index
      %get3A_327 = vector.load %arg28[%get3A_325, %get3A_326] : memref<8x48xf32, #tpu.memory_space<vmem>>, vector<1x48xf32>
      %max3A_328 = arith.maximumf %get3A_327, %broadcast_in_dim3A_324 : vector<1x48xf32>
      %swap3A_329 = arith.constant 7 : index
      %swap3A_330 = arith.constant 0 : index
      %swap3A_331 = vector.load %arg28[%swap3A_329, %swap3A_330] : memref<8x48xf32, #tpu.memory_space<vmem>>, vector<1x48xf32>
      tpu.vector_store %arg28[%swap3A_329, %swap3A_330], %max3A_328 {strides = array<i32>} : memref<8x48xf32, #tpu.memory_space<vmem>>, vector<1x48xf32>,
    } else {
    }
    %eq3A_7 = arith.constant 2 : i32
    %eq3A_8 = arith.cmpi eq, %arg0, %eq3A_7 : i32
    %convert_element_type3A_9 = arith.extui %eq3A_8 : i1 to i32
    %cond3A_10 = arith.constant 0 : i32
    %cond3A_11 = arith.cmpi ne, %convert_element_type3A_9, %cond3A_10 : i32
    scf.if %cond3A_11 {
      %eq3A_12 = arith.constant 0 : i32
      %eq3A_13 = arith.cmpi eq, %arg1, %eq3A_12 : i32
      %convert_element_type3A_14 = arith.extui %eq3A_13 : i1 to i32
      %cond3A_15 = arith.constant 0 : i32
      %cond3A_16 = arith.cmpi ne, %convert_element_type3A_14, %cond3A_15 : i32
      scf.if %cond3A_16 {
        %broadcast_in_dim3A_251 = arith.constant 0.000000e+00 : f32
        %broadcast_in_dim3A_252 = vector.broadcast %broadcast_in_dim3A_251 : f32 to vector<48x128xf32>
        %swap3A_253 = arith.constant 0 : index
        %swap3A_254 = arith.constant 0 : index
        %swap3A_255 = vector.load %arg29[%swap3A_253, %swap3A_254] : memref<48x128xf32, #tpu.memory_space<vmem>>, vector<48x128xf32>
        tpu.vector_store %arg29[%swap3A_253, %swap3A_254], %broadcast_in_dim3A_252 {strides = array<i32>} : memref<48x128xf32, #tpu.memory_space<vmem>>, vector<48x128xf32>,
        %broadcast_in_dim3A_256 = arith.constant 0.000000e+00 : f32
        %broadcast_in_dim3A_257 = vector.broadcast %broadcast_in_dim3A_256 : f32 to vector<48x128xf32>
        %swap3A_258 = arith.constant 0 : index
        %swap3A_259 = arith.constant 0 : index
        %swap3A_260 = vector.load %arg30[%swap3A_258, %swap3A_259] : memref<48x128xf32, #tpu.memory_space<vmem>>, vector<48x128xf32>
        tpu.vector_store %arg30[%swap3A_258, %swap3A_259], %broadcast_in_dim3A_257 {strides = array<i32>} : memref<48x128xf32, #tpu.memory_space<vmem>>, vector<48x128xf32>,
      } else {
      }
      %mul3A = arith.constant 512 : i32
      %mul3A_17 = arith.muli %arg1, %mul3A : i32
      %get3A = arith.index_cast %mul3A_17 : i32 to index
      %get3A_18 = arith.constant 0 : index
      %get3A_19 = vector.load %arg24[%get3A, %get3A_18] : memref<16384x48xf32, #tpu.memory_space<vmem>>, vector<512x48xf32>
      %mul3A_20 = arith.constant 512 : i32
      %mul3A_21 = arith.muli %arg1, %mul3A_20 : i32
      %get3A_22 = arith.index_cast %mul3A_21 : i32 to index
      %get3A_23 = arith.constant 0 : index
      %get3A_24 = vector.load %arg23[%get3A_22, %get3A_23] : memref<16384x128xf32, #tpu.memory_space<vmem>>, vector<512x128xf32>
      %get3A_25 = arith.constant 0 : index
      %get3A_26 = arith.constant 0 : index
      %get3A_27 = vector.load %arg19[%get3A_25, %get3A_26] : memref<512x1xi32, #tpu.memory_space<vmem>>, vector<512x1xi32>
      %get3A_28 = arith.constant 0 : index
      %get3A_29 = arith.constant 0 : index
      %get3A_30 = vector.load %arg20[%get3A_28, %get3A_29] : memref<512x1xi32, #tpu.memory_space<vmem>>, vector<512x1xi32>
      %get3A_31 = arith.constant 0 : index
      %get3A_32 = arith.constant 0 : index
      %get3A_33 = arith.constant 0 : index
      %get3A_34 = vector.load %arg18[%get3A_31, %get3A_32, %get3A_33] : memref<1x1x512xi32, #tpu.memory_space<vmem>>, vector<1x1x512xi32>
      %get3A_35 = vector.shape_cast %get3A_34 : vector<1x1x512xi32> to vector<1x512xi32>
      %iota3A = tpu.iota {dimensions = array<i32: 1>} : vector<512x8xi32>
      %eq3A_36 = vector.broadcast %get3A_27 : vector<512x1xi32> to vector<512x8xi32>
      %eq3A_37 = arith.cmpi eq, %iota3A, %eq3A_36 : vector<512x8xi32>
      %convert_element_type3A_38 = arith.extui %eq3A_37 : vector<512x8xi1> to vector<512x8xi32>
      %convert_element_type3A_39 = arith.sitofp %convert_element_type3A_38 : vector<512x8xi32> to vector<512x8xf32>
      %iota3A_40 = tpu.iota {dimensions = array<i32: 0>} : vector<8x512xi32>
      %broadcast_in_dim3A = vector.shape_cast %get3A_35 : vector<1x512xi32> to vector<1x512xi32>
      %broadcast_in_dim3A_41 = vector.broadcast %broadcast_in_dim3A : vector<1x512xi32> to vector<8x512xi32>
      %eq3A_42 = arith.cmpi eq, %iota3A_40, %broadcast_in_dim3A_41 : vector<8x512xi32>
      %convert_element_type3A_43 = arith.extui %eq3A_42 : vector<8x512xi1> to vector<8x512xi32>
      %convert_element_type3A_44 = arith.sitofp %convert_element_type3A_43 : vector<8x512xi32> to vector<8x512xf32>
      %iota3A_45 = tpu.iota {dimensions = array<i32: 0>} : vector<8x128xi32>
      %iota3A_46 = tpu.iota {dimensions = array<i32: 1>} : vector<8x128xi32>
      %jit3A = arith.constant 16 : i32
      %div3A = vector.broadcast %jit3A : i32 to vector<8x128xi32>
      %div3A_47 = arith.divsi %iota3A_46, %div3A : vector<8x128xi32>
      %sign3A = arith.constant 0 : i32
      %sign3A_48 = vector.broadcast %sign3A : i32 to vector<8x128xi32>
      %sign3A_49 = arith.cmpi sgt, %iota3A_46, %sign3A_48 : vector<8x128xi32>
      %sign3A_50 = arith.extui %sign3A_49 : vector<8x128xi1> to vector<8x128xi32>
      %sign3A_51 = arith.constant 0 : i32
      %sign3A_52 = vector.broadcast %sign3A_51 : i32 to vector<8x128xi32>
      %sign3A_53 = arith.cmpi slt, %iota3A_46, %sign3A_52 : vector<8x128xi32>
      %sign3A_54 = arith.extui %sign3A_53 : vector<8x128xi1> to vector<8x128xi32>
      %sign3A_55 = arith.subi %sign3A_50, %sign3A_54 : vector<8x128xi32>
      %sign3A_56 = arith.constant 0 : i32
      %sign3A_57 = arith.cmpi sgt, %jit3A, %sign3A_56 : i32
      %sign3A_58 = arith.extui %sign3A_57 : i1 to i32
      %sign3A_59 = arith.constant 0 : i32
      %sign3A_60 = arith.cmpi slt, %jit3A, %sign3A_59 : i32
      %sign3A_61 = arith.extui %sign3A_60 : i1 to i32
      %sign3A_62 = arith.subi %sign3A_58, %sign3A_61 : i32
      %ne3A = vector.broadcast %sign3A_62 : i32 to vector<8x128xi32>
      %ne3A_63 = arith.cmpi ne, %sign3A_55, %ne3A : vector<8x128xi32>
      %rem3A = vector.broadcast %jit3A : i32 to vector<8x128xi32>
      %rem3A_64 = arith.remsi %iota3A_46, %rem3A : vector<8x128xi32>
      %ne3A_65 = arith.constant 0 : i32
      %ne3A_66 = vector.broadcast %ne3A_65 : i32 to vector<8x128xi32>
      %ne3A_67 = arith.cmpi ne, %rem3A_64, %ne3A_66 : vector<8x128xi32>
      %and3A = arith.andi %ne3A_63, %ne3A_67 : vector<8x128xi1>
      %sub3A = arith.constant 1 : i32
      %sub3A_68 = vector.broadcast %sub3A : i32 to vector<8x128xi32>
      %sub3A_69 = arith.subi %div3A_47, %sub3A_68 : vector<8x128xi32>
      %select_n3A = arith.select %and3A, %sub3A_69, %div3A_47 : vector<8x128xi1>, vector<8x128xi32>
      %eq3A_70 = arith.cmpi eq, %iota3A_45, %select_n3A : vector<8x128xi32>
      %convert_element_type3A_71 = arith.extui %eq3A_70 : vector<8x128xi1> to vector<8x128xi32>
      %convert_element_type3A_72 = arith.sitofp %convert_element_type3A_71 : vector<8x128xi32> to vector<8x128xf32>
      %get3A_73 = arith.constant 0 : index
      %get3A_74 = arith.constant 0 : index
      %get3A_75 = vector.load %arg28[%get3A_73, %get3A_74] : memref<8x48xf32, #tpu.memory_space<vmem>>, vector<8x48xf32>
      %dot_general3A = arith.constant dense<0.000000e+00> : vector<512x48xf32>
      %dot_general3A_76 = tpu.matmul %convert_element_type3A_39, %get3A_75, %dot_general3A {dimension_numbers = #tpu.dot_dimension_numbers<[1], [0], [0], [1], [0, 0, 1, 1], [], []>, transpose_lhs_hint = false} : vector<512x8xf32>, vector<8x48xf32>, vector<512x48xf32> -> vector<512x48xf32>
      %iota3A_77 = tpu.iota {dimensions = array<i32: 1>} : vector<512x48xi32>
      %jit3A_78 = arith.constant 8 : i32
      %div3A_79 = vector.broadcast %jit3A_78 : i32 to vector<512x48xi32>
      %div3A_80 = arith.divsi %iota3A_77, %div3A_79 : vector<512x48xi32>
      %sign3A_81 = arith.constant 0 : i32
      %sign3A_82 = vector.broadcast %sign3A_81 : i32 to vector<512x48xi32>
      %sign3A_83 = arith.cmpi sgt, %iota3A_77, %sign3A_82 : vector<512x48xi32>
      %sign3A_84 = arith.extui %sign3A_83 : vector<512x48xi1> to vector<512x48xi32>
      %sign3A_85 = arith.constant 0 : i32
      %sign3A_86 = vector.broadcast %sign3A_85 : i32 to vector<512x48xi32>
      %sign3A_87 = arith.cmpi slt, %iota3A_77, %sign3A_86 : vector<512x48xi32>
      %sign3A_88 = arith.extui %sign3A_87 : vector<512x48xi1> to vector<512x48xi32>
      %sign3A_89 = arith.subi %sign3A_84, %sign3A_88 : vector<512x48xi32>
      %sign3A_90 = arith.constant 0 : i32
      %sign3A_91 = arith.cmpi sgt, %jit3A_78, %sign3A_90 : i32
      %sign3A_92 = arith.extui %sign3A_91 : i1 to i32
      %sign3A_93 = arith.constant 0 : i32
      %sign3A_94 = arith.cmpi slt, %jit3A_78, %sign3A_93 : i32
      %sign3A_95 = arith.extui %sign3A_94 : i1 to i32
      %sign3A_96 = arith.subi %sign3A_92, %sign3A_95 : i32
      %ne3A_97 = vector.broadcast %sign3A_96 : i32 to vector<512x48xi32>
      %ne3A_98 = arith.cmpi ne, %sign3A_89, %ne3A_97 : vector<512x48xi32>
      %rem3A_99 = vector.broadcast %jit3A_78 : i32 to vector<512x48xi32>
      %rem3A_100 = arith.remsi %iota3A_77, %rem3A_99 : vector<512x48xi32>
      %ne3A_101 = arith.constant 0 : i32
      %ne3A_102 = vector.broadcast %ne3A_101 : i32 to vector<512x48xi32>
      %ne3A_103 = arith.cmpi ne, %rem3A_100, %ne3A_102 : vector<512x48xi32>
      %and3A_104 = arith.andi %ne3A_98, %ne3A_103 : vector<512x48xi1>
      %sub3A_105 = arith.constant 1 : i32
      %sub3A_106 = vector.broadcast %sub3A_105 : i32 to vector<512x48xi32>
      %sub3A_107 = arith.subi %div3A_80, %sub3A_106 : vector<512x48xi32>
      %select_n3A_108 = arith.select %and3A_104, %sub3A_107, %div3A_80 : vector<512x48xi1>, vector<512x48xi32>
      %broadcast_in_dim3A_109 = vector.shape_cast %get3A_30 : vector<512x1xi32> to vector<512x1xi32>
      %broadcast_in_dim3A_110 = vector.broadcast %broadcast_in_dim3A_109 : vector<512x1xi32> to vector<512x48xi32>
      %shift_right_arithmetic3A = arith.shrsi %broadcast_in_dim3A_110, %select_n3A_108 : vector<512x48xi32>
      %and3A_111 = arith.constant 1 : i32
      %and3A_112 = vector.broadcast %and3A_111 : i32 to vector<512x48xi32>
      %and3A_113 = arith.andi %shift_right_arithmetic3A, %and3A_112 : vector<512x48xi32>
      %convert_element_type3A_114 = arith.sitofp %and3A_113 : vector<512x48xi32> to vector<512x48xf32>
      %sub3A_115 = arith.subf %get3A_19, %dot_general3A_76 : vector<512x48xf32>
      %exp3A = math.exp %sub3A_115 : vector<512x48xf32>
      %mul3A_116 = arith.mulf %exp3A, %convert_element_type3A_114 : vector<512x48xf32>
      %slice3A = vector.extract_strided_slice %mul3A_116 {offsets = [0, 0], sizes = [512, 8], strides = [1, 1]} : vector<512x48xf32> to vector<512x8xf32>
      %dot_general3A_117 = arith.constant dense<0.000000e+00> : vector<512x128xf32>
      %dot_general3A_118 = tpu.matmul %slice3A, %convert_element_type3A_72, %dot_general3A_117 {dimension_numbers = #tpu.dot_dimension_numbers<[1], [0], [0], [1], [0, 0, 1, 1], [], []>, transpose_lhs_hint = false} : vector<512x8xf32>, vector<8x128xf32>, vector<512x128xf32> -> vector<512x128xf32>
      %get3A_119 = arith.constant 0 : index
      %get3A_120 = arith.constant 0 : index
      %get3A_121 = vector.load %arg29[%get3A_119, %get3A_120] : memref<48x128xf32, #tpu.memory_space<vmem>>, vector<8x128xf32>
      %mul3A_122 = arith.mulf %dot_general3A_118, %get3A_24 : vector<512x128xf32>
      %dot_general3A_123 = arith.constant dense<0.000000e+00> : vector<8x128xf32>
      %dot_general3A_124 = tpu.matmul %convert_element_type3A_44, %mul3A_122, %dot_general3A_123 {dimension_numbers = #tpu.dot_dimension_numbers<[1], [0], [0], [1], [0, 0, 1, 1], [], []>, transpose_lhs_hint = false} : vector<8x512xf32>, vector<512x128xf32>, vector<8x128xf32> -> vector<8x128xf32>
      %add3A = arith.addf %get3A_121, %dot_general3A_124 : vector<8x128xf32>
      %swap3A = arith.constant 0 : index
      %swap3A_125 = arith.constant 0 : index
      %swap3A_126 = vector.load %arg29[%swap3A, %swap3A_125] : memref<48x128xf32, #tpu.memory_space<vmem>>, vector<8x128xf32>
      tpu.vector_store %arg29[%swap3A, %swap3A_125], %add3A {strides = array<i32>} : memref<48x128xf32, #tpu.memory_space<vmem>>, vector<8x128xf32>,
      %get3A_127 = arith.constant 0 : index
      %get3A_128 = arith.constant 0 : index
      %get3A_129 = vector.load %arg30[%get3A_127, %get3A_128] : memref<48x128xf32, #tpu.memory_space<vmem>>, vector<8x128xf32>
      %dot_general3A_130 = arith.constant dense<0.000000e+00> : vector<8x128xf32>
      %dot_general3A_131 = tpu.matmul %convert_element_type3A_44, %dot_general3A_118, %dot_general3A_130 {dimension_numbers = #tpu.dot_dimension_numbers<[1], [0], [0], [1], [0, 0, 1, 1], [], []>, transpose_lhs_hint = false} : vector<8x512xf32>, vector<512x128xf32>, vector<8x128xf32> -> vector<8x128xf32>
      %add3A_132 = arith.addf %get3A_129, %dot_general3A_131 : vector<8x128xf32>
      %swap3A_133 = arith.constant 0 : index
      %swap3A_134 = arith.constant 0 : index
      %swap3A_135 = vector.load %arg30[%swap3A_133, %swap3A_134] : memref<48x128xf32, #tpu.memory_space<vmem>>, vector<8x128xf32>
      tpu.vector_store %arg30[%swap3A_133, %swap3A_134], %add3A_132 {strides = array<i32>} : memref<48x128xf32, #tpu.memory_space<vmem>>, vector<8x128xf32>,
      %slice3A_136 = vector.extract_strided_slice %mul3A_116 {offsets = [0, 8], sizes = [512, 8], strides = [1, 1]} : vector<512x48xf32> to vector<512x8xf32>
      %dot_general3A_137 = arith.constant dense<0.000000e+00> : vector<512x128xf32>
      %dot_general3A_138 = tpu.matmul %slice3A_136, %convert_element_type3A_72, %dot_general3A_137 {dimension_numbers = #tpu.dot_dimension_numbers<[1], [0], [0], [1], [0, 0, 1, 1], [], []>, transpose_lhs_hint = false} : vector<512x8xf32>, vector<8x128xf32>, vector<512x128xf32> -> vector<512x128xf32>
      %get3A_139 = arith.constant 8 : index
      %get3A_140 = arith.constant 0 : index
      %get3A_141 = vector.load %arg29[%get3A_139, %get3A_140] : memref<48x128xf32, #tpu.memory_space<vmem>>, vector<8x128xf32>
      %mul3A_142 = arith.mulf %dot_general3A_138, %get3A_24 : vector<512x128xf32>
      %dot_general3A_143 = arith.constant dense<0.000000e+00> : vector<8x128xf32>
      %dot_general3A_144 = tpu.matmul %convert_element_type3A_44, %mul3A_142, %dot_general3A_143 {dimension_numbers = #tpu.dot_dimension_numbers<[1], [0], [0], [1], [0, 0, 1, 1], [], []>, transpose_lhs_hint = false} : vector<8x512xf32>, vector<512x128xf32>, vector<8x128xf32> -> vector<8x128xf32>
      %add3A_145 = arith.addf %get3A_141, %dot_general3A_144 : vector<8x128xf32>
      %swap3A_146 = arith.constant 8 : index
      %swap3A_147 = arith.constant 0 : index
      %swap3A_148 = vector.load %arg29[%swap3A_146, %swap3A_147] : memref<48x128xf32, #tpu.memory_space<vmem>>, vector<8x128xf32>
      tpu.vector_store %arg29[%swap3A_146, %swap3A_147], %add3A_145 {strides = array<i32>} : memref<48x128xf32, #tpu.memory_space<vmem>>, vector<8x128xf32>,
      %get3A_149 = arith.constant 8 : index
      %get3A_150 = arith.constant 0 : index
      %get3A_151 = vector.load %arg30[%get3A_149, %get3A_150] : memref<48x128xf32, #tpu.memory_space<vmem>>, vector<8x128xf32>
      %dot_general3A_152 = arith.constant dense<0.000000e+00> : vector<8x128xf32>
      %dot_general3A_153 = tpu.matmul %convert_element_type3A_44, %dot_general3A_138, %dot_general3A_152 {dimension_numbers = #tpu.dot_dimension_numbers<[1], [0], [0], [1], [0, 0, 1, 1], [], []>, transpose_lhs_hint = false} : vector<8x512xf32>, vector<512x128xf32>, vector<8x128xf32> -> vector<8x128xf32>
      %add3A_154 = arith.addf %get3A_151, %dot_general3A_153 : vector<8x128xf32>
      %swap3A_155 = arith.constant 8 : index
      %swap3A_156 = arith.constant 0 : index
      %swap3A_157 = vector.load %arg30[%swap3A_155, %swap3A_156] : memref<48x128xf32, #tpu.memory_space<vmem>>, vector<8x128xf32>
      tpu.vector_store %arg30[%swap3A_155, %swap3A_156], %add3A_154 {strides = array<i32>} : memref<48x128xf32, #tpu.memory_space<vmem>>, vector<8x128xf32>,
      %slice3A_158 = vector.extract_strided_slice %mul3A_116 {offsets = [0, 16], sizes = [512, 8], strides = [1, 1]} : vector<512x48xf32> to vector<512x8xf32>
      %dot_general3A_159 = arith.constant dense<0.000000e+00> : vector<512x128xf32>
      %dot_general3A_160 = tpu.matmul %slice3A_158, %convert_element_type3A_72, %dot_general3A_159 {dimension_numbers = #tpu.dot_dimension_numbers<[1], [0], [0], [1], [0, 0, 1, 1], [], []>, transpose_lhs_hint = false} : vector<512x8xf32>, vector<8x128xf32>, vector<512x128xf32> -> vector<512x128xf32>
      %get3A_161 = arith.constant 16 : index
      %get3A_162 = arith.constant 0 : index
      %get3A_163 = vector.load %arg29[%get3A_161, %get3A_162] : memref<48x128xf32, #tpu.memory_space<vmem>>, vector<8x128xf32>
      %mul3A_164 = arith.mulf %dot_general3A_160, %get3A_24 : vector<512x128xf32>
      %dot_general3A_165 = arith.constant dense<0.000000e+00> : vector<8x128xf32>
      %dot_general3A_166 = tpu.matmul %convert_element_type3A_44, %mul3A_164, %dot_general3A_165 {dimension_numbers = #tpu.dot_dimension_numbers<[1], [0], [0], [1], [0, 0, 1, 1], [], []>, transpose_lhs_hint = false} : vector<8x512xf32>, vector<512x128xf32>, vector<8x128xf32> -> vector<8x128xf32>
      %add3A_167 = arith.addf %get3A_163, %dot_general3A_166 : vector<8x128xf32>
      %swap3A_168 = arith.constant 16 : index
      %swap3A_169 = arith.constant 0 : index
      %swap3A_170 = vector.load %arg29[%swap3A_168, %swap3A_169] : memref<48x128xf32, #tpu.memory_space<vmem>>, vector<8x128xf32>
      tpu.vector_store %arg29[%swap3A_168, %swap3A_169], %add3A_167 {strides = array<i32>} : memref<48x128xf32, #tpu.memory_space<vmem>>, vector<8x128xf32>,
      %get3A_171 = arith.constant 16 : index
      %get3A_172 = arith.constant 0 : index
      %get3A_173 = vector.load %arg30[%get3A_171, %get3A_172] : memref<48x128xf32, #tpu.memory_space<vmem>>, vector<8x128xf32>
      %dot_general3A_174 = arith.constant dense<0.000000e+00> : vector<8x128xf32>
      %dot_general3A_175 = tpu.matmul %convert_element_type3A_44, %dot_general3A_160, %dot_general3A_174 {dimension_numbers = #tpu.dot_dimension_numbers<[1], [0], [0], [1], [0, 0, 1, 1], [], []>, transpose_lhs_hint = false} : vector<8x512xf32>, vector<512x128xf32>, vector<8x128xf32> -> vector<8x128xf32>
      %add3A_176 = arith.addf %get3A_173, %dot_general3A_175 : vector<8x128xf32>
      %swap3A_177 = arith.constant 16 : index
      %swap3A_178 = arith.constant 0 : index
      %swap3A_179 = vector.load %arg30[%swap3A_177, %swap3A_178] : memref<48x128xf32, #tpu.memory_space<vmem>>, vector<8x128xf32>
      tpu.vector_store %arg30[%swap3A_177, %swap3A_178], %add3A_176 {strides = array<i32>} : memref<48x128xf32, #tpu.memory_space<vmem>>, vector<8x128xf32>,
      %slice3A_180 = vector.extract_strided_slice %mul3A_116 {offsets = [0, 24], sizes = [512, 8], strides = [1, 1]} : vector<512x48xf32> to vector<512x8xf32>
      %dot_general3A_181 = arith.constant dense<0.000000e+00> : vector<512x128xf32>
      %dot_general3A_182 = tpu.matmul %slice3A_180, %convert_element_type3A_72, %dot_general3A_181 {dimension_numbers = #tpu.dot_dimension_numbers<[1], [0], [0], [1], [0, 0, 1, 1], [], []>, transpose_lhs_hint = false} : vector<512x8xf32>, vector<8x128xf32>, vector<512x128xf32> -> vector<512x128xf32>
      %get3A_183 = arith.constant 24 : index
      %get3A_184 = arith.constant 0 : index
      %get3A_185 = vector.load %arg29[%get3A_183, %get3A_184] : memref<48x128xf32, #tpu.memory_space<vmem>>, vector<8x128xf32>
      %mul3A_186 = arith.mulf %dot_general3A_182, %get3A_24 : vector<512x128xf32>
      %dot_general3A_187 = arith.constant dense<0.000000e+00> : vector<8x128xf32>
      %dot_general3A_188 = tpu.matmul %convert_element_type3A_44, %mul3A_186, %dot_general3A_187 {dimension_numbers = #tpu.dot_dimension_numbers<[1], [0], [0], [1], [0, 0, 1, 1], [], []>, transpose_lhs_hint = false} : vector<8x512xf32>, vector<512x128xf32>, vector<8x128xf32> -> vector<8x128xf32>
      %add3A_189 = arith.addf %get3A_185, %dot_general3A_188 : vector<8x128xf32>
      %swap3A_190 = arith.constant 24 : index
      %swap3A_191 = arith.constant 0 : index
      %swap3A_192 = vector.load %arg29[%swap3A_190, %swap3A_191] : memref<48x128xf32, #tpu.memory_space<vmem>>, vector<8x128xf32>
      tpu.vector_store %arg29[%swap3A_190, %swap3A_191], %add3A_189 {strides = array<i32>} : memref<48x128xf32, #tpu.memory_space<vmem>>, vector<8x128xf32>,
      %get3A_193 = arith.constant 24 : index
      %get3A_194 = arith.constant 0 : index
      %get3A_195 = vector.load %arg30[%get3A_193, %get3A_194] : memref<48x128xf32, #tpu.memory_space<vmem>>, vector<8x128xf32>
      %dot_general3A_196 = arith.constant dense<0.000000e+00> : vector<8x128xf32>
      %dot_general3A_197 = tpu.matmul %convert_element_type3A_44, %dot_general3A_182, %dot_general3A_196 {dimension_numbers = #tpu.dot_dimension_numbers<[1], [0], [0], [1], [0, 0, 1, 1], [], []>, transpose_lhs_hint = false} : vector<8x512xf32>, vector<512x128xf32>, vector<8x128xf32> -> vector<8x128xf32>
      %add3A_198 = arith.addf %get3A_195, %dot_general3A_197 : vector<8x128xf32>
      %swap3A_199 = arith.constant 24 : index
      %swap3A_200 = arith.constant 0 : index
      %swap3A_201 = vector.load %arg30[%swap3A_199, %swap3A_200] : memref<48x128xf32, #tpu.memory_space<vmem>>, vector<8x128xf32>
      tpu.vector_store %arg30[%swap3A_199, %swap3A_200], %add3A_198 {strides = array<i32>} : memref<48x128xf32, #tpu.memory_space<vmem>>, vector<8x128xf32>,
      %slice3A_202 = vector.extract_strided_slice %mul3A_116 {offsets = [0, 32], sizes = [512, 8], strides = [1, 1]} : vector<512x48xf32> to vector<512x8xf32>
      %dot_general3A_203 = arith.constant dense<0.000000e+00> : vector<512x128xf32>
      %dot_general3A_204 = tpu.matmul %slice3A_202, %convert_element_type3A_72, %dot_general3A_203 {dimension_numbers = #tpu.dot_dimension_numbers<[1], [0], [0], [1], [0, 0, 1, 1], [], []>, transpose_lhs_hint = false} : vector<512x8xf32>, vector<8x128xf32>, vector<512x128xf32> -> vector<512x128xf32>
      %get3A_205 = arith.constant 32 : index
      %get3A_206 = arith.constant 0 : index
      %get3A_207 = vector.load %arg29[%get3A_205, %get3A_206] : memref<48x128xf32, #tpu.memory_space<vmem>>, vector<8x128xf32>
      %mul3A_208 = arith.mulf %dot_general3A_204, %get3A_24 : vector<512x128xf32>
      %dot_general3A_209 = arith.constant dense<0.000000e+00> : vector<8x128xf32>
      %dot_general3A_210 = tpu.matmul %convert_element_type3A_44, %mul3A_208, %dot_general3A_209 {dimension_numbers = #tpu.dot_dimension_numbers<[1], [0], [0], [1], [0, 0, 1, 1], [], []>, transpose_lhs_hint = false} : vector<8x512xf32>, vector<512x128xf32>, vector<8x128xf32> -> vector<8x128xf32>
      %add3A_211 = arith.addf %get3A_207, %dot_general3A_210 : vector<8x128xf32>
      %swap3A_212 = arith.constant 32 : index
      %swap3A_213 = arith.constant 0 : index
      %swap3A_214 = vector.load %arg29[%swap3A_212, %swap3A_213] : memref<48x128xf32, #tpu.memory_space<vmem>>, vector<8x128xf32>
      tpu.vector_store %arg29[%swap3A_212, %swap3A_213], %add3A_211 {strides = array<i32>} : memref<48x128xf32, #tpu.memory_space<vmem>>, vector<8x128xf32>,
      %get3A_215 = arith.constant 32 : index
      %get3A_216 = arith.constant 0 : index
      %get3A_217 = vector.load %arg30[%get3A_215, %get3A_216] : memref<48x128xf32, #tpu.memory_space<vmem>>, vector<8x128xf32>
      %dot_general3A_218 = arith.constant dense<0.000000e+00> : vector<8x128xf32>
      %dot_general3A_219 = tpu.matmul %convert_element_type3A_44, %dot_general3A_204, %dot_general3A_218 {dimension_numbers = #tpu.dot_dimension_numbers<[1], [0], [0], [1], [0, 0, 1, 1], [], []>, transpose_lhs_hint = false} : vector<8x512xf32>, vector<512x128xf32>, vector<8x128xf32> -> vector<8x128xf32>
      %add3A_220 = arith.addf %get3A_217, %dot_general3A_219 : vector<8x128xf32>
      %swap3A_221 = arith.constant 32 : index
      %swap3A_222 = arith.constant 0 : index
      %swap3A_223 = vector.load %arg30[%swap3A_221, %swap3A_222] : memref<48x128xf32, #tpu.memory_space<vmem>>, vector<8x128xf32>
      tpu.vector_store %arg30[%swap3A_221, %swap3A_222], %add3A_220 {strides = array<i32>} : memref<48x128xf32, #tpu.memory_space<vmem>>, vector<8x128xf32>,
      %slice3A_224 = vector.extract_strided_slice %mul3A_116 {offsets = [0, 40], sizes = [512, 8], strides = [1, 1]} : vector<512x48xf32> to vector<512x8xf32>
      %dot_general3A_225 = arith.constant dense<0.000000e+00> : vector<512x128xf32>
      %dot_general3A_226 = tpu.matmul %slice3A_224, %convert_element_type3A_72, %dot_general3A_225 {dimension_numbers = #tpu.dot_dimension_numbers<[1], [0], [0], [1], [0, 0, 1, 1], [], []>, transpose_lhs_hint = false} : vector<512x8xf32>, vector<8x128xf32>, vector<512x128xf32> -> vector<512x128xf32>
      %get3A_227 = arith.constant 40 : index
      %get3A_228 = arith.constant 0 : index
      %get3A_229 = vector.load %arg29[%get3A_227, %get3A_228] : memref<48x128xf32, #tpu.memory_space<vmem>>, vector<8x128xf32>
      %mul3A_230 = arith.mulf %dot_general3A_226, %get3A_24 : vector<512x128xf32>
      %dot_general3A_231 = arith.constant dense<0.000000e+00> : vector<8x128xf32>
      %dot_general3A_232 = tpu.matmul %convert_element_type3A_44, %mul3A_230, %dot_general3A_231 {dimension_numbers = #tpu.dot_dimension_numbers<[1], [0], [0], [1], [0, 0, 1, 1], [], []>, transpose_lhs_hint = false} : vector<8x512xf32>, vector<512x128xf32>, vector<8x128xf32> -> vector<8x128xf32>
      %add3A_233 = arith.addf %get3A_229, %dot_general3A_232 : vector<8x128xf32>
      %swap3A_234 = arith.constant 40 : index
      %swap3A_235 = arith.constant 0 : index
      %swap3A_236 = vector.load %arg29[%swap3A_234, %swap3A_235] : memref<48x128xf32, #tpu.memory_space<vmem>>, vector<8x128xf32>
      tpu.vector_store %arg29[%swap3A_234, %swap3A_235], %add3A_233 {strides = array<i32>} : memref<48x128xf32, #tpu.memory_space<vmem>>, vector<8x128xf32>,
      %get3A_237 = arith.constant 40 : index
      %get3A_238 = arith.constant 0 : index
      %get3A_239 = vector.load %arg30[%get3A_237, %get3A_238] : memref<48x128xf32, #tpu.memory_space<vmem>>, vector<8x128xf32>
      %dot_general3A_240 = arith.constant dense<0.000000e+00> : vector<8x128xf32>
      %dot_general3A_241 = tpu.matmul %convert_element_type3A_44, %dot_general3A_226, %dot_general3A_240 {dimension_numbers = #tpu.dot_dimension_numbers<[1], [0], [0], [1], [0, 0, 1, 1], [], []>, transpose_lhs_hint = false} : vector<8x512xf32>, vector<512x128xf32>, vector<8x128xf32> -> vector<8x128xf32>
      %add3A_242 = arith.addf %get3A_239, %dot_general3A_241 : vector<8x128xf32>
      %swap3A_243 = arith.constant 40 : index
      %swap3A_244 = arith.constant 0 : index
      %swap3A_245 = vector.load %arg30[%swap3A_243, %swap3A_244] : memref<48x128xf32, #tpu.memory_space<vmem>>, vector<8x128xf32>
      tpu.vector_store %arg30[%swap3A_243, %swap3A_244], %add3A_242 {strides = array<i32>} : memref<48x128xf32, #tpu.memory_space<vmem>>, vector<8x128xf32>,
      %eq3A_246 = arith.constant 31 : i32
      %eq3A_247 = arith.cmpi eq, %arg1, %eq3A_246 : i32
      %convert_element_type3A_248 = arith.extui %eq3A_247 : i1 to i32
      %cond3A_249 = arith.constant 0 : i32
      %cond3A_250 = arith.cmpi ne, %convert_element_type3A_248, %cond3A_249 : i32
      scf.if %cond3A_250 {
        %get3A_251 = arith.constant 0 : index
        %get3A_252 = arith.constant 0 : index
        %get3A_253 = vector.load %arg29[%get3A_251, %get3A_252] : memref<48x128xf32, #tpu.memory_space<vmem>>, vector<48x128xf32>
        %get3A_254 = arith.constant 0 : index
        %get3A_255 = arith.constant 0 : index
        %get3A_256 = vector.load %arg30[%get3A_254, %get3A_255] : memref<48x128xf32, #tpu.memory_space<vmem>>, vector<48x128xf32>
        %max3A = arith.constant 1.000000e-30 : f32
        %max3A_257 = vector.broadcast %max3A : f32 to vector<48x128xf32>
        %max3A_258 = arith.maximumf %get3A_256, %max3A_257 : vector<48x128xf32>
        %div3A_259 = arith.divf %get3A_253, %max3A_258 : vector<48x128xf32>
        %get3A_260 = arith.constant 0 : index
        %get3A_261 = arith.constant 0 : index
        %get3A_262 = vector.load %arg15[%get3A_260, %get3A_261] : memref<128x128xf32, #tpu.memory_space<vmem>>, vector<128x128xf32>
        %dot_general3A_263 = arith.constant dense<0.000000e+00> : vector<48x128xf32>
        %dot_general3A_264 = tpu.matmul %div3A_259, %get3A_262, %dot_general3A_263 {dimension_numbers = #tpu.dot_dimension_numbers<[1], [0], [0], [1], [0, 0, 1, 1], [], []>, transpose_lhs_hint = false} : vector<48x128xf32>, vector<128x128xf32>, vector<48x128xf32> -> vector<48x128xf32>
        %get3A_265 = arith.constant 0 : index
        %get3A_266 = arith.constant 0 : index
        %get3A_267 = vector.load %arg16[%get3A_265, %get3A_266] : memref<1x128xf32, #tpu.memory_space<vmem>>, vector<1x128xf32>
        %add3A_268 = vector.broadcast %get3A_267 : vector<1x128xf32> to vector<48x128xf32>
        %add3A_269 = arith.addf %dot_general3A_264, %add3A_268 : vector<48x128xf32>
        %swap3A_270 = arith.constant 0 : index
        %swap3A_271 = arith.constant 0 : index
        %swap3A_272 = vector.load %arg21[%swap3A_270, %swap3A_271] : memref<48x128xf32, #tpu.memory_space<vmem>>, vector<48x128xf32>
        tpu.vector_store %arg21[%swap3A_270, %swap3A_271], %add3A_269 {strides = array<i32>} : memref<48x128xf32, #tpu.memory_space<vmem>>, vector<48x128xf32>,
      } else {
      }
    } else {
    }
    return
  }
  func.func @transform_0(%arg0: i32, %arg1: i32) -> (i32, i32) {
    %eq3A = arith.constant 0 : i32
    %eq3A_0 = arith.cmpi eq, %arg0, %eq3A : i32
    %jit3A = arith.constant 0 : i32
    %select_n3A = arith.select %eq3A_0, %arg1, %jit3A : i32
    %c0_i32 = arith.constant 0 : i32
    %c0_i32_1 = arith.constant 0 : i32
    return %select_n3A, %c0_i32 : i32, i32
  }
  func.func @transform_1(%arg0: i32, %arg1: i32) -> (i32, i32) {
    %eq3A = arith.constant 0 : i32
    %eq3A_0 = arith.cmpi eq, %arg0, %eq3A : i32
    %jit3A = arith.constant 0 : i32
    %select_n3A = arith.select %eq3A_0, %arg1, %jit3A : i32
    %c0_i32 = arith.constant 0 : i32
    %c0_i32_1 = arith.constant 0 : i32
    return %select_n3A, %c0_i32 : i32, i32
  }
  func.func @transform_2(%arg0: i32, %arg1: i32) -> (i32, i32) {
    %c0_i32 = arith.constant 0 : i32
    %c0_i32_0 = arith.constant 0 : i32
    %c0_i32_1 = arith.constant 0 : i32
    return %c0_i32, %c0_i32_0 : i32, i32
  }
  func.func @transform_3(%arg0: i32, %arg1: i32) -> (i32, i32) {
    %c0_i32 = arith.constant 0 : i32
    %c0_i32_0 = arith.constant 0 : i32
    %c0_i32_1 = arith.constant 0 : i32
    return %c0_i32, %c0_i32_0 : i32, i32
  }
  func.func @transform_4(%arg0: i32, %arg1: i32) -> (i32, i32) {
    %c0_i32 = arith.constant 0 : i32
    %c0_i32_0 = arith.constant 0 : i32
    %c0_i32_1 = arith.constant 0 : i32
    return %c0_i32, %c0_i32_0 : i32, i32
  }
  func.func @transform_5(%arg0: i32, %arg1: i32) -> (i32, i32) {
    %c0_i32 = arith.constant 0 : i32
    %c0_i32_0 = arith.constant 0 : i32
    %c0_i32_1 = arith.constant 0 : i32
    return %c0_i32, %c0_i32_0 : i32, i32
  }
  func.func @transform_6(%arg0: i32, %arg1: i32) -> (i32, i32) {
    %c0_i32 = arith.constant 0 : i32
    %c0_i32_0 = arith.constant 0 : i32
    %c0_i32_1 = arith.constant 0 : i32
    return %c0_i32, %c0_i32_0 : i32, i32
  }
  func.func @transform_7(%arg0: i32, %arg1: i32) -> (i32, i32) {
    %c0_i32 = arith.constant 0 : i32
    %c0_i32_0 = arith.constant 0 : i32
    %c0_i32_1 = arith.constant 0 : i32
    return %c0_i32, %c0_i32_0 : i32, i32
  }
  func.func @transform_8(%arg0: i32, %arg1: i32) -> (i32, i32) {
    %c0_i32 = arith.constant 0 : i32
    %c0_i32_0 = arith.constant 0 : i32
    %c0_i32_1 = arith.constant 0 : i32
    return %c0_i32, %c0_i32_0 : i32, i32
  }
  func.func @transform_9(%arg0: i32, %arg1: i32) -> (i32, i32) {
    %c0_i32 = arith.constant 0 : i32
    %c0_i32_0 = arith.constant 0 : i32
    %c0_i32_1 = arith.constant 0 : i32
    return %c0_i32, %c0_i32_0 : i32, i32
  }
  func.func @transform_10(%arg0: i32, %arg1: i32) -> (i32, i32) {
    %c0_i32 = arith.constant 0 : i32
    %c0_i32_0 = arith.constant 0 : i32
    %c0_i32_1 = arith.constant 0 : i32
    return %c0_i32, %c0_i32_0 : i32, i32
  }
  func.func @transform_11(%arg0: i32, %arg1: i32) -> (i32, i32) {
    %c0_i32 = arith.constant 0 : i32
    %c0_i32_0 = arith.constant 0 : i32
    %c0_i32_1 = arith.constant 0 : i32
    return %c0_i32, %c0_i32_0 : i32, i32
  }
  func.func @transform_12(%arg0: i32, %arg1: i32) -> (i32, i32) {
    %c0_i32 = arith.constant 0 : i32
    %c0_i32_0 = arith.constant 0 : i32
    %c0_i32_1 = arith.constant 0 : i32
    return %c0_i32, %c0_i32_0 : i32, i32
  }
  func.func @transform_13(%arg0: i32, %arg1: i32) -> (i32, i32) {
    %c0_i32 = arith.constant 0 : i32
    %c0_i32_0 = arith.constant 0 : i32
    %c0_i32_1 = arith.constant 0 : i32
    return %c0_i32, %c0_i32_0 : i32, i32
  }
  func.func @transform_14(%arg0: i32, %arg1: i32) -> (i32, i32) {
    %c0_i32 = arith.constant 0 : i32
    %c0_i32_0 = arith.constant 0 : i32
    %c0_i32_1 = arith.constant 0 : i32
    return %c0_i32, %c0_i32_0 : i32, i32
  }
  func.func @transform_15(%arg0: i32, %arg1: i32) -> (i32, i32, i32) {
    %c0_i32 = arith.constant 0 : i32
    %c0_i32_0 = arith.constant 0 : i32
    %c0_i32_1 = arith.constant 0 : i32
    return %arg1, %c0_i32, %c0_i32_0 : i32, i32, i32
  }
  func.func @transform_16(%arg0: i32, %arg1: i32) -> (i32, i32, i32) {
    %c0_i32 = arith.constant 0 : i32
    %c0_i32_0 = arith.constant 0 : i32
    %c0_i32_1 = arith.constant 0 : i32
    return %arg1, %c0_i32, %c0_i32_0 : i32, i32, i32
  }
  func.func @transform_17(%arg0: i32, %arg1: i32) -> (i32, i32) {
    %c0_i32 = arith.constant 0 : i32
    %c0_i32_0 = arith.constant 0 : i32
    return %arg1, %c0_i32 : i32, i32
  }
  func.func @transform_18(%arg0: i32, %arg1: i32) -> (i32, i32) {
    %c0_i32 = arith.constant 0 : i32
    %c0_i32_0 = arith.constant 0 : i32
    return %arg1, %c0_i32 : i32, i32
  }
  func.func @transform_19(%arg0: i32, %arg1: i32) -> (i32, i32) {
    %c0_i32 = arith.constant 0 : i32
    %c0_i32_0 = arith.constant 0 : i32
    %c0_i32_1 = arith.constant 0 : i32
    return %c0_i32, %c0_i32_0 : i32, i32
  }
}

</mosaic_0001>

<sc_bundles>
// kernel: kernel.5.cloned.1.call-start
scs
__scs_entry_jumppad:
0x0: {  	(pc) =	sbr.rel $0x88, $3  }
0x1: {  	(tag) =	ssettag $0x0;
	lr =	simm.s32 $0x1  }
0x2: {  	[smem:$0x3F8F] =	sst lr;
	_ =	strace $0xD0000000  }
0x3: {  	_ = 	snop  }
0x4: {  	_ = 	snop  }
0x5: {  	_ = 	snop  }
0x6: {  	_ = 	snop  }
0x7: {  	_ = 	snop  }
__scs_overlays_trampoline_lowered:
0x8: {  	[smem:$0x3F9E] =	sst s0  }
0x9: {  	[smem:$0x3F9F] =	sst s1  }
0xa: {  	[smem:$0x3FA0] =	sst s2  }
0xb: {  	[smem:$0x3FA1] =	sst s3  }
0xc: {  	[smem:$0x3FA2] =	sst s4  }
0xd: {  	[smem:$0x3FA3] =	sst s5  }
0xe: {  	[smem:$0x3FA4] =	sst s6  }
0xf: {  	[smem:$0x3FA5] =	sst s7  }
0x10: {  	[smem:$0x3FA6] =	sst s8  }
0x11: {  	[smem:$0x3FA7] =	sst s9;
	s0 =	simm.s32 @!p0 $0x0  }
0x12: {  	s1 =	sld [smem:$0x3F8D];
	s0 =	simm.s32 @p0 $0x1  }
0x13: {  	[smem:$0x3FA8] =	sst s0;
	s0 =	simm.s32 @!p1 $0x0  }
0x14: {  	s2 =	sld [smem:$0x3F8C];
	s0 =	simm.s32 @p1 $0x1  }
0x15: {  	[smem:$0x3FA9] =	sst s0;
	s0 =	simm.s32 @!p2 $0x0  }
0x16: {  	s3 =	sld [smem:$0x3FDB];
	s0 =	simm.s32 @p2 $0x1  }
0x17: {  	s4 =	simm.s32 $0x1BF5;
	[smem:$0x3FAB] =	sst s0  }
0x18: {  	s0 =	sld [smem:$0x3F8E];
	_ =	swait.ge [sflag:s4], $0x0  }
0x19: {  	s7 =	sld [smem:$0x3F8F]  }
0x1a: {  	s8 =	sadd.s32 $0xFFFFE003, lr  }
0x1b: {  	s9 =	sadd.s32 $0xFFFFFEF7, lr;
	s5 =	simm.s32 $0xFFFFFFFF;
	p2 =	slt.u32 s8, $0xFFFFF086  }
0x1c: {  	p1 =	slt.u32 s9, $0xF7A;
	s5 =	simm.s32 @!p2 $0x0  }
0x1d: {  	s5 =	simm.s32 @p1 $0x1;
	p0 =	seq.s32 s7, s2  }
0x1e: {  	s7 =	smul.u32 @!p0 $0xF7A, s2;
	p2 =	seq.s32 @!p0 s5, $0x0  }
0x1f: {  	s9 =	smul.u32 $0xF7A, s1;
	s8 =	simm.s32 @!p0 $0x1BF5;
	p2 =	por !p2, p0  }
0x20: {  	[sflag:s8] =	ssyncset.s32 @!p0 $0xFFFFF086;
	s6 =	sadd.s32 @!p0 s3, s7;
	s7 =	simm.s32 @!p0 $0x108  }
0x21: {  	s3 =	sadd.s32 s3, s9;
	s6 =	sadd.s32 @!p0 $0x88, s6;
	s7 =	simm.s32 @p2 $0x1082  }
0x22: {  	[simem:s7], [sflag:s8] =	dma.local @!p0 [hbm:s6], $0xF7A  }
0x23: {  	s9 =	sor.u32 $0xD0000000, s2;
	s6 =	simm.s32 $0x108;
	_ =	swait.ge @!p0 [sflag:s8], $0x0  }
0x24: {  	s3 =	sadd.s32 $0x88, s3;
	s6 =	simm.s32 @!p1 $0x1082;
	[sflag:s4] =	ssyncset.s32 $0xFFFFF086  }
0x25: {  	[simem:s6], [sflag:s4] =	dma.local [hbm:s3], $0xF7A  }
0x26: {  	[smem:$0x3F8F] =	sst s1;
	(tag) =	ssettag s2;
	_ =	strace s9  }
0x27: {  	s1 =	sld [smem:$0x3F9F]  }
0x28: {  	s2 =	sld [smem:$0x3FA0]  }
0x29: {  	s4 =	sld [smem:$0x3FA2]  }
0x2a: {  	p0 =	seq.s32 s5, $0x0;
	s5 =	sld [smem:$0x3FA3]  }
0x2b: {  	s6 =	sld [smem:$0x3FA4]  }
0x2c: {  	s7 =	sld [smem:$0x3FA5]  }
0x2d: {  	s3 =	simm.s32 $0x108;
	s8 =	sld [smem:$0x3FA6]  }
0x2e: {  	s3 =	simm.s32 @!p0 $0x1082;
	s9 =	sld [smem:$0x3FA7]  }
0x2f: {  	lr =	sadd.s32 s0, s3;
	s0 =	sld [smem:$0x3F9E]  }
0x30: {  	s3 =	sld [smem:$0x3FA1]  }
0x31: {  	[smem:$0x3FAA] =	sst s10  }
0x32: {  	s10 =	sld [smem:$0x3FA8];
	_ =	sdelay $0x3  }
0x33: {  	p0 =	seq.s32 s10, $0x1;
	s10 =	sld [smem:$0x3FAA];
	_ =	sdelay $0x3  }
0x34: {  	[smem:$0x3FAA] =	sst s10  }
0x35: {  	s10 =	sld [smem:$0x3FA9];
	_ =	sdelay $0x3  }
0x36: {  	p1 =	seq.s32 s10, $0x1;
	s10 =	sld [smem:$0x3FAA];
	_ =	sdelay $0x3  }
0x37: {  	[smem:$0x3FAA] =	sst s10  }
0x38: {  	s10 =	sld [smem:$0x3FAB]  }
0x39: {  	_ = 	snop;
	(pc) =	sbr.ind lr, $3  }
0x3a: {  	_ = 	snop  }
0x3b: {  	_ = 	snop  }
0x3c: {  	p2 =	seq.s32 s10, $0x1;
	s10 =	sld [smem:$0x3FAA]  }
0x3d: {  	_ =	shalt  }
0x3e: {  	_ =	shalt  }
0x3f: {  	_ =	shalt  }
0x40: {  	_ =	shalt  }
0x41: {  	_ =	shalt  }
0x42: {  	_ =	shalt  }
0x43: {  	_ =	shalt  }
0x44: {  	_ =	shalt  }
0x45: {  	_ =	shalt  }
0x46: {  	_ =	shalt  }
0x47: {  	_ =	shalt  }
0x48: {  	_ =	shalt  }
0x49: {  	_ =	shalt  }
0x4a: {  	_ =	shalt  }
0x4b: {  	_ =	shalt  }
0x4c: {  	_ =	shalt  }
0x4d: {  	_ =	shalt  }
0x4e: {  	_ =	shalt  }
0x4f: {  	_ =	shalt  }
0x50: {  	_ =	shalt  }
0x51: {  	_ =	shalt  }
0x52: {  	_ =	shalt  }
0x53: {  	_ =	shalt  }
0x54: {  	_ =	shalt  }
0x55: {  	_ =	shalt  }
0x56: {  	_ =	shalt  }
0x57: {  	_ =	shalt  }
0x58: {  	_ =	shalt  }
0x59: {  	_ =	shalt  }
0x5a: {  	_ =	shalt  }
0x5b: {  	_ =	shalt  }
0x5c: {  	_ =	shalt  }
0x5d: {  	_ =	shalt  }
0x5e: {  	_ =	shalt  }
0x5f: {  	_ =	shalt  }
0x60: {  	_ =	shalt  }
0x61: {  	_ =	shalt  }
0x62: {  	_ =	shalt  }
0x63: {  	_ =	shalt  }
0x64: {  	_ =	shalt  }
0x65: {  	_ =	shalt  }
0x66: {  	_ =	shalt  }
0x67: {  	_ =	shalt  }
0x68: {  	_ =	shalt  }
0x69: {  	_ =	shalt  }
0x6a: {  	_ =	shalt  }
0x6b: {  	_ =	shalt  }
0x6c: {  	_ =	shalt  }
0x6d: {  	_ =	shalt  }
0x6e: {  	_ =	shalt  }
0x6f: {  	_ =	shalt  }
0x70: {  	_ =	shalt  }
0x71: {  	_ =	shalt  }
0x72: {  	_ =	shalt  }
0x73: {  	_ =	shalt  }
0x74: {  	_ =	shalt  }
0x75: {  	_ =	shalt  }
0x76: {  	_ =	shalt  }
0x77: {  	_ =	shalt  }
0x78: {  	_ =	shalt  }
0x79: {  	_ =	shalt  }
0x7a: {  	_ =	shalt  }
0x7b: {  	_ =	shalt  }
0x7c: {  	_ =	shalt  }
0x7d: {  	_ =	shalt  }
0x7e: {  	_ =	shalt  }
0x7f: {  	_ =	shalt  }
0x80: {  	_ =	shalt  }
0x81: {  	_ =	shalt  }
0x82: {  	_ =	shalt  }
0x83: {  	_ =	shalt  }
0x84: {  	_ =	shalt  }
0x85: {  	_ =	shalt  }
0x86: {  	_ =	shalt  }
0x87: {  	_ =	shalt  }
.Lfunc_end0:
.L_simem_size_0:
called_computation_lowered:
.L_overlay_start_0:
0x88: {  	s2 =	sld [smem:$0x3FD9]  }
0x89: {  	s3 =	sld [smem:$0x3FFE];
	_ =	sdelay $0x1  }
0x8a: {  	s1 =	srdreg.scid  }
0x8b: {  	s0 =	sand.u32 $0x1, s1  }
0x8c: {  	s16 =	sshll.u32 s0, $0xA;
	s2 =	sadd.s32 s3, s2  }
0x8d: {  	s2 =	sadd.s32 s2, s16  }
0x8e: {  	[smem:$0x3FB6] =	sst s2  }
0x8f: {  	_ = 	snop  }
0x90: {  	(tm) =	ssettm $0x1  }
0x91: {  	s17 =	sld [smem:$0x3FFB];
	_ =	sdelay $0x3  }
0x92: {  	_ =	strace s17  }
0x93: {  	s2 =	sld [smem:$0x3FFC];
	_ =	sdelay $0x3  }
0x94: {  	_ =	strace s2  }
0x95: {  	s2 =	sld [smem:$0x3FFD];
	_ =	sdelay $0x3  }
0x96: {  	_ =	strace s2  }
0x97: {  	_ =	strace $0x8FFFFFFF  }
0x98: {  	s18 =	sld [smem:$0x3FDB];
	_ =	sdelay $0x1  }
0x99: {  	s19 =	simm.s32 $_scs_section_size  }
0x9a: {  	s4 =	simm.s32 $_size__tile_overlayer_lowered;
	s5 =	simm.s32 $_tile_overlayer_lowered  }
0x9b: {  	s22 =	simm.s32 $0x1BFF;
	s21 =	sshll.u32 s5, $0x1;
	s2 =	sadd.s32 s19, s18  }
0x9c: {  	s6 =	simm.s32 $0x0;
	s20 =	sshll.u32 s4, $0x1;
	s4 =	sadd.s32 s21, s2  }
0x9d: {  	[timem:s6], [sflag:s22] =	dma.local [hbm:s4], s20  }
0x9e: {  	_ =	swait.ge [sflag:s22], s20  }
0x9f: {  	s3 =	ssub.s32 $0x0, s20;
	[sflag:s22] =	ssyncset.done $0x0  }
0xa0: {  	[sflag:s22] =	ssyncadd.s32 s3;
	_ =	sdelay $0x1  }
0xa1: {  	s23 =	simm.s32 $0x1B8B  }
0xa2: {  	_ =	swait.ge [sflag:s23], $0x1  }
0xa3: {  	[sflag:s23] =	ssyncset.done $0x0  }
0xa4: {  	s25 =	simm.s32 $0x1B8E;
	s24 =	sld [smem:$0x3FFE];
	[sflag:s23] =	ssyncadd.s32 $0xFFFFFFFF  }
0xa5: {  	s26 =	simm.s32 $execute0_lowered;
	[smem:$0x3FD2] =	sst s25  }
0xa6: {  	s4 =	sshll.u32 s26, $0x1;
	_ =	strace $0x80000046;
	[dreg:$0x1] =	wrdreg $0xFFFFFFFF  }
0xa7: {  	s28 =	simm.s32 $_size_execute0_lowered;
	s2 =	sadd.s32 s2, s4;
	[dreg:$0x0] =	wrdreg $0x0  }
0xa8: {  	s4 =	sshll.u32 s28, $0x1;
	[dreg:$0x2] =	wrdreg s2  }
0xa9: {  	[dreg:$0x3] =	wrdreg s4  }
0xaa: {  	[dreg:$0x4] =	wrdreg $0xC0  }
0xab: {  	_ =	task [dreg:s6], $0x5FFFF  }
0xac: {  	[dreg:$0x1] =	wrdreg $0xFFFFFFFF  }
0xad: {  	[dreg:$0x0] =	wrdreg $0x60  }
0xae: {  	[dreg:$0x2] =	wrdreg s24  }
0xaf: {  	[dreg:$0x3] =	wrdreg $0x9  }
0xb0: {  	_ =	task.clear_ibuf [dreg:s6], $0x4FFFF;
	_ =	strace $0x90000046  }
0xb1: {  	s29 =	simm.s32 $0x9;
	_ =	strace $0x80000048  }
0xb2: {  	_ =	swait.ge [sflag:s29], $0x1  }
0xb3: {  	[sflag:s29] =	ssyncadd.s32 $0xFFFFFFFF  }
0xb4: {  	_ =	strace $0x90000048  }
0xb5: {  	_ =	sfence  }
0xb6: {  	s30 =	sld [smem:$0x0];
	_ =	sdelay $0x2  }
0xb7: {  	s31 =	sshll.u32 s1, $0xD;
	s1 =	sshrl.u32 s1, $0x2  }
0xb8: {  	s3 =	sand.u32 $0x4000, s31;
	s1 =	sadd.s32 s1, s30  }
0xb9: {  	s0 =	sor.u32 s3, s0;
	s1 =	sshll.u32 s1, $0x11  }
0xba: {  	s0 =	sor.u32 s1, s0  }
0xbb: {  	s0 =	sadd.s32 $0x8F2B, s0  }
0xbc: {  	[sflag:s0] =	ssyncadd.remote.s32 $0x1  }
0xbd: {  	_ =	sfence.sel $0xFFFF  }
0xbe: {  	[dreg:$0x0] =	wrdreg $0xFFFFFFFF;
	(pc) =	sbr.abs _section_cstart, $3  }
0xbf: {  	[dreg:$0x1] =	wrdreg $0xFFFFFFFF  }
0xc0: {  	_ =	task.clear_ibuf [dreg:s6], $0x2FFFF;
	_ =	strace $0x9FFFFFFF  }
0xc1: {  	(tm) =	ssettm $0x7FFFFFFF  }
tec
execute0_lowered:
.L_overlay_start_1:
0x0: {  	(tag) =	ssettag $0x1  }
0x1: {  	s0 =	rddreg [dreg:$0x0];
	s1 =	simm.s32 $0x0  }
0x2: {  	s24 =	srdreg.scid;
	s6 =	stileid.u32;
	s8 =	simm.s32 $0x2  }
0x3: {  	s9 =	simm.s32 $0x20;
	s20 =	simm.s32 $0x900;
	s21 =	simm.s32 $0x13000  }
0x4: {  	s22 =	simm.s32 $0x980;
	s23 =	simm.s32 $0x14000;
	s28 =	simm.s32 $0x16000  }
0x5: {  	s29 =	simm.s32 $0xB00;
	s30 =	simm.s32 $0x17000;
	s31 =	simm.s32 $0xB80  }
0x6: {  	s7 =	simm.s32 $0x19000;
	s10 =	simm.s32 $0x1A000;
	s11 =	simm.s32 $0xD00  }
0x7: {  	s12 =	simm.s32 $0x1B000;
	s13 =	simm.s32 $0x1;
	s14 =	simm.s32 $0x1C000  }
0x8: {  	s16 =	simm.s32 $0x0;
	[smem:$0x7FF] =	sst s1;
	s1 =	sand.u32 $0x1, s24  }
0x9: {  	s3 =	sadd.s32 $0x43200, s0;
	s4 =	sadd.s32 $0x3200, s0;
	s5 =	sadd.s32 $0x723200, s0  }
0xa: {  	s26 =	sshll.u32 s6, $0x5;
	s24 =	simm.s32 $0xA00;
	s2 =	ssub.s32 $0x2, s1  }
0xb: {  	_ =	strace $0x80000047;
	s1 =	sshll.u32 s1, $0x4;
	s25 =	sshrl.u32 s2, $0x1  }
0xc: {  	s6 =	sor.u32 s1, s26;
	s26 =	simm.s32 $0xA80;
	s0 =	ssub.s32 s2, s25  }
0xd: {  	s1 =	simm.s32 $0xC80;
	s25 =	simm.s32 $0x15000;
	s0 =	smax.u32 s0, $0x1  }
0xe: {  	s2 =	simm.s32 $0xC00;
	[dreg:$0x2] =	wrdreg s0;
	s0 =	simm.s32 $0x18000  }
.LBB2_1:
0xf: {  	[dreg:$0x3] =	wrdreg s16;
	s15 =	simm.s32 $0x0  }
.LBB2_2:
0x10: {  	s16 =	sadd.s32 s6, s15  }
0x11: {  	s16 =	sshll.u32 s16, $0x9  }
0x12: {  	s18 =	simm.s32 $0x0;
	s17 =	sadd.s32 s4, s16  }
0x13: {  	[tilespmem:s18], [sflag:$0x2] =	stream.linear.gather [hbm4b:s17+s18], $0xD80, $0x38;
	[tilespmem:$0x1D000] =	vst v63  }
0x14: {  	_ =	swait.ge [sflag:s8], $0xD80  }
0x15: {  	[sflag:s8] =	ssyncset.done $0x0  }
0x16: {  	s19 =	simm.s32 $0x1000;
	[sflag:s8] =	ssyncadd.s32 $0xFFFFF280  }
0x17: {  	[tilespmem:s19], [sflag:$0x1] =	stream.indirect.gather [hbm4b:s3+s9], $0x80, s18, s9, $0xb8;
	[tilespmem:$0x1D000] =	vst v63  }
0x18: {  	s18 =	simm.s32 $0x80;
	s19 =	simm.s32 $0x2000  }
0x19: {  	[tilespmem:s19], [sflag:$0x1] =	stream.indirect.gather [hbm4b:s3+s9], $0x80, s18, s9, $0xb8;
	[tilespmem:$0x1D000] =	vst v63  }
0x1a: {  	s18 =	simm.s32 $0x100;
	s19 =	simm.s32 $0x3000  }
0x1b: {  	[tilespmem:s19], [sflag:$0x1] =	stream.indirect.gather [hbm4b:s3+s9], $0x80, s18, s9, $0xb8;
	[tilespmem:$0x1D000] =	vst v63  }
0x1c: {  	s18 =	simm.s32 $0x180;
	s19 =	simm.s32 $0x4000  }
0x1d: {  	[tilespmem:s19], [sflag:$0x1] =	stream.indirect.gather [hbm4b:s3+s9], $0x80, s18, s9, $0xb8;
	[tilespmem:$0x1D000] =	vst v63  }
0x1e: {  	s18 =	simm.s32 $0x200;
	s19 =	simm.s32 $0x5000  }
0x1f: {  	[tilespmem:s19], [sflag:$0x1] =	stream.indirect.gather [hbm4b:s3+s9], $0x80, s18, s9, $0xb8;
	[tilespmem:$0x1D000] =	vst v63  }
0x20: {  	s18 =	simm.s32 $0x280;
	s19 =	simm.s32 $0x6000  }
0x21: {  	[tilespmem:s19], [sflag:$0x1] =	stream.indirect.gather [hbm4b:s3+s9], $0x80, s18, s9, $0xb8;
	[tilespmem:$0x1D000] =	vst v63  }
0x22: {  	s18 =	simm.s32 $0x300;
	s19 =	simm.s32 $0x7000  }
0x23: {  	[tilespmem:s19], [sflag:$0x1] =	stream.indirect.gather [hbm4b:s3+s9], $0x80, s18, s9, $0xb8;
	[tilespmem:$0x1D000] =	vst v63  }
0x24: {  	s18 =	simm.s32 $0x380;
	s19 =	simm.s32 $0x8000  }
0x25: {  	[tilespmem:s19], [sflag:$0x1] =	stream.indirect.gather [hbm4b:s3+s9], $0x80, s18, s9, $0xb8;
	[tilespmem:$0x1D000] =	vst v63  }
0x26: {  	s18 =	simm.s32 $0x400;
	s19 =	simm.s32 $0x9000  }
0x27: {  	[tilespmem:s19], [sflag:$0x1] =	stream.indirect.gather [hbm4b:s3+s9], $0x80, s18, s9, $0xb8;
	[tilespmem:$0x1D000] =	vst v63  }
0x28: {  	s18 =	simm.s32 $0x480;
	s19 =	simm.s32 $0xA000  }
0x29: {  	[tilespmem:s19], [sflag:$0x1] =	stream.indirect.gather [hbm4b:s3+s9], $0x80, s18, s9, $0xb8;
	[tilespmem:$0x1D000] =	vst v63  }
0x2a: {  	s18 =	simm.s32 $0x500;
	s19 =	simm.s32 $0xB000  }
0x2b: {  	[tilespmem:s19], [sflag:$0x1] =	stream.indirect.gather [hbm4b:s3+s9], $0x80, s18, s9, $0xb8;
	[tilespmem:$0x1D000] =	vst v63  }
0x2c: {  	s18 =	simm.s32 $0x580;
	s19 =	simm.s32 $0xC000  }
0x2d: {  	[tilespmem:s19], [sflag:$0x1] =	stream.indirect.gather [hbm4b:s3+s9], $0x80, s18, s9, $0xb8;
	[tilespmem:$0x1D000] =	vst v63  }
0x2e: {  	s18 =	simm.s32 $0x600;
	s19 =	simm.s32 $0xD000  }
0x2f: {  	[tilespmem:s19], [sflag:$0x1] =	stream.indirect.gather [hbm4b:s3+s9], $0x80, s18, s9, $0xb8;
	[tilespmem:$0x1D000] =	vst v63  }
0x30: {  	s18 =	simm.s32 $0x680;
	s19 =	simm.s32 $0xE000  }
0x31: {  	[tilespmem:s19], [sflag:$0x1] =	stream.indirect.gather [hbm4b:s3+s9], $0x80, s18, s9, $0xb8;
	[tilespmem:$0x1D000] =	vst v63  }
0x32: {  	s18 =	simm.s32 $0x700;
	s19 =	simm.s32 $0xF000  }
0x33: {  	[tilespmem:s19], [sflag:$0x1] =	stream.indirect.gather [hbm4b:s3+s9], $0x80, s18, s9, $0xb8;
	[tilespmem:$0x1D000] =	vst v63  }
0x34: {  	s18 =	simm.s32 $0x780;
	s19 =	simm.s32 $0x10000  }
0x35: {  	[tilespmem:s19], [sflag:$0x1] =	stream.indirect.gather [hbm4b:s3+s9], $0x80, s18, s9, $0xb8;
	[tilespmem:$0x1D000] =	vst v63  }
0x36: {  	s18 =	simm.s32 $0x800;
	s19 =	simm.s32 $0x11000  }
0x37: {  	[tilespmem:s19], [sflag:$0x1] =	stream.indirect.gather [hbm4b:s3+s9], $0x80, s18, s9, $0xb8;
	[tilespmem:$0x1D000] =	vst v63  }
0x38: {  	s18 =	simm.s32 $0x880;
	s19 =	simm.s32 $0x12000  }
0x39: {  	[tilespmem:s19], [sflag:$0x1] =	stream.indirect.gather [hbm4b:s3+s9], $0x80, s18, s9, $0xb8;
	[tilespmem:$0x1D000] =	vst v63  }
0x3a: {  	_ = 	snop  }
0x3b: {  	[tilespmem:s21], [sflag:$0x1] =	stream.indirect.gather [hbm4b:s3+s9], $0x80, s20, s9, $0xb8;
	[tilespmem:$0x1D000] =	vst v63  }
0x3c: {  	_ = 	snop  }
0x3d: {  	[tilespmem:s23], [sflag:$0x1] =	stream.indirect.gather [hbm4b:s3+s9], $0x80, s22, s9, $0xb8;
	[tilespmem:$0x1D000] =	vst v63  }
0x3e: {  	_ = 	snop  }
0x3f: {  	[tilespmem:s25], [sflag:$0x1] =	stream.indirect.gather [hbm4b:s3+s9], $0x80, s24, s9, $0xb8;
	[tilespmem:$0x1D000] =	vst v63  }
0x40: {  	_ = 	snop  }
0x41: {  	[tilespmem:s28], [sflag:$0x1] =	stream.indirect.gather [hbm4b:s3+s9], $0x80, s26, s9, $0xb8;
	[tilespmem:$0x1D000] =	vst v63  }
0x42: {  	_ = 	snop  }
0x43: {  	[tilespmem:s30], [sflag:$0x1] =	stream.indirect.gather [hbm4b:s3+s9], $0x80, s29, s9, $0xb8;
	[tilespmem:$0x1D000] =	vst v63  }
0x44: {  	_ = 	snop  }
0x45: {  	[tilespmem:s0], [sflag:$0x1] =	stream.indirect.gather [hbm4b:s3+s9], $0x80, s31, s9, $0xb8;
	[tilespmem:$0x1D000] =	vst v63  }
0x46: {  	_ = 	snop  }
0x47: {  	[tilespmem:s7], [sflag:$0x1] =	stream.indirect.gather [hbm4b:s3+s9], $0x80, s2, s9, $0xb8;
	[tilespmem:$0x1D000] =	vst v63  }
0x48: {  	_ = 	snop  }
0x49: {  	[tilespmem:s10], [sflag:$0x1] =	stream.indirect.gather [hbm4b:s3+s9], $0x80, s1, s9, $0xb8;
	[tilespmem:$0x1D000] =	vst v63  }
0x4a: {  	_ = 	snop  }
0x4b: {  	[tilespmem:s12], [sflag:$0x1] =	stream.indirect.gather [hbm4b:s3+s9], $0x80, s11, s9, $0xb8;
	[tilespmem:$0x1D000] =	vst v63  }
0x4c: {  	_ =	swait.ge [sflag:s13], $0x1000  }
0x4d: {  	[sflag:s13] =	ssyncset.done $0x0  }
0x4e: {  	[sflag:s13] =	ssyncadd.s32 $0xFFFFF000  }
0x4f: {  	_ =	swait.ge [sflag:s13], $0x1000  }
0x50: {  	[sflag:s13] =	ssyncset.done $0x0  }
0x51: {  	[sflag:s13] =	ssyncadd.s32 $0xFFFFF000  }
0x52: {  	_ =	swait.ge [sflag:s13], $0x1000  }
0x53: {  	[sflag:s13] =	ssyncset.done $0x0  }
0x54: {  	[sflag:s13] =	ssyncadd.s32 $0xFFFFF000  }
0x55: {  	_ =	swait.ge [sflag:s13], $0x1000  }
0x56: {  	[sflag:s13] =	ssyncset.done $0x0  }
0x57: {  	[sflag:s13] =	ssyncadd.s32 $0xFFFFF000  }
0x58: {  	_ =	swait.ge [sflag:s13], $0x1000  }
0x59: {  	[sflag:s13] =	ssyncset.done $0x0  }
0x5a: {  	[sflag:s13] =	ssyncadd.s32 $0xFFFFF000  }
0x5b: {  	_ =	swait.ge [sflag:s13], $0x1000  }
0x5c: {  	[sflag:s13] =	ssyncset.done $0x0  }
0x5d: {  	[sflag:s13] =	ssyncadd.s32 $0xFFFFF000  }
0x5e: {  	_ =	swait.ge [sflag:s13], $0x1000  }
0x5f: {  	[sflag:s13] =	ssyncset.done $0x0  }
0x60: {  	[sflag:s13] =	ssyncadd.s32 $0xFFFFF000  }
0x61: {  	_ =	swait.ge [sflag:s13], $0x1000  }
0x62: {  	[sflag:s13] =	ssyncset.done $0x0  }
0x63: {  	[sflag:s13] =	ssyncadd.s32 $0xFFFFF000  }
0x64: {  	_ =	swait.ge [sflag:s13], $0x1000  }
0x65: {  	[sflag:s13] =	ssyncset.done $0x0  }
0x66: {  	[sflag:s13] =	ssyncadd.s32 $0xFFFFF000  }
0x67: {  	_ =	swait.ge [sflag:s13], $0x1000  }
0x68: {  	[sflag:s13] =	ssyncset.done $0x0  }
0x69: {  	[sflag:s13] =	ssyncadd.s32 $0xFFFFF000  }
0x6a: {  	_ =	swait.ge [sflag:s13], $0x1000  }
0x6b: {  	[sflag:s13] =	ssyncset.done $0x0  }
0x6c: {  	[sflag:s13] =	ssyncadd.s32 $0xFFFFF000  }
0x6d: {  	_ =	swait.ge [sflag:s13], $0x1000  }
0x6e: {  	[sflag:s13] =	ssyncset.done $0x0  }
0x6f: {  	[sflag:s13] =	ssyncadd.s32 $0xFFFFF000  }
0x70: {  	_ =	swait.ge [sflag:s13], $0x1000  }
0x71: {  	[sflag:s13] =	ssyncset.done $0x0  }
0x72: {  	[sflag:s13] =	ssyncadd.s32 $0xFFFFF000  }
0x73: {  	_ =	swait.ge [sflag:s13], $0x1000  }
0x74: {  	[sflag:s13] =	ssyncset.done $0x0  }
0x75: {  	[sflag:s13] =	ssyncadd.s32 $0xFFFFF000  }
0x76: {  	_ =	swait.ge [sflag:s13], $0x1000  }
0x77: {  	[sflag:s13] =	ssyncset.done $0x0  }
0x78: {  	[sflag:s13] =	ssyncadd.s32 $0xFFFFF000  }
0x79: {  	_ =	swait.ge [sflag:s13], $0x1000  }
0x7a: {  	[sflag:s13] =	ssyncset.done $0x0  }
0x7b: {  	[sflag:s13] =	ssyncadd.s32 $0xFFFFF000  }
0x7c: {  	_ =	swait.ge [sflag:s13], $0x1000  }
0x7d: {  	[sflag:s13] =	ssyncset.done $0x0  }
0x7e: {  	[sflag:s13] =	ssyncadd.s32 $0xFFFFF000  }
0x7f: {  	_ =	swait.ge [sflag:s13], $0x1000  }
0x80: {  	[sflag:s13] =	ssyncset.done $0x0  }
0x81: {  	[sflag:s13] =	ssyncadd.s32 $0xFFFFF000  }
0x82: {  	_ =	swait.ge [sflag:s13], $0x1000  }
0x83: {  	[sflag:s13] =	ssyncset.done $0x0  }
0x84: {  	[sflag:s13] =	ssyncadd.s32 $0xFFFFF000  }
0x85: {  	_ =	swait.ge [sflag:s13], $0x1000  }
0x86: {  	[sflag:s13] =	ssyncset.done $0x0  }
0x87: {  	[sflag:s13] =	ssyncadd.s32 $0xFFFFF000  }
0x88: {  	_ =	swait.ge [sflag:s13], $0x1000  }
0x89: {  	[sflag:s13] =	ssyncset.done $0x0  }
0x8a: {  	[sflag:s13] =	ssyncadd.s32 $0xFFFFF000  }
0x8b: {  	_ =	swait.ge [sflag:s13], $0x1000  }
0x8c: {  	[sflag:s13] =	ssyncset.done $0x0  }
0x8d: {  	[sflag:s13] =	ssyncadd.s32 $0xFFFFF000  }
0x8e: {  	_ =	swait.ge [sflag:s13], $0x1000  }
0x8f: {  	[sflag:s13] =	ssyncset.done $0x0  }
0x90: {  	[sflag:s13] =	ssyncadd.s32 $0xFFFFF000  }
0x91: {  	_ =	swait.ge [sflag:s13], $0x1000  }
0x92: {  	[sflag:s13] =	ssyncset.done $0x0  }
0x93: {  	[sflag:s13] =	ssyncadd.s32 $0xFFFFF000  }
0x94: {  	_ =	swait.ge [sflag:s13], $0x1000  }
0x95: {  	[sflag:s13] =	ssyncset.done $0x0  }
0x96: {  	[sflag:s13] =	ssyncadd.s32 $0xFFFFF000  }
0x97: {  	_ =	swait.ge [sflag:s13], $0x1000  }
0x98: {  	[sflag:s13] =	ssyncset.done $0x0  }
0x99: {  	[sflag:s13] =	ssyncadd.s32 $0xFFFFF000  }
0x9a: {  	_ =	swait.ge [sflag:s13], $0x1000  }
0x9b: {  	s18 =	simm.s32 $0x0;
	[sflag:s13] =	ssyncset.done $0x0  }
0x9c: {  	s17 =	sand.u32 $0x3FFFFF80, s18;
	[sflag:s13] =	ssyncadd.s32 $0xFFFFF000  }
0x9d: {  	v3 =	vld [tilespmem:s17+$0x1070]  }
0x9e: {  	v4 =	vld [tilespmem:s17+$0x2070];
	_ =	sdelay $0x4  }
0x9f: {  	v4 =	vadd.f32 v4, v3;
	v3 =	vld [tilespmem:s17+$0x2010];
	_ =	sdelay $0x4  }
0xa0: {  	[tilespmem:$0x1FD60] =	vst v3;
	v3 =	vld [tilespmem:s17+$0x1030];
	_ =	sdelay $0x4  }
0xa1: {  	[tilespmem:$0x1FD70] =	vst v3;
	v3 =	vld [tilespmem:s17+$0x2030];
	_ =	sdelay $0x4  }
0xa2: {  	[tilespmem:$0x1FD80] =	vst v3;
	v3 =	vld [tilespmem:s17+$0x1040];
	_ =	sdelay $0x4  }
0xa3: {  	[tilespmem:$0x1FD90] =	vst v3;
	v3 =	vld [tilespmem:s17+$0x1050];
	_ =	sdelay $0x4  }
0xa4: {  	[tilespmem:$0x1FDA0] =	vst v3;
	v3 =	vld [tilespmem:s17+$0x2050];
	_ =	sdelay $0x4  }
0xa5: {  	[tilespmem:$0x1FDB0] =	vst v3;
	v3 =	vld [tilespmem:s17+$0x1060];
	_ =	sdelay $0x4  }
0xa6: {  	[tilespmem:$0x1FDC0] =	vst v3;
	v3 =	vld [tilespmem:s17+$0xB000];
	_ =	sdelay $0x4  }
0xa7: {  	[tilespmem:$0x1FDD0] =	vst v3;
	v3 =	vld [tilespmem:s17+$0xB010];
	_ =	sdelay $0x4  }
0xa8: {  	[tilespmem:$0x1FDE0] =	vst v3;
	v3 =	vld [tilespmem:s17+$0xB020];
	_ =	sdelay $0x4  }
0xa9: {  	[tilespmem:$0x1FDF0] =	vst v3;
	v3 =	vld [tilespmem:s17+$0xB030];
	_ =	sdelay $0x4  }
0xaa: {  	[tilespmem:$0x1FE00] =	vst v3;
	v3 =	vld [tilespmem:s17+$0xB040];
	_ =	sdelay $0x4  }
0xab: {  	[tilespmem:$0x1FE10] =	vst v3;
	v3 =	vld [tilespmem:s17+$0xB050];
	_ =	sdelay $0x4  }
0xac: {  	[tilespmem:$0x1FE20] =	vst v3;
	v3 =	vld [tilespmem:s17+$0xB060];
	_ =	sdelay $0x2  }
0xad: {  	v0 =	vld [tilespmem:s17+$0x1000]  }
0xae: {  	v5 =	vld [tilespmem:s17+$0x3070]  }
0xaf: {  	[tilespmem:$0x1FE30] =	vst v3;
	v3 =	vld [tilespmem:s17+$0xC000]  }
0xb0: {  	v1 =	vld [tilespmem:s17+$0x2000]  }
0xb1: {  	v6 =	vld [tilespmem:s17+$0x4070]  }
0xb2: {  	v2 =	vld [tilespmem:s17+$0x1010]  }
0xb3: {  	v7 =	vld [tilespmem:s17+$0x5070]  }
0xb4: {  	[tilespmem:$0x1FE40] =	vst v3;
	v3 =	vld [tilespmem:s17+$0xC010]  }
0xb5: {  	v8 =	vld [tilespmem:s17+$0x6070]  }
0xb6: {  	v10 =	vld [tilespmem:s17+$0x7070]  }
0xb7: {  	v11 =	vld [tilespmem:s17+$0x8070]  }
0xb8: {  	v34 =	vld [tilespmem:s17+$0x2040]  }
0xb9: {  	[tilespmem:$0x1FE50] =	vst v3;
	v3 =	vld [tilespmem:s17+$0xC020]  }
0xba: {  	v35 =	vld [tilespmem:s17+$0x2060]  }
0xbb: {  	v36 =	vld [tilespmem:s17+$0x3000]  }
0xbc: {  	v37 =	vld [tilespmem:s17+$0x3010]  }
0xbd: {  	v38 =	vld [tilespmem:s17+$0x3020]  }
0xbe: {  	[tilespmem:$0x1FE60] =	vst v3;
	v3 =	vld [tilespmem:s17+$0xC030]  }
0xbf: {  	v39 =	vld [tilespmem:s17+$0x3030]  }
0xc0: {  	v40 =	vld [tilespmem:s17+$0x3040]  }
0xc1: {  	v41 =	vld [tilespmem:s17+$0x3050]  }
0xc2: {  	v42 =	vld [tilespmem:s17+$0x3060]  }
0xc3: {  	[tilespmem:$0x1FE70] =	vst v3;
	v3 =	vld [tilespmem:s17+$0xC040]  }
0xc4: {  	v43 =	vld [tilespmem:s17+$0x4000]  }
0xc5: {  	v44 =	vld [tilespmem:s17+$0x4010]  }
0xc6: {  	v45 =	vld [tilespmem:s17+$0x4020]  }
0xc7: {  	v46 =	vld [tilespmem:s17+$0x4030]  }
0xc8: {  	[tilespmem:$0x1FE80] =	vst v3;
	v3 =	vld [tilespmem:s17+$0xC050]  }
0xc9: {  	v47 =	vld [tilespmem:s17+$0x4040]  }
0xca: {  	v48 =	vld [tilespmem:s17+$0x4050]  }
0xcb: {  	v49 =	vld [tilespmem:s17+$0x4060]  }
0xcc: {  	v50 =	vld [tilespmem:s17+$0x5000]  }
0xcd: {  	[tilespmem:$0x1FE90] =	vst v3;
	v3 =	vld [tilespmem:s17+$0xC060]  }
0xce: {  	v51 =	vld [tilespmem:s17+$0x5010]  }
0xcf: {  	v52 =	vld [tilespmem:s17+$0x5020]  }
0xd0: {  	v53 =	vld [tilespmem:s17+$0x5030]  }
0xd1: {  	v54 =	vld [tilespmem:s17+$0x5040]  }
0xd2: {  	[tilespmem:$0x1FEA0] =	vst v3;
	v3 =	vld [tilespmem:s17+$0xD000]  }
0xd3: {  	v55 =	vld [tilespmem:s17+$0x5050]  }
0xd4: {  	v56 =	vld [tilespmem:s17+$0x5060]  }
0xd5: {  	v57 =	vld [tilespmem:s17+$0x6000]  }
0xd6: {  	v58 =	vld [tilespmem:s17+$0x6010]  }
0xd7: {  	[tilespmem:$0x1FEB0] =	vst v3;
	v3 =	vld [tilespmem:s17+$0xD010]  }
0xd8: {  	v59 =	vld [tilespmem:s17+$0x6020]  }
0xd9: {  	v60 =	vld [tilespmem:s17+$0x6030]  }
0xda: {  	v61 =	vld [tilespmem:s17+$0x6040]  }
0xdb: {  	v62 =	vld [tilespmem:s17+$0x6050]  }
0xdc: {  	[tilespmem:$0x1FEC0] =	vst v3;
	v3 =	vld [tilespmem:s17+$0xD020]  }
0xdd: {  	v63 =	vld [tilespmem:s17+$0x6060]  }
0xde: {  	v9 =	vld [tilespmem:s17+$0x7030]  }
0xdf: {  	v12 =	vld [tilespmem:s17+$0x7060]  }
0xe0: {  	v13 =	vld [tilespmem:s17+$0x8000]  }
0xe1: {  	[tilespmem:$0x1FED0] =	vst v3;
	v3 =	vld [tilespmem:s17+$0xD030]  }
0xe2: {  	v14 =	vld [tilespmem:s17+$0x8010]  }
0xe3: {  	v15 =	vld [tilespmem:s17+$0x8020]  }
0xe4: {  	v16 =	vld [tilespmem:s17+$0x8030]  }
0xe5: {  	v17 =	vld [tilespmem:s17+$0x8040]  }
0xe6: {  	[tilespmem:$0x1FEE0] =	vst v3;
	v3 =	vld [tilespmem:s17+$0xD040]  }
0xe7: {  	v18 =	vld [tilespmem:s17+$0x8050];
	v5 =	vadd.f32 v5, v4  }
0xe8: {  	v19 =	vld [tilespmem:s17+$0x8060]  }
0xe9: {  	v20 =	vld [tilespmem:s17+$0x9000];
	v6 =	vadd.f32 v6, v5  }
0xea: {  	v21 =	vld [tilespmem:s17+$0x9010]  }
0xeb: {  	v7 =	vadd.f32 v7, v6;
	[tilespmem:$0x1FEF0] =	vst v3;
	v3 =	vld [tilespmem:s17+$0xD050]  }
0xec: {  	v22 =	vld [tilespmem:s17+$0x9020]  }
0xed: {  	v23 =	vld [tilespmem:s17+$0x9030];
	v7 =	vadd.f32 v8, v7  }
0xee: {  	v8 =	vld [tilespmem:s17+$0x9070]  }
0xef: {  	v7 =	vadd.f32 v10, v7;
	v10 =	vld [tilespmem:s17+$0xA070]  }
0xf0: {  	[tilespmem:$0x1FF00] =	vst v3;
	v3 =	vld [tilespmem:s17+$0xD060]  }
0xf1: {  	v24 =	vld [tilespmem:s17+$0x9040];
	v7 =	vadd.f32 v11, v7  }
0xf2: {  	v11 =	vld [tilespmem:s17+$0xB070]  }
0xf3: {  	v25 =	vld [tilespmem:s17+$0x9050];
	v7 =	vadd.f32 v8, v7  }
0xf4: {  	v8 =	vld [tilespmem:s17+$0xC070]  }
0xf5: {  	v7 =	vadd.f32 v10, v7;
	[tilespmem:$0x1FF10] =	vst v3;
	v3 =	vld [tilespmem:s17+$0xE000]  }
0xf6: {  	v10 =	vld [tilespmem:s17+$0xD070]  }
0xf7: {  	v26 =	vld [tilespmem:s17+$0x9060];
	v7 =	vadd.f32 v11, v7  }
0xf8: {  	v11 =	vld [tilespmem:s17+$0xE070]  }
0xf9: {  	v7 =	vadd.f32 v8, v7;
	v8 =	vld [tilespmem:s17+$0xF070]  }
0xfa: {  	[tilespmem:$0x1FF20] =	vst v3;
	v3 =	vld [tilespmem:s17+$0xE010]  }
0xfb: {  	v27 =	vld [tilespmem:s17+$0xA000];
	v7 =	vadd.f32 v10, v7  }
0xfc: {  	v10 =	vld [tilespmem:s17+$0x10070]  }
0xfd: {  	v28 =	vld [tilespmem:s17+$0xA010];
	v7 =	vadd.f32 v11, v7  }
0xfe: {  	v11 =	vld [tilespmem:s17+$0x11070]  }
0xff: {  	v7 =	vadd.f32 v8, v7;
	[tilespmem:$0x1FF30] =	vst v3;
	v3 =	vld [tilespmem:s17+$0xE020]  }
0x100: {  	v8 =	vld [tilespmem:s17+$0x12070]  }
0x101: {  	v29 =	vld [tilespmem:s17+$0xA020];
	v7 =	vadd.f32 v10, v7  }
0x102: {  	v10 =	vld [tilespmem:s17+$0x13070]  }
0x103: {  	v7 =	vadd.f32 v11, v7;
	v11 =	vld [tilespmem:s17+$0x14070]  }
0x104: {  	[tilespmem:$0x1FF40] =	vst v3;
	v3 =	vld [tilespmem:s17+$0xE030]  }
0x105: {  	v30 =	vld [tilespmem:s17+$0xA030];
	v7 =	vadd.f32 v8, v7  }
0x106: {  	v8 =	vld [tilespmem:s17+$0x15070]  }
0x107: {  	v4 =	vld [tilespmem:s17+$0x1020];
	v7 =	vadd.f32 v10, v7  }
0x108: {  	v10 =	vld [tilespmem:s17+$0x16070]  }
0x109: {  	v7 =	vadd.f32 v11, v7;
	[tilespmem:$0x1FF50] =	vst v3;
	v3 =	vld [tilespmem:s17+$0xE040]  }
0x10a: {  	v11 =	vld [tilespmem:s17+$0x17070]  }
0x10b: {  	v5 =	vld [tilespmem:s17+$0x2020];
	v7 =	vadd.f32 v8, v7  }
0x10c: {  	v8 =	vld [tilespmem:s17+$0x18070]  }
0x10d: {  	v7 =	vadd.f32 v10, v7;
	v10 =	vld [tilespmem:s17+$0x19070]  }
0x10e: {  	[tilespmem:$0x1FF60] =	vst v3;
	v3 =	vld [tilespmem:s17+$0xE050]  }
0x10f: {  	v31 =	vld [tilespmem:s17+$0xA040];
	v7 =	vadd.f32 v11, v7  }
0x110: {  	v11 =	vld [tilespmem:s17+$0x1A070]  }
0x111: {  	v32 =	vld [tilespmem:s17+$0xA050];
	v7 =	vadd.f32 v8, v7  }
0x112: {  	v5 =	vadd.f32 v5, v4;
	v8 =	vld [tilespmem:s17+$0x1B070]  }
0x113: {  	v7 =	vadd.f32 v10, v7;
	[tilespmem:$0x1FF70] =	vst v3;
	v3 =	vld [tilespmem:s17+$0xE060]  }
0x114: {  	v33 =	vld [tilespmem:s17+$0xA060];
	v5 =	vadd.f32 v38, v5  }
0x115: {  	v6 =	vld [tilespmem:s17+$0x7000];
	v7 =	vadd.f32 v11, v7  }
0x116: {  	v38 =	vld [tilespmem:s17+$0x10020];
	v5 =	vadd.f32 v45, v5  }
0x117: {  	v7 =	vadd.f32 v8, v7;
	v8 =	vld [tilespmem:s17+$0x7020]  }
0x118: {  	v5 =	vadd.f32 v52, v5;
	[tilespmem:$0x1FF80] =	vst v3;
	v3 =	vld [tilespmem:s17+$0xF000]  }
0x119: {  	v45 =	vld [tilespmem:s17+$0x11020]  }
0x11a: {  	v5 =	vadd.f32 v59, v5;
	v10 =	vld [tilespmem:s17+$0x7040]  }
0x11b: {  	v11 =	vld [tilespmem:s17+$0x7050]  }
0x11c: {  	[tilespmem:s17+$0x1C070] =	vst v7;
	v7 =	vld [tilespmem:s17+$0x7010];
	v5 =	vadd.f32 v8, v5  }
0x11d: {  	[tilespmem:$0x1FF90] =	vst v3;
	v3 =	vld [tilespmem:s17+$0xF010]  }
0x11e: {  	v8 =	vld [tilespmem:s17+$0x12010];
	v5 =	vadd.f32 v15, v5  }
0x11f: {  	v15 =	vld [tilespmem:s17+$0x13000]  }
0x120: {  	v5 =	vadd.f32 v22, v5;
	v22 =	vld [tilespmem:s17+$0x14000]  }
0x121: {  	v52 =	vld [tilespmem:$0x1FE10]  }
0x122: {  	[tilespmem:$0x1FFA0] =	vst v3;
	v3 =	vadd.f32 v1, v0;
	v0 =	vld [tilespmem:s17+$0xF020]  }
0x123: {  	v5 =	vadd.f32 v29, v5;
	v29 =	vld [tilespmem:s17+$0x15000]  }
0x124: {  	v59 =	vld [tilespmem:$0x1FE80]  }
0x125: {  	v1 =	vld [tilespmem:s17+$0xF030];
	v3 =	vadd.f32 v36, v3  }
0x126: {  	v36 =	vld [tilespmem:s17+$0x10000]  }
0x127: {  	v3 =	vadd.f32 v43, v3;
	[tilespmem:$0x1FFB0] =	vst v0;
	v0 =	vld [tilespmem:$0x1FD60]  }
0x128: {  	v43 =	vld [tilespmem:s17+$0x11000]  }
0x129: {  	v3 =	vadd.f32 v50, v3;
	v50 =	vld [tilespmem:$0x1FDF0]  }
0x12a: {  	[tilespmem:$0x1FFC0] =	vst v1;
	v1 =	vld [tilespmem:$0x1FD70]  }
0x12b: {  	v3 =	vadd.f32 v57, v3;
	v57 =	vld [tilespmem:$0x1FE60]  }
0x12c: {  	v0 =	vadd.f32 v0, v2;
	v2 =	vld [tilespmem:$0x1FD80]  }
0x12d: {  	v3 =	vadd.f32 v6, v3;
	v6 =	vld [tilespmem:s17+$0x11060]  }
0x12e: {  	v5 =	vadd.f32 v50, v5;
	v50 =	vld [tilespmem:$0x1FF20]  }
0x12f: {  	v0 =	vadd.f32 v37, v0;
	v37 =	vld [tilespmem:s17+$0xF060]  }
0x130: {  	v3 =	vadd.f32 v13, v3;
	v13 =	vld [tilespmem:s17+$0x12050]  }
0x131: {  	v5 =	vadd.f32 v57, v5;
	v57 =	vld [tilespmem:$0x1FF90]  }
0x132: {  	v0 =	vadd.f32 v44, v0;
	v44 =	vld [tilespmem:s17+$0x11010]  }
0x133: {  	v3 =	vadd.f32 v20, v3;
	v20 =	vld [tilespmem:s17+$0x13050]  }
0x134: {  	v1 =	vadd.f32 v2, v1;
	v2 =	vld [tilespmem:$0x1FD90]  }
0x135: {  	v0 =	vadd.f32 v51, v0;
	v51 =	vld [tilespmem:$0x1FE00]  }
0x136: {  	v3 =	vadd.f32 v27, v3;
	v27 =	vld [tilespmem:s17+$0x14050]  }
0x137: {  	[tilespmem:$0x1FFF0] =	vst v37;
	v37 =	vld [tilespmem:s17+$0x10010]  }
0x138: {  	v1 =	vadd.f32 v39, v1;
	v39 =	vld [tilespmem:s17+$0x10030]  }
0x139: {  	v0 =	vadd.f32 v58, v0;
	v58 =	vld [tilespmem:$0x1FE70]  }
0x13a: {  	v1 =	vadd.f32 v46, v1;
	v46 =	vld [tilespmem:s17+$0x11030]  }
0x13b: {  	v4 =	vadd.f32 v34, v2;
	v2 =	vld [tilespmem:s17+$0xF040]  }
0x13c: {  	v34 =	vld [tilespmem:$0x1FDB0]  }
0x13d: {  	v0 =	vadd.f32 v7, v0;
	v7 =	vld [tilespmem:s17+$0x12000]  }
0x13e: {  	v1 =	vadd.f32 v53, v1;
	v53 =	vld [tilespmem:$0x1FE20]  }
0x13f: {  	v4 =	vadd.f32 v40, v4;
	v40 =	vld [tilespmem:s17+$0x10040]  }
0x140: {  	v0 =	vadd.f32 v14, v0;
	v14 =	vld [tilespmem:s17+$0x12060]  }
0x141: {  	v1 =	vadd.f32 v60, v1;
	v60 =	vld [tilespmem:$0x1FE90]  }
0x142: {  	v4 =	vadd.f32 v47, v4;
	v47 =	vld [tilespmem:s17+$0x11040]  }
0x143: {  	v0 =	vadd.f32 v21, v0;
	v21 =	vld [tilespmem:s17+$0x13060]  }
0x144: {  	[tilespmem:$0x1FFD0] =	vst v2;
	v2 =	vld [tilespmem:$0x1FDA0]  }
0x145: {  	v1 =	vadd.f32 v9, v1;
	v4 =	vadd.f32 v54, v4;
	v54 =	vld [tilespmem:$0x1FE30]  }
0x146: {  	v0 =	vadd.f32 v28, v0;
	v28 =	vld [tilespmem:s17+$0x14060]  }
0x147: {  	v1 =	vadd.f32 v16, v1;
	v16 =	vld [tilespmem:s17+$0x13010]  }
0x148: {  	v4 =	vadd.f32 v61, v4;
	v61 =	vld [tilespmem:$0x1FEA0]  }
0x149: {  	v1 =	vadd.f32 v23, v1;
	v23 =	vld [tilespmem:s17+$0x14010]  }
0x14a: {  	v2 =	vadd.f32 v34, v2;
	v34 =	vld [tilespmem:$0x1FDC0]  }
0x14b: {  	v4 =	vadd.f32 v10, v4;
	v10 =	vld [tilespmem:s17+$0x12020]  }
0x14c: {  	v1 =	vadd.f32 v30, v1;
	v30 =	vld [tilespmem:s17+$0x15010]  }
0x14d: {  	v2 =	vadd.f32 v41, v2;
	v41 =	vld [tilespmem:s17+$0x10050]  }
0x14e: {  	v4 =	vadd.f32 v17, v4;
	v17 =	vld [tilespmem:s17+$0x13020]  }
0x14f: {  	v1 =	vadd.f32 v51, v1;
	v51 =	vld [tilespmem:$0x1FF30]  }
0x150: {  	v2 =	vadd.f32 v48, v2;
	v48 =	vld [tilespmem:s17+$0x11050]  }
0x151: {  	v4 =	vadd.f32 v24, v4;
	v24 =	vld [tilespmem:s17+$0x14020]  }
0x152: {  	v35 =	vadd.f32 v35, v34;
	v34 =	vld [tilespmem:s17+$0xF050]  }
0x153: {  	v1 =	vadd.f32 v58, v1;
	v58 =	vld [tilespmem:$0x1FFA0]  }
0x154: {  	v2 =	vadd.f32 v55, v2;
	v55 =	vld [tilespmem:$0x1FE40]  }
0x155: {  	v4 =	vadd.f32 v31, v4;
	v31 =	vld [tilespmem:s17+$0x15020]  }
0x156: {  	v35 =	vadd.f32 v42, v35;
	v42 =	vld [tilespmem:s17+$0x10060]  }
0x157: {  	v2 =	vadd.f32 v62, v2;
	v62 =	vld [tilespmem:$0x1FEB0]  }
0x158: {  	v4 =	vadd.f32 v52, v4;
	v52 =	vld [tilespmem:$0x1FF40]  }
0x159: {  	v35 =	vadd.f32 v49, v35;
	v49 =	vld [tilespmem:$0x1FDE0]  }
0x15a: {  	v2 =	vadd.f32 v11, v2;
	v11 =	vld [tilespmem:s17+$0x12030]  }
0x15b: {  	[tilespmem:$0x1FFE0] =	vst v34;
	v34 =	vld [tilespmem:$0x1FEF0]  }
0x15c: {  	v4 =	vadd.f32 v59, v4;
	v59 =	vld [tilespmem:$0x1FFB0]  }
0x15d: {  	v35 =	vadd.f32 v56, v35;
	v56 =	vld [tilespmem:$0x1FE50]  }
0x15e: {  	v2 =	vadd.f32 v18, v2;
	v18 =	vld [tilespmem:s17+$0x13030]  }
0x15f: {  	v35 =	vadd.f32 v63, v35;
	v63 =	vld [tilespmem:$0x1FEC0]  }
0x160: {  	v2 =	vadd.f32 v25, v2;
	v25 =	vld [tilespmem:s17+$0x14030]  }
0x161: {  	v0 =	vadd.f32 v49, v0;
	v49 =	vld [tilespmem:$0x1FF10]  }
0x162: {  	v9 =	vadd.f32 v12, v35;
	v12 =	vld [tilespmem:s17+$0x12040]  }
0x163: {  	v35 =	vld [tilespmem:$0x1FDD0]  }
0x164: {  	v4 =	vadd.f32 v34, v4;
	v34 =	vld [tilespmem:s17+$0x15050]  }
0x165: {  	v2 =	vadd.f32 v32, v2;
	v32 =	vld [tilespmem:$0x1FED0]  }
0x166: {  	v0 =	vadd.f32 v56, v0;
	v56 =	vld [tilespmem:$0x1FF80]  }
0x167: {  	v9 =	vadd.f32 v19, v9;
	v19 =	vld [tilespmem:s17+$0x13040]  }
0x168: {  	v2 =	vadd.f32 v53, v2;
	v53 =	vld [tilespmem:$0x1FF50]  }
0x169: {  	v0 =	vadd.f32 v63, v0;
	v63 =	vld [tilespmem:$0x1FFF0]  }
0x16a: {  	v9 =	vadd.f32 v26, v9;
	v26 =	vld [tilespmem:s17+$0x14040]  }
0x16b: {  	v3 =	vadd.f32 v35, v3;
	v2 =	vadd.f32 v60, v2;
	v35 =	vld [tilespmem:$0x1FF00]  }
0x16c: {  	v0 =	vadd.f32 v51, v0;
	v60 =	vld [tilespmem:$0x1FFC0];
	v9 =	vadd.f32 v33, v9  }
0x16d: {  	v5 =	vadd.f32 v32, v5;
	v33 =	vld [tilespmem:$0x1FEE0];
	v3 =	vadd.f32 v55, v3  }
0x16e: {  	v51 =	vld [tilespmem:s17+$0x19020];
	v0 =	vadd.f32 v58, v0;
	v9 =	vadd.f32 v54, v9  }
0x16f: {  	v55 =	vld [tilespmem:$0x1FF70];
	v5 =	vadd.f32 v52, v5;
	v3 =	vadd.f32 v62, v3  }
0x170: {  	v54 =	vld [tilespmem:$0x1FF60];
	v0 =	vadd.f32 v37, v0;
	v9 =	vadd.f32 v61, v9  }
0x171: {  	v32 =	vld [tilespmem:s17+$0x15030];
	v2 =	vadd.f32 v35, v2;
	v5 =	vadd.f32 v59, v5  }
0x172: {  	v62 =	vld [tilespmem:$0x1FFE0];
	v1 =	vadd.f32 v33, v1;
	v3 =	vadd.f32 v50, v3  }
0x173: {  	v58 =	vld [tilespmem:s17+$0x16060];
	v0 =	vadd.f32 v44, v0;
	v9 =	vadd.f32 v49, v9  }
0x174: {  	v61 =	vld [tilespmem:$0x1FFD0];
	v2 =	vadd.f32 v55, v2;
	v5 =	vadd.f32 v38, v5  }
0x175: {  	v52 =	vld [tilespmem:s17+$0x19030];
	v1 =	vadd.f32 v53, v1;
	v4 =	vadd.f32 v54, v4  }
0x176: {  	v35 =	vld [tilespmem:s17+$0x15060];
	v3 =	vadd.f32 v57, v3;
	v0 =	vadd.f32 v8, v0  }
0x177: {  	v59 =	vld [tilespmem:s17+$0x17000];
	v9 =	vadd.f32 v56, v9;
	v2 =	vadd.f32 v62, v2  }
0x178: {  	v33 =	vld [tilespmem:s17+$0x15040];
	v5 =	vadd.f32 v45, v5;
	v1 =	vadd.f32 v60, v1  }
0x179: {  	v50 =	vld [tilespmem:s17+$0x16010];
	v4 =	vadd.f32 v61, v4;
	v3 =	vadd.f32 v36, v3  }
0x17a: {  	v44 =	vld [tilespmem:s17+$0x18040];
	v0 =	vadd.f32 v16, v0;
	v9 =	vadd.f32 v63, v9  }
0x17b: {  	v49 =	vld [tilespmem:s17+$0x16000];
	v2 =	vadd.f32 v41, v2;
	v5 =	vadd.f32 v10, v5  }
0x17c: {  	v55 =	vld [tilespmem:s17+$0x16030];
	v1 =	vadd.f32 v39, v1;
	v4 =	vadd.f32 v40, v4  }
0x17d: {  	v54 =	vld [tilespmem:s17+$0x16020];
	v3 =	vadd.f32 v43, v3;
	v0 =	vadd.f32 v23, v0  }
0x17e: {  	v57 =	vld [tilespmem:s17+$0x16050];
	v9 =	vadd.f32 v42, v9;
	v2 =	vadd.f32 v48, v2  }
0x17f: {  	v8 =	vld [tilespmem:s17+$0x17030];
	v5 =	vadd.f32 v17, v5;
	v1 =	vadd.f32 v46, v1  }
0x180: {  	v53 =	vld [tilespmem:s17+$0x19040];
	v4 =	vadd.f32 v47, v4;
	v3 =	vadd.f32 v7, v3  }
0x181: {  	v56 =	vld [tilespmem:s17+$0x16040];
	v0 =	vadd.f32 v30, v0;
	v6 =	vadd.f32 v6, v9  }
0x182: {  	v62 =	vld [tilespmem:s17+$0x18010];
	v2 =	vadd.f32 v13, v2;
	v5 =	vadd.f32 v24, v5  }
0x183: {  	v60 =	vld [tilespmem:s17+$0x17010];
	v1 =	vadd.f32 v11, v1;
	v4 =	vadd.f32 v12, v4  }
0x184: {  	v45 =	vld [tilespmem:s17+$0x18050];
	v3 =	vadd.f32 v15, v3;
	v0 =	vadd.f32 v50, v0  }
0x185: {  	v61 =	vld [tilespmem:s17+$0x18000];
	v6 =	vadd.f32 v14, v6;
	v2 =	vadd.f32 v20, v2  }
0x186: {  	v10 =	vld [tilespmem:s17+$0x17050];
	v5 =	vadd.f32 v31, v5;
	v1 =	vadd.f32 v18, v1  }
0x187: {  	v63 =	vld [tilespmem:s17+$0x18020];
	v4 =	vadd.f32 v19, v4;
	v3 =	vadd.f32 v22, v3  }
0x188: {  	v7 =	vld [tilespmem:s17+$0x17020];
	v0 =	vadd.f32 v60, v0;
	v6 =	vadd.f32 v21, v6  }
0x189: {  	v43 =	vld [tilespmem:s17+$0x18030];
	v2 =	vadd.f32 v27, v2;
	v5 =	vadd.f32 v54, v5  }
0x18a: {  	v48 =	vld [tilespmem:s17+$0x19010];
	v1 =	vadd.f32 v25, v1;
	v4 =	vadd.f32 v26, v4  }
0x18b: {  	v46 =	vld [tilespmem:s17+$0x18060];
	v3 =	vadd.f32 v29, v3;
	v0 =	vadd.f32 v62, v0  }
0x18c: {  	v47 =	vld [tilespmem:s17+$0x19000];
	v6 =	vadd.f32 v28, v6;
	v2 =	vadd.f32 v34, v2  }
0x18d: {  	v9 =	vld [tilespmem:s17+$0x17040];
	v5 =	vadd.f32 v7, v5;
	v1 =	vadd.f32 v32, v1  }
0x18e: {  	v11 =	vld [tilespmem:s17+$0x17060];
	v4 =	vadd.f32 v33, v4;
	v3 =	vadd.f32 v49, v3  }
0x18f: {  	v60 =	vld [tilespmem:s17+$0x1B010];
	v0 =	vadd.f32 v48, v0;
	v6 =	vadd.f32 v35, v6  }
0x190: {  	v54 =	vld [tilespmem:s17+$0x19050];
	v2 =	vadd.f32 v57, v2;
	v5 =	vadd.f32 v63, v5  }
0x191: {  	v7 =	vld [tilespmem:s17+$0x1A000];
	v1 =	vadd.f32 v55, v1;
	v4 =	vadd.f32 v56, v4  }
0x192: {  	v3 =	vadd.f32 v59, v3;
	v55 =	vld [tilespmem:s17+$0x19060];
	v6 =	vadd.f32 v58, v6  }
0x193: {  	v56 =	vld [tilespmem:s17+$0x1A050];
	v2 =	vadd.f32 v10, v2;
	v5 =	vadd.f32 v51, v5  }
0x194: {  	v10 =	vld [tilespmem:s17+$0x1A030];
	v1 =	vadd.f32 v8, v1;
	v4 =	vadd.f32 v9, v4  }
0x195: {  	v8 =	vld [tilespmem:s17+$0x1A010];
	v3 =	vadd.f32 v61, v3;
	v6 =	vadd.f32 v11, v6  }
0x196: {  	v9 =	vld [tilespmem:s17+$0x1A020];
	v2 =	vadd.f32 v45, v2;
	v1 =	vadd.f32 v43, v1  }
0x197: {  	v58 =	vld [tilespmem:s17+$0x1B000];
	v4 =	vadd.f32 v44, v4;
	v3 =	vadd.f32 v47, v3  }
0x198: {  	v11 =	vld [tilespmem:s17+$0x1A040];
	v6 =	vadd.f32 v46, v6;
	v2 =	vadd.f32 v54, v2  }
0x199: {  	v57 =	vld [tilespmem:s17+$0x1A060];
	v1 =	vadd.f32 v52, v1;
	v59 =	vadd.f32 v53, v4  }
0x19a: {  	v62 =	vadd.f32 v7, v3;
	v7 =	vld [tilespmem:s17+$0x1B020];
	v61 =	vadd.f32 v55, v6  }
0x19b: {  	v63 =	vadd.f32 v8, v0;
	v0 =	vadd.f32 v9, v5;
	v6 =	vld [tilespmem:s17+$0x1B030]  }
0x19c: {  	v5 =	vld [tilespmem:s17+$0x1B040];
	v3 =	vadd.f32 v56, v2;
	v4 =	vadd.f32 v10, v1  }
0x19d: {  	s19 =	simm.s32 $0x80;
	v8 =	vld [tilespmem:s17+$0x1B050];
	v1 =	vadd.f32 v11, v59;
	v10 =	vadd.f32 v58, v62  }
0x19e: {  	s19 =	sand.u32 $0x3FFFFF80, s19;
	s18 =	simm.s32 $0x2;
	v9 =	vld [tilespmem:s17+$0x1B060];
	v2 =	vadd.f32 v57, v61;
	v11 =	vadd.f32 v60, v63  }
.LBB2_3:
0x19f: {  	p0 =	sne.s32 s18, $0x1F;
	v12 =	vld [tilespmem:s19+$0x1070];
	[tilespmem:s17+$0x1C000] =	vst v10;
	v0 =	vadd.f32 v7, v0  }
0x1a0: {  	v7 =	vld [tilespmem:s19+$0x2070];
	[tilespmem:s17+$0x1C010] =	vst v11;
	v4 =	vadd.f32 v6, v4  }
0x1a1: {  	v6 =	vld [tilespmem:s19+$0x1000];
	[tilespmem:s17+$0x1C020] =	vst v0;
	v0 =	vadd.f32 v5, v1  }
0x1a2: {  	v1 =	vld [tilespmem:s19+$0x3070];
	[tilespmem:s17+$0x1C030] =	vst v4;
	v3 =	vadd.f32 v8, v3  }
0x1a3: {  	v4 =	vld [tilespmem:s19+$0x2000];
	[tilespmem:s17+$0x1C040] =	vst v0;
	v0 =	vadd.f32 v9, v2  }
0x1a4: {  	v2 =	vld [tilespmem:s19+$0x4070];
	[tilespmem:s17+$0x1C050] =	vst v3  }
0x1a5: {  	v3 =	vld [tilespmem:s19+$0x1010];
	v5 =	vadd.f32 v7, v12;
	[tilespmem:s17+$0x1C060] =	vst v0;
	s17 =	smov.u32 s19  }
0x1a6: {  	v0 =	vld [tilespmem:s17+$0x5070]  }
0x1a7: {  	v7 =	vld [tilespmem:s17+$0x2010];
	v1 =	vadd.f32 v1, v5  }
0x1a8: {  	v4 =	vadd.f32 v4, v6;
	v5 =	vld [tilespmem:s17+$0x6070]  }
0x1a9: {  	v6 =	vld [tilespmem:s17+$0x1020];
	v1 =	vadd.f32 v2, v1  }
0x1aa: {  	v2 =	vld [tilespmem:s17+$0x7070]  }
0x1ab: {  	v8 =	vld [tilespmem:s17+$0x2020];
	v0 =	vadd.f32 v0, v1  }
0x1ac: {  	v1 =	vadd.f32 v7, v3;
	v3 =	vld [tilespmem:s17+$0x8070]  }
0x1ad: {  	v7 =	vld [tilespmem:s17+$0x1030];
	v0 =	vadd.f32 v5, v0  }
0x1ae: {  	v5 =	vld [tilespmem:s17+$0x9070]  }
0x1af: {  	v9 =	vld [tilespmem:s17+$0x2030];
	v0 =	vadd.f32 v2, v0  }
0x1b0: {  	v2 =	vadd.f32 v8, v6;
	v6 =	vld [tilespmem:s17+$0xA070]  }
0x1b1: {  	v8 =	vld [tilespmem:s17+$0x1040];
	v0 =	vadd.f32 v3, v0  }
0x1b2: {  	v3 =	vld [tilespmem:s17+$0xB070]  }
0x1b3: {  	v10 =	vld [tilespmem:s17+$0x2040];
	v0 =	vadd.f32 v5, v0  }
0x1b4: {  	v5 =	vadd.f32 v9, v7;
	v7 =	vld [tilespmem:s17+$0xC070]  }
0x1b5: {  	v9 =	vld [tilespmem:s17+$0x1050];
	v0 =	vadd.f32 v6, v0  }
0x1b6: {  	v6 =	vld [tilespmem:s17+$0xD070]  }
0x1b7: {  	v11 =	vld [tilespmem:s17+$0x2050];
	v0 =	vadd.f32 v3, v0  }
0x1b8: {  	v3 =	vadd.f32 v10, v8;
	v8 =	vld [tilespmem:s17+$0xE070]  }
0x1b9: {  	v10 =	vld [tilespmem:s17+$0x1060];
	v0 =	vadd.f32 v7, v0  }
0x1ba: {  	v7 =	vld [tilespmem:s17+$0xF070]  }
0x1bb: {  	v12 =	vld [tilespmem:s17+$0x2060];
	v0 =	vadd.f32 v6, v0  }
0x1bc: {  	v6 =	vadd.f32 v11, v9;
	v9 =	vld [tilespmem:s17+$0x10070]  }
0x1bd: {  	v11 =	vld [tilespmem:s17+$0x3000];
	v0 =	vadd.f32 v8, v0  }
0x1be: {  	v8 =	vld [tilespmem:s17+$0x11070]  }
0x1bf: {  	v13 =	vld [tilespmem:s17+$0x3010];
	v0 =	vadd.f32 v7, v0  }
0x1c0: {  	v7 =	vadd.f32 v12, v10;
	v10 =	vld [tilespmem:s17+$0x12070]  }
0x1c1: {  	v12 =	vld [tilespmem:s17+$0x3020];
	v0 =	vadd.f32 v9, v0  }
0x1c2: {  	v4 =	vadd.f32 v11, v4;
	v9 =	vld [tilespmem:s17+$0x13070]  }
0x1c3: {  	v11 =	vld [tilespmem:s17+$0x3030];
	v0 =	vadd.f32 v8, v0  }
0x1c4: {  	v1 =	vadd.f32 v13, v1;
	v8 =	vld [tilespmem:s17+$0x14070]  }
0x1c5: {  	v13 =	vld [tilespmem:s17+$0x3040];
	v0 =	vadd.f32 v10, v0  }
0x1c6: {  	v2 =	vadd.f32 v12, v2;
	v10 =	vld [tilespmem:s17+$0x15070]  }
0x1c7: {  	v12 =	vld [tilespmem:s17+$0x3050];
	v0 =	vadd.f32 v9, v0  }
0x1c8: {  	v5 =	vadd.f32 v11, v5;
	v9 =	vld [tilespmem:s17+$0x16070]  }
0x1c9: {  	v11 =	vld [tilespmem:s17+$0x3060];
	v0 =	vadd.f32 v8, v0  }
0x1ca: {  	v3 =	vadd.f32 v13, v3;
	v8 =	vld [tilespmem:s17+$0x17070]  }
0x1cb: {  	v13 =	vld [tilespmem:s17+$0x4000];
	v0 =	vadd.f32 v10, v0  }
0x1cc: {  	v6 =	vadd.f32 v12, v6;
	v10 =	vld [tilespmem:s17+$0x18070]  }
0x1cd: {  	v12 =	vld [tilespmem:s17+$0x4010];
	v0 =	vadd.f32 v9, v0  }
0x1ce: {  	v7 =	vadd.f32 v11, v7;
	v9 =	vld [tilespmem:s17+$0x19070]  }
0x1cf: {  	v11 =	vld [tilespmem:s17+$0x4020];
	v0 =	vadd.f32 v8, v0  }
0x1d0: {  	v4 =	vadd.f32 v13, v4;
	v8 =	vld [tilespmem:s17+$0x1A070]  }
0x1d1: {  	v13 =	vld [tilespmem:s17+$0x4030];
	v0 =	vadd.f32 v10, v0  }
0x1d2: {  	v1 =	vadd.f32 v12, v1;
	v10 =	vld [tilespmem:s17+$0x1B070]  }
0x1d3: {  	v12 =	vld [tilespmem:s17+$0x4040];
	v0 =	vadd.f32 v9, v0  }
0x1d4: {  	v2 =	vadd.f32 v11, v2;
	v9 =	vld [tilespmem:s17+$0x4050]  }
0x1d5: {  	v11 =	vld [tilespmem:s17+$0x4060];
	v0 =	vadd.f32 v8, v0  }
0x1d6: {  	v8 =	vld [tilespmem:s17+$0x5000];
	v5 =	vadd.f32 v13, v5  }
0x1d7: {  	v13 =	vld [tilespmem:s17+$0x5010];
	v0 =	vadd.f32 v10, v0  }
0x1d8: {  	v10 =	vld [tilespmem:s17+$0x5020];
	v3 =	vadd.f32 v12, v3  }
0x1d9: {  	v12 =	vld [tilespmem:s17+$0x5030];
	v6 =	vadd.f32 v9, v6;
	[tilespmem:s17+$0x1C070] =	vst v0  }
0x1da: {  	v0 =	vld [tilespmem:s17+$0x5040];
	v7 =	vadd.f32 v11, v7  }
0x1db: {  	v4 =	vadd.f32 v8, v4;
	v8 =	vld [tilespmem:s17+$0x5050]  }
0x1dc: {  	v1 =	vadd.f32 v13, v1;
	v9 =	vld [tilespmem:s17+$0x5060]  }
0x1dd: {  	v11 =	vld [tilespmem:s17+$0x6000];
	v2 =	vadd.f32 v10, v2  }
0x1de: {  	v10 =	vld [tilespmem:s17+$0x6010];
	v5 =	vadd.f32 v12, v5  }
0x1df: {  	v12 =	vld [tilespmem:s17+$0x6020];
	v0 =	vadd.f32 v0, v3  }
0x1e0: {  	v3 =	vld [tilespmem:s17+$0x6030];
	v6 =	vadd.f32 v8, v6  }
0x1e1: {  	v8 =	vld [tilespmem:s17+$0x6040];
	v7 =	vadd.f32 v9, v7  }
0x1e2: {  	v4 =	vadd.f32 v11, v4;
	v9 =	vld [tilespmem:s17+$0x6050]  }
0x1e3: {  	v1 =	vadd.f32 v10, v1;
	v10 =	vld [tilespmem:s17+$0x6060]  }
0x1e4: {  	v11 =	vld [tilespmem:s17+$0x7000];
	v2 =	vadd.f32 v12, v2  }
0x1e5: {  	v12 =	vld [tilespmem:s17+$0x7010];
	v3 =	vadd.f32 v3, v5  }
0x1e6: {  	v5 =	vld [tilespmem:s17+$0x7020];
	v0 =	vadd.f32 v8, v0  }
0x1e7: {  	v8 =	vld [tilespmem:s17+$0x7030];
	v6 =	vadd.f32 v9, v6  }
0x1e8: {  	v9 =	vld [tilespmem:s17+$0x7040];
	v7 =	vadd.f32 v10, v7  }
0x1e9: {  	v4 =	vadd.f32 v11, v4;
	v10 =	vld [tilespmem:s17+$0x7050]  }
0x1ea: {  	v1 =	vadd.f32 v12, v1;
	v11 =	vld [tilespmem:s17+$0x7060]  }
0x1eb: {  	v12 =	vld [tilespmem:s17+$0x8000];
	v2 =	vadd.f32 v5, v2  }
0x1ec: {  	v5 =	vld [tilespmem:s17+$0x8010];
	v3 =	vadd.f32 v8, v3  }
0x1ed: {  	v8 =	vld [tilespmem:s17+$0x8020];
	v0 =	vadd.f32 v9, v0  }
0x1ee: {  	v9 =	vld [tilespmem:s17+$0x8030];
	v6 =	vadd.f32 v10, v6  }
0x1ef: {  	v10 =	vld [tilespmem:s17+$0x8040];
	v7 =	vadd.f32 v11, v7  }
0x1f0: {  	v4 =	vadd.f32 v12, v4;
	v11 =	vld [tilespmem:s17+$0x8050]  }
0x1f1: {  	v1 =	vadd.f32 v5, v1;
	v5 =	vld [tilespmem:s17+$0x8060]  }
0x1f2: {  	v12 =	vld [tilespmem:s17+$0x9000];
	v2 =	vadd.f32 v8, v2  }
0x1f3: {  	v8 =	vld [tilespmem:s17+$0x9010];
	v3 =	vadd.f32 v9, v3  }
0x1f4: {  	v9 =	vld [tilespmem:s17+$0x9020];
	v0 =	vadd.f32 v10, v0  }
0x1f5: {  	v10 =	vld [tilespmem:s17+$0x9030];
	v6 =	vadd.f32 v11, v6  }
0x1f6: {  	v11 =	vld [tilespmem:s17+$0x9040];
	v5 =	vadd.f32 v5, v7  }
0x1f7: {  	v4 =	vadd.f32 v12, v4;
	v7 =	vld [tilespmem:s17+$0x9050]  }
0x1f8: {  	v1 =	vadd.f32 v8, v1;
	v8 =	vld [tilespmem:s17+$0x9060]  }
0x1f9: {  	v12 =	vld [tilespmem:s17+$0xA000];
	v2 =	vadd.f32 v9, v2  }
0x1fa: {  	v9 =	vld [tilespmem:s17+$0xA010];
	v3 =	vadd.f32 v10, v3  }
0x1fb: {  	v10 =	vld [tilespmem:s17+$0xA020];
	v0 =	vadd.f32 v11, v0  }
0x1fc: {  	v11 =	vld [tilespmem:s17+$0xA030];
	v6 =	vadd.f32 v7, v6  }
0x1fd: {  	v7 =	vld [tilespmem:s17+$0xA040];
	v5 =	vadd.f32 v8, v5  }
0x1fe: {  	v4 =	vadd.f32 v12, v4;
	v8 =	vld [tilespmem:s17+$0xA050]  }
0x1ff: {  	v1 =	vadd.f32 v9, v1;
	v9 =	vld [tilespmem:s17+$0xA060]  }
0x200: {  	v12 =	vld [tilespmem:s17+$0xB000];
	v2 =	vadd.f32 v10, v2  }
0x201: {  	v10 =	vld [tilespmem:s17+$0xB010];
	v3 =	vadd.f32 v11, v3  }
0x202: {  	v11 =	vld [tilespmem:s17+$0xB020];
	v0 =	vadd.f32 v7, v0  }
0x203: {  	v7 =	vld [tilespmem:s17+$0xB030];
	v6 =	vadd.f32 v8, v6  }
0x204: {  	v8 =	vld [tilespmem:s17+$0xB040];
	v5 =	vadd.f32 v9, v5  }
0x205: {  	v4 =	vadd.f32 v12, v4;
	v9 =	vld [tilespmem:s17+$0xB050]  }
0x206: {  	v1 =	vadd.f32 v10, v1;
	v10 =	vld [tilespmem:s17+$0xB060]  }
0x207: {  	v12 =	vld [tilespmem:s17+$0xC000];
	v2 =	vadd.f32 v11, v2  }
0x208: {  	v11 =	vld [tilespmem:s17+$0xC010];
	v3 =	vadd.f32 v7, v3  }
0x209: {  	v7 =	vld [tilespmem:s17+$0xC020];
	v0 =	vadd.f32 v8, v0  }
0x20a: {  	v8 =	vld [tilespmem:s17+$0xC030];
	v6 =	vadd.f32 v9, v6  }
0x20b: {  	v9 =	vld [tilespmem:s17+$0xC040];
	v5 =	vadd.f32 v10, v5  }
0x20c: {  	v4 =	vadd.f32 v12, v4;
	v10 =	vld [tilespmem:s17+$0xC050]  }
0x20d: {  	v1 =	vadd.f32 v11, v1;
	v11 =	vld [tilespmem:s17+$0xC060]  }
0x20e: {  	v12 =	vld [tilespmem:s17+$0xD000];
	v2 =	vadd.f32 v7, v2  }
0x20f: {  	v7 =	vld [tilespmem:s17+$0xD010];
	v3 =	vadd.f32 v8, v3  }
0x210: {  	v8 =	vld [tilespmem:s17+$0xD020];
	v0 =	vadd.f32 v9, v0  }
0x211: {  	v9 =	vld [tilespmem:s17+$0xD030];
	v6 =	vadd.f32 v10, v6  }
0x212: {  	v10 =	vld [tilespmem:s17+$0xD040];
	v5 =	vadd.f32 v11, v5  }
0x213: {  	v4 =	vadd.f32 v12, v4;
	v11 =	vld [tilespmem:s17+$0xD050]  }
0x214: {  	v1 =	vadd.f32 v7, v1;
	v7 =	vld [tilespmem:s17+$0xD060]  }
0x215: {  	v12 =	vld [tilespmem:s17+$0xE000];
	v2 =	vadd.f32 v8, v2  }
0x216: {  	v8 =	vld [tilespmem:s17+$0xE010];
	v3 =	vadd.f32 v9, v3  }
0x217: {  	v9 =	vld [tilespmem:s17+$0xE020];
	v0 =	vadd.f32 v10, v0  }
0x218: {  	v10 =	vld [tilespmem:s17+$0xE030];
	v6 =	vadd.f32 v11, v6  }
0x219: {  	v11 =	vld [tilespmem:s17+$0xE040];
	v5 =	vadd.f32 v7, v5  }
0x21a: {  	v4 =	vadd.f32 v12, v4;
	v7 =	vld [tilespmem:s17+$0xE050]  }
0x21b: {  	v1 =	vadd.f32 v8, v1;
	v8 =	vld [tilespmem:s17+$0xE060]  }
0x21c: {  	v12 =	vld [tilespmem:s17+$0xF000];
	v2 =	vadd.f32 v9, v2  }
0x21d: {  	v9 =	vld [tilespmem:s17+$0xF010];
	v3 =	vadd.f32 v10, v3  }
0x21e: {  	v10 =	vld [tilespmem:s17+$0xF020];
	v0 =	vadd.f32 v11, v0  }
0x21f: {  	v11 =	vld [tilespmem:s17+$0xF030];
	v6 =	vadd.f32 v7, v6  }
0x220: {  	v7 =	vld [tilespmem:s17+$0xF040];
	v5 =	vadd.f32 v8, v5  }
0x221: {  	v4 =	vadd.f32 v12, v4;
	v8 =	vld [tilespmem:s17+$0xF050]  }
0x222: {  	v1 =	vadd.f32 v9, v1;
	v9 =	vld [tilespmem:s17+$0xF060]  }
0x223: {  	v12 =	vld [tilespmem:s17+$0x10000];
	v2 =	vadd.f32 v10, v2  }
0x224: {  	v10 =	vld [tilespmem:s17+$0x10010];
	v3 =	vadd.f32 v11, v3  }
0x225: {  	v11 =	vld [tilespmem:s17+$0x10020];
	v0 =	vadd.f32 v7, v0  }
0x226: {  	v7 =	vld [tilespmem:s17+$0x10030];
	v6 =	vadd.f32 v8, v6  }
0x227: {  	v8 =	vld [tilespmem:s17+$0x10040];
	v5 =	vadd.f32 v9, v5  }
0x228: {  	v4 =	vadd.f32 v12, v4;
	v9 =	vld [tilespmem:s17+$0x10050]  }
0x229: {  	v1 =	vadd.f32 v10, v1;
	v10 =	vld [tilespmem:s17+$0x10060]  }
0x22a: {  	v12 =	vld [tilespmem:s17+$0x11000];
	v2 =	vadd.f32 v11, v2  }
0x22b: {  	v11 =	vld [tilespmem:s17+$0x11010];
	v3 =	vadd.f32 v7, v3  }
0x22c: {  	v7 =	vld [tilespmem:s17+$0x11020];
	v0 =	vadd.f32 v8, v0  }
0x22d: {  	v8 =	vld [tilespmem:s17+$0x11030];
	v6 =	vadd.f32 v9, v6  }
0x22e: {  	v9 =	vld [tilespmem:s17+$0x11040];
	v5 =	vadd.f32 v10, v5  }
0x22f: {  	v4 =	vadd.f32 v12, v4;
	v10 =	vld [tilespmem:s17+$0x11050]  }
0x230: {  	v1 =	vadd.f32 v11, v1;
	v11 =	vld [tilespmem:s17+$0x11060]  }
0x231: {  	v12 =	vld [tilespmem:s17+$0x12000];
	v2 =	vadd.f32 v7, v2  }
0x232: {  	v7 =	vld [tilespmem:s17+$0x12010];
	v3 =	vadd.f32 v8, v3  }
0x233: {  	v8 =	vld [tilespmem:s17+$0x12020];
	v0 =	vadd.f32 v9, v0  }
0x234: {  	v9 =	vld [tilespmem:s17+$0x12030];
	v6 =	vadd.f32 v10, v6  }
0x235: {  	v10 =	vld [tilespmem:s17+$0x12040];
	v5 =	vadd.f32 v11, v5  }
0x236: {  	v4 =	vadd.f32 v12, v4;
	v11 =	vld [tilespmem:s17+$0x12050]  }
0x237: {  	v1 =	vadd.f32 v7, v1;
	v7 =	vld [tilespmem:s17+$0x12060]  }
0x238: {  	v12 =	vld [tilespmem:s17+$0x13000];
	v2 =	vadd.f32 v8, v2  }
0x239: {  	v8 =	vld [tilespmem:s17+$0x13010];
	v3 =	vadd.f32 v9, v3  }
0x23a: {  	v9 =	vld [tilespmem:s17+$0x13020];
	v0 =	vadd.f32 v10, v0  }
0x23b: {  	v10 =	vld [tilespmem:s17+$0x13030];
	v6 =	vadd.f32 v11, v6  }
0x23c: {  	v11 =	vld [tilespmem:s17+$0x13040];
	v5 =	vadd.f32 v7, v5  }
0x23d: {  	v4 =	vadd.f32 v12, v4;
	v7 =	vld [tilespmem:s17+$0x13050]  }
0x23e: {  	v1 =	vadd.f32 v8, v1;
	v8 =	vld [tilespmem:s17+$0x13060]  }
0x23f: {  	v12 =	vld [tilespmem:s17+$0x14000];
	v2 =	vadd.f32 v9, v2  }
0x240: {  	v9 =	vld [tilespmem:s17+$0x14010];
	v3 =	vadd.f32 v10, v3  }
0x241: {  	v10 =	vld [tilespmem:s17+$0x14020];
	v0 =	vadd.f32 v11, v0  }
0x242: {  	v11 =	vld [tilespmem:s17+$0x14030];
	v6 =	vadd.f32 v7, v6  }
0x243: {  	v7 =	vld [tilespmem:s17+$0x14040];
	v5 =	vadd.f32 v8, v5  }
0x244: {  	v4 =	vadd.f32 v12, v4;
	v8 =	vld [tilespmem:s17+$0x14050]  }
0x245: {  	v1 =	vadd.f32 v9, v1;
	v9 =	vld [tilespmem:s17+$0x14060]  }
0x246: {  	v12 =	vld [tilespmem:s17+$0x15000];
	v2 =	vadd.f32 v10, v2  }
0x247: {  	v10 =	vld [tilespmem:s17+$0x15010];
	v3 =	vadd.f32 v11, v3  }
0x248: {  	v11 =	vld [tilespmem:s17+$0x15020];
	v0 =	vadd.f32 v7, v0  }
0x249: {  	v7 =	vld [tilespmem:s17+$0x15030];
	v6 =	vadd.f32 v8, v6  }
0x24a: {  	v8 =	vld [tilespmem:s17+$0x15040];
	v5 =	vadd.f32 v9, v5  }
0x24b: {  	v4 =	vadd.f32 v12, v4;
	v9 =	vld [tilespmem:s17+$0x15050]  }
0x24c: {  	v1 =	vadd.f32 v10, v1;
	v10 =	vld [tilespmem:s17+$0x15060]  }
0x24d: {  	v12 =	vld [tilespmem:s17+$0x16000];
	v2 =	vadd.f32 v11, v2  }
0x24e: {  	v11 =	vld [tilespmem:s17+$0x16010];
	v3 =	vadd.f32 v7, v3  }
0x24f: {  	v7 =	vld [tilespmem:s17+$0x16020];
	v0 =	vadd.f32 v8, v0  }
0x250: {  	v8 =	vld [tilespmem:s17+$0x16030];
	v6 =	vadd.f32 v9, v6  }
0x251: {  	v9 =	vld [tilespmem:s17+$0x16040];
	v5 =	vadd.f32 v10, v5  }
0x252: {  	v4 =	vadd.f32 v12, v4;
	v10 =	vld [tilespmem:s17+$0x16050]  }
0x253: {  	v1 =	vadd.f32 v11, v1;
	v11 =	vld [tilespmem:s17+$0x16060]  }
0x254: {  	v12 =	vld [tilespmem:s17+$0x17000];
	v2 =	vadd.f32 v7, v2  }
0x255: {  	v7 =	vld [tilespmem:s17+$0x17010];
	v3 =	vadd.f32 v8, v3  }
0x256: {  	v8 =	vld [tilespmem:s17+$0x17020];
	v0 =	vadd.f32 v9, v0  }
0x257: {  	v9 =	vld [tilespmem:s17+$0x17030];
	v6 =	vadd.f32 v10, v6  }
0x258: {  	v10 =	vld [tilespmem:s17+$0x17040];
	v5 =	vadd.f32 v11, v5  }
0x259: {  	v4 =	vadd.f32 v12, v4;
	v11 =	vld [tilespmem:s17+$0x17050]  }
0x25a: {  	v1 =	vadd.f32 v7, v1;
	v7 =	vld [tilespmem:s17+$0x17060]  }
0x25b: {  	v12 =	vld [tilespmem:s17+$0x18000];
	v2 =	vadd.f32 v8, v2  }
0x25c: {  	v8 =	vld [tilespmem:s17+$0x18010];
	v3 =	vadd.f32 v9, v3  }
0x25d: {  	v9 =	vld [tilespmem:s17+$0x18020];
	v0 =	vadd.f32 v10, v0  }
0x25e: {  	v10 =	vld [tilespmem:s17+$0x18030];
	v6 =	vadd.f32 v11, v6  }
0x25f: {  	v11 =	vld [tilespmem:s17+$0x18040];
	v5 =	vadd.f32 v7, v5  }
0x260: {  	v4 =	vadd.f32 v12, v4;
	v7 =	vld [tilespmem:s17+$0x18050]  }
0x261: {  	v1 =	vadd.f32 v8, v1;
	v8 =	vld [tilespmem:s17+$0x18060]  }
0x262: {  	v12 =	vld [tilespmem:s17+$0x19000];
	v2 =	vadd.f32 v9, v2  }
0x263: {  	v9 =	vld [tilespmem:s17+$0x19010];
	v3 =	vadd.f32 v10, v3  }
0x264: {  	v10 =	vld [tilespmem:s17+$0x19020];
	v0 =	vadd.f32 v11, v0  }
0x265: {  	v11 =	vld [tilespmem:s17+$0x19030];
	v6 =	vadd.f32 v7, v6  }
0x266: {  	v7 =	vld [tilespmem:s17+$0x19040];
	v5 =	vadd.f32 v8, v5  }
0x267: {  	v4 =	vadd.f32 v12, v4;
	v8 =	vld [tilespmem:s17+$0x19050]  }
0x268: {  	v1 =	vadd.f32 v9, v1;
	v9 =	vld [tilespmem:s17+$0x19060]  }
0x269: {  	v12 =	vld [tilespmem:s17+$0x1A000];
	v2 =	vadd.f32 v10, v2  }
0x26a: {  	v10 =	vld [tilespmem:s17+$0x1A010];
	v3 =	vadd.f32 v11, v3  }
0x26b: {  	v11 =	vld [tilespmem:s17+$0x1A020];
	v13 =	vadd.f32 v7, v0  }
0x26c: {  	v7 =	vld [tilespmem:s17+$0x1A030];
	v8 =	vadd.f32 v8, v6  }
0x26d: {  	v6 =	vld [tilespmem:s17+$0x1A040];
	v9 =	vadd.f32 v9, v5  }
0x26e: {  	v12 =	vadd.f32 v12, v4;
	v5 =	vld [tilespmem:s17+$0x1A050]  }
0x26f: {  	v14 =	vadd.f32 v10, v1;
	v10 =	vld [tilespmem:s17+$0x1A060]  }
0x270: {  	v15 =	vld [tilespmem:s17+$0x1B000];
	v0 =	vadd.f32 v11, v2  }
0x271: {  	v11 =	vld [tilespmem:s17+$0x1B010];
	v4 =	vadd.f32 v7, v3  }
.Ltmp0:
0x272: {  	v7 =	vld [tilespmem:s17+$0x1B020];
	v1 =	vadd.f32 v6, v13;
	(pc) =	sbr.rel @p0 .LBB2_3-.Ltmp0, $4  }
0x273: {  	v6 =	vld [tilespmem:s17+$0x1B030];
	v3 =	vadd.f32 v5, v8  }
0x274: {  	v5 =	vld [tilespmem:s17+$0x1B040];
	v2 =	vadd.f32 v10, v9  }
0x275: {  	s19 =	sshll.u32 s18, $0x7;
	v10 =	vadd.f32 v15, v12;
	v8 =	vld [tilespmem:s17+$0x1B050]  }
0x276: {  	s18 =	sadd.s32 $0x1, s18;
	s19 =	sand.u32 $0x3FFFFF80, s19;
	v11 =	vadd.f32 v11, v14;
	v9 =	vld [tilespmem:s17+$0x1B060]  }
0x277: {  	v12 =	vld [tilespmem:s19+$0x1070];
	[tilespmem:s17+$0x1C000] =	vst v10;
	v7 =	vadd.f32 v7, v0  }
0x278: {  	v10 =	vld [tilespmem:s19+$0x2070];
	[tilespmem:s17+$0x1C010] =	vst v11;
	v4 =	vadd.f32 v6, v4  }
0x279: {  	v0 =	vld [tilespmem:s19+$0x1000];
	[tilespmem:s17+$0x1C020] =	vst v7;
	v5 =	vadd.f32 v5, v1  }
0x27a: {  	v58 =	vld [tilespmem:s19+$0x3070];
	[tilespmem:s17+$0x1C030] =	vst v4;
	v3 =	vadd.f32 v8, v3  }
0x27b: {  	v1 =	vld [tilespmem:s19+$0x2000];
	[tilespmem:s17+$0x1C040] =	vst v5;
	v59 =	vadd.f32 v9, v2  }
0x27c: {  	v5 =	vld [tilespmem:s19+$0x4070];
	[tilespmem:s17+$0x1C050] =	vst v3  }
0x27d: {  	v2 =	vld [tilespmem:s19+$0x1010];
	[tilespmem:s17+$0x1C060] =	vst v59  }
0x27e: {  	v4 =	vld [tilespmem:s19+$0xB010];
	_ =	sdelay $0x4  }
0x27f: {  	[tilespmem:$0x1FB40] =	vst v4;
	v4 =	vld [tilespmem:s19+$0xB020];
	_ =	sdelay $0x4  }
0x280: {  	[tilespmem:$0x1FB50] =	vst v4;
	v4 =	vld [tilespmem:s19+$0xB030];
	_ =	sdelay $0x4  }
0x281: {  	[tilespmem:$0x1FB60] =	vst v4;
	v4 =	vld [tilespmem:s19+$0xB040];
	_ =	sdelay $0x2  }
0x282: {  	v7 =	vld [tilespmem:s19+$0x5070]  }
0x283: {  	v3 =	vld [tilespmem:s19+$0x2010]  }
0x284: {  	[tilespmem:$0x1FB70] =	vst v4;
	v4 =	vld [tilespmem:s19+$0xB050]  }
0x285: {  	v61 =	vld [tilespmem:s19+$0x6070]  }
0x286: {  	v62 =	vld [tilespmem:s19+$0x1020]  }
0x287: {  	v63 =	vld [tilespmem:s19+$0x7070]  }
0x288: {  	v60 =	vadd.f32 v10, v12;
	v12 =	vld [tilespmem:s19+$0x8070]  }
0x289: {  	[tilespmem:$0x1FB80] =	vst v4;
	v4 =	vld [tilespmem:s19+$0xB060]  }
0x28a: {  	v13 =	vld [tilespmem:s19+$0x1030]  }
0x28b: {  	v14 =	vld [tilespmem:s19+$0x9070]  }
0x28c: {  	v15 =	vld [tilespmem:s19+$0x2030]  }
0x28d: {  	v16 =	vld [tilespmem:s19+$0xA070]  }
0x28e: {  	[tilespmem:$0x1FB90] =	vst v4;
	v4 =	vld [tilespmem:s19+$0xC000]  }
0x28f: {  	v17 =	vld [tilespmem:s19+$0x1040]  }
0x290: {  	v18 =	vld [tilespmem:s19+$0xB070]  }
0x291: {  	v38 =	vld [tilespmem:s19+$0x2040]  }
0x292: {  	v19 =	vld [tilespmem:s19+$0xC070]  }
0x293: {  	[tilespmem:$0x1FBA0] =	vst v4;
	v4 =	vld [tilespmem:s19+$0xC010]  }
0x294: {  	v20 =	vld [tilespmem:s19+$0x1050]  }
0x295: {  	v21 =	vld [tilespmem:s19+$0xD070]  }
0x296: {  	v22 =	vld [tilespmem:s19+$0x2050]  }
0x297: {  	v23 =	vld [tilespmem:s19+$0xE070]  }
0x298: {  	[tilespmem:$0x1FBB0] =	vst v4;
	v4 =	vld [tilespmem:s19+$0xC020]  }
0x299: {  	v24 =	vld [tilespmem:s19+$0x1060]  }
0x29a: {  	v25 =	vld [tilespmem:s19+$0xF070]  }
0x29b: {  	v40 =	vld [tilespmem:s19+$0x2060]  }
0x29c: {  	v26 =	vld [tilespmem:s19+$0x10070]  }
0x29d: {  	[tilespmem:$0x1FBC0] =	vst v4;
	v4 =	vld [tilespmem:s19+$0xC030]  }
0x29e: {  	v41 =	vld [tilespmem:s19+$0x3000]  }
0x29f: {  	v27 =	vld [tilespmem:s19+$0x11070]  }
0x2a0: {  	v42 =	vld [tilespmem:s19+$0x3010]  }
0x2a1: {  	v28 =	vld [tilespmem:s19+$0x12070]  }
0x2a2: {  	[tilespmem:$0x1FBD0] =	vst v4;
	v4 =	vld [tilespmem:s19+$0xC040]  }
0x2a3: {  	v43 =	vld [tilespmem:s19+$0x3020]  }
0x2a4: {  	v29 =	vld [tilespmem:s19+$0x13070]  }
0x2a5: {  	v44 =	vld [tilespmem:s19+$0x3030]  }
0x2a6: {  	v30 =	vld [tilespmem:s19+$0x14070]  }
0x2a7: {  	[tilespmem:$0x1FBE0] =	vst v4;
	v4 =	vld [tilespmem:s19+$0xC050]  }
0x2a8: {  	v45 =	vld [tilespmem:s19+$0x3040]  }
0x2a9: {  	v31 =	vld [tilespmem:s19+$0x15070]  }
0x2aa: {  	v46 =	vld [tilespmem:s19+$0x3050]  }
0x2ab: {  	v32 =	vld [tilespmem:s19+$0x16070]  }
0x2ac: {  	[tilespmem:$0x1FBF0] =	vst v4;
	v4 =	vld [tilespmem:s19+$0xC060]  }
0x2ad: {  	v47 =	vld [tilespmem:s19+$0x3060]  }
0x2ae: {  	v33 =	vld [tilespmem:s19+$0x17070]  }
0x2af: {  	v48 =	vld [tilespmem:s19+$0x4000]  }
0x2b0: {  	v34 =	vld [tilespmem:s19+$0x18070]  }
0x2b1: {  	[tilespmem:$0x1FC00] =	vst v4;
	v4 =	vld [tilespmem:s19+$0xD000]  }
0x2b2: {  	v49 =	vld [tilespmem:s19+$0x4010]  }
0x2b3: {  	v35 =	vld [tilespmem:s19+$0x19070]  }
0x2b4: {  	v50 =	vld [tilespmem:s19+$0x4020]  }
0x2b5: {  	v36 =	vld [tilespmem:s19+$0x1A070]  }
0x2b6: {  	[tilespmem:$0x1FC10] =	vst v4;
	v4 =	vld [tilespmem:s19+$0xD010]  }
0x2b7: {  	v51 =	vld [tilespmem:s19+$0x4030]  }
0x2b8: {  	v37 =	vld [tilespmem:s19+$0x1B070]  }
0x2b9: {  	v52 =	vld [tilespmem:s19+$0x4040]  }
0x2ba: {  	v53 =	vld [tilespmem:s19+$0x4050]  }
0x2bb: {  	[tilespmem:$0x1FC20] =	vst v4;
	v4 =	vld [tilespmem:s19+$0xD020]  }
0x2bc: {  	v54 =	vld [tilespmem:s19+$0x4060]  }
0x2bd: {  	v55 =	vld [tilespmem:s19+$0x5000]  }
0x2be: {  	v56 =	vld [tilespmem:s19+$0x5010]  }
0x2bf: {  	v57 =	vld [tilespmem:s19+$0x5020]  }
0x2c0: {  	[tilespmem:$0x1FC30] =	vst v4;
	v4 =	vld [tilespmem:s19+$0xD030]  }
0x2c1: {  	v59 =	vld [tilespmem:s19+$0x5040]  }
0x2c2: {  	v8 =	vld [tilespmem:s19+$0x6040]  }
0x2c3: {  	v9 =	vld [tilespmem:s19+$0x6050]  }
0x2c4: {  	v10 =	vld [tilespmem:s19+$0x6060]  }
0x2c5: {  	[tilespmem:$0x1FC40] =	vst v4;
	v4 =	vld [tilespmem:s19+$0xD040]  }
0x2c6: {  	v11 =	vld [tilespmem:s19+$0x7000]  }
0x2c7: {  	v39 =	vld [tilespmem:s19+$0xA060]  }
0x2c8: {  	v6 =	vadd.f32 v58, v60;
	v58 =	vld [tilespmem:s19+$0x5030]  }
0x2c9: {  	v60 =	vld [tilespmem:s19+$0x5050]  }
0x2ca: {  	[tilespmem:$0x1FC50] =	vst v4;
	v4 =	vld [tilespmem:s19+$0xD050]  }
0x2cb: {  	v0 =	vadd.f32 v1, v0;
	v1 =	vld [tilespmem:s19+$0xF040]  }
0x2cc: {  	v6 =	vadd.f32 v5, v6;
	v5 =	vld [tilespmem:s19+$0x2020]  }
0x2cd: {  	[tilespmem:$0x1FAC0] =	vst v62;
	v62 =	vld [tilespmem:s19+$0x6000]  }
0x2ce: {  	v7 =	vadd.f32 v7, v6;
	v6 =	vld [tilespmem:s19+$0x6020]  }
0x2cf: {  	[tilespmem:$0x1FC60] =	vst v4;
	v4 =	vld [tilespmem:s19+$0xD060]  }
0x2d0: {  	[tilespmem:$0x1FAD0] =	vst v13;
	v13 =	vld [tilespmem:s19+$0x7020]  }
0x2d1: {  	[tilespmem:$0x1FAE0] =	vst v15;
	v15 =	vld [tilespmem:s19+$0x7040]  }
0x2d2: {  	[tilespmem:$0x1FAF0] =	vst v17;
	v17 =	vld [tilespmem:s19+$0x7060]  }
0x2d3: {  	[tilespmem:$0x1FB00] =	vst v20;
	v20 =	vld [tilespmem:s19+$0x8020]  }
0x2d4: {  	[tilespmem:$0x1FC70] =	vst v4;
	v4 =	vld [tilespmem:s19+$0xE000]  }
0x2d5: {  	[tilespmem:$0x1FB10] =	vst v22;
	v22 =	vld [tilespmem:s19+$0x8040]  }
0x2d6: {  	[tilespmem:$0x1FB20] =	vst v24;
	v24 =	vld [tilespmem:s19+$0x8060]  }
0x2d7: {  	[tilespmem:$0x1FB30] =	vst v39;
	v39 =	vld [tilespmem:s19+$0xB000]  }
0x2d8: {  	v0 =	vadd.f32 v41, v0;
	v41 =	vld [tilespmem:s19+$0x10000]  }
0x2d9: {  	[tilespmem:$0x1FC80] =	vst v4;
	v4 =	vld [tilespmem:s19+$0xE010]  }
0x2da: {  	v7 =	vadd.f32 v61, v7;
	v61 =	vld [tilespmem:s19+$0x5060]  }
0x2db: {  	[tilespmem:$0x1FD30] =	vst v1;
	v1 =	vld [tilespmem:$0x1FAC0]  }
0x2dc: {  	v0 =	vadd.f32 v48, v0;
	v48 =	vld [tilespmem:s19+$0x11000]  }
0x2dd: {  	v7 =	vadd.f32 v63, v7;
	v63 =	vld [tilespmem:s19+$0x6010]  }
0x2de: {  	v0 =	vadd.f32 v55, v0;
	[tilespmem:$0x1FC90] =	vst v4;
	v4 =	vld [tilespmem:s19+$0xE020]  }
0x2df: {  	v7 =	vadd.f32 v12, v7;
	v12 =	vld [tilespmem:s19+$0x7010]  }
0x2e0: {  	v0 =	vadd.f32 v62, v0;
	v1 =	vadd.f32 v5, v1;
	v5 =	vld [tilespmem:s19+$0xF050]  }
0x2e1: {  	v7 =	vadd.f32 v14, v7;
	v14 =	vld [tilespmem:s19+$0x7030]  }
0x2e2: {  	v0 =	vadd.f32 v11, v0;
	v11 =	vld [tilespmem:s19+$0x12020]  }
0x2e3: {  	[tilespmem:$0x1FCA0] =	vst v4;
	v4 =	vld [tilespmem:s19+$0xE030]  }
0x2e4: {  	v1 =	vadd.f32 v43, v1;
	v43 =	vld [tilespmem:s19+$0x10020];
	v7 =	vadd.f32 v16, v7  }
0x2e5: {  	v16 =	vld [tilespmem:s19+$0x7050]  }
0x2e6: {  	v1 =	vadd.f32 v50, v1;
	v50 =	vld [tilespmem:s19+$0x11020];
	v7 =	vadd.f32 v18, v7  }
0x2e7: {  	v18 =	vld [tilespmem:s19+$0x8000]  }
0x2e8: {  	v7 =	vadd.f32 v19, v7;
	[tilespmem:$0x1FCB0] =	vst v4;
	v4 =	vld [tilespmem:s19+$0xE040]  }
0x2e9: {  	[tilespmem:$0x1FD40] =	vst v5;
	v5 =	vld [tilespmem:$0x1FAF0];
	v1 =	vadd.f32 v57, v1  }
0x2ea: {  	v19 =	vld [tilespmem:s19+$0x8010];
	v7 =	vadd.f32 v21, v7  }
0x2eb: {  	v1 =	vadd.f32 v6, v1;
	v6 =	vld [tilespmem:s19+$0x11050]  }
0x2ec: {  	v21 =	vld [tilespmem:s19+$0x8030];
	v7 =	vadd.f32 v23, v7  }
0x2ed: {  	[tilespmem:$0x1FCC0] =	vst v4;
	v4 =	vld [tilespmem:s19+$0xE050]  }
0x2ee: {  	v1 =	vadd.f32 v13, v1;
	v13 =	vld [tilespmem:s19+$0x12040];
	v7 =	vadd.f32 v25, v7  }
0x2ef: {  	v0 =	vadd.f32 v18, v0;
	v18 =	vld [tilespmem:s19+$0x13020]  }
0x2f0: {  	v23 =	vld [tilespmem:s19+$0x8050];
	v7 =	vadd.f32 v26, v7  }
0x2f1: {  	v25 =	vld [tilespmem:s19+$0x9000]  }
0x2f2: {  	v7 =	vadd.f32 v27, v7;
	[tilespmem:$0x1FCD0] =	vst v4;
	v4 =	vld [tilespmem:s19+$0xE060]  }
0x2f3: {  	v1 =	vadd.f32 v20, v1;
	v20 =	vld [tilespmem:s19+$0x13040]  }
0x2f4: {  	v26 =	vld [tilespmem:s19+$0x9010];
	v7 =	vadd.f32 v28, v7  }
0x2f5: {  	v27 =	vld [tilespmem:s19+$0x9020]  }
0x2f6: {  	v0 =	vadd.f32 v25, v0;
	v25 =	vld [tilespmem:s19+$0x14020];
	v7 =	vadd.f32 v29, v7  }
0x2f7: {  	[tilespmem:$0x1FCE0] =	vst v4;
	v4 =	vld [tilespmem:s19+$0xF000]  }
0x2f8: {  	v28 =	vld [tilespmem:s19+$0x9030];
	v7 =	vadd.f32 v30, v7  }
0x2f9: {  	v29 =	vld [tilespmem:s19+$0x9040]  }
0x2fa: {  	v1 =	vadd.f32 v27, v1;
	v27 =	vld [tilespmem:s19+$0x14040];
	v7 =	vadd.f32 v31, v7  }
0x2fb: {  	v30 =	vld [tilespmem:s19+$0x9050]  }
0x2fc: {  	v7 =	vadd.f32 v32, v7;
	[tilespmem:$0x1FCF0] =	vst v4;
	v4 =	vld [tilespmem:s19+$0xF010]  }
0x2fd: {  	v32 =	vld [tilespmem:s19+$0xA000]  }
0x2fe: {  	v31 =	vld [tilespmem:s19+$0x9060];
	v7 =	vadd.f32 v33, v7  }
0x2ff: {  	v33 =	vld [tilespmem:s19+$0xA010]  }
0x300: {  	v7 =	vadd.f32 v34, v7;
	v34 =	vld [tilespmem:s19+$0xA020]  }
0x301: {  	[tilespmem:$0x1FD00] =	vst v4;
	v4 =	vld [tilespmem:s19+$0xF020]  }
0x302: {  	v0 =	vadd.f32 v32, v0;
	v32 =	vld [tilespmem:s19+$0x15020]  }
0x303: {  	v7 =	vadd.f32 v35, v7;
	v35 =	vld [tilespmem:s19+$0xA030]  }
0x304: {  	v0 =	vadd.f32 v39, v0;
	v39 =	vld [tilespmem:$0x1FB90]  }
0x305: {  	v7 =	vadd.f32 v36, v7;
	v36 =	vld [tilespmem:s19+$0xA040]  }
0x306: {  	[tilespmem:$0x1FD10] =	vst v4;
	v4 =	vld [tilespmem:s19+$0xF030]  }
0x307: {  	v1 =	vadd.f32 v34, v1;
	v34 =	vld [tilespmem:$0x1FB40];
	v7 =	vadd.f32 v37, v7  }
0x308: {  	v37 =	vld [tilespmem:s19+$0xA050]  }
0x309: {  	[tilespmem:s19+$0x1C070] =	vst v7;
	v7 =	vld [tilespmem:s19+$0x6030]  }
0x30a: {  	v55 =	vld [tilespmem:$0x1FBD0]  }
0x30b: {  	[tilespmem:$0x1FD20] =	vst v4;
	v4 =	vadd.f32 v3, v2;
	v2 =	vld [tilespmem:$0x1FAD0]  }
0x30c: {  	v3 =	vld [tilespmem:$0x1FAE0]  }
0x30d: {  	v57 =	vld [tilespmem:$0x1FBF0]  }
0x30e: {  	v62 =	vld [tilespmem:$0x1FC40];
	v4 =	vadd.f32 v42, v4  }
0x30f: {  	v42 =	vld [tilespmem:s19+$0x10010]  }
0x310: {  	v4 =	vadd.f32 v49, v4;
	v49 =	vld [tilespmem:s19+$0x11010]  }
0x311: {  	v3 =	vadd.f32 v3, v2;
	v2 =	vadd.f32 v38, v5;
	v5 =	vld [tilespmem:$0x1FB00]  }
0x312: {  	v38 =	vld [tilespmem:$0x1FB10]  }
0x313: {  	v4 =	vadd.f32 v56, v4;
	v56 =	vld [tilespmem:$0x1FBE0];
	v3 =	vadd.f32 v44, v3  }
0x314: {  	v2 =	vadd.f32 v45, v2;
	v44 =	vld [tilespmem:s19+$0x10030]  }
0x315: {  	v3 =	vadd.f32 v51, v3;
	v51 =	vld [tilespmem:s19+$0x11030]  }
0x316: {  	v4 =	vadd.f32 v63, v4;
	v2 =	vadd.f32 v52, v2;
	v52 =	vld [tilespmem:s19+$0x11040]  }
0x317: {  	v5 =	vadd.f32 v38, v5;
	v38 =	vld [tilespmem:s19+$0xF060]  }
0x318: {  	v4 =	vadd.f32 v12, v4;
	v12 =	vld [tilespmem:s19+$0x12030]  }
0x319: {  	v3 =	vadd.f32 v58, v3;
	v58 =	vld [tilespmem:$0x1FC00]  }
0x31a: {  	v2 =	vadd.f32 v59, v2;
	v59 =	vld [tilespmem:$0x1FC10]  }
0x31b: {  	v5 =	vadd.f32 v46, v5;
	v46 =	vld [tilespmem:s19+$0x10050]  }
0x31c: {  	v4 =	vadd.f32 v19, v4;
	v19 =	vld [tilespmem:s19+$0x13030]  }
0x31d: {  	v3 =	vadd.f32 v7, v3;
	v7 =	vld [tilespmem:s19+$0x11060]  }
0x31e: {  	v4 =	vadd.f32 v26, v4;
	v26 =	vld [tilespmem:s19+$0x14030]  }
0x31f: {  	v5 =	vadd.f32 v53, v5;
	v53 =	vld [tilespmem:$0x1FBB0]  }
0x320: {  	v2 =	vadd.f32 v8, v2;
	[tilespmem:$0x1FD50] =	vst v38;
	v38 =	vld [tilespmem:$0x1FB20]  }
0x321: {  	v3 =	vadd.f32 v14, v3;
	v14 =	vld [tilespmem:s19+$0x12050]  }
0x322: {  	v2 =	vadd.f32 v15, v2;
	v15 =	vld [tilespmem:s19+$0x12060]  }
0x323: {  	v4 =	vadd.f32 v33, v4;
	v33 =	vld [tilespmem:$0x1FB30]  }
0x324: {  	v5 =	vadd.f32 v60, v5;
	v60 =	vld [tilespmem:$0x1FC20]  }
0x325: {  	v3 =	vadd.f32 v21, v3;
	v21 =	vld [tilespmem:s19+$0x13050]  }
0x326: {  	v2 =	vadd.f32 v22, v2;
	v22 =	vld [tilespmem:s19+$0x13060]  }
0x327: {  	v5 =	vadd.f32 v9, v5;
	v9 =	vld [tilespmem:s19+$0x12000]  }
0x328: {  	v4 =	vadd.f32 v34, v4;
	v34 =	vld [tilespmem:s19+$0x15040]  }
0x329: {  	v3 =	vadd.f32 v28, v3;
	v28 =	vld [tilespmem:s19+$0x14050]  }
0x32a: {  	v2 =	vadd.f32 v29, v2;
	v29 =	vld [tilespmem:s19+$0x14060]  }
0x32b: {  	v5 =	vadd.f32 v16, v5;
	v16 =	vld [tilespmem:s19+$0x13000]  }
0x32c: {  	v4 =	vadd.f32 v53, v4;
	v53 =	vld [tilespmem:$0x1FCB0]  }
0x32d: {  	v40 =	vadd.f32 v40, v38;
	v3 =	vadd.f32 v35, v3;
	v35 =	vld [tilespmem:$0x1FB50]  }
0x32e: {  	v2 =	vadd.f32 v36, v2;
	v36 =	vld [tilespmem:$0x1FB60]  }
0x32f: {  	v38 =	vadd.f32 v47, v40;
	v40 =	vld [tilespmem:s19+$0x10040]  }
0x330: {  	v47 =	vld [tilespmem:s19+$0x10060]  }
0x331: {  	v5 =	vadd.f32 v23, v5;
	v23 =	vld [tilespmem:s19+$0x14000]  }
0x332: {  	v4 =	vadd.f32 v60, v4;
	v60 =	vld [tilespmem:$0x1FD20]  }
0x333: {  	v45 =	vadd.f32 v54, v38;
	v38 =	vld [tilespmem:$0x1FB80]  }
0x334: {  	v5 =	vadd.f32 v30, v5;
	v54 =	vld [tilespmem:$0x1FBC0]  }
0x335: {  	v30 =	vld [tilespmem:s19+$0x15000]  }
0x336: {  	v5 =	vadd.f32 v37, v5;
	v37 =	vld [tilespmem:$0x1FB70]  }
0x337: {  	v45 =	vadd.f32 v61, v45;
	v61 =	vld [tilespmem:$0x1FC30]  }
0x338: {  	v3 =	vadd.f32 v36, v3;
	v36 =	vld [tilespmem:$0x1FC60]  }
0x339: {  	v1 =	vadd.f32 v35, v1;
	v35 =	vld [tilespmem:s19+$0x15050]  }
0x33a: {  	v63 =	vadd.f32 v10, v45;
	v10 =	vld [tilespmem:s19+$0x12010]  }
0x33b: {  	v45 =	vld [tilespmem:$0x1FBA0]  }
0x33c: {  	v3 =	vadd.f32 v55, v3;
	v55 =	vld [tilespmem:$0x1FCD0]  }
0x33d: {  	v5 =	vadd.f32 v38, v5;
	v38 =	vld [tilespmem:$0x1FC80]  }
0x33e: {  	v1 =	vadd.f32 v54, v1;
	v54 =	vld [tilespmem:$0x1FCC0]  }
0x33f: {  	v8 =	vadd.f32 v17, v63;
	v17 =	vld [tilespmem:s19+$0x13010]  }
0x340: {  	v63 =	vld [tilespmem:$0x1FC50]  }
0x341: {  	v3 =	vadd.f32 v62, v3;
	v62 =	vld [tilespmem:$0x1FD40]  }
0x342: {  	v2 =	vadd.f32 v37, v2;
	v37 =	vld [tilespmem:$0x1FC70]  }
0x343: {  	v5 =	vadd.f32 v57, v5;
	v57 =	vld [tilespmem:$0x1FCF0]  }
0x344: {  	v1 =	vadd.f32 v61, v1;
	v61 =	vld [tilespmem:$0x1FD30]  }
0x345: {  	v8 =	vadd.f32 v24, v8;
	v24 =	vld [tilespmem:s19+$0x14010]  }
0x346: {  	v0 =	vadd.f32 v45, v0;
	v45 =	vld [tilespmem:$0x1FCA0]  }
0x347: {  	v3 =	vadd.f32 v53, v3;
	v5 =	vadd.f32 v36, v5;
	v36 =	vld [tilespmem:s19+$0x15060]  }
0x348: {  	v2 =	vadd.f32 v56, v2;
	v56 =	vld [tilespmem:$0x1FCE0]  }
0x349: {  	v8 =	vadd.f32 v31, v8;
	v31 =	vld [tilespmem:s19+$0x15010];
	v3 =	vadd.f32 v60, v3  }
0x34a: {  	v60 =	vld [tilespmem:s19+$0x18020];
	v0 =	vadd.f32 v59, v0;
	v2 =	vadd.f32 v63, v2  }
0x34b: {  	v5 =	vadd.f32 v55, v5;
	v59 =	vld [tilespmem:$0x1FD10];
	v8 =	vadd.f32 v33, v8  }
0x34c: {  	v63 =	vld [tilespmem:$0x1FD50];
	v3 =	vadd.f32 v44, v3;
	v0 =	vadd.f32 v38, v0  }
0x34d: {  	v55 =	vld [tilespmem:s19+$0x17040];
	v2 =	vadd.f32 v54, v2;
	v5 =	vadd.f32 v62, v5  }
0x34e: {  	v33 =	vld [tilespmem:s19+$0x15030];
	v8 =	vadd.f32 v39, v8;
	v1 =	vadd.f32 v45, v1  }
0x34f: {  	v38 =	vld [tilespmem:s19+$0x16010];
	v3 =	vadd.f32 v51, v3;
	v0 =	vadd.f32 v57, v0  }
0x350: {  	v39 =	vld [tilespmem:$0x1FC90];
	v2 =	vadd.f32 v61, v2;
	v5 =	vadd.f32 v46, v5  }
0x351: {  	v54 =	vld [tilespmem:s19+$0x17030];
	v8 =	vadd.f32 v58, v8;
	v1 =	vadd.f32 v59, v1  }
0x352: {  	v62 =	vld [tilespmem:s19+$0x18040];
	v3 =	vadd.f32 v12, v3;
	v0 =	vadd.f32 v41, v0  }
0x353: {  	v45 =	vld [tilespmem:s19+$0x16030];
	v2 =	vadd.f32 v40, v2;
	v5 =	vadd.f32 v6, v5  }
0x354: {  	v58 =	vld [tilespmem:$0x1FD00];
	v8 =	vadd.f32 v37, v8;
	v1 =	vadd.f32 v43, v1  }
0x355: {  	v51 =	vld [tilespmem:s19+$0x1A060];
	v3 =	vadd.f32 v19, v3;
	v4 =	vadd.f32 v39, v4  }
0x356: {  	v57 =	vld [tilespmem:s19+$0x17060];
	v0 =	vadd.f32 v48, v0;
	v2 =	vadd.f32 v52, v2  }
0x357: {  	v61 =	vld [tilespmem:s19+$0x18030];
	v5 =	vadd.f32 v14, v5;
	v8 =	vadd.f32 v56, v8  }
0x358: {  	v46 =	vld [tilespmem:s19+$0x1A010];
	v1 =	vadd.f32 v50, v1;
	v3 =	vadd.f32 v26, v3  }
0x359: {  	v59 =	vld [tilespmem:s19+$0x18010];
	v4 =	vadd.f32 v58, v4;
	v0 =	vadd.f32 v9, v0  }
0x35a: {  	v41 =	vld [tilespmem:s19+$0x16040];
	v2 =	vadd.f32 v13, v2;
	v5 =	vadd.f32 v21, v5  }
0x35b: {  	v40 =	vld [tilespmem:s19+$0x16060];
	v8 =	vadd.f32 v63, v8;
	v1 =	vadd.f32 v11, v1  }
0x35c: {  	v37 =	vld [tilespmem:s19+$0x16000];
	v3 =	vadd.f32 v33, v3;
	v4 =	vadd.f32 v42, v4  }
0x35d: {  	v39 =	vld [tilespmem:s19+$0x16020];
	v0 =	vadd.f32 v16, v0;
	v2 =	vadd.f32 v20, v2  }
0x35e: {  	v48 =	vld [tilespmem:s19+$0x17000];
	v5 =	vadd.f32 v28, v5;
	v8 =	vadd.f32 v47, v8  }
0x35f: {  	v52 =	vld [tilespmem:s19+$0x17020];
	v1 =	vadd.f32 v18, v1;
	v3 =	vadd.f32 v45, v3  }
0x360: {  	v50 =	vld [tilespmem:s19+$0x17010];
	v4 =	vadd.f32 v49, v4;
	v0 =	vadd.f32 v23, v0  }
0x361: {  	v42 =	vld [tilespmem:s19+$0x16050];
	v2 =	vadd.f32 v27, v2;
	v5 =	vadd.f32 v35, v5  }
0x362: {  	v56 =	vld [tilespmem:s19+$0x17050];
	v53 =	vadd.f32 v7, v8;
	v1 =	vadd.f32 v25, v1  }
0x363: {  	v58 =	vld [tilespmem:s19+$0x18000];
	v3 =	vadd.f32 v54, v3;
	v4 =	vadd.f32 v10, v4  }
0x364: {  	v63 =	vld [tilespmem:s19+$0x18050];
	v0 =	vadd.f32 v30, v0;
	v2 =	vadd.f32 v34, v2  }
0x365: {  	v28 =	vld [tilespmem:s19+$0x18060];
	v6 =	vadd.f32 v15, v53;
	v1 =	vadd.f32 v32, v1  }
0x366: {  	v45 =	vld [tilespmem:s19+$0x1A000];
	v5 =	vadd.f32 v42, v5;
	v3 =	vadd.f32 v61, v3  }
0x367: {  	v47 =	vld [tilespmem:s19+$0x1A020];
	v4 =	vadd.f32 v17, v4;
	v0 =	vadd.f32 v37, v0  }
0x368: {  	v49 =	vld [tilespmem:s19+$0x1A040];
	v2 =	vadd.f32 v41, v2;
	v6 =	vadd.f32 v22, v6  }
0x369: {  	v54 =	vld [tilespmem:s19+$0x1B020];
	v1 =	vadd.f32 v39, v1;
	v5 =	vadd.f32 v56, v5  }
0x36a: {  	v30 =	vld [tilespmem:s19+$0x19000];
	v4 =	vadd.f32 v24, v4;
	v0 =	vadd.f32 v48, v0  }
0x36b: {  	v39 =	vld [tilespmem:s19+$0x19050];
	v2 =	vadd.f32 v55, v2;
	v6 =	vadd.f32 v29, v6  }
0x36c: {  	v34 =	vld [tilespmem:s19+$0x19020];
	v1 =	vadd.f32 v52, v1;
	v5 =	vadd.f32 v63, v5  }
0x36d: {  	v32 =	vld [tilespmem:s19+$0x19010];
	v4 =	vadd.f32 v31, v4;
	v0 =	vadd.f32 v58, v0  }
0x36e: {  	v42 =	vld [tilespmem:s19+$0x19060];
	v2 =	vadd.f32 v62, v2;
	v6 =	vadd.f32 v36, v6  }
0x36f: {  	v36 =	vld [tilespmem:s19+$0x19030];
	v1 =	vadd.f32 v60, v1;
	v4 =	vadd.f32 v38, v4  }
0x370: {  	v52 =	vld [tilespmem:s19+$0x1B000];
	v0 =	vadd.f32 v30, v0;
	v5 =	vadd.f32 v39, v5  }
0x371: {  	v38 =	vld [tilespmem:s19+$0x19040];
	v6 =	vadd.f32 v40, v6;
	v1 =	vadd.f32 v34, v1  }
0x372: {  	v48 =	vld [tilespmem:s19+$0x1A030];
	v4 =	vadd.f32 v50, v4;
	v0 =	vadd.f32 v45, v0  }
0x373: {  	v55 =	vld [tilespmem:s19+$0x1B030];
	v6 =	vadd.f32 v57, v6;
	v1 =	vadd.f32 v47, v1  }
0x374: {  	v50 =	vld [tilespmem:s19+$0x1A050];
	v4 =	vadd.f32 v59, v4;
	v3 =	vadd.f32 v36, v3  }
0x375: {  	v56 =	vld [tilespmem:s19+$0x1B040];
	v0 =	vadd.f32 v52, v0;
	v6 =	vadd.f32 v28, v6  }
0x376: {  	v57 =	vld [tilespmem:s19+$0x1B050];
	v2 =	vadd.f32 v38, v2;
	v59 =	vadd.f32 v54, v1  }
0x377: {  	v53 =	vld [tilespmem:s19+$0x1B010];
	v4 =	vadd.f32 v32, v4;
	v3 =	vadd.f32 v48, v3  }
0x378: {  	v58 =	vld [tilespmem:s19+$0x1B060];
	v6 =	vadd.f32 v42, v6;
	v2 =	vadd.f32 v49, v2  }
0x379: {  	[tilespmem:s19+$0x1C000] =	vst v0;
	v60 =	vadd.f32 v50, v5;
	v3 =	vadd.f32 v55, v3  }
0x37a: {  	[tilespmem:s19+$0x1C020] =	vst v59;
	v4 =	vadd.f32 v46, v4;
	v62 =	vadd.f32 v56, v2  }
0x37b: {  	v61 =	vadd.f32 v51, v6;
	v1 =	vadd.f32 v57, v60;
	[tilespmem:s19+$0x1C030] =	vst v3  }
0x37c: {  	v4 =	vadd.f32 v53, v4;
	[tilespmem:s19+$0x1C040] =	vst v62  }
0x37d: {  	s15 =	sadd.s32 $0x1, s15;
	v63 =	vadd.f32 v58, v61;
	[tilespmem:s19+$0x1C050] =	vst v1  }
0x37e: {  	p0 =	sne.s32 s15, $0x10;
	[tilespmem:s19+$0x1C010] =	vst v4  }
.Ltmp1:
0x37f: {  	s16 =	sadd.s32 s5, s16;
	[tilespmem:s19+$0x1C060] =	vst v63;
	s19 =	simm.s32 $0x0;
	(pc) =	sbr.rel @p0 .LBB2_2-.Ltmp1, $4  }
0x380: {  	[hbm4b:s16+s19] =	stream.linear.scatter [tilespmem:s14], [sflag:$0x2], $0x1000, $0x38;
	[tilespmem:$0x1D000] =	vst v63  }
0x381: {  	_ =	swait.ge [sflag:s8], $0x1000  }
0x382: {  	[sflag:s8] =	ssyncset.done $0x0  }
0x383: {  	[sflag:s8] =	ssyncadd.s32 $0xFFFFF000  }
0x384: {  	s16 =	rddreg [dreg:$0x3]  }
0x385: {  	s15 =	rddreg [dreg:$0x2];
	s16 =	sadd.s32 $0x1, s16  }
0x386: {  	p0 =	sne.s32 s16, s15  }
.Ltmp2:
0x387: {  	_ = 	snop;
	(pc) =	sbr.rel @p0 .LBB2_1-.Ltmp2, $1  }
0x388: {  	_ =	sdelay $0x3  }
0x389: {  	_ =	sfence.sel $0x180000  }
0x38a: {  	[bflag:$0x0] =	sbarrier.arrive $0xFFFF  }
0x38b: {  	_ =	strace $0x90000047  }
0x38c: {  	s0 =	stileid.u32;
	[bflag:$0x2] =	sbarrier.arrive $0xFFFF  }
0x38d: {  	p0 =	sne.s32 s0, $0x0;
	s0 =	rddreg [dreg:$0x1]  }
0x38e: {  	s0 =	sadd.s32 @!p0 $0x100000, s0  }
0x38f: {  	[sflag:s0] =	ssyncadd.tile.s32 @!p0 $0x1;
	_ =	shalt  }
.Lfunc_end2:
_tile_overlayer_lowered:
.L_overlay_start_2:
0x390: {  	(tag) =	ssettag $0x2  }
0x391: {  	s0 =	rddreg [dreg:$0x0];
	s2 =	stileid.u32  }
0x392: {  	s1 =	rddreg [dreg:$0x1];
	p0 =	sne.s32 s2, $0x0  }
0x393: {  	s3 =	rddreg [dreg:$0x2];
	[bflag:$0x3] =	sbarrier.arrive $0xFFFF;
	s2 =	simm.s32 @!p0 $0x1C02  }
0x394: {  	[timem:s3], [sflag:s2] =	dma.local @!p0 [hbm:s0], s1  }
0x395: {  	s0 =	simm.s32 @!p0 $0x2  }
0x396: {  	_ =	swait.ge @!p0 [sflag:s0], s1  }
0x397: {  	s1 =	ssub.s32 @!p0 $0x0, s1;
	[sflag:s0] =	ssyncset.done @!p0 $0x0  }
0x398: {  	[sflag:s0] =	ssyncadd.s32 @!p0 s1  }
0x399: {  	[bflag:$0x3] =	sbarrier.arrive $0xFFFF  }
0x39a: {  	_ =	shalt  }

</sc_bundles>
